<compile_context>
chip_gen: v7x
topology: tpu7x:2x2x1
jax: 0.10.2.dev20260603
libtpu: 0.0.44.dev20260713+nightly
codegen_flags: <defaults>
</compile_context>

<pallas_src>
import jax
import jax.numpy as jnp
from jax import lax
from jax.experimental import pallas as pl
from jax.experimental.pallas import tpu as pltpu
from jax.experimental.pallas import tpu_sc as plsc

NUM_CORES = 2
NUM_SUBCORES = 16
NW = NUM_CORES * NUM_SUBCORES
BATCH = 16384
PER_W = BATCH // NW
NROW = 8
NCOL = PER_W // NROW
D = 64
NCHUNK = 4
CHUNK = PER_W // NCHUNK
CGROUP = CHUNK // 16


def _body(users_r, pos_r, neg_r, uemb_r, iemb_r, ibias_r,
          outp_hbm, outn_hbm,
          idx_u, idx_p, idx_n,
          rows_u, rows_p, rows_n,
          bval_p, bval_n, outp_v, outn_v, sem0, sem1, sem2, sem3):
    sems = (sem0, sem1, sem2, sem3)
    c = lax.axis_index("c")
    s = lax.axis_index("s")
    wid = s * NUM_CORES + c

    pltpu.sync_copy(users_r.at[wid], idx_u)
    pltpu.sync_copy(pos_r.at[wid], idx_p)
    pltpu.sync_copy(neg_r.at[wid], idx_n)

    iota16 = lax.iota(jnp.int32, 16)
    zero16 = jnp.full((16,), 0, jnp.int32)

    def chunk_body(ch, carry):
        def fire(g, carry2):
            gg = ch * CGROUP + g
            r = lax.shift_right_logical(gg, 2)
            sl = pl.ds(lax.bitwise_and(gg, 3) * 16, 16)
            uvec = idx_u[r, sl]
            pvec = idx_p[r, sl]
            nvec = idx_n[r, sl]
            base = g * 16
            for l in range(16):
                de = pl.ds(base + l, 1)
                se = sems[l % 4]
                pltpu.async_copy(uemb_r.at[pl.ds(uvec[l], 1), :],
                                 rows_u.at[de, :], se)
                pltpu.async_copy(iemb_r.at[pl.ds(pvec[l], 1), :],
                                 rows_p.at[de, :], se)
                pltpu.async_copy(iemb_r.at[pl.ds(nvec[l], 1), :],
                                 rows_n.at[de, :], se)
                pltpu.async_copy(ibias_r.at[pl.ds(pvec[l], 1), :],
                                 bval_p.at[de, :], se)
                pltpu.async_copy(ibias_r.at[pl.ds(nvec[l], 1), :],
                                 bval_n.at[de, :], se)
            return carry2

        lax.fori_loop(0, CGROUP, fire, 0)

        q = CHUNK // 4
        for se in sems:
            pltpu.make_async_copy(uemb_r.at[pl.ds(0, q), :],
                                  rows_u.at[pl.ds(0, q), :], se).wait()
            pltpu.make_async_copy(iemb_r.at[pl.ds(0, q), :],
                                  rows_p.at[pl.ds(0, q), :], se).wait()
            pltpu.make_async_copy(iemb_r.at[pl.ds(0, q), :],
                                  rows_n.at[pl.ds(0, q), :], se).wait()
            pltpu.make_async_copy(ibias_r.at[pl.ds(0, q), :],
                                  bval_p.at[pl.ds(0, q), :], se).wait()
            pltpu.make_async_copy(ibias_r.at[pl.ds(0, q), :],
                                  bval_n.at[pl.ds(0, q), :], se).wait()

        def group_body(g, carry2):
            gg = ch * CGROUP + g
            r = lax.shift_right_logical(gg, 2)
            sl = pl.ds(lax.bitwise_and(gg, 3) * 16, 16)
            e16 = g * 16 + iota16
            accp = plsc.load_gather(bval_p, [e16, zero16])
            accn = plsc.load_gather(bval_n, [e16, zero16])
            for d in range(D):
                dv = jnp.full((16,), d, jnp.int32)
                ul = plsc.load_gather(rows_u, [e16, dv])
                pv = plsc.load_gather(rows_p, [e16, dv])
                nv = plsc.load_gather(rows_n, [e16, dv])
                accp = accp + ul * pv
                accn = accn + ul * nv
            outp_v[r, sl] = accp
            outn_v[r, sl] = accn
            return carry2

        lax.fori_loop(0, CGROUP, group_body, 0)
        return carry

    lax.fori_loop(0, NCHUNK, chunk_body, 0)

    pltpu.sync_copy(outp_v, outp_hbm.at[wid])
    pltpu.sync_copy(outn_v, outn_hbm.at[wid])


_mesh = plsc.VectorSubcoreMesh(core_axis_name="c", subcore_axis_name="s",
                               num_cores=NUM_CORES, num_subcores=NUM_SUBCORES)

_sc_call = pl.kernel(
    _body,
    out_type=(jax.ShapeDtypeStruct((NW, NROW, NCOL), jnp.float32),
              jax.ShapeDtypeStruct((NW, NROW, NCOL), jnp.float32)),
    mesh=_mesh,
    scratch_types=[
        pltpu.VMEM((NROW, NCOL), jnp.int32),
        pltpu.VMEM((NROW, NCOL), jnp.int32),
        pltpu.VMEM((NROW, NCOL), jnp.int32),
        pltpu.VMEM((CHUNK, D), jnp.float32),
        pltpu.VMEM((CHUNK, D), jnp.float32),
        pltpu.VMEM((CHUNK, D), jnp.float32),
        pltpu.VMEM((CHUNK, 1), jnp.float32),
        pltpu.VMEM((CHUNK, 1), jnp.float32),
        pltpu.VMEM((NROW, NCOL), jnp.float32),
        pltpu.VMEM((NROW, NCOL), jnp.float32),
        pltpu.SemaphoreType.DMA,
        pltpu.SemaphoreType.DMA,
        pltpu.SemaphoreType.DMA,
        pltpu.SemaphoreType.DMA,
    ],
    compiler_params=pltpu.CompilerParams(needs_layout_passes=False),
    name="bprmf_sc",
)


def kernel(users, pos_items, neg_items, user_emb, item_emb, item_bias):
    users3 = users.astype(jnp.int32).reshape(NW, NROW, NCOL)
    pos3 = pos_items.astype(jnp.int32).reshape(NW, NROW, NCOL)
    neg3 = neg_items.astype(jnp.int32).reshape(NW, NROW, NCOL)
    pos_s, neg_s = _sc_call(users3, pos3, neg3, user_emb, item_emb, item_bias)
    return pos_s.reshape(BATCH), neg_s.reshape(BATCH)

# --- scband reference (transcript-rebuilt; emitter-appended) ---
"""Pipeline reference for scband-bprmfmodel-48576080118524 (READ-ONLY COPY).

The authoritative reference and input builder live on the scoring server;
editing this copy changes nothing except your own understanding.
"""

import jax, jax.numpy as jnp
import numpy as np

NUM_USERS = 1000000
NUM_ITEMS = 1000000
EMBED_DIM = 64
BATCH = 16384

def setup_inputs(seed: int = 0) -> dict:
    key = jax.random.key(seed)
    k1, k2, k3, k4, k5 = jax.random.split(key, 5)
    users = jax.random.randint(k1, (BATCH,), 0, NUM_USERS, dtype=jnp.int64 if jax.config.jax_enable_x64 else jnp.int32)
    pos_items = jax.random.randint(k2, (BATCH,), 0, NUM_ITEMS, dtype=jnp.int64 if jax.config.jax_enable_x64 else jnp.int32)
    neg_items = jax.random.randint(k3, (BATCH,), 0, NUM_ITEMS, dtype=jnp.int64 if jax.config.jax_enable_x64 else jnp.int32)
    user_emb = jax.random.normal(k4, (NUM_USERS, EMBED_DIM), dtype=jnp.float32) * 0.02
    item_emb = jax.random.normal(k5, (NUM_ITEMS, EMBED_DIM), dtype=jnp.float32) * 0.02
    item_bias = jnp.zeros((NUM_ITEMS, 1), dtype=jnp.float32)
    return {"users": users, "pos_items": pos_items, "neg_items": neg_items,
            "user_emb": user_emb, "item_emb": item_emb, "item_bias": item_bias}

def reference(users, pos_items, neg_items, user_emb, item_emb, item_bias):
    user_vec = jnp.take(user_emb, users, axis=0)
    pos_vec = jnp.take(item_emb, pos_items, axis=0)
    neg_vec = jnp.take(item_emb, neg_items, axis=0)
    pos_b = jnp.take(item_bias, pos_items, axis=0).squeeze(-1)
    neg_b = jnp.take(item_bias, neg_items, axis=0).squeeze(-1)
    pos_scores = (user_vec * pos_vec).sum(axis=-1) + pos_b
    neg_scores = (user_vec * neg_vec).sum(axis=-1) + neg_b
    return (pos_scores, neg_scores)

if __name__ == "__main__":
    import jax
    _d = setup_inputs()
    print(jax.jit(kernel)(*tuple(_d.values())))

</pallas_src>

<mosaic_0001>
#map = affine_map<(d0, d1) -> (0, 0, 0)>
#map1 = affine_map<(d0, d1) -> (0, 0)>
module attributes {stable_mosaic.version = 14 : i64} {
  func.func @bprmf_sc(%arg0: i32, %arg1: i32, %arg2: memref<32x8x64xi32, #tpu.memory_space<hbm>>, %arg3: memref<32x8x64xi32, #tpu.memory_space<hbm>>, %arg4: memref<32x8x64xi32, #tpu.memory_space<hbm>>, %arg5: memref<1000000x64xf32, #tpu.memory_space<hbm>>, %arg6: memref<1000000x64xf32, #tpu.memory_space<hbm>>, %arg7: memref<1000000x1xf32, #tpu.memory_space<hbm>>, %arg8: memref<32x8x64xf32, #tpu.memory_space<hbm>>, %arg9: memref<32x8x64xf32, #tpu.memory_space<hbm>>, %arg10: memref<8x64xi32, #tpu.memory_space<vmem>>, %arg11: memref<8x64xi32, #tpu.memory_space<vmem>>, %arg12: memref<8x64xi32, #tpu.memory_space<vmem>>, %arg13: memref<128x64xf32, #tpu.memory_space<vmem>>, %arg14: memref<128x64xf32, #tpu.memory_space<vmem>>, %arg15: memref<128x64xf32, #tpu.memory_space<vmem>>, %arg16: memref<128x1xf32, #tpu.memory_space<vmem>>, %arg17: memref<128x1xf32, #tpu.memory_space<vmem>>, %arg18: memref<8x64xf32, #tpu.memory_space<vmem>>, %arg19: memref<8x64xf32, #tpu.memory_space<vmem>>, %arg20: memref<!tpu.dma_semaphore, #tpu.memory_space<semaphore_mem>>, %arg21: memref<!tpu.dma_semaphore, #tpu.memory_space<semaphore_mem>>, %arg22: memref<!tpu.dma_semaphore, #tpu.memory_space<semaphore_mem>>, %arg23: memref<!tpu.dma_semaphore, #tpu.memory_space<semaphore_mem>>) attributes {dimension_semantics = [#tpu.dimension_semantics<core_parallel>, #tpu.dimension_semantics<subcore_parallel>], iteration_bounds = array<i64: 2, 16>, scalar_prefetch = 0 : i64, scratch_operands = 14 : i64, tpu.core_type = #tpu.core_type<sc_vector_subcore>, window_params = [{transform_indices = #map}, {transform_indices = #map}, {transform_indices = #map}, {transform_indices = #map1}, {transform_indices = #map1}, {transform_indices = #map1}, {transform_indices = #map}, {transform_indices = #map}]} {
    %mul3A = arith.constant 2 : i32
    %mul3A_0 = arith.muli %arg1, %mul3A : i32
    %add3A = arith.addi %mul3A_0, %arg0 : i32
    "tpu.region"() ({
      %run_scoped3A = tpu.sem_alloc : memref<!tpu.dma_semaphore, #tpu.memory_space<semaphore_mem>>
      %dma_start3A = arith.constant 0 : i32
      %dma_start3A_7 = arith.constant 0 : i32
      %dma_start3A_8 = tpu.memref_slice %arg2[%add3A, %dma_start3A, %dma_start3A_7] : memref<32x8x64xi32, #tpu.memory_space<hbm>> -> memref<1x8x64xi32, #tpu.memory_space<hbm>>
      %dma_start3A_9 = tpu.memref_squeeze %dma_start3A_8 : memref<1x8x64xi32, #tpu.memory_space<hbm>> -> memref<8x64xi32, #tpu.memory_space<hbm>>
      %dma_start3A_10 = arith.constant 0 : i32
      %dma_start3A_11 = arith.constant 0 : i32
      %dma_start3A_12 = tpu.memref_slice %arg2[%add3A, %dma_start3A_10, %dma_start3A_11] : memref<32x8x64xi32, #tpu.memory_space<hbm>> -> memref<1x8x64xi32, #tpu.memory_space<hbm>>
      %dma_start3A_13 = tpu.memref_squeeze %dma_start3A_12 : memref<1x8x64xi32, #tpu.memory_space<hbm>> -> memref<8x64xi32, #tpu.memory_space<hbm>>
      tpu.enqueue_dma source(%dma_start3A_13 : memref<8x64xi32, #tpu.memory_space<hbm>>) target(%arg10 : memref<8x64xi32, #tpu.memory_space<vmem>>) target_semaphore(%run_scoped3A : memref<!tpu.dma_semaphore, #tpu.memory_space<semaphore_mem>>)
      %dma_wait3A = arith.constant 0 : i32
      %dma_wait3A_14 = arith.constant 0 : i32
      %dma_wait3A_15 = tpu.memref_slice %arg2[%add3A, %dma_wait3A, %dma_wait3A_14] : memref<32x8x64xi32, #tpu.memory_space<hbm>> -> memref<1x8x64xi32, #tpu.memory_space<hbm>>
      %dma_wait3A_16 = tpu.memref_squeeze %dma_wait3A_15 : memref<1x8x64xi32, #tpu.memory_space<hbm>> -> memref<8x64xi32, #tpu.memory_space<hbm>>
      %dma_wait3A_17 = arith.constant 0 : i32
      %dma_wait3A_18 = arith.constant 0 : i32
      %dma_wait3A_19 = tpu.memref_slice %arg2[%add3A, %dma_wait3A_17, %dma_wait3A_18] : memref<32x8x64xi32, #tpu.memory_space<hbm>> -> memref<1x8x64xi32, #tpu.memory_space<hbm>>
      %dma_wait3A_20 = tpu.memref_squeeze %dma_wait3A_19 : memref<1x8x64xi32, #tpu.memory_space<hbm>> -> memref<8x64xi32, #tpu.memory_space<hbm>>
      tpu.wait_dma2 semaphore(%run_scoped3A : memref<!tpu.dma_semaphore, #tpu.memory_space<semaphore_mem>>) src(%dma_wait3A_20 : memref<8x64xi32, #tpu.memory_space<hbm>>) dst(%arg10 : memref<8x64xi32, #tpu.memory_space<vmem>>)
      tpu.yield
    }) : () -> ()
    "tpu.region"() ({
      %run_scoped3A = tpu.sem_alloc : memref<!tpu.dma_semaphore, #tpu.memory_space<semaphore_mem>>
      %dma_start3A = arith.constant 0 : i32
      %dma_start3A_7 = arith.constant 0 : i32
      %dma_start3A_8 = tpu.memref_slice %arg3[%add3A, %dma_start3A, %dma_start3A_7] : memref<32x8x64xi32, #tpu.memory_space<hbm>> -> memref<1x8x64xi32, #tpu.memory_space<hbm>>
      %dma_start3A_9 = tpu.memref_squeeze %dma_start3A_8 : memref<1x8x64xi32, #tpu.memory_space<hbm>> -> memref<8x64xi32, #tpu.memory_space<hbm>>
      %dma_start3A_10 = arith.constant 0 : i32
      %dma_start3A_11 = arith.constant 0 : i32
      %dma_start3A_12 = tpu.memref_slice %arg3[%add3A, %dma_start3A_10, %dma_start3A_11] : memref<32x8x64xi32, #tpu.memory_space<hbm>> -> memref<1x8x64xi32, #tpu.memory_space<hbm>>
      %dma_start3A_13 = tpu.memref_squeeze %dma_start3A_12 : memref<1x8x64xi32, #tpu.memory_space<hbm>> -> memref<8x64xi32, #tpu.memory_space<hbm>>
      tpu.enqueue_dma source(%dma_start3A_13 : memref<8x64xi32, #tpu.memory_space<hbm>>) target(%arg11 : memref<8x64xi32, #tpu.memory_space<vmem>>) target_semaphore(%run_scoped3A : memref<!tpu.dma_semaphore, #tpu.memory_space<semaphore_mem>>)
      %dma_wait3A = arith.constant 0 : i32
      %dma_wait3A_14 = arith.constant 0 : i32
      %dma_wait3A_15 = tpu.memref_slice %arg3[%add3A, %dma_wait3A, %dma_wait3A_14] : memref<32x8x64xi32, #tpu.memory_space<hbm>> -> memref<1x8x64xi32, #tpu.memory_space<hbm>>
      %dma_wait3A_16 = tpu.memref_squeeze %dma_wait3A_15 : memref<1x8x64xi32, #tpu.memory_space<hbm>> -> memref<8x64xi32, #tpu.memory_space<hbm>>
      %dma_wait3A_17 = arith.constant 0 : i32
      %dma_wait3A_18 = arith.constant 0 : i32
      %dma_wait3A_19 = tpu.memref_slice %arg3[%add3A, %dma_wait3A_17, %dma_wait3A_18] : memref<32x8x64xi32, #tpu.memory_space<hbm>> -> memref<1x8x64xi32, #tpu.memory_space<hbm>>
      %dma_wait3A_20 = tpu.memref_squeeze %dma_wait3A_19 : memref<1x8x64xi32, #tpu.memory_space<hbm>> -> memref<8x64xi32, #tpu.memory_space<hbm>>
      tpu.wait_dma2 semaphore(%run_scoped3A : memref<!tpu.dma_semaphore, #tpu.memory_space<semaphore_mem>>) src(%dma_wait3A_20 : memref<8x64xi32, #tpu.memory_space<hbm>>) dst(%arg11 : memref<8x64xi32, #tpu.memory_space<vmem>>)
      tpu.yield
    }) : () -> ()
    "tpu.region"() ({
      %run_scoped3A = tpu.sem_alloc : memref<!tpu.dma_semaphore, #tpu.memory_space<semaphore_mem>>
      %dma_start3A = arith.constant 0 : i32
      %dma_start3A_7 = arith.constant 0 : i32
      %dma_start3A_8 = tpu.memref_slice %arg4[%add3A, %dma_start3A, %dma_start3A_7] : memref<32x8x64xi32, #tpu.memory_space<hbm>> -> memref<1x8x64xi32, #tpu.memory_space<hbm>>
      %dma_start3A_9 = tpu.memref_squeeze %dma_start3A_8 : memref<1x8x64xi32, #tpu.memory_space<hbm>> -> memref<8x64xi32, #tpu.memory_space<hbm>>
      %dma_start3A_10 = arith.constant 0 : i32
      %dma_start3A_11 = arith.constant 0 : i32
      %dma_start3A_12 = tpu.memref_slice %arg4[%add3A, %dma_start3A_10, %dma_start3A_11] : memref<32x8x64xi32, #tpu.memory_space<hbm>> -> memref<1x8x64xi32, #tpu.memory_space<hbm>>
      %dma_start3A_13 = tpu.memref_squeeze %dma_start3A_12 : memref<1x8x64xi32, #tpu.memory_space<hbm>> -> memref<8x64xi32, #tpu.memory_space<hbm>>
      tpu.enqueue_dma source(%dma_start3A_13 : memref<8x64xi32, #tpu.memory_space<hbm>>) target(%arg12 : memref<8x64xi32, #tpu.memory_space<vmem>>) target_semaphore(%run_scoped3A : memref<!tpu.dma_semaphore, #tpu.memory_space<semaphore_mem>>)
      %dma_wait3A = arith.constant 0 : i32
      %dma_wait3A_14 = arith.constant 0 : i32
      %dma_wait3A_15 = tpu.memref_slice %arg4[%add3A, %dma_wait3A, %dma_wait3A_14] : memref<32x8x64xi32, #tpu.memory_space<hbm>> -> memref<1x8x64xi32, #tpu.memory_space<hbm>>
      %dma_wait3A_16 = tpu.memref_squeeze %dma_wait3A_15 : memref<1x8x64xi32, #tpu.memory_space<hbm>> -> memref<8x64xi32, #tpu.memory_space<hbm>>
      %dma_wait3A_17 = arith.constant 0 : i32
      %dma_wait3A_18 = arith.constant 0 : i32
      %dma_wait3A_19 = tpu.memref_slice %arg4[%add3A, %dma_wait3A_17, %dma_wait3A_18] : memref<32x8x64xi32, #tpu.memory_space<hbm>> -> memref<1x8x64xi32, #tpu.memory_space<hbm>>
      %dma_wait3A_20 = tpu.memref_squeeze %dma_wait3A_19 : memref<1x8x64xi32, #tpu.memory_space<hbm>> -> memref<8x64xi32, #tpu.memory_space<hbm>>
      tpu.wait_dma2 semaphore(%run_scoped3A : memref<!tpu.dma_semaphore, #tpu.memory_space<semaphore_mem>>) src(%dma_wait3A_20 : memref<8x64xi32, #tpu.memory_space<hbm>>) dst(%arg12 : memref<8x64xi32, #tpu.memory_space<vmem>>)
      tpu.yield
    }) : () -> ()
    %iota3A = tpu.iota {dimensions = array<i32: 0>} : vector<16xi32>
    %broadcast_in_dim3A = arith.constant 0 : i32
    %broadcast_in_dim3A_1 = vector.broadcast %broadcast_in_dim3A : i32 to vector<16xi32>
    %scan3A = arith.constant 0 : i32
    %scan3A_2 = arith.constant 0 : i32
    %scan3A_3 = arith.constant 4 : i32
    %scan3A_4 = arith.addi %scan3A_2, %scan3A_3 : i32
    %scan3A_5 = arith.constant 1 : i32
    scf.for %scan3A_7 = %scan3A_2 to %scan3A_4 step %scan3A_5  : i32 {
      %scan3A_8 = arith.constant 0 : i32
      %scan3A_9 = arith.constant 0 : i32
      %scan3A_10 = arith.constant 8 : i32
      %scan3A_11 = arith.addi %scan3A_9, %scan3A_10 : i32
      %scan3A_12 = arith.constant 1 : i32
      scf.for %scan3A_259 = %scan3A_9 to %scan3A_11 step %scan3A_12  : i32 {
        %mul3A_260 = arith.constant 8 : i32
        %mul3A_261 = arith.muli %scan3A_7, %mul3A_260 : i32
        %add3A_262 = arith.addi %mul3A_261, %scan3A_259 : i32
        %shift_right_logical3A = arith.constant 2 : i32
        %shift_right_logical3A_263 = arith.shrui %add3A_262, %shift_right_logical3A : i32
        %and3A = arith.constant 3 : i32
        %and3A_264 = arith.andi %add3A_262, %and3A : i32
        %mul3A_265 = arith.constant 16 : i32
        %mul3A_266 = arith.muli %and3A_264, %mul3A_265 : i32
        %get3A = arith.index_cast %shift_right_logical3A_263 : i32 to index
        %get3A_267 = arith.index_cast %mul3A_266 : i32 to index
        %get3A_268 = tpu.vector_load %arg10[%get3A, %get3A_267] {strides = array<i32>} : memref<8x64xi32, #tpu.memory_space<vmem>>, vector<16xi32>,
        %get3A_269 = arith.index_cast %shift_right_logical3A_263 : i32 to index
        %get3A_270 = arith.index_cast %mul3A_266 : i32 to index
        %get3A_271 = tpu.vector_load %arg11[%get3A_269, %get3A_270] {strides = array<i32>} : memref<8x64xi32, #tpu.memory_space<vmem>>, vector<16xi32>,
        %get3A_272 = arith.index_cast %shift_right_logical3A_263 : i32 to index
        %get3A_273 = arith.index_cast %mul3A_266 : i32 to index
        %get3A_274 = tpu.vector_load %arg12[%get3A_272, %get3A_273] {strides = array<i32>} : memref<8x64xi32, #tpu.memory_space<vmem>>, vector<16xi32>,
        %mul3A_275 = arith.constant 16 : i32
        %mul3A_276 = arith.muli %scan3A_259, %mul3A_275 : i32
        %add3A_277 = arith.constant 0 : i32
        %add3A_278 = arith.addi %mul3A_276, %add3A_277 : i32
        %slice3A = vector.extract_strided_slice %get3A_268 {offsets = [0], sizes = [1], strides = [1]} : vector<16xi32> to vector<1xi32>
        %squeeze3A = vector.extract %slice3A[0] : i32 from vector<1xi32>
        %dma_start3A = arith.constant 0 : i32
        %dma_start3A_279 = tpu.memref_slice %arg13[%add3A_278, %dma_start3A] : memref<128x64xf32, #tpu.memory_space<vmem>> -> memref<1x64xf32, #tpu.memory_space<vmem>>
        %dma_start3A_280 = arith.constant 0 : i32
        %dma_start3A_281 = tpu.memref_slice %arg5[%squeeze3A, %dma_start3A_280] : memref<1000000x64xf32, #tpu.memory_space<hbm>> -> memref<1x64xf32, #tpu.memory_space<hbm>>
        %dma_start3A_282 = arith.constant 0 : i32
        %dma_start3A_283 = tpu.memref_slice %arg13[%add3A_278, %dma_start3A_282] : memref<128x64xf32, #tpu.memory_space<vmem>> -> memref<1x64xf32, #tpu.memory_space<vmem>>
        %dma_start3A_284 = arith.constant 0 : i32
        %dma_start3A_285 = tpu.memref_slice %arg5[%squeeze3A, %dma_start3A_284] : memref<1000000x64xf32, #tpu.memory_space<hbm>> -> memref<1x64xf32, #tpu.memory_space<hbm>>
        tpu.enqueue_dma source(%dma_start3A_285 : memref<1x64xf32, #tpu.memory_space<hbm>>) target(%dma_start3A_283 : memref<1x64xf32, #tpu.memory_space<vmem>>) target_semaphore(%arg20 : memref<!tpu.dma_semaphore, #tpu.memory_space<semaphore_mem>>)
        %slice3A_286 = vector.extract_strided_slice %get3A_271 {offsets = [0], sizes = [1], strides = [1]} : vector<16xi32> to vector<1xi32>
        %squeeze3A_287 = vector.extract %slice3A_286[0] : i32 from vector<1xi32>
        %dma_start3A_288 = arith.constant 0 : i32
        %dma_start3A_289 = tpu.memref_slice %arg14[%add3A_278, %dma_start3A_288] : memref<128x64xf32, #tpu.memory_space<vmem>> -> memref<1x64xf32, #tpu.memory_space<vmem>>
        %dma_start3A_290 = arith.constant 0 : i32
        %dma_start3A_291 = tpu.memref_slice %arg6[%squeeze3A_287, %dma_start3A_290] : memref<1000000x64xf32, #tpu.memory_space<hbm>> -> memref<1x64xf32, #tpu.memory_space<hbm>>
        %dma_start3A_292 = arith.constant 0 : i32
        %dma_start3A_293 = tpu.memref_slice %arg14[%add3A_278, %dma_start3A_292] : memref<128x64xf32, #tpu.memory_space<vmem>> -> memref<1x64xf32, #tpu.memory_space<vmem>>
        %dma_start3A_294 = arith.constant 0 : i32
        %dma_start3A_295 = tpu.memref_slice %arg6[%squeeze3A_287, %dma_start3A_294] : memref<1000000x64xf32, #tpu.memory_space<hbm>> -> memref<1x64xf32, #tpu.memory_space<hbm>>
        tpu.enqueue_dma source(%dma_start3A_295 : memref<1x64xf32, #tpu.memory_space<hbm>>) target(%dma_start3A_293 : memref<1x64xf32, #tpu.memory_space<vmem>>) target_semaphore(%arg20 : memref<!tpu.dma_semaphore, #tpu.memory_space<semaphore_mem>>)
        %slice3A_296 = vector.extract_strided_slice %get3A_274 {offsets = [0], sizes = [1], strides = [1]} : vector<16xi32> to vector<1xi32>
        %squeeze3A_297 = vector.extract %slice3A_296[0] : i32 from vector<1xi32>
        %dma_start3A_298 = arith.constant 0 : i32
        %dma_start3A_299 = tpu.memref_slice %arg15[%add3A_278, %dma_start3A_298] : memref<128x64xf32, #tpu.memory_space<vmem>> -> memref<1x64xf32, #tpu.memory_space<vmem>>
        %dma_start3A_300 = arith.constant 0 : i32
        %dma_start3A_301 = tpu.memref_slice %arg6[%squeeze3A_297, %dma_start3A_300] : memref<1000000x64xf32, #tpu.memory_space<hbm>> -> memref<1x64xf32, #tpu.memory_space<hbm>>
        %dma_start3A_302 = arith.constant 0 : i32
        %dma_start3A_303 = tpu.memref_slice %arg15[%add3A_278, %dma_start3A_302] : memref<128x64xf32, #tpu.memory_space<vmem>> -> memref<1x64xf32, #tpu.memory_space<vmem>>
        %dma_start3A_304 = arith.constant 0 : i32
        %dma_start3A_305 = tpu.memref_slice %arg6[%squeeze3A_297, %dma_start3A_304] : memref<1000000x64xf32, #tpu.memory_space<hbm>> -> memref<1x64xf32, #tpu.memory_space<hbm>>
        tpu.enqueue_dma source(%dma_start3A_305 : memref<1x64xf32, #tpu.memory_space<hbm>>) target(%dma_start3A_303 : memref<1x64xf32, #tpu.memory_space<vmem>>) target_semaphore(%arg20 : memref<!tpu.dma_semaphore, #tpu.memory_space<semaphore_mem>>)
        %slice3A_306 = vector.extract_strided_slice %get3A_271 {offsets = [0], sizes = [1], strides = [1]} : vector<16xi32> to vector<1xi32>
        %squeeze3A_307 = vector.extract %slice3A_306[0] : i32 from vector<1xi32>
        %dma_start3A_308 = arith.constant 0 : i32
        %dma_start3A_309 = tpu.memref_slice %arg16[%add3A_278, %dma_start3A_308] : memref<128x1xf32, #tpu.memory_space<vmem>> -> memref<1x1xf32, #tpu.memory_space<vmem>>
        %dma_start3A_310 = arith.constant 0 : i32
        %dma_start3A_311 = tpu.memref_slice %arg7[%squeeze3A_307, %dma_start3A_310] : memref<1000000x1xf32, #tpu.memory_space<hbm>> -> memref<1x1xf32, #tpu.memory_space<hbm>>
        %dma_start3A_312 = arith.constant 0 : i32
        %dma_start3A_313 = tpu.memref_slice %arg16[%add3A_278, %dma_start3A_312] : memref<128x1xf32, #tpu.memory_space<vmem>> -> memref<1x1xf32, #tpu.memory_space<vmem>>
        %dma_start3A_314 = arith.constant 0 : i32
        %dma_start3A_315 = tpu.memref_slice %arg7[%squeeze3A_307, %dma_start3A_314] : memref<1000000x1xf32, #tpu.memory_space<hbm>> -> memref<1x1xf32, #tpu.memory_space<hbm>>
        tpu.enqueue_dma source(%dma_start3A_315 : memref<1x1xf32, #tpu.memory_space<hbm>>) target(%dma_start3A_313 : memref<1x1xf32, #tpu.memory_space<vmem>>) target_semaphore(%arg20 : memref<!tpu.dma_semaphore, #tpu.memory_space<semaphore_mem>>)
        %slice3A_316 = vector.extract_strided_slice %get3A_274 {offsets = [0], sizes = [1], strides = [1]} : vector<16xi32> to vector<1xi32>
        %squeeze3A_317 = vector.extract %slice3A_316[0] : i32 from vector<1xi32>
        %dma_start3A_318 = arith.constant 0 : i32
        %dma_start3A_319 = tpu.memref_slice %arg17[%add3A_278, %dma_start3A_318] : memref<128x1xf32, #tpu.memory_space<vmem>> -> memref<1x1xf32, #tpu.memory_space<vmem>>
        %dma_start3A_320 = arith.constant 0 : i32
        %dma_start3A_321 = tpu.memref_slice %arg7[%squeeze3A_317, %dma_start3A_320] : memref<1000000x1xf32, #tpu.memory_space<hbm>> -> memref<1x1xf32, #tpu.memory_space<hbm>>
        %dma_start3A_322 = arith.constant 0 : i32
        %dma_start3A_323 = tpu.memref_slice %arg17[%add3A_278, %dma_start3A_322] : memref<128x1xf32, #tpu.memory_space<vmem>> -> memref<1x1xf32, #tpu.memory_space<vmem>>
        %dma_start3A_324 = arith.constant 0 : i32
        %dma_start3A_325 = tpu.memref_slice %arg7[%squeeze3A_317, %dma_start3A_324] : memref<1000000x1xf32, #tpu.memory_space<hbm>> -> memref<1x1xf32, #tpu.memory_space<hbm>>
        tpu.enqueue_dma source(%dma_start3A_325 : memref<1x1xf32, #tpu.memory_space<hbm>>) target(%dma_start3A_323 : memref<1x1xf32, #tpu.memory_space<vmem>>) target_semaphore(%arg20 : memref<!tpu.dma_semaphore, #tpu.memory_space<semaphore_mem>>)
        %add3A_326 = arith.constant 1 : i32
        %add3A_327 = arith.addi %mul3A_276, %add3A_326 : i32
        %slice3A_328 = vector.extract_strided_slice %get3A_268 {offsets = [1], sizes = [1], strides = [1]} : vector<16xi32> to vector<1xi32>
        %squeeze3A_329 = vector.extract %slice3A_328[0] : i32 from vector<1xi32>
        %dma_start3A_330 = arith.constant 0 : i32
        %dma_start3A_331 = tpu.memref_slice %arg13[%add3A_327, %dma_start3A_330] : memref<128x64xf32, #tpu.memory_space<vmem>> -> memref<1x64xf32, #tpu.memory_space<vmem>>
        %dma_start3A_332 = arith.constant 0 : i32
        %dma_start3A_333 = tpu.memref_slice %arg5[%squeeze3A_329, %dma_start3A_332] : memref<1000000x64xf32, #tpu.memory_space<hbm>> -> memref<1x64xf32, #tpu.memory_space<hbm>>
        %dma_start3A_334 = arith.constant 0 : i32
        %dma_start3A_335 = tpu.memref_slice %arg13[%add3A_327, %dma_start3A_334] : memref<128x64xf32, #tpu.memory_space<vmem>> -> memref<1x64xf32, #tpu.memory_space<vmem>>
        %dma_start3A_336 = arith.constant 0 : i32
        %dma_start3A_337 = tpu.memref_slice %arg5[%squeeze3A_329, %dma_start3A_336] : memref<1000000x64xf32, #tpu.memory_space<hbm>> -> memref<1x64xf32, #tpu.memory_space<hbm>>
        tpu.enqueue_dma source(%dma_start3A_337 : memref<1x64xf32, #tpu.memory_space<hbm>>) target(%dma_start3A_335 : memref<1x64xf32, #tpu.memory_space<vmem>>) target_semaphore(%arg21 : memref<!tpu.dma_semaphore, #tpu.memory_space<semaphore_mem>>)
        %slice3A_338 = vector.extract_strided_slice %get3A_271 {offsets = [1], sizes = [1], strides = [1]} : vector<16xi32> to vector<1xi32>
        %squeeze3A_339 = vector.extract %slice3A_338[0] : i32 from vector<1xi32>
        %dma_start3A_340 = arith.constant 0 : i32
        %dma_start3A_341 = tpu.memref_slice %arg14[%add3A_327, %dma_start3A_340] : memref<128x64xf32, #tpu.memory_space<vmem>> -> memref<1x64xf32, #tpu.memory_space<vmem>>
        %dma_start3A_342 = arith.constant 0 : i32
        %dma_start3A_343 = tpu.memref_slice %arg6[%squeeze3A_339, %dma_start3A_342] : memref<1000000x64xf32, #tpu.memory_space<hbm>> -> memref<1x64xf32, #tpu.memory_space<hbm>>
        %dma_start3A_344 = arith.constant 0 : i32
        %dma_start3A_345 = tpu.memref_slice %arg14[%add3A_327, %dma_start3A_344] : memref<128x64xf32, #tpu.memory_space<vmem>> -> memref<1x64xf32, #tpu.memory_space<vmem>>
        %dma_start3A_346 = arith.constant 0 : i32
        %dma_start3A_347 = tpu.memref_slice %arg6[%squeeze3A_339, %dma_start3A_346] : memref<1000000x64xf32, #tpu.memory_space<hbm>> -> memref<1x64xf32, #tpu.memory_space<hbm>>
        tpu.enqueue_dma source(%dma_start3A_347 : memref<1x64xf32, #tpu.memory_space<hbm>>) target(%dma_start3A_345 : memref<1x64xf32, #tpu.memory_space<vmem>>) target_semaphore(%arg21 : memref<!tpu.dma_semaphore, #tpu.memory_space<semaphore_mem>>)
        %slice3A_348 = vector.extract_strided_slice %get3A_274 {offsets = [1], sizes = [1], strides = [1]} : vector<16xi32> to vector<1xi32>
        %squeeze3A_349 = vector.extract %slice3A_348[0] : i32 from vector<1xi32>
        %dma_start3A_350 = arith.constant 0 : i32
        %dma_start3A_351 = tpu.memref_slice %arg15[%add3A_327, %dma_start3A_350] : memref<128x64xf32, #tpu.memory_space<vmem>> -> memref<1x64xf32, #tpu.memory_space<vmem>>
        %dma_start3A_352 = arith.constant 0 : i32
        %dma_start3A_353 = tpu.memref_slice %arg6[%squeeze3A_349, %dma_start3A_352] : memref<1000000x64xf32, #tpu.memory_space<hbm>> -> memref<1x64xf32, #tpu.memory_space<hbm>>
        %dma_start3A_354 = arith.constant 0 : i32
        %dma_start3A_355 = tpu.memref_slice %arg15[%add3A_327, %dma_start3A_354] : memref<128x64xf32, #tpu.memory_space<vmem>> -> memref<1x64xf32, #tpu.memory_space<vmem>>
        %dma_start3A_356 = arith.constant 0 : i32
        %dma_start3A_357 = tpu.memref_slice %arg6[%squeeze3A_349, %dma_start3A_356] : memref<1000000x64xf32, #tpu.memory_space<hbm>> -> memref<1x64xf32, #tpu.memory_space<hbm>>
        tpu.enqueue_dma source(%dma_start3A_357 : memref<1x64xf32, #tpu.memory_space<hbm>>) target(%dma_start3A_355 : memref<1x64xf32, #tpu.memory_space<vmem>>) target_semaphore(%arg21 : memref<!tpu.dma_semaphore, #tpu.memory_space<semaphore_mem>>)
        %slice3A_358 = vector.extract_strided_slice %get3A_271 {offsets = [1], sizes = [1], strides = [1]} : vector<16xi32> to vector<1xi32>
        %squeeze3A_359 = vector.extract %slice3A_358[0] : i32 from vector<1xi32>
        %dma_start3A_360 = arith.constant 0 : i32
        %dma_start3A_361 = tpu.memref_slice %arg16[%add3A_327, %dma_start3A_360] : memref<128x1xf32, #tpu.memory_space<vmem>> -> memref<1x1xf32, #tpu.memory_space<vmem>>
        %dma_start3A_362 = arith.constant 0 : i32
        %dma_start3A_363 = tpu.memref_slice %arg7[%squeeze3A_359, %dma_start3A_362] : memref<1000000x1xf32, #tpu.memory_space<hbm>> -> memref<1x1xf32, #tpu.memory_space<hbm>>
        %dma_start3A_364 = arith.constant 0 : i32
        %dma_start3A_365 = tpu.memref_slice %arg16[%add3A_327, %dma_start3A_364] : memref<128x1xf32, #tpu.memory_space<vmem>> -> memref<1x1xf32, #tpu.memory_space<vmem>>
        %dma_start3A_366 = arith.constant 0 : i32
        %dma_start3A_367 = tpu.memref_slice %arg7[%squeeze3A_359, %dma_start3A_366] : memref<1000000x1xf32, #tpu.memory_space<hbm>> -> memref<1x1xf32, #tpu.memory_space<hbm>>
        tpu.enqueue_dma source(%dma_start3A_367 : memref<1x1xf32, #tpu.memory_space<hbm>>) target(%dma_start3A_365 : memref<1x1xf32, #tpu.memory_space<vmem>>) target_semaphore(%arg21 : memref<!tpu.dma_semaphore, #tpu.memory_space<semaphore_mem>>)
        %slice3A_368 = vector.extract_strided_slice %get3A_274 {offsets = [1], sizes = [1], strides = [1]} : vector<16xi32> to vector<1xi32>
        %squeeze3A_369 = vector.extract %slice3A_368[0] : i32 from vector<1xi32>
        %dma_start3A_370 = arith.constant 0 : i32
        %dma_start3A_371 = tpu.memref_slice %arg17[%add3A_327, %dma_start3A_370] : memref<128x1xf32, #tpu.memory_space<vmem>> -> memref<1x1xf32, #tpu.memory_space<vmem>>
        %dma_start3A_372 = arith.constant 0 : i32
        %dma_start3A_373 = tpu.memref_slice %arg7[%squeeze3A_369, %dma_start3A_372] : memref<1000000x1xf32, #tpu.memory_space<hbm>> -> memref<1x1xf32, #tpu.memory_space<hbm>>
        %dma_start3A_374 = arith.constant 0 : i32
        %dma_start3A_375 = tpu.memref_slice %arg17[%add3A_327, %dma_start3A_374] : memref<128x1xf32, #tpu.memory_space<vmem>> -> memref<1x1xf32, #tpu.memory_space<vmem>>
        %dma_start3A_376 = arith.constant 0 : i32
        %dma_start3A_377 = tpu.memref_slice %arg7[%squeeze3A_369, %dma_start3A_376] : memref<1000000x1xf32, #tpu.memory_space<hbm>> -> memref<1x1xf32, #tpu.memory_space<hbm>>
        tpu.enqueue_dma source(%dma_start3A_377 : memref<1x1xf32, #tpu.memory_space<hbm>>) target(%dma_start3A_375 : memref<1x1xf32, #tpu.memory_space<vmem>>) target_semaphore(%arg21 : memref<!tpu.dma_semaphore, #tpu.memory_space<semaphore_mem>>)
        %add3A_378 = arith.constant 2 : i32
        %add3A_379 = arith.addi %mul3A_276, %add3A_378 : i32
        %slice3A_380 = vector.extract_strided_slice %get3A_268 {offsets = [2], sizes = [1], strides = [1]} : vector<16xi32> to vector<1xi32>
        %squeeze3A_381 = vector.extract %slice3A_380[0] : i32 from vector<1xi32>
        %dma_start3A_382 = arith.constant 0 : i32
        %dma_start3A_383 = tpu.memref_slice %arg13[%add3A_379, %dma_start3A_382] : memref<128x64xf32, #tpu.memory_space<vmem>> -> memref<1x64xf32, #tpu.memory_space<vmem>>
        %dma_start3A_384 = arith.constant 0 : i32
        %dma_start3A_385 = tpu.memref_slice %arg5[%squeeze3A_381, %dma_start3A_384] : memref<1000000x64xf32, #tpu.memory_space<hbm>> -> memref<1x64xf32, #tpu.memory_space<hbm>>
        %dma_start3A_386 = arith.constant 0 : i32
        %dma_start3A_387 = tpu.memref_slice %arg13[%add3A_379, %dma_start3A_386] : memref<128x64xf32, #tpu.memory_space<vmem>> -> memref<1x64xf32, #tpu.memory_space<vmem>>
        %dma_start3A_388 = arith.constant 0 : i32
        %dma_start3A_389 = tpu.memref_slice %arg5[%squeeze3A_381, %dma_start3A_388] : memref<1000000x64xf32, #tpu.memory_space<hbm>> -> memref<1x64xf32, #tpu.memory_space<hbm>>
        tpu.enqueue_dma source(%dma_start3A_389 : memref<1x64xf32, #tpu.memory_space<hbm>>) target(%dma_start3A_387 : memref<1x64xf32, #tpu.memory_space<vmem>>) target_semaphore(%arg22 : memref<!tpu.dma_semaphore, #tpu.memory_space<semaphore_mem>>)
        %slice3A_390 = vector.extract_strided_slice %get3A_271 {offsets = [2], sizes = [1], strides = [1]} : vector<16xi32> to vector<1xi32>
        %squeeze3A_391 = vector.extract %slice3A_390[0] : i32 from vector<1xi32>
        %dma_start3A_392 = arith.constant 0 : i32
        %dma_start3A_393 = tpu.memref_slice %arg14[%add3A_379, %dma_start3A_392] : memref<128x64xf32, #tpu.memory_space<vmem>> -> memref<1x64xf32, #tpu.memory_space<vmem>>
        %dma_start3A_394 = arith.constant 0 : i32
        %dma_start3A_395 = tpu.memref_slice %arg6[%squeeze3A_391, %dma_start3A_394] : memref<1000000x64xf32, #tpu.memory_space<hbm>> -> memref<1x64xf32, #tpu.memory_space<hbm>>
        %dma_start3A_396 = arith.constant 0 : i32
        %dma_start3A_397 = tpu.memref_slice %arg14[%add3A_379, %dma_start3A_396] : memref<128x64xf32, #tpu.memory_space<vmem>> -> memref<1x64xf32, #tpu.memory_space<vmem>>
        %dma_start3A_398 = arith.constant 0 : i32
        %dma_start3A_399 = tpu.memref_slice %arg6[%squeeze3A_391, %dma_start3A_398] : memref<1000000x64xf32, #tpu.memory_space<hbm>> -> memref<1x64xf32, #tpu.memory_space<hbm>>
        tpu.enqueue_dma source(%dma_start3A_399 : memref<1x64xf32, #tpu.memory_space<hbm>>) target(%dma_start3A_397 : memref<1x64xf32, #tpu.memory_space<vmem>>) target_semaphore(%arg22 : memref<!tpu.dma_semaphore, #tpu.memory_space<semaphore_mem>>)
        %slice3A_400 = vector.extract_strided_slice %get3A_274 {offsets = [2], sizes = [1], strides = [1]} : vector<16xi32> to vector<1xi32>
        %squeeze3A_401 = vector.extract %slice3A_400[0] : i32 from vector<1xi32>
        %dma_start3A_402 = arith.constant 0 : i32
        %dma_start3A_403 = tpu.memref_slice %arg15[%add3A_379, %dma_start3A_402] : memref<128x64xf32, #tpu.memory_space<vmem>> -> memref<1x64xf32, #tpu.memory_space<vmem>>
        %dma_start3A_404 = arith.constant 0 : i32
        %dma_start3A_405 = tpu.memref_slice %arg6[%squeeze3A_401, %dma_start3A_404] : memref<1000000x64xf32, #tpu.memory_space<hbm>> -> memref<1x64xf32, #tpu.memory_space<hbm>>
        %dma_start3A_406 = arith.constant 0 : i32
        %dma_start3A_407 = tpu.memref_slice %arg15[%add3A_379, %dma_start3A_406] : memref<128x64xf32, #tpu.memory_space<vmem>> -> memref<1x64xf32, #tpu.memory_space<vmem>>
        %dma_start3A_408 = arith.constant 0 : i32
        %dma_start3A_409 = tpu.memref_slice %arg6[%squeeze3A_401, %dma_start3A_408] : memref<1000000x64xf32, #tpu.memory_space<hbm>> -> memref<1x64xf32, #tpu.memory_space<hbm>>
        tpu.enqueue_dma source(%dma_start3A_409 : memref<1x64xf32, #tpu.memory_space<hbm>>) target(%dma_start3A_407 : memref<1x64xf32, #tpu.memory_space<vmem>>) target_semaphore(%arg22 : memref<!tpu.dma_semaphore, #tpu.memory_space<semaphore_mem>>)
        %slice3A_410 = vector.extract_strided_slice %get3A_271 {offsets = [2], sizes = [1], strides = [1]} : vector<16xi32> to vector<1xi32>
        %squeeze3A_411 = vector.extract %slice3A_410[0] : i32 from vector<1xi32>
        %dma_start3A_412 = arith.constant 0 : i32
        %dma_start3A_413 = tpu.memref_slice %arg16[%add3A_379, %dma_start3A_412] : memref<128x1xf32, #tpu.memory_space<vmem>> -> memref<1x1xf32, #tpu.memory_space<vmem>>
        %dma_start3A_414 = arith.constant 0 : i32
        %dma_start3A_415 = tpu.memref_slice %arg7[%squeeze3A_411, %dma_start3A_414] : memref<1000000x1xf32, #tpu.memory_space<hbm>> -> memref<1x1xf32, #tpu.memory_space<hbm>>
        %dma_start3A_416 = arith.constant 0 : i32
        %dma_start3A_417 = tpu.memref_slice %arg16[%add3A_379, %dma_start3A_416] : memref<128x1xf32, #tpu.memory_space<vmem>> -> memref<1x1xf32, #tpu.memory_space<vmem>>
        %dma_start3A_418 = arith.constant 0 : i32
        %dma_start3A_419 = tpu.memref_slice %arg7[%squeeze3A_411, %dma_start3A_418] : memref<1000000x1xf32, #tpu.memory_space<hbm>> -> memref<1x1xf32, #tpu.memory_space<hbm>>
        tpu.enqueue_dma source(%dma_start3A_419 : memref<1x1xf32, #tpu.memory_space<hbm>>) target(%dma_start3A_417 : memref<1x1xf32, #tpu.memory_space<vmem>>) target_semaphore(%arg22 : memref<!tpu.dma_semaphore, #tpu.memory_space<semaphore_mem>>)
        %slice3A_420 = vector.extract_strided_slice %get3A_274 {offsets = [2], sizes = [1], strides = [1]} : vector<16xi32> to vector<1xi32>
        %squeeze3A_421 = vector.extract %slice3A_420[0] : i32 from vector<1xi32>
        %dma_start3A_422 = arith.constant 0 : i32
        %dma_start3A_423 = tpu.memref_slice %arg17[%add3A_379, %dma_start3A_422] : memref<128x1xf32, #tpu.memory_space<vmem>> -> memref<1x1xf32, #tpu.memory_space<vmem>>
        %dma_start3A_424 = arith.constant 0 : i32
        %dma_start3A_425 = tpu.memref_slice %arg7[%squeeze3A_421, %dma_start3A_424] : memref<1000000x1xf32, #tpu.memory_space<hbm>> -> memref<1x1xf32, #tpu.memory_space<hbm>>
        %dma_start3A_426 = arith.constant 0 : i32
        %dma_start3A_427 = tpu.memref_slice %arg17[%add3A_379, %dma_start3A_426] : memref<128x1xf32, #tpu.memory_space<vmem>> -> memref<1x1xf32, #tpu.memory_space<vmem>>
        %dma_start3A_428 = arith.constant 0 : i32
        %dma_start3A_429 = tpu.memref_slice %arg7[%squeeze3A_421, %dma_start3A_428] : memref<1000000x1xf32, #tpu.memory_space<hbm>> -> memref<1x1xf32, #tpu.memory_space<hbm>>
        tpu.enqueue_dma source(%dma_start3A_429 : memref<1x1xf32, #tpu.memory_space<hbm>>) target(%dma_start3A_427 : memref<1x1xf32, #tpu.memory_space<vmem>>) target_semaphore(%arg22 : memref<!tpu.dma_semaphore, #tpu.memory_space<semaphore_mem>>)
        %add3A_430 = arith.constant 3 : i32
        %add3A_431 = arith.addi %mul3A_276, %add3A_430 : i32
        %slice3A_432 = vector.extract_strided_slice %get3A_268 {offsets = [3], sizes = [1], strides = [1]} : vector<16xi32> to vector<1xi32>
        %squeeze3A_433 = vector.extract %slice3A_432[0] : i32 from vector<1xi32>
        %dma_start3A_434 = arith.constant 0 : i32
        %dma_start3A_435 = tpu.memref_slice %arg13[%add3A_431, %dma_start3A_434] : memref<128x64xf32, #tpu.memory_space<vmem>> -> memref<1x64xf32, #tpu.memory_space<vmem>>
        %dma_start3A_436 = arith.constant 0 : i32
        %dma_start3A_437 = tpu.memref_slice %arg5[%squeeze3A_433, %dma_start3A_436] : memref<1000000x64xf32, #tpu.memory_space<hbm>> -> memref<1x64xf32, #tpu.memory_space<hbm>>
        %dma_start3A_438 = arith.constant 0 : i32
        %dma_start3A_439 = tpu.memref_slice %arg13[%add3A_431, %dma_start3A_438] : memref<128x64xf32, #tpu.memory_space<vmem>> -> memref<1x64xf32, #tpu.memory_space<vmem>>
        %dma_start3A_440 = arith.constant 0 : i32
        %dma_start3A_441 = tpu.memref_slice %arg5[%squeeze3A_433, %dma_start3A_440] : memref<1000000x64xf32, #tpu.memory_space<hbm>> -> memref<1x64xf32, #tpu.memory_space<hbm>>
        tpu.enqueue_dma source(%dma_start3A_441 : memref<1x64xf32, #tpu.memory_space<hbm>>) target(%dma_start3A_439 : memref<1x64xf32, #tpu.memory_space<vmem>>) target_semaphore(%arg23 : memref<!tpu.dma_semaphore, #tpu.memory_space<semaphore_mem>>)
        %slice3A_442 = vector.extract_strided_slice %get3A_271 {offsets = [3], sizes = [1], strides = [1]} : vector<16xi32> to vector<1xi32>
        %squeeze3A_443 = vector.extract %slice3A_442[0] : i32 from vector<1xi32>
        %dma_start3A_444 = arith.constant 0 : i32
        %dma_start3A_445 = tpu.memref_slice %arg14[%add3A_431, %dma_start3A_444] : memref<128x64xf32, #tpu.memory_space<vmem>> -> memref<1x64xf32, #tpu.memory_space<vmem>>
        %dma_start3A_446 = arith.constant 0 : i32
        %dma_start3A_447 = tpu.memref_slice %arg6[%squeeze3A_443, %dma_start3A_446] : memref<1000000x64xf32, #tpu.memory_space<hbm>> -> memref<1x64xf32, #tpu.memory_space<hbm>>
        %dma_start3A_448 = arith.constant 0 : i32
        %dma_start3A_449 = tpu.memref_slice %arg14[%add3A_431, %dma_start3A_448] : memref<128x64xf32, #tpu.memory_space<vmem>> -> memref<1x64xf32, #tpu.memory_space<vmem>>
        %dma_start3A_450 = arith.constant 0 : i32
        %dma_start3A_451 = tpu.memref_slice %arg6[%squeeze3A_443, %dma_start3A_450] : memref<1000000x64xf32, #tpu.memory_space<hbm>> -> memref<1x64xf32, #tpu.memory_space<hbm>>
        tpu.enqueue_dma source(%dma_start3A_451 : memref<1x64xf32, #tpu.memory_space<hbm>>) target(%dma_start3A_449 : memref<1x64xf32, #tpu.memory_space<vmem>>) target_semaphore(%arg23 : memref<!tpu.dma_semaphore, #tpu.memory_space<semaphore_mem>>)
        %slice3A_452 = vector.extract_strided_slice %get3A_274 {offsets = [3], sizes = [1], strides = [1]} : vector<16xi32> to vector<1xi32>
        %squeeze3A_453 = vector.extract %slice3A_452[0] : i32 from vector<1xi32>
        %dma_start3A_454 = arith.constant 0 : i32
        %dma_start3A_455 = tpu.memref_slice %arg15[%add3A_431, %dma_start3A_454] : memref<128x64xf32, #tpu.memory_space<vmem>> -> memref<1x64xf32, #tpu.memory_space<vmem>>
        %dma_start3A_456 = arith.constant 0 : i32
        %dma_start3A_457 = tpu.memref_slice %arg6[%squeeze3A_453, %dma_start3A_456] : memref<1000000x64xf32, #tpu.memory_space<hbm>> -> memref<1x64xf32, #tpu.memory_space<hbm>>
        %dma_start3A_458 = arith.constant 0 : i32
        %dma_start3A_459 = tpu.memref_slice %arg15[%add3A_431, %dma_start3A_458] : memref<128x64xf32, #tpu.memory_space<vmem>> -> memref<1x64xf32, #tpu.memory_space<vmem>>
        %dma_start3A_460 = arith.constant 0 : i32
        %dma_start3A_461 = tpu.memref_slice %arg6[%squeeze3A_453, %dma_start3A_460] : memref<1000000x64xf32, #tpu.memory_space<hbm>> -> memref<1x64xf32, #tpu.memory_space<hbm>>
        tpu.enqueue_dma source(%dma_start3A_461 : memref<1x64xf32, #tpu.memory_space<hbm>>) target(%dma_start3A_459 : memref<1x64xf32, #tpu.memory_space<vmem>>) target_semaphore(%arg23 : memref<!tpu.dma_semaphore, #tpu.memory_space<semaphore_mem>>)
        %slice3A_462 = vector.extract_strided_slice %get3A_271 {offsets = [3], sizes = [1], strides = [1]} : vector<16xi32> to vector<1xi32>
        %squeeze3A_463 = vector.extract %slice3A_462[0] : i32 from vector<1xi32>
        %dma_start3A_464 = arith.constant 0 : i32
        %dma_start3A_465 = tpu.memref_slice %arg16[%add3A_431, %dma_start3A_464] : memref<128x1xf32, #tpu.memory_space<vmem>> -> memref<1x1xf32, #tpu.memory_space<vmem>>
        %dma_start3A_466 = arith.constant 0 : i32
        %dma_start3A_467 = tpu.memref_slice %arg7[%squeeze3A_463, %dma_start3A_466] : memref<1000000x1xf32, #tpu.memory_space<hbm>> -> memref<1x1xf32, #tpu.memory_space<hbm>>
        %dma_start3A_468 = arith.constant 0 : i32
        %dma_start3A_469 = tpu.memref_slice %arg16[%add3A_431, %dma_start3A_468] : memref<128x1xf32, #tpu.memory_space<vmem>> -> memref<1x1xf32, #tpu.memory_space<vmem>>
        %dma_start3A_470 = arith.constant 0 : i32
        %dma_start3A_471 = tpu.memref_slice %arg7[%squeeze3A_463, %dma_start3A_470] : memref<1000000x1xf32, #tpu.memory_space<hbm>> -> memref<1x1xf32, #tpu.memory_space<hbm>>
        tpu.enqueue_dma source(%dma_start3A_471 : memref<1x1xf32, #tpu.memory_space<hbm>>) target(%dma_start3A_469 : memref<1x1xf32, #tpu.memory_space<vmem>>) target_semaphore(%arg23 : memref<!tpu.dma_semaphore, #tpu.memory_space<semaphore_mem>>)
        %slice3A_472 = vector.extract_strided_slice %get3A_274 {offsets = [3], sizes = [1], strides = [1]} : vector<16xi32> to vector<1xi32>
        %squeeze3A_473 = vector.extract %slice3A_472[0] : i32 from vector<1xi32>
        %dma_start3A_474 = arith.constant 0 : i32
        %dma_start3A_475 = tpu.memref_slice %arg17[%add3A_431, %dma_start3A_474] : memref<128x1xf32, #tpu.memory_space<vmem>> -> memref<1x1xf32, #tpu.memory_space<vmem>>
        %dma_start3A_476 = arith.constant 0 : i32
        %dma_start3A_477 = tpu.memref_slice %arg7[%squeeze3A_473, %dma_start3A_476] : memref<1000000x1xf32, #tpu.memory_space<hbm>> -> memref<1x1xf32, #tpu.memory_space<hbm>>
        %dma_start3A_478 = arith.constant 0 : i32
        %dma_start3A_479 = tpu.memref_slice %arg17[%add3A_431, %dma_start3A_478] : memref<128x1xf32, #tpu.memory_space<vmem>> -> memref<1x1xf32, #tpu.memory_space<vmem>>
        %dma_start3A_480 = arith.constant 0 : i32
        %dma_start3A_481 = tpu.memref_slice %arg7[%squeeze3A_473, %dma_start3A_480] : memref<1000000x1xf32, #tpu.memory_space<hbm>> -> memref<1x1xf32, #tpu.memory_space<hbm>>
        tpu.enqueue_dma source(%dma_start3A_481 : memref<1x1xf32, #tpu.memory_space<hbm>>) target(%dma_start3A_479 : memref<1x1xf32, #tpu.memory_space<vmem>>) target_semaphore(%arg23 : memref<!tpu.dma_semaphore, #tpu.memory_space<semaphore_mem>>)
        %add3A_482 = arith.constant 4 : i32
        %add3A_483 = arith.addi %mul3A_276, %add3A_482 : i32
        %slice3A_484 = vector.extract_strided_slice %get3A_268 {offsets = [4], sizes = [1], strides = [1]} : vector<16xi32> to vector<1xi32>
        %squeeze3A_485 = vector.extract %slice3A_484[0] : i32 from vector<1xi32>
        %dma_start3A_486 = arith.constant 0 : i32
        %dma_start3A_487 = tpu.memref_slice %arg13[%add3A_483, %dma_start3A_486] : memref<128x64xf32, #tpu.memory_space<vmem>> -> memref<1x64xf32, #tpu.memory_space<vmem>>
        %dma_start3A_488 = arith.constant 0 : i32
        %dma_start3A_489 = tpu.memref_slice %arg5[%squeeze3A_485, %dma_start3A_488] : memref<1000000x64xf32, #tpu.memory_space<hbm>> -> memref<1x64xf32, #tpu.memory_space<hbm>>
        %dma_start3A_490 = arith.constant 0 : i32
        %dma_start3A_491 = tpu.memref_slice %arg13[%add3A_483, %dma_start3A_490] : memref<128x64xf32, #tpu.memory_space<vmem>> -> memref<1x64xf32, #tpu.memory_space<vmem>>
        %dma_start3A_492 = arith.constant 0 : i32
        %dma_start3A_493 = tpu.memref_slice %arg5[%squeeze3A_485, %dma_start3A_492] : memref<1000000x64xf32, #tpu.memory_space<hbm>> -> memref<1x64xf32, #tpu.memory_space<hbm>>
        tpu.enqueue_dma source(%dma_start3A_493 : memref<1x64xf32, #tpu.memory_space<hbm>>) target(%dma_start3A_491 : memref<1x64xf32, #tpu.memory_space<vmem>>) target_semaphore(%arg20 : memref<!tpu.dma_semaphore, #tpu.memory_space<semaphore_mem>>)
        %slice3A_494 = vector.extract_strided_slice %get3A_271 {offsets = [4], sizes = [1], strides = [1]} : vector<16xi32> to vector<1xi32>
        %squeeze3A_495 = vector.extract %slice3A_494[0] : i32 from vector<1xi32>
        %dma_start3A_496 = arith.constant 0 : i32
        %dma_start3A_497 = tpu.memref_slice %arg14[%add3A_483, %dma_start3A_496] : memref<128x64xf32, #tpu.memory_space<vmem>> -> memref<1x64xf32, #tpu.memory_space<vmem>>
        %dma_start3A_498 = arith.constant 0 : i32
        %dma_start3A_499 = tpu.memref_slice %arg6[%squeeze3A_495, %dma_start3A_498] : memref<1000000x64xf32, #tpu.memory_space<hbm>> -> memref<1x64xf32, #tpu.memory_space<hbm>>
        %dma_start3A_500 = arith.constant 0 : i32
        %dma_start3A_501 = tpu.memref_slice %arg14[%add3A_483, %dma_start3A_500] : memref<128x64xf32, #tpu.memory_space<vmem>> -> memref<1x64xf32, #tpu.memory_space<vmem>>
        %dma_start3A_502 = arith.constant 0 : i32
        %dma_start3A_503 = tpu.memref_slice %arg6[%squeeze3A_495, %dma_start3A_502] : memref<1000000x64xf32, #tpu.memory_space<hbm>> -> memref<1x64xf32, #tpu.memory_space<hbm>>
        tpu.enqueue_dma source(%dma_start3A_503 : memref<1x64xf32, #tpu.memory_space<hbm>>) target(%dma_start3A_501 : memref<1x64xf32, #tpu.memory_space<vmem>>) target_semaphore(%arg20 : memref<!tpu.dma_semaphore, #tpu.memory_space<semaphore_mem>>)
        %slice3A_504 = vector.extract_strided_slice %get3A_274 {offsets = [4], sizes = [1], strides = [1]} : vector<16xi32> to vector<1xi32>
        %squeeze3A_505 = vector.extract %slice3A_504[0] : i32 from vector<1xi32>
        %dma_start3A_506 = arith.constant 0 : i32
        %dma_start3A_507 = tpu.memref_slice %arg15[%add3A_483, %dma_start3A_506] : memref<128x64xf32, #tpu.memory_space<vmem>> -> memref<1x64xf32, #tpu.memory_space<vmem>>
        %dma_start3A_508 = arith.constant 0 : i32
        %dma_start3A_509 = tpu.memref_slice %arg6[%squeeze3A_505, %dma_start3A_508] : memref<1000000x64xf32, #tpu.memory_space<hbm>> -> memref<1x64xf32, #tpu.memory_space<hbm>>
        %dma_start3A_510 = arith.constant 0 : i32
        %dma_start3A_511 = tpu.memref_slice %arg15[%add3A_483, %dma_start3A_510] : memref<128x64xf32, #tpu.memory_space<vmem>> -> memref<1x64xf32, #tpu.memory_space<vmem>>
        %dma_start3A_512 = arith.constant 0 : i32
        %dma_start3A_513 = tpu.memref_slice %arg6[%squeeze3A_505, %dma_start3A_512] : memref<1000000x64xf32, #tpu.memory_space<hbm>> -> memref<1x64xf32, #tpu.memory_space<hbm>>
        tpu.enqueue_dma source(%dma_start3A_513 : memref<1x64xf32, #tpu.memory_space<hbm>>) target(%dma_start3A_511 : memref<1x64xf32, #tpu.memory_space<vmem>>) target_semaphore(%arg20 : memref<!tpu.dma_semaphore, #tpu.memory_space<semaphore_mem>>)
        %slice3A_514 = vector.extract_strided_slice %get3A_271 {offsets = [4], sizes = [1], strides = [1]} : vector<16xi32> to vector<1xi32>
        %squeeze3A_515 = vector.extract %slice3A_514[0] : i32 from vector<1xi32>
        %dma_start3A_516 = arith.constant 0 : i32
        %dma_start3A_517 = tpu.memref_slice %arg16[%add3A_483, %dma_start3A_516] : memref<128x1xf32, #tpu.memory_space<vmem>> -> memref<1x1xf32, #tpu.memory_space<vmem>>
        %dma_start3A_518 = arith.constant 0 : i32
        %dma_start3A_519 = tpu.memref_slice %arg7[%squeeze3A_515, %dma_start3A_518] : memref<1000000x1xf32, #tpu.memory_space<hbm>> -> memref<1x1xf32, #tpu.memory_space<hbm>>
        %dma_start3A_520 = arith.constant 0 : i32
        %dma_start3A_521 = tpu.memref_slice %arg16[%add3A_483, %dma_start3A_520] : memref<128x1xf32, #tpu.memory_space<vmem>> -> memref<1x1xf32, #tpu.memory_space<vmem>>
        %dma_start3A_522 = arith.constant 0 : i32
        %dma_start3A_523 = tpu.memref_slice %arg7[%squeeze3A_515, %dma_start3A_522] : memref<1000000x1xf32, #tpu.memory_space<hbm>> -> memref<1x1xf32, #tpu.memory_space<hbm>>
        tpu.enqueue_dma source(%dma_start3A_523 : memref<1x1xf32, #tpu.memory_space<hbm>>) target(%dma_start3A_521 : memref<1x1xf32, #tpu.memory_space<vmem>>) target_semaphore(%arg20 : memref<!tpu.dma_semaphore, #tpu.memory_space<semaphore_mem>>)
        %slice3A_524 = vector.extract_strided_slice %get3A_274 {offsets = [4], sizes = [1], strides = [1]} : vector<16xi32> to vector<1xi32>
        %squeeze3A_525 = vector.extract %slice3A_524[0] : i32 from vector<1xi32>
        %dma_start3A_526 = arith.constant 0 : i32
        %dma_start3A_527 = tpu.memref_slice %arg17[%add3A_483, %dma_start3A_526] : memref<128x1xf32, #tpu.memory_space<vmem>> -> memref<1x1xf32, #tpu.memory_space<vmem>>
        %dma_start3A_528 = arith.constant 0 : i32
        %dma_start3A_529 = tpu.memref_slice %arg7[%squeeze3A_525, %dma_start3A_528] : memref<1000000x1xf32, #tpu.memory_space<hbm>> -> memref<1x1xf32, #tpu.memory_space<hbm>>
        %dma_start3A_530 = arith.constant 0 : i32
        %dma_start3A_531 = tpu.memref_slice %arg17[%add3A_483, %dma_start3A_530] : memref<128x1xf32, #tpu.memory_space<vmem>> -> memref<1x1xf32, #tpu.memory_space<vmem>>
        %dma_start3A_532 = arith.constant 0 : i32
        %dma_start3A_533 = tpu.memref_slice %arg7[%squeeze3A_525, %dma_start3A_532] : memref<1000000x1xf32, #tpu.memory_space<hbm>> -> memref<1x1xf32, #tpu.memory_space<hbm>>
        tpu.enqueue_dma source(%dma_start3A_533 : memref<1x1xf32, #tpu.memory_space<hbm>>) target(%dma_start3A_531 : memref<1x1xf32, #tpu.memory_space<vmem>>) target_semaphore(%arg20 : memref<!tpu.dma_semaphore, #tpu.memory_space<semaphore_mem>>)
        %add3A_534 = arith.constant 5 : i32
        %add3A_535 = arith.addi %mul3A_276, %add3A_534 : i32
        %slice3A_536 = vector.extract_strided_slice %get3A_268 {offsets = [5], sizes = [1], strides = [1]} : vector<16xi32> to vector<1xi32>
        %squeeze3A_537 = vector.extract %slice3A_536[0] : i32 from vector<1xi32>
        %dma_start3A_538 = arith.constant 0 : i32
        %dma_start3A_539 = tpu.memref_slice %arg13[%add3A_535, %dma_start3A_538] : memref<128x64xf32, #tpu.memory_space<vmem>> -> memref<1x64xf32, #tpu.memory_space<vmem>>
        %dma_start3A_540 = arith.constant 0 : i32
        %dma_start3A_541 = tpu.memref_slice %arg5[%squeeze3A_537, %dma_start3A_540] : memref<1000000x64xf32, #tpu.memory_space<hbm>> -> memref<1x64xf32, #tpu.memory_space<hbm>>
        %dma_start3A_542 = arith.constant 0 : i32
        %dma_start3A_543 = tpu.memref_slice %arg13[%add3A_535, %dma_start3A_542] : memref<128x64xf32, #tpu.memory_space<vmem>> -> memref<1x64xf32, #tpu.memory_space<vmem>>
        %dma_start3A_544 = arith.constant 0 : i32
        %dma_start3A_545 = tpu.memref_slice %arg5[%squeeze3A_537, %dma_start3A_544] : memref<1000000x64xf32, #tpu.memory_space<hbm>> -> memref<1x64xf32, #tpu.memory_space<hbm>>
        tpu.enqueue_dma source(%dma_start3A_545 : memref<1x64xf32, #tpu.memory_space<hbm>>) target(%dma_start3A_543 : memref<1x64xf32, #tpu.memory_space<vmem>>) target_semaphore(%arg21 : memref<!tpu.dma_semaphore, #tpu.memory_space<semaphore_mem>>)
        %slice3A_546 = vector.extract_strided_slice %get3A_271 {offsets = [5], sizes = [1], strides = [1]} : vector<16xi32> to vector<1xi32>
        %squeeze3A_547 = vector.extract %slice3A_546[0] : i32 from vector<1xi32>
        %dma_start3A_548 = arith.constant 0 : i32
        %dma_start3A_549 = tpu.memref_slice %arg14[%add3A_535, %dma_start3A_548] : memref<128x64xf32, #tpu.memory_space<vmem>> -> memref<1x64xf32, #tpu.memory_space<vmem>>
        %dma_start3A_550 = arith.constant 0 : i32
        %dma_start3A_551 = tpu.memref_slice %arg6[%squeeze3A_547, %dma_start3A_550] : memref<1000000x64xf32, #tpu.memory_space<hbm>> -> memref<1x64xf32, #tpu.memory_space<hbm>>
        %dma_start3A_552 = arith.constant 0 : i32
        %dma_start3A_553 = tpu.memref_slice %arg14[%add3A_535, %dma_start3A_552] : memref<128x64xf32, #tpu.memory_space<vmem>> -> memref<1x64xf32, #tpu.memory_space<vmem>>
        %dma_start3A_554 = arith.constant 0 : i32
        %dma_start3A_555 = tpu.memref_slice %arg6[%squeeze3A_547, %dma_start3A_554] : memref<1000000x64xf32, #tpu.memory_space<hbm>> -> memref<1x64xf32, #tpu.memory_space<hbm>>
        tpu.enqueue_dma source(%dma_start3A_555 : memref<1x64xf32, #tpu.memory_space<hbm>>) target(%dma_start3A_553 : memref<1x64xf32, #tpu.memory_space<vmem>>) target_semaphore(%arg21 : memref<!tpu.dma_semaphore, #tpu.memory_space<semaphore_mem>>)
        %slice3A_556 = vector.extract_strided_slice %get3A_274 {offsets = [5], sizes = [1], strides = [1]} : vector<16xi32> to vector<1xi32>
        %squeeze3A_557 = vector.extract %slice3A_556[0] : i32 from vector<1xi32>
        %dma_start3A_558 = arith.constant 0 : i32
        %dma_start3A_559 = tpu.memref_slice %arg15[%add3A_535, %dma_start3A_558] : memref<128x64xf32, #tpu.memory_space<vmem>> -> memref<1x64xf32, #tpu.memory_space<vmem>>
        %dma_start3A_560 = arith.constant 0 : i32
        %dma_start3A_561 = tpu.memref_slice %arg6[%squeeze3A_557, %dma_start3A_560] : memref<1000000x64xf32, #tpu.memory_space<hbm>> -> memref<1x64xf32, #tpu.memory_space<hbm>>
        %dma_start3A_562 = arith.constant 0 : i32
        %dma_start3A_563 = tpu.memref_slice %arg15[%add3A_535, %dma_start3A_562] : memref<128x64xf32, #tpu.memory_space<vmem>> -> memref<1x64xf32, #tpu.memory_space<vmem>>
        %dma_start3A_564 = arith.constant 0 : i32
        %dma_start3A_565 = tpu.memref_slice %arg6[%squeeze3A_557, %dma_start3A_564] : memref<1000000x64xf32, #tpu.memory_space<hbm>> -> memref<1x64xf32, #tpu.memory_space<hbm>>
        tpu.enqueue_dma source(%dma_start3A_565 : memref<1x64xf32, #tpu.memory_space<hbm>>) target(%dma_start3A_563 : memref<1x64xf32, #tpu.memory_space<vmem>>) target_semaphore(%arg21 : memref<!tpu.dma_semaphore, #tpu.memory_space<semaphore_mem>>)
        %slice3A_566 = vector.extract_strided_slice %get3A_271 {offsets = [5], sizes = [1], strides = [1]} : vector<16xi32> to vector<1xi32>
        %squeeze3A_567 = vector.extract %slice3A_566[0] : i32 from vector<1xi32>
        %dma_start3A_568 = arith.constant 0 : i32
        %dma_start3A_569 = tpu.memref_slice %arg16[%add3A_535, %dma_start3A_568] : memref<128x1xf32, #tpu.memory_space<vmem>> -> memref<1x1xf32, #tpu.memory_space<vmem>>
        %dma_start3A_570 = arith.constant 0 : i32
        %dma_start3A_571 = tpu.memref_slice %arg7[%squeeze3A_567, %dma_start3A_570] : memref<1000000x1xf32, #tpu.memory_space<hbm>> -> memref<1x1xf32, #tpu.memory_space<hbm>>
        %dma_start3A_572 = arith.constant 0 : i32
        %dma_start3A_573 = tpu.memref_slice %arg16[%add3A_535, %dma_start3A_572] : memref<128x1xf32, #tpu.memory_space<vmem>> -> memref<1x1xf32, #tpu.memory_space<vmem>>
        %dma_start3A_574 = arith.constant 0 : i32
        %dma_start3A_575 = tpu.memref_slice %arg7[%squeeze3A_567, %dma_start3A_574] : memref<1000000x1xf32, #tpu.memory_space<hbm>> -> memref<1x1xf32, #tpu.memory_space<hbm>>
        tpu.enqueue_dma source(%dma_start3A_575 : memref<1x1xf32, #tpu.memory_space<hbm>>) target(%dma_start3A_573 : memref<1x1xf32, #tpu.memory_space<vmem>>) target_semaphore(%arg21 : memref<!tpu.dma_semaphore, #tpu.memory_space<semaphore_mem>>)
        %slice3A_576 = vector.extract_strided_slice %get3A_274 {offsets = [5], sizes = [1], strides = [1]} : vector<16xi32> to vector<1xi32>
        %squeeze3A_577 = vector.extract %slice3A_576[0] : i32 from vector<1xi32>
        %dma_start3A_578 = arith.constant 0 : i32
        %dma_start3A_579 = tpu.memref_slice %arg17[%add3A_535, %dma_start3A_578] : memref<128x1xf32, #tpu.memory_space<vmem>> -> memref<1x1xf32, #tpu.memory_space<vmem>>
        %dma_start3A_580 = arith.constant 0 : i32
        %dma_start3A_581 = tpu.memref_slice %arg7[%squeeze3A_577, %dma_start3A_580] : memref<1000000x1xf32, #tpu.memory_space<hbm>> -> memref<1x1xf32, #tpu.memory_space<hbm>>
        %dma_start3A_582 = arith.constant 0 : i32
        %dma_start3A_583 = tpu.memref_slice %arg17[%add3A_535, %dma_start3A_582] : memref<128x1xf32, #tpu.memory_space<vmem>> -> memref<1x1xf32, #tpu.memory_space<vmem>>
        %dma_start3A_584 = arith.constant 0 : i32
        %dma_start3A_585 = tpu.memref_slice %arg7[%squeeze3A_577, %dma_start3A_584] : memref<1000000x1xf32, #tpu.memory_space<hbm>> -> memref<1x1xf32, #tpu.memory_space<hbm>>
        tpu.enqueue_dma source(%dma_start3A_585 : memref<1x1xf32, #tpu.memory_space<hbm>>) target(%dma_start3A_583 : memref<1x1xf32, #tpu.memory_space<vmem>>) target_semaphore(%arg21 : memref<!tpu.dma_semaphore, #tpu.memory_space<semaphore_mem>>)
        %add3A_586 = arith.constant 6 : i32
        %add3A_587 = arith.addi %mul3A_276, %add3A_586 : i32
        %slice3A_588 = vector.extract_strided_slice %get3A_268 {offsets = [6], sizes = [1], strides = [1]} : vector<16xi32> to vector<1xi32>
        %squeeze3A_589 = vector.extract %slice3A_588[0] : i32 from vector<1xi32>
        %dma_start3A_590 = arith.constant 0 : i32
        %dma_start3A_591 = tpu.memref_slice %arg13[%add3A_587, %dma_start3A_590] : memref<128x64xf32, #tpu.memory_space<vmem>> -> memref<1x64xf32, #tpu.memory_space<vmem>>
        %dma_start3A_592 = arith.constant 0 : i32
        %dma_start3A_593 = tpu.memref_slice %arg5[%squeeze3A_589, %dma_start3A_592] : memref<1000000x64xf32, #tpu.memory_space<hbm>> -> memref<1x64xf32, #tpu.memory_space<hbm>>
        %dma_start3A_594 = arith.constant 0 : i32
        %dma_start3A_595 = tpu.memref_slice %arg13[%add3A_587, %dma_start3A_594] : memref<128x64xf32, #tpu.memory_space<vmem>> -> memref<1x64xf32, #tpu.memory_space<vmem>>
        %dma_start3A_596 = arith.constant 0 : i32
        %dma_start3A_597 = tpu.memref_slice %arg5[%squeeze3A_589, %dma_start3A_596] : memref<1000000x64xf32, #tpu.memory_space<hbm>> -> memref<1x64xf32, #tpu.memory_space<hbm>>
        tpu.enqueue_dma source(%dma_start3A_597 : memref<1x64xf32, #tpu.memory_space<hbm>>) target(%dma_start3A_595 : memref<1x64xf32, #tpu.memory_space<vmem>>) target_semaphore(%arg22 : memref<!tpu.dma_semaphore, #tpu.memory_space<semaphore_mem>>)
        %slice3A_598 = vector.extract_strided_slice %get3A_271 {offsets = [6], sizes = [1], strides = [1]} : vector<16xi32> to vector<1xi32>
        %squeeze3A_599 = vector.extract %slice3A_598[0] : i32 from vector<1xi32>
        %dma_start3A_600 = arith.constant 0 : i32
        %dma_start3A_601 = tpu.memref_slice %arg14[%add3A_587, %dma_start3A_600] : memref<128x64xf32, #tpu.memory_space<vmem>> -> memref<1x64xf32, #tpu.memory_space<vmem>>
        %dma_start3A_602 = arith.constant 0 : i32
        %dma_start3A_603 = tpu.memref_slice %arg6[%squeeze3A_599, %dma_start3A_602] : memref<1000000x64xf32, #tpu.memory_space<hbm>> -> memref<1x64xf32, #tpu.memory_space<hbm>>
        %dma_start3A_604 = arith.constant 0 : i32
        %dma_start3A_605 = tpu.memref_slice %arg14[%add3A_587, %dma_start3A_604] : memref<128x64xf32, #tpu.memory_space<vmem>> -> memref<1x64xf32, #tpu.memory_space<vmem>>
        %dma_start3A_606 = arith.constant 0 : i32
        %dma_start3A_607 = tpu.memref_slice %arg6[%squeeze3A_599, %dma_start3A_606] : memref<1000000x64xf32, #tpu.memory_space<hbm>> -> memref<1x64xf32, #tpu.memory_space<hbm>>
        tpu.enqueue_dma source(%dma_start3A_607 : memref<1x64xf32, #tpu.memory_space<hbm>>) target(%dma_start3A_605 : memref<1x64xf32, #tpu.memory_space<vmem>>) target_semaphore(%arg22 : memref<!tpu.dma_semaphore, #tpu.memory_space<semaphore_mem>>)
        %slice3A_608 = vector.extract_strided_slice %get3A_274 {offsets = [6], sizes = [1], strides = [1]} : vector<16xi32> to vector<1xi32>
        %squeeze3A_609 = vector.extract %slice3A_608[0] : i32 from vector<1xi32>
        %dma_start3A_610 = arith.constant 0 : i32
        %dma_start3A_611 = tpu.memref_slice %arg15[%add3A_587, %dma_start3A_610] : memref<128x64xf32, #tpu.memory_space<vmem>> -> memref<1x64xf32, #tpu.memory_space<vmem>>
        %dma_start3A_612 = arith.constant 0 : i32
        %dma_start3A_613 = tpu.memref_slice %arg6[%squeeze3A_609, %dma_start3A_612] : memref<1000000x64xf32, #tpu.memory_space<hbm>> -> memref<1x64xf32, #tpu.memory_space<hbm>>
        %dma_start3A_614 = arith.constant 0 : i32
        %dma_start3A_615 = tpu.memref_slice %arg15[%add3A_587, %dma_start3A_614] : memref<128x64xf32, #tpu.memory_space<vmem>> -> memref<1x64xf32, #tpu.memory_space<vmem>>
        %dma_start3A_616 = arith.constant 0 : i32
        %dma_start3A_617 = tpu.memref_slice %arg6[%squeeze3A_609, %dma_start3A_616] : memref<1000000x64xf32, #tpu.memory_space<hbm>> -> memref<1x64xf32, #tpu.memory_space<hbm>>
        tpu.enqueue_dma source(%dma_start3A_617 : memref<1x64xf32, #tpu.memory_space<hbm>>) target(%dma_start3A_615 : memref<1x64xf32, #tpu.memory_space<vmem>>) target_semaphore(%arg22 : memref<!tpu.dma_semaphore, #tpu.memory_space<semaphore_mem>>)
        %slice3A_618 = vector.extract_strided_slice %get3A_271 {offsets = [6], sizes = [1], strides = [1]} : vector<16xi32> to vector<1xi32>
        %squeeze3A_619 = vector.extract %slice3A_618[0] : i32 from vector<1xi32>
        %dma_start3A_620 = arith.constant 0 : i32
        %dma_start3A_621 = tpu.memref_slice %arg16[%add3A_587, %dma_start3A_620] : memref<128x1xf32, #tpu.memory_space<vmem>> -> memref<1x1xf32, #tpu.memory_space<vmem>>
        %dma_start3A_622 = arith.constant 0 : i32
        %dma_start3A_623 = tpu.memref_slice %arg7[%squeeze3A_619, %dma_start3A_622] : memref<1000000x1xf32, #tpu.memory_space<hbm>> -> memref<1x1xf32, #tpu.memory_space<hbm>>
        %dma_start3A_624 = arith.constant 0 : i32
        %dma_start3A_625 = tpu.memref_slice %arg16[%add3A_587, %dma_start3A_624] : memref<128x1xf32, #tpu.memory_space<vmem>> -> memref<1x1xf32, #tpu.memory_space<vmem>>
        %dma_start3A_626 = arith.constant 0 : i32
        %dma_start3A_627 = tpu.memref_slice %arg7[%squeeze3A_619, %dma_start3A_626] : memref<1000000x1xf32, #tpu.memory_space<hbm>> -> memref<1x1xf32, #tpu.memory_space<hbm>>
        tpu.enqueue_dma source(%dma_start3A_627 : memref<1x1xf32, #tpu.memory_space<hbm>>) target(%dma_start3A_625 : memref<1x1xf32, #tpu.memory_space<vmem>>) target_semaphore(%arg22 : memref<!tpu.dma_semaphore, #tpu.memory_space<semaphore_mem>>)
        %slice3A_628 = vector.extract_strided_slice %get3A_274 {offsets = [6], sizes = [1], strides = [1]} : vector<16xi32> to vector<1xi32>
        %squeeze3A_629 = vector.extract %slice3A_628[0] : i32 from vector<1xi32>
        %dma_start3A_630 = arith.constant 0 : i32
        %dma_start3A_631 = tpu.memref_slice %arg17[%add3A_587, %dma_start3A_630] : memref<128x1xf32, #tpu.memory_space<vmem>> -> memref<1x1xf32, #tpu.memory_space<vmem>>
        %dma_start3A_632 = arith.constant 0 : i32
        %dma_start3A_633 = tpu.memref_slice %arg7[%squeeze3A_629, %dma_start3A_632] : memref<1000000x1xf32, #tpu.memory_space<hbm>> -> memref<1x1xf32, #tpu.memory_space<hbm>>
        %dma_start3A_634 = arith.constant 0 : i32
        %dma_start3A_635 = tpu.memref_slice %arg17[%add3A_587, %dma_start3A_634] : memref<128x1xf32, #tpu.memory_space<vmem>> -> memref<1x1xf32, #tpu.memory_space<vmem>>
        %dma_start3A_636 = arith.constant 0 : i32
        %dma_start3A_637 = tpu.memref_slice %arg7[%squeeze3A_629, %dma_start3A_636] : memref<1000000x1xf32, #tpu.memory_space<hbm>> -> memref<1x1xf32, #tpu.memory_space<hbm>>
        tpu.enqueue_dma source(%dma_start3A_637 : memref<1x1xf32, #tpu.memory_space<hbm>>) target(%dma_start3A_635 : memref<1x1xf32, #tpu.memory_space<vmem>>) target_semaphore(%arg22 : memref<!tpu.dma_semaphore, #tpu.memory_space<semaphore_mem>>)
        %add3A_638 = arith.constant 7 : i32
        %add3A_639 = arith.addi %mul3A_276, %add3A_638 : i32
        %slice3A_640 = vector.extract_strided_slice %get3A_268 {offsets = [7], sizes = [1], strides = [1]} : vector<16xi32> to vector<1xi32>
        %squeeze3A_641 = vector.extract %slice3A_640[0] : i32 from vector<1xi32>
        %dma_start3A_642 = arith.constant 0 : i32
        %dma_start3A_643 = tpu.memref_slice %arg13[%add3A_639, %dma_start3A_642] : memref<128x64xf32, #tpu.memory_space<vmem>> -> memref<1x64xf32, #tpu.memory_space<vmem>>
        %dma_start3A_644 = arith.constant 0 : i32
        %dma_start3A_645 = tpu.memref_slice %arg5[%squeeze3A_641, %dma_start3A_644] : memref<1000000x64xf32, #tpu.memory_space<hbm>> -> memref<1x64xf32, #tpu.memory_space<hbm>>
        %dma_start3A_646 = arith.constant 0 : i32
        %dma_start3A_647 = tpu.memref_slice %arg13[%add3A_639, %dma_start3A_646] : memref<128x64xf32, #tpu.memory_space<vmem>> -> memref<1x64xf32, #tpu.memory_space<vmem>>
        %dma_start3A_648 = arith.constant 0 : i32
        %dma_start3A_649 = tpu.memref_slice %arg5[%squeeze3A_641, %dma_start3A_648] : memref<1000000x64xf32, #tpu.memory_space<hbm>> -> memref<1x64xf32, #tpu.memory_space<hbm>>
        tpu.enqueue_dma source(%dma_start3A_649 : memref<1x64xf32, #tpu.memory_space<hbm>>) target(%dma_start3A_647 : memref<1x64xf32, #tpu.memory_space<vmem>>) target_semaphore(%arg23 : memref<!tpu.dma_semaphore, #tpu.memory_space<semaphore_mem>>)
        %slice3A_650 = vector.extract_strided_slice %get3A_271 {offsets = [7], sizes = [1], strides = [1]} : vector<16xi32> to vector<1xi32>
        %squeeze3A_651 = vector.extract %slice3A_650[0] : i32 from vector<1xi32>
        %dma_start3A_652 = arith.constant 0 : i32
        %dma_start3A_653 = tpu.memref_slice %arg14[%add3A_639, %dma_start3A_652] : memref<128x64xf32, #tpu.memory_space<vmem>> -> memref<1x64xf32, #tpu.memory_space<vmem>>
        %dma_start3A_654 = arith.constant 0 : i32
        %dma_start3A_655 = tpu.memref_slice %arg6[%squeeze3A_651, %dma_start3A_654] : memref<1000000x64xf32, #tpu.memory_space<hbm>> -> memref<1x64xf32, #tpu.memory_space<hbm>>
        %dma_start3A_656 = arith.constant 0 : i32
        %dma_start3A_657 = tpu.memref_slice %arg14[%add3A_639, %dma_start3A_656] : memref<128x64xf32, #tpu.memory_space<vmem>> -> memref<1x64xf32, #tpu.memory_space<vmem>>
        %dma_start3A_658 = arith.constant 0 : i32
        %dma_start3A_659 = tpu.memref_slice %arg6[%squeeze3A_651, %dma_start3A_658] : memref<1000000x64xf32, #tpu.memory_space<hbm>> -> memref<1x64xf32, #tpu.memory_space<hbm>>
        tpu.enqueue_dma source(%dma_start3A_659 : memref<1x64xf32, #tpu.memory_space<hbm>>) target(%dma_start3A_657 : memref<1x64xf32, #tpu.memory_space<vmem>>) target_semaphore(%arg23 : memref<!tpu.dma_semaphore, #tpu.memory_space<semaphore_mem>>)
        %slice3A_660 = vector.extract_strided_slice %get3A_274 {offsets = [7], sizes = [1], strides = [1]} : vector<16xi32> to vector<1xi32>
        %squeeze3A_661 = vector.extract %slice3A_660[0] : i32 from vector<1xi32>
        %dma_start3A_662 = arith.constant 0 : i32
        %dma_start3A_663 = tpu.memref_slice %arg15[%add3A_639, %dma_start3A_662] : memref<128x64xf32, #tpu.memory_space<vmem>> -> memref<1x64xf32, #tpu.memory_space<vmem>>
        %dma_start3A_664 = arith.constant 0 : i32
        %dma_start3A_665 = tpu.memref_slice %arg6[%squeeze3A_661, %dma_start3A_664] : memref<1000000x64xf32, #tpu.memory_space<hbm>> -> memref<1x64xf32, #tpu.memory_space<hbm>>
        %dma_start3A_666 = arith.constant 0 : i32
        %dma_start3A_667 = tpu.memref_slice %arg15[%add3A_639, %dma_start3A_666] : memref<128x64xf32, #tpu.memory_space<vmem>> -> memref<1x64xf32, #tpu.memory_space<vmem>>
        %dma_start3A_668 = arith.constant 0 : i32
        %dma_start3A_669 = tpu.memref_slice %arg6[%squeeze3A_661, %dma_start3A_668] : memref<1000000x64xf32, #tpu.memory_space<hbm>> -> memref<1x64xf32, #tpu.memory_space<hbm>>
        tpu.enqueue_dma source(%dma_start3A_669 : memref<1x64xf32, #tpu.memory_space<hbm>>) target(%dma_start3A_667 : memref<1x64xf32, #tpu.memory_space<vmem>>) target_semaphore(%arg23 : memref<!tpu.dma_semaphore, #tpu.memory_space<semaphore_mem>>)
        %slice3A_670 = vector.extract_strided_slice %get3A_271 {offsets = [7], sizes = [1], strides = [1]} : vector<16xi32> to vector<1xi32>
        %squeeze3A_671 = vector.extract %slice3A_670[0] : i32 from vector<1xi32>
        %dma_start3A_672 = arith.constant 0 : i32
        %dma_start3A_673 = tpu.memref_slice %arg16[%add3A_639, %dma_start3A_672] : memref<128x1xf32, #tpu.memory_space<vmem>> -> memref<1x1xf32, #tpu.memory_space<vmem>>
        %dma_start3A_674 = arith.constant 0 : i32
        %dma_start3A_675 = tpu.memref_slice %arg7[%squeeze3A_671, %dma_start3A_674] : memref<1000000x1xf32, #tpu.memory_space<hbm>> -> memref<1x1xf32, #tpu.memory_space<hbm>>
        %dma_start3A_676 = arith.constant 0 : i32
        %dma_start3A_677 = tpu.memref_slice %arg16[%add3A_639, %dma_start3A_676] : memref<128x1xf32, #tpu.memory_space<vmem>> -> memref<1x1xf32, #tpu.memory_space<vmem>>
        %dma_start3A_678 = arith.constant 0 : i32
        %dma_start3A_679 = tpu.memref_slice %arg7[%squeeze3A_671, %dma_start3A_678] : memref<1000000x1xf32, #tpu.memory_space<hbm>> -> memref<1x1xf32, #tpu.memory_space<hbm>>
        tpu.enqueue_dma source(%dma_start3A_679 : memref<1x1xf32, #tpu.memory_space<hbm>>) target(%dma_start3A_677 : memref<1x1xf32, #tpu.memory_space<vmem>>) target_semaphore(%arg23 : memref<!tpu.dma_semaphore, #tpu.memory_space<semaphore_mem>>)
        %slice3A_680 = vector.extract_strided_slice %get3A_274 {offsets = [7], sizes = [1], strides = [1]} : vector<16xi32> to vector<1xi32>
        %squeeze3A_681 = vector.extract %slice3A_680[0] : i32 from vector<1xi32>
        %dma_start3A_682 = arith.constant 0 : i32
        %dma_start3A_683 = tpu.memref_slice %arg17[%add3A_639, %dma_start3A_682] : memref<128x1xf32, #tpu.memory_space<vmem>> -> memref<1x1xf32, #tpu.memory_space<vmem>>
        %dma_start3A_684 = arith.constant 0 : i32
        %dma_start3A_685 = tpu.memref_slice %arg7[%squeeze3A_681, %dma_start3A_684] : memref<1000000x1xf32, #tpu.memory_space<hbm>> -> memref<1x1xf32, #tpu.memory_space<hbm>>
        %dma_start3A_686 = arith.constant 0 : i32
        %dma_start3A_687 = tpu.memref_slice %arg17[%add3A_639, %dma_start3A_686] : memref<128x1xf32, #tpu.memory_space<vmem>> -> memref<1x1xf32, #tpu.memory_space<vmem>>
        %dma_start3A_688 = arith.constant 0 : i32
        %dma_start3A_689 = tpu.memref_slice %arg7[%squeeze3A_681, %dma_start3A_688] : memref<1000000x1xf32, #tpu.memory_space<hbm>> -> memref<1x1xf32, #tpu.memory_space<hbm>>
        tpu.enqueue_dma source(%dma_start3A_689 : memref<1x1xf32, #tpu.memory_space<hbm>>) target(%dma_start3A_687 : memref<1x1xf32, #tpu.memory_space<vmem>>) target_semaphore(%arg23 : memref<!tpu.dma_semaphore, #tpu.memory_space<semaphore_mem>>)
        %add3A_690 = arith.constant 8 : i32
        %add3A_691 = arith.addi %mul3A_276, %add3A_690 : i32
        %slice3A_692 = vector.extract_strided_slice %get3A_268 {offsets = [8], sizes = [1], strides = [1]} : vector<16xi32> to vector<1xi32>
        %squeeze3A_693 = vector.extract %slice3A_692[0] : i32 from vector<1xi32>
        %dma_start3A_694 = arith.constant 0 : i32
        %dma_start3A_695 = tpu.memref_slice %arg13[%add3A_691, %dma_start3A_694] : memref<128x64xf32, #tpu.memory_space<vmem>> -> memref<1x64xf32, #tpu.memory_space<vmem>>
        %dma_start3A_696 = arith.constant 0 : i32
        %dma_start3A_697 = tpu.memref_slice %arg5[%squeeze3A_693, %dma_start3A_696] : memref<1000000x64xf32, #tpu.memory_space<hbm>> -> memref<1x64xf32, #tpu.memory_space<hbm>>
        %dma_start3A_698 = arith.constant 0 : i32
        %dma_start3A_699 = tpu.memref_slice %arg13[%add3A_691, %dma_start3A_698] : memref<128x64xf32, #tpu.memory_space<vmem>> -> memref<1x64xf32, #tpu.memory_space<vmem>>
        %dma_start3A_700 = arith.constant 0 : i32
        %dma_start3A_701 = tpu.memref_slice %arg5[%squeeze3A_693, %dma_start3A_700] : memref<1000000x64xf32, #tpu.memory_space<hbm>> -> memref<1x64xf32, #tpu.memory_space<hbm>>
        tpu.enqueue_dma source(%dma_start3A_701 : memref<1x64xf32, #tpu.memory_space<hbm>>) target(%dma_start3A_699 : memref<1x64xf32, #tpu.memory_space<vmem>>) target_semaphore(%arg20 : memref<!tpu.dma_semaphore, #tpu.memory_space<semaphore_mem>>)
        %slice3A_702 = vector.extract_strided_slice %get3A_271 {offsets = [8], sizes = [1], strides = [1]} : vector<16xi32> to vector<1xi32>
        %squeeze3A_703 = vector.extract %slice3A_702[0] : i32 from vector<1xi32>
        %dma_start3A_704 = arith.constant 0 : i32
        %dma_start3A_705 = tpu.memref_slice %arg14[%add3A_691, %dma_start3A_704] : memref<128x64xf32, #tpu.memory_space<vmem>> -> memref<1x64xf32, #tpu.memory_space<vmem>>
        %dma_start3A_706 = arith.constant 0 : i32
        %dma_start3A_707 = tpu.memref_slice %arg6[%squeeze3A_703, %dma_start3A_706] : memref<1000000x64xf32, #tpu.memory_space<hbm>> -> memref<1x64xf32, #tpu.memory_space<hbm>>
        %dma_start3A_708 = arith.constant 0 : i32
        %dma_start3A_709 = tpu.memref_slice %arg14[%add3A_691, %dma_start3A_708] : memref<128x64xf32, #tpu.memory_space<vmem>> -> memref<1x64xf32, #tpu.memory_space<vmem>>
        %dma_start3A_710 = arith.constant 0 : i32
        %dma_start3A_711 = tpu.memref_slice %arg6[%squeeze3A_703, %dma_start3A_710] : memref<1000000x64xf32, #tpu.memory_space<hbm>> -> memref<1x64xf32, #tpu.memory_space<hbm>>
        tpu.enqueue_dma source(%dma_start3A_711 : memref<1x64xf32, #tpu.memory_space<hbm>>) target(%dma_start3A_709 : memref<1x64xf32, #tpu.memory_space<vmem>>) target_semaphore(%arg20 : memref<!tpu.dma_semaphore, #tpu.memory_space<semaphore_mem>>)
        %slice3A_712 = vector.extract_strided_slice %get3A_274 {offsets = [8], sizes = [1], strides = [1]} : vector<16xi32> to vector<1xi32>
        %squeeze3A_713 = vector.extract %slice3A_712[0] : i32 from vector<1xi32>
        %dma_start3A_714 = arith.constant 0 : i32
        %dma_start3A_715 = tpu.memref_slice %arg15[%add3A_691, %dma_start3A_714] : memref<128x64xf32, #tpu.memory_space<vmem>> -> memref<1x64xf32, #tpu.memory_space<vmem>>
        %dma_start3A_716 = arith.constant 0 : i32
        %dma_start3A_717 = tpu.memref_slice %arg6[%squeeze3A_713, %dma_start3A_716] : memref<1000000x64xf32, #tpu.memory_space<hbm>> -> memref<1x64xf32, #tpu.memory_space<hbm>>
        %dma_start3A_718 = arith.constant 0 : i32
        %dma_start3A_719 = tpu.memref_slice %arg15[%add3A_691, %dma_start3A_718] : memref<128x64xf32, #tpu.memory_space<vmem>> -> memref<1x64xf32, #tpu.memory_space<vmem>>
        %dma_start3A_720 = arith.constant 0 : i32
        %dma_start3A_721 = tpu.memref_slice %arg6[%squeeze3A_713, %dma_start3A_720] : memref<1000000x64xf32, #tpu.memory_space<hbm>> -> memref<1x64xf32, #tpu.memory_space<hbm>>
        tpu.enqueue_dma source(%dma_start3A_721 : memref<1x64xf32, #tpu.memory_space<hbm>>) target(%dma_start3A_719 : memref<1x64xf32, #tpu.memory_space<vmem>>) target_semaphore(%arg20 : memref<!tpu.dma_semaphore, #tpu.memory_space<semaphore_mem>>)
        %slice3A_722 = vector.extract_strided_slice %get3A_271 {offsets = [8], sizes = [1], strides = [1]} : vector<16xi32> to vector<1xi32>
        %squeeze3A_723 = vector.extract %slice3A_722[0] : i32 from vector<1xi32>
        %dma_start3A_724 = arith.constant 0 : i32
        %dma_start3A_725 = tpu.memref_slice %arg16[%add3A_691, %dma_start3A_724] : memref<128x1xf32, #tpu.memory_space<vmem>> -> memref<1x1xf32, #tpu.memory_space<vmem>>
        %dma_start3A_726 = arith.constant 0 : i32
        %dma_start3A_727 = tpu.memref_slice %arg7[%squeeze3A_723, %dma_start3A_726] : memref<1000000x1xf32, #tpu.memory_space<hbm>> -> memref<1x1xf32, #tpu.memory_space<hbm>>
        %dma_start3A_728 = arith.constant 0 : i32
        %dma_start3A_729 = tpu.memref_slice %arg16[%add3A_691, %dma_start3A_728] : memref<128x1xf32, #tpu.memory_space<vmem>> -> memref<1x1xf32, #tpu.memory_space<vmem>>
        %dma_start3A_730 = arith.constant 0 : i32
        %dma_start3A_731 = tpu.memref_slice %arg7[%squeeze3A_723, %dma_start3A_730] : memref<1000000x1xf32, #tpu.memory_space<hbm>> -> memref<1x1xf32, #tpu.memory_space<hbm>>
        tpu.enqueue_dma source(%dma_start3A_731 : memref<1x1xf32, #tpu.memory_space<hbm>>) target(%dma_start3A_729 : memref<1x1xf32, #tpu.memory_space<vmem>>) target_semaphore(%arg20 : memref<!tpu.dma_semaphore, #tpu.memory_space<semaphore_mem>>)
        %slice3A_732 = vector.extract_strided_slice %get3A_274 {offsets = [8], sizes = [1], strides = [1]} : vector<16xi32> to vector<1xi32>
        %squeeze3A_733 = vector.extract %slice3A_732[0] : i32 from vector<1xi32>
        %dma_start3A_734 = arith.constant 0 : i32
        %dma_start3A_735 = tpu.memref_slice %arg17[%add3A_691, %dma_start3A_734] : memref<128x1xf32, #tpu.memory_space<vmem>> -> memref<1x1xf32, #tpu.memory_space<vmem>>
        %dma_start3A_736 = arith.constant 0 : i32
        %dma_start3A_737 = tpu.memref_slice %arg7[%squeeze3A_733, %dma_start3A_736] : memref<1000000x1xf32, #tpu.memory_space<hbm>> -> memref<1x1xf32, #tpu.memory_space<hbm>>
        %dma_start3A_738 = arith.constant 0 : i32
        %dma_start3A_739 = tpu.memref_slice %arg17[%add3A_691, %dma_start3A_738] : memref<128x1xf32, #tpu.memory_space<vmem>> -> memref<1x1xf32, #tpu.memory_space<vmem>>
        %dma_start3A_740 = arith.constant 0 : i32
        %dma_start3A_741 = tpu.memref_slice %arg7[%squeeze3A_733, %dma_start3A_740] : memref<1000000x1xf32, #tpu.memory_space<hbm>> -> memref<1x1xf32, #tpu.memory_space<hbm>>
        tpu.enqueue_dma source(%dma_start3A_741 : memref<1x1xf32, #tpu.memory_space<hbm>>) target(%dma_start3A_739 : memref<1x1xf32, #tpu.memory_space<vmem>>) target_semaphore(%arg20 : memref<!tpu.dma_semaphore, #tpu.memory_space<semaphore_mem>>)
        %add3A_742 = arith.constant 9 : i32
        %add3A_743 = arith.addi %mul3A_276, %add3A_742 : i32
        %slice3A_744 = vector.extract_strided_slice %get3A_268 {offsets = [9], sizes = [1], strides = [1]} : vector<16xi32> to vector<1xi32>
        %squeeze3A_745 = vector.extract %slice3A_744[0] : i32 from vector<1xi32>
        %dma_start3A_746 = arith.constant 0 : i32
        %dma_start3A_747 = tpu.memref_slice %arg13[%add3A_743, %dma_start3A_746] : memref<128x64xf32, #tpu.memory_space<vmem>> -> memref<1x64xf32, #tpu.memory_space<vmem>>
        %dma_start3A_748 = arith.constant 0 : i32
        %dma_start3A_749 = tpu.memref_slice %arg5[%squeeze3A_745, %dma_start3A_748] : memref<1000000x64xf32, #tpu.memory_space<hbm>> -> memref<1x64xf32, #tpu.memory_space<hbm>>
        %dma_start3A_750 = arith.constant 0 : i32
        %dma_start3A_751 = tpu.memref_slice %arg13[%add3A_743, %dma_start3A_750] : memref<128x64xf32, #tpu.memory_space<vmem>> -> memref<1x64xf32, #tpu.memory_space<vmem>>
        %dma_start3A_752 = arith.constant 0 : i32
        %dma_start3A_753 = tpu.memref_slice %arg5[%squeeze3A_745, %dma_start3A_752] : memref<1000000x64xf32, #tpu.memory_space<hbm>> -> memref<1x64xf32, #tpu.memory_space<hbm>>
        tpu.enqueue_dma source(%dma_start3A_753 : memref<1x64xf32, #tpu.memory_space<hbm>>) target(%dma_start3A_751 : memref<1x64xf32, #tpu.memory_space<vmem>>) target_semaphore(%arg21 : memref<!tpu.dma_semaphore, #tpu.memory_space<semaphore_mem>>)
        %slice3A_754 = vector.extract_strided_slice %get3A_271 {offsets = [9], sizes = [1], strides = [1]} : vector<16xi32> to vector<1xi32>
        %squeeze3A_755 = vector.extract %slice3A_754[0] : i32 from vector<1xi32>
        %dma_start3A_756 = arith.constant 0 : i32
        %dma_start3A_757 = tpu.memref_slice %arg14[%add3A_743, %dma_start3A_756] : memref<128x64xf32, #tpu.memory_space<vmem>> -> memref<1x64xf32, #tpu.memory_space<vmem>>
        %dma_start3A_758 = arith.constant 0 : i32
        %dma_start3A_759 = tpu.memref_slice %arg6[%squeeze3A_755, %dma_start3A_758] : memref<1000000x64xf32, #tpu.memory_space<hbm>> -> memref<1x64xf32, #tpu.memory_space<hbm>>
        %dma_start3A_760 = arith.constant 0 : i32
        %dma_start3A_761 = tpu.memref_slice %arg14[%add3A_743, %dma_start3A_760] : memref<128x64xf32, #tpu.memory_space<vmem>> -> memref<1x64xf32, #tpu.memory_space<vmem>>
        %dma_start3A_762 = arith.constant 0 : i32
        %dma_start3A_763 = tpu.memref_slice %arg6[%squeeze3A_755, %dma_start3A_762] : memref<1000000x64xf32, #tpu.memory_space<hbm>> -> memref<1x64xf32, #tpu.memory_space<hbm>>
        tpu.enqueue_dma source(%dma_start3A_763 : memref<1x64xf32, #tpu.memory_space<hbm>>) target(%dma_start3A_761 : memref<1x64xf32, #tpu.memory_space<vmem>>) target_semaphore(%arg21 : memref<!tpu.dma_semaphore, #tpu.memory_space<semaphore_mem>>)
        %slice3A_764 = vector.extract_strided_slice %get3A_274 {offsets = [9], sizes = [1], strides = [1]} : vector<16xi32> to vector<1xi32>
        %squeeze3A_765 = vector.extract %slice3A_764[0] : i32 from vector<1xi32>
        %dma_start3A_766 = arith.constant 0 : i32
        %dma_start3A_767 = tpu.memref_slice %arg15[%add3A_743, %dma_start3A_766] : memref<128x64xf32, #tpu.memory_space<vmem>> -> memref<1x64xf32, #tpu.memory_space<vmem>>
        %dma_start3A_768 = arith.constant 0 : i32
        %dma_start3A_769 = tpu.memref_slice %arg6[%squeeze3A_765, %dma_start3A_768] : memref<1000000x64xf32, #tpu.memory_space<hbm>> -> memref<1x64xf32, #tpu.memory_space<hbm>>
        %dma_start3A_770 = arith.constant 0 : i32
        %dma_start3A_771 = tpu.memref_slice %arg15[%add3A_743, %dma_start3A_770] : memref<128x64xf32, #tpu.memory_space<vmem>> -> memref<1x64xf32, #tpu.memory_space<vmem>>
        %dma_start3A_772 = arith.constant 0 : i32
        %dma_start3A_773 = tpu.memref_slice %arg6[%squeeze3A_765, %dma_start3A_772] : memref<1000000x64xf32, #tpu.memory_space<hbm>> -> memref<1x64xf32, #tpu.memory_space<hbm>>
        tpu.enqueue_dma source(%dma_start3A_773 : memref<1x64xf32, #tpu.memory_space<hbm>>) target(%dma_start3A_771 : memref<1x64xf32, #tpu.memory_space<vmem>>) target_semaphore(%arg21 : memref<!tpu.dma_semaphore, #tpu.memory_space<semaphore_mem>>)
        %slice3A_774 = vector.extract_strided_slice %get3A_271 {offsets = [9], sizes = [1], strides = [1]} : vector<16xi32> to vector<1xi32>
        %squeeze3A_775 = vector.extract %slice3A_774[0] : i32 from vector<1xi32>
        %dma_start3A_776 = arith.constant 0 : i32
        %dma_start3A_777 = tpu.memref_slice %arg16[%add3A_743, %dma_start3A_776] : memref<128x1xf32, #tpu.memory_space<vmem>> -> memref<1x1xf32, #tpu.memory_space<vmem>>
        %dma_start3A_778 = arith.constant 0 : i32
        %dma_start3A_779 = tpu.memref_slice %arg7[%squeeze3A_775, %dma_start3A_778] : memref<1000000x1xf32, #tpu.memory_space<hbm>> -> memref<1x1xf32, #tpu.memory_space<hbm>>
        %dma_start3A_780 = arith.constant 0 : i32
        %dma_start3A_781 = tpu.memref_slice %arg16[%add3A_743, %dma_start3A_780] : memref<128x1xf32, #tpu.memory_space<vmem>> -> memref<1x1xf32, #tpu.memory_space<vmem>>
        %dma_start3A_782 = arith.constant 0 : i32
        %dma_start3A_783 = tpu.memref_slice %arg7[%squeeze3A_775, %dma_start3A_782] : memref<1000000x1xf32, #tpu.memory_space<hbm>> -> memref<1x1xf32, #tpu.memory_space<hbm>>
        tpu.enqueue_dma source(%dma_start3A_783 : memref<1x1xf32, #tpu.memory_space<hbm>>) target(%dma_start3A_781 : memref<1x1xf32, #tpu.memory_space<vmem>>) target_semaphore(%arg21 : memref<!tpu.dma_semaphore, #tpu.memory_space<semaphore_mem>>)
        %slice3A_784 = vector.extract_strided_slice %get3A_274 {offsets = [9], sizes = [1], strides = [1]} : vector<16xi32> to vector<1xi32>
        %squeeze3A_785 = vector.extract %slice3A_784[0] : i32 from vector<1xi32>
        %dma_start3A_786 = arith.constant 0 : i32
        %dma_start3A_787 = tpu.memref_slice %arg17[%add3A_743, %dma_start3A_786] : memref<128x1xf32, #tpu.memory_space<vmem>> -> memref<1x1xf32, #tpu.memory_space<vmem>>
        %dma_start3A_788 = arith.constant 0 : i32
        %dma_start3A_789 = tpu.memref_slice %arg7[%squeeze3A_785, %dma_start3A_788] : memref<1000000x1xf32, #tpu.memory_space<hbm>> -> memref<1x1xf32, #tpu.memory_space<hbm>>
        %dma_start3A_790 = arith.constant 0 : i32
        %dma_start3A_791 = tpu.memref_slice %arg17[%add3A_743, %dma_start3A_790] : memref<128x1xf32, #tpu.memory_space<vmem>> -> memref<1x1xf32, #tpu.memory_space<vmem>>
        %dma_start3A_792 = arith.constant 0 : i32
        %dma_start3A_793 = tpu.memref_slice %arg7[%squeeze3A_785, %dma_start3A_792] : memref<1000000x1xf32, #tpu.memory_space<hbm>> -> memref<1x1xf32, #tpu.memory_space<hbm>>
        tpu.enqueue_dma source(%dma_start3A_793 : memref<1x1xf32, #tpu.memory_space<hbm>>) target(%dma_start3A_791 : memref<1x1xf32, #tpu.memory_space<vmem>>) target_semaphore(%arg21 : memref<!tpu.dma_semaphore, #tpu.memory_space<semaphore_mem>>)
        %add3A_794 = arith.constant 10 : i32
        %add3A_795 = arith.addi %mul3A_276, %add3A_794 : i32
        %slice3A_796 = vector.extract_strided_slice %get3A_268 {offsets = [10], sizes = [1], strides = [1]} : vector<16xi32> to vector<1xi32>
        %squeeze3A_797 = vector.extract %slice3A_796[0] : i32 from vector<1xi32>
        %dma_start3A_798 = arith.constant 0 : i32
        %dma_start3A_799 = tpu.memref_slice %arg13[%add3A_795, %dma_start3A_798] : memref<128x64xf32, #tpu.memory_space<vmem>> -> memref<1x64xf32, #tpu.memory_space<vmem>>
        %dma_start3A_800 = arith.constant 0 : i32
        %dma_start3A_801 = tpu.memref_slice %arg5[%squeeze3A_797, %dma_start3A_800] : memref<1000000x64xf32, #tpu.memory_space<hbm>> -> memref<1x64xf32, #tpu.memory_space<hbm>>
        %dma_start3A_802 = arith.constant 0 : i32
        %dma_start3A_803 = tpu.memref_slice %arg13[%add3A_795, %dma_start3A_802] : memref<128x64xf32, #tpu.memory_space<vmem>> -> memref<1x64xf32, #tpu.memory_space<vmem>>
        %dma_start3A_804 = arith.constant 0 : i32
        %dma_start3A_805 = tpu.memref_slice %arg5[%squeeze3A_797, %dma_start3A_804] : memref<1000000x64xf32, #tpu.memory_space<hbm>> -> memref<1x64xf32, #tpu.memory_space<hbm>>
        tpu.enqueue_dma source(%dma_start3A_805 : memref<1x64xf32, #tpu.memory_space<hbm>>) target(%dma_start3A_803 : memref<1x64xf32, #tpu.memory_space<vmem>>) target_semaphore(%arg22 : memref<!tpu.dma_semaphore, #tpu.memory_space<semaphore_mem>>)
        %slice3A_806 = vector.extract_strided_slice %get3A_271 {offsets = [10], sizes = [1], strides = [1]} : vector<16xi32> to vector<1xi32>
        %squeeze3A_807 = vector.extract %slice3A_806[0] : i32 from vector<1xi32>
        %dma_start3A_808 = arith.constant 0 : i32
        %dma_start3A_809 = tpu.memref_slice %arg14[%add3A_795, %dma_start3A_808] : memref<128x64xf32, #tpu.memory_space<vmem>> -> memref<1x64xf32, #tpu.memory_space<vmem>>
        %dma_start3A_810 = arith.constant 0 : i32
        %dma_start3A_811 = tpu.memref_slice %arg6[%squeeze3A_807, %dma_start3A_810] : memref<1000000x64xf32, #tpu.memory_space<hbm>> -> memref<1x64xf32, #tpu.memory_space<hbm>>
        %dma_start3A_812 = arith.constant 0 : i32
        %dma_start3A_813 = tpu.memref_slice %arg14[%add3A_795, %dma_start3A_812] : memref<128x64xf32, #tpu.memory_space<vmem>> -> memref<1x64xf32, #tpu.memory_space<vmem>>
        %dma_start3A_814 = arith.constant 0 : i32
        %dma_start3A_815 = tpu.memref_slice %arg6[%squeeze3A_807, %dma_start3A_814] : memref<1000000x64xf32, #tpu.memory_space<hbm>> -> memref<1x64xf32, #tpu.memory_space<hbm>>
        tpu.enqueue_dma source(%dma_start3A_815 : memref<1x64xf32, #tpu.memory_space<hbm>>) target(%dma_start3A_813 : memref<1x64xf32, #tpu.memory_space<vmem>>) target_semaphore(%arg22 : memref<!tpu.dma_semaphore, #tpu.memory_space<semaphore_mem>>)
        %slice3A_816 = vector.extract_strided_slice %get3A_274 {offsets = [10], sizes = [1], strides = [1]} : vector<16xi32> to vector<1xi32>
        %squeeze3A_817 = vector.extract %slice3A_816[0] : i32 from vector<1xi32>
        %dma_start3A_818 = arith.constant 0 : i32
        %dma_start3A_819 = tpu.memref_slice %arg15[%add3A_795, %dma_start3A_818] : memref<128x64xf32, #tpu.memory_space<vmem>> -> memref<1x64xf32, #tpu.memory_space<vmem>>
        %dma_start3A_820 = arith.constant 0 : i32
        %dma_start3A_821 = tpu.memref_slice %arg6[%squeeze3A_817, %dma_start3A_820] : memref<1000000x64xf32, #tpu.memory_space<hbm>> -> memref<1x64xf32, #tpu.memory_space<hbm>>
        %dma_start3A_822 = arith.constant 0 : i32
        %dma_start3A_823 = tpu.memref_slice %arg15[%add3A_795, %dma_start3A_822] : memref<128x64xf32, #tpu.memory_space<vmem>> -> memref<1x64xf32, #tpu.memory_space<vmem>>
        %dma_start3A_824 = arith.constant 0 : i32
        %dma_start3A_825 = tpu.memref_slice %arg6[%squeeze3A_817, %dma_start3A_824] : memref<1000000x64xf32, #tpu.memory_space<hbm>> -> memref<1x64xf32, #tpu.memory_space<hbm>>
        tpu.enqueue_dma source(%dma_start3A_825 : memref<1x64xf32, #tpu.memory_space<hbm>>) target(%dma_start3A_823 : memref<1x64xf32, #tpu.memory_space<vmem>>) target_semaphore(%arg22 : memref<!tpu.dma_semaphore, #tpu.memory_space<semaphore_mem>>)
        %slice3A_826 = vector.extract_strided_slice %get3A_271 {offsets = [10], sizes = [1], strides = [1]} : vector<16xi32> to vector<1xi32>
        %squeeze3A_827 = vector.extract %slice3A_826[0] : i32 from vector<1xi32>
        %dma_start3A_828 = arith.constant 0 : i32
        %dma_start3A_829 = tpu.memref_slice %arg16[%add3A_795, %dma_start3A_828] : memref<128x1xf32, #tpu.memory_space<vmem>> -> memref<1x1xf32, #tpu.memory_space<vmem>>
        %dma_start3A_830 = arith.constant 0 : i32
        %dma_start3A_831 = tpu.memref_slice %arg7[%squeeze3A_827, %dma_start3A_830] : memref<1000000x1xf32, #tpu.memory_space<hbm>> -> memref<1x1xf32, #tpu.memory_space<hbm>>
        %dma_start3A_832 = arith.constant 0 : i32
        %dma_start3A_833 = tpu.memref_slice %arg16[%add3A_795, %dma_start3A_832] : memref<128x1xf32, #tpu.memory_space<vmem>> -> memref<1x1xf32, #tpu.memory_space<vmem>>
        %dma_start3A_834 = arith.constant 0 : i32
        %dma_start3A_835 = tpu.memref_slice %arg7[%squeeze3A_827, %dma_start3A_834] : memref<1000000x1xf32, #tpu.memory_space<hbm>> -> memref<1x1xf32, #tpu.memory_space<hbm>>
        tpu.enqueue_dma source(%dma_start3A_835 : memref<1x1xf32, #tpu.memory_space<hbm>>) target(%dma_start3A_833 : memref<1x1xf32, #tpu.memory_space<vmem>>) target_semaphore(%arg22 : memref<!tpu.dma_semaphore, #tpu.memory_space<semaphore_mem>>)
        %slice3A_836 = vector.extract_strided_slice %get3A_274 {offsets = [10], sizes = [1], strides = [1]} : vector<16xi32> to vector<1xi32>
        %squeeze3A_837 = vector.extract %slice3A_836[0] : i32 from vector<1xi32>
        %dma_start3A_838 = arith.constant 0 : i32
        %dma_start3A_839 = tpu.memref_slice %arg17[%add3A_795, %dma_start3A_838] : memref<128x1xf32, #tpu.memory_space<vmem>> -> memref<1x1xf32, #tpu.memory_space<vmem>>
        %dma_start3A_840 = arith.constant 0 : i32
        %dma_start3A_841 = tpu.memref_slice %arg7[%squeeze3A_837, %dma_start3A_840] : memref<1000000x1xf32, #tpu.memory_space<hbm>> -> memref<1x1xf32, #tpu.memory_space<hbm>>
        %dma_start3A_842 = arith.constant 0 : i32
        %dma_start3A_843 = tpu.memref_slice %arg17[%add3A_795, %dma_start3A_842] : memref<128x1xf32, #tpu.memory_space<vmem>> -> memref<1x1xf32, #tpu.memory_space<vmem>>
        %dma_start3A_844 = arith.constant 0 : i32
        %dma_start3A_845 = tpu.memref_slice %arg7[%squeeze3A_837, %dma_start3A_844] : memref<1000000x1xf32, #tpu.memory_space<hbm>> -> memref<1x1xf32, #tpu.memory_space<hbm>>
        tpu.enqueue_dma source(%dma_start3A_845 : memref<1x1xf32, #tpu.memory_space<hbm>>) target(%dma_start3A_843 : memref<1x1xf32, #tpu.memory_space<vmem>>) target_semaphore(%arg22 : memref<!tpu.dma_semaphore, #tpu.memory_space<semaphore_mem>>)
        %add3A_846 = arith.constant 11 : i32
        %add3A_847 = arith.addi %mul3A_276, %add3A_846 : i32
        %slice3A_848 = vector.extract_strided_slice %get3A_268 {offsets = [11], sizes = [1], strides = [1]} : vector<16xi32> to vector<1xi32>
        %squeeze3A_849 = vector.extract %slice3A_848[0] : i32 from vector<1xi32>
        %dma_start3A_850 = arith.constant 0 : i32
        %dma_start3A_851 = tpu.memref_slice %arg13[%add3A_847, %dma_start3A_850] : memref<128x64xf32, #tpu.memory_space<vmem>> -> memref<1x64xf32, #tpu.memory_space<vmem>>
        %dma_start3A_852 = arith.constant 0 : i32
        %dma_start3A_853 = tpu.memref_slice %arg5[%squeeze3A_849, %dma_start3A_852] : memref<1000000x64xf32, #tpu.memory_space<hbm>> -> memref<1x64xf32, #tpu.memory_space<hbm>>
        %dma_start3A_854 = arith.constant 0 : i32
        %dma_start3A_855 = tpu.memref_slice %arg13[%add3A_847, %dma_start3A_854] : memref<128x64xf32, #tpu.memory_space<vmem>> -> memref<1x64xf32, #tpu.memory_space<vmem>>
        %dma_start3A_856 = arith.constant 0 : i32
        %dma_start3A_857 = tpu.memref_slice %arg5[%squeeze3A_849, %dma_start3A_856] : memref<1000000x64xf32, #tpu.memory_space<hbm>> -> memref<1x64xf32, #tpu.memory_space<hbm>>
        tpu.enqueue_dma source(%dma_start3A_857 : memref<1x64xf32, #tpu.memory_space<hbm>>) target(%dma_start3A_855 : memref<1x64xf32, #tpu.memory_space<vmem>>) target_semaphore(%arg23 : memref<!tpu.dma_semaphore, #tpu.memory_space<semaphore_mem>>)
        %slice3A_858 = vector.extract_strided_slice %get3A_271 {offsets = [11], sizes = [1], strides = [1]} : vector<16xi32> to vector<1xi32>
        %squeeze3A_859 = vector.extract %slice3A_858[0] : i32 from vector<1xi32>
        %dma_start3A_860 = arith.constant 0 : i32
        %dma_start3A_861 = tpu.memref_slice %arg14[%add3A_847, %dma_start3A_860] : memref<128x64xf32, #tpu.memory_space<vmem>> -> memref<1x64xf32, #tpu.memory_space<vmem>>
        %dma_start3A_862 = arith.constant 0 : i32
        %dma_start3A_863 = tpu.memref_slice %arg6[%squeeze3A_859, %dma_start3A_862] : memref<1000000x64xf32, #tpu.memory_space<hbm>> -> memref<1x64xf32, #tpu.memory_space<hbm>>
        %dma_start3A_864 = arith.constant 0 : i32
        %dma_start3A_865 = tpu.memref_slice %arg14[%add3A_847, %dma_start3A_864] : memref<128x64xf32, #tpu.memory_space<vmem>> -> memref<1x64xf32, #tpu.memory_space<vmem>>
        %dma_start3A_866 = arith.constant 0 : i32
        %dma_start3A_867 = tpu.memref_slice %arg6[%squeeze3A_859, %dma_start3A_866] : memref<1000000x64xf32, #tpu.memory_space<hbm>> -> memref<1x64xf32, #tpu.memory_space<hbm>>
        tpu.enqueue_dma source(%dma_start3A_867 : memref<1x64xf32, #tpu.memory_space<hbm>>) target(%dma_start3A_865 : memref<1x64xf32, #tpu.memory_space<vmem>>) target_semaphore(%arg23 : memref<!tpu.dma_semaphore, #tpu.memory_space<semaphore_mem>>)
        %slice3A_868 = vector.extract_strided_slice %get3A_274 {offsets = [11], sizes = [1], strides = [1]} : vector<16xi32> to vector<1xi32>
        %squeeze3A_869 = vector.extract %slice3A_868[0] : i32 from vector<1xi32>
        %dma_start3A_870 = arith.constant 0 : i32
        %dma_start3A_871 = tpu.memref_slice %arg15[%add3A_847, %dma_start3A_870] : memref<128x64xf32, #tpu.memory_space<vmem>> -> memref<1x64xf32, #tpu.memory_space<vmem>>
        %dma_start3A_872 = arith.constant 0 : i32
        %dma_start3A_873 = tpu.memref_slice %arg6[%squeeze3A_869, %dma_start3A_872] : memref<1000000x64xf32, #tpu.memory_space<hbm>> -> memref<1x64xf32, #tpu.memory_space<hbm>>
        %dma_start3A_874 = arith.constant 0 : i32
        %dma_start3A_875 = tpu.memref_slice %arg15[%add3A_847, %dma_start3A_874] : memref<128x64xf32, #tpu.memory_space<vmem>> -> memref<1x64xf32, #tpu.memory_space<vmem>>
        %dma_start3A_876 = arith.constant 0 : i32
        %dma_start3A_877 = tpu.memref_slice %arg6[%squeeze3A_869, %dma_start3A_876] : memref<1000000x64xf32, #tpu.memory_space<hbm>> -> memref<1x64xf32, #tpu.memory_space<hbm>>
        tpu.enqueue_dma source(%dma_start3A_877 : memref<1x64xf32, #tpu.memory_space<hbm>>) target(%dma_start3A_875 : memref<1x64xf32, #tpu.memory_space<vmem>>) target_semaphore(%arg23 : memref<!tpu.dma_semaphore, #tpu.memory_space<semaphore_mem>>)
        %slice3A_878 = vector.extract_strided_slice %get3A_271 {offsets = [11], sizes = [1], strides = [1]} : vector<16xi32> to vector<1xi32>
        %squeeze3A_879 = vector.extract %slice3A_878[0] : i32 from vector<1xi32>
        %dma_start3A_880 = arith.constant 0 : i32
        %dma_start3A_881 = tpu.memref_slice %arg16[%add3A_847, %dma_start3A_880] : memref<128x1xf32, #tpu.memory_space<vmem>> -> memref<1x1xf32, #tpu.memory_space<vmem>>
        %dma_start3A_882 = arith.constant 0 : i32
        %dma_start3A_883 = tpu.memref_slice %arg7[%squeeze3A_879, %dma_start3A_882] : memref<1000000x1xf32, #tpu.memory_space<hbm>> -> memref<1x1xf32, #tpu.memory_space<hbm>>
        %dma_start3A_884 = arith.constant 0 : i32
        %dma_start3A_885 = tpu.memref_slice %arg16[%add3A_847, %dma_start3A_884] : memref<128x1xf32, #tpu.memory_space<vmem>> -> memref<1x1xf32, #tpu.memory_space<vmem>>
        %dma_start3A_886 = arith.constant 0 : i32
        %dma_start3A_887 = tpu.memref_slice %arg7[%squeeze3A_879, %dma_start3A_886] : memref<1000000x1xf32, #tpu.memory_space<hbm>> -> memref<1x1xf32, #tpu.memory_space<hbm>>
        tpu.enqueue_dma source(%dma_start3A_887 : memref<1x1xf32, #tpu.memory_space<hbm>>) target(%dma_start3A_885 : memref<1x1xf32, #tpu.memory_space<vmem>>) target_semaphore(%arg23 : memref<!tpu.dma_semaphore, #tpu.memory_space<semaphore_mem>>)
        %slice3A_888 = vector.extract_strided_slice %get3A_274 {offsets = [11], sizes = [1], strides = [1]} : vector<16xi32> to vector<1xi32>
        %squeeze3A_889 = vector.extract %slice3A_888[0] : i32 from vector<1xi32>
        %dma_start3A_890 = arith.constant 0 : i32
        %dma_start3A_891 = tpu.memref_slice %arg17[%add3A_847, %dma_start3A_890] : memref<128x1xf32, #tpu.memory_space<vmem>> -> memref<1x1xf32, #tpu.memory_space<vmem>>
        %dma_start3A_892 = arith.constant 0 : i32
        %dma_start3A_893 = tpu.memref_slice %arg7[%squeeze3A_889, %dma_start3A_892] : memref<1000000x1xf32, #tpu.memory_space<hbm>> -> memref<1x1xf32, #tpu.memory_space<hbm>>
        %dma_start3A_894 = arith.constant 0 : i32
        %dma_start3A_895 = tpu.memref_slice %arg17[%add3A_847, %dma_start3A_894] : memref<128x1xf32, #tpu.memory_space<vmem>> -> memref<1x1xf32, #tpu.memory_space<vmem>>
        %dma_start3A_896 = arith.constant 0 : i32
        %dma_start3A_897 = tpu.memref_slice %arg7[%squeeze3A_889, %dma_start3A_896] : memref<1000000x1xf32, #tpu.memory_space<hbm>> -> memref<1x1xf32, #tpu.memory_space<hbm>>
        tpu.enqueue_dma source(%dma_start3A_897 : memref<1x1xf32, #tpu.memory_space<hbm>>) target(%dma_start3A_895 : memref<1x1xf32, #tpu.memory_space<vmem>>) target_semaphore(%arg23 : memref<!tpu.dma_semaphore, #tpu.memory_space<semaphore_mem>>)
        %add3A_898 = arith.constant 12 : i32
        %add3A_899 = arith.addi %mul3A_276, %add3A_898 : i32
        %slice3A_900 = vector.extract_strided_slice %get3A_268 {offsets = [12], sizes = [1], strides = [1]} : vector<16xi32> to vector<1xi32>
        %squeeze3A_901 = vector.extract %slice3A_900[0] : i32 from vector<1xi32>
        %dma_start3A_902 = arith.constant 0 : i32
        %dma_start3A_903 = tpu.memref_slice %arg13[%add3A_899, %dma_start3A_902] : memref<128x64xf32, #tpu.memory_space<vmem>> -> memref<1x64xf32, #tpu.memory_space<vmem>>
        %dma_start3A_904 = arith.constant 0 : i32
        %dma_start3A_905 = tpu.memref_slice %arg5[%squeeze3A_901, %dma_start3A_904] : memref<1000000x64xf32, #tpu.memory_space<hbm>> -> memref<1x64xf32, #tpu.memory_space<hbm>>
        %dma_start3A_906 = arith.constant 0 : i32
        %dma_start3A_907 = tpu.memref_slice %arg13[%add3A_899, %dma_start3A_906] : memref<128x64xf32, #tpu.memory_space<vmem>> -> memref<1x64xf32, #tpu.memory_space<vmem>>
        %dma_start3A_908 = arith.constant 0 : i32
        %dma_start3A_909 = tpu.memref_slice %arg5[%squeeze3A_901, %dma_start3A_908] : memref<1000000x64xf32, #tpu.memory_space<hbm>> -> memref<1x64xf32, #tpu.memory_space<hbm>>
        tpu.enqueue_dma source(%dma_start3A_909 : memref<1x64xf32, #tpu.memory_space<hbm>>) target(%dma_start3A_907 : memref<1x64xf32, #tpu.memory_space<vmem>>) target_semaphore(%arg20 : memref<!tpu.dma_semaphore, #tpu.memory_space<semaphore_mem>>)
        %slice3A_910 = vector.extract_strided_slice %get3A_271 {offsets = [12], sizes = [1], strides = [1]} : vector<16xi32> to vector<1xi32>
        %squeeze3A_911 = vector.extract %slice3A_910[0] : i32 from vector<1xi32>
        %dma_start3A_912 = arith.constant 0 : i32
        %dma_start3A_913 = tpu.memref_slice %arg14[%add3A_899, %dma_start3A_912] : memref<128x64xf32, #tpu.memory_space<vmem>> -> memref<1x64xf32, #tpu.memory_space<vmem>>
        %dma_start3A_914 = arith.constant 0 : i32
        %dma_start3A_915 = tpu.memref_slice %arg6[%squeeze3A_911, %dma_start3A_914] : memref<1000000x64xf32, #tpu.memory_space<hbm>> -> memref<1x64xf32, #tpu.memory_space<hbm>>
        %dma_start3A_916 = arith.constant 0 : i32
        %dma_start3A_917 = tpu.memref_slice %arg14[%add3A_899, %dma_start3A_916] : memref<128x64xf32, #tpu.memory_space<vmem>> -> memref<1x64xf32, #tpu.memory_space<vmem>>
        %dma_start3A_918 = arith.constant 0 : i32
        %dma_start3A_919 = tpu.memref_slice %arg6[%squeeze3A_911, %dma_start3A_918] : memref<1000000x64xf32, #tpu.memory_space<hbm>> -> memref<1x64xf32, #tpu.memory_space<hbm>>
        tpu.enqueue_dma source(%dma_start3A_919 : memref<1x64xf32, #tpu.memory_space<hbm>>) target(%dma_start3A_917 : memref<1x64xf32, #tpu.memory_space<vmem>>) target_semaphore(%arg20 : memref<!tpu.dma_semaphore, #tpu.memory_space<semaphore_mem>>)
        %slice3A_920 = vector.extract_strided_slice %get3A_274 {offsets = [12], sizes = [1], strides = [1]} : vector<16xi32> to vector<1xi32>
        %squeeze3A_921 = vector.extract %slice3A_920[0] : i32 from vector<1xi32>
        %dma_start3A_922 = arith.constant 0 : i32
        %dma_start3A_923 = tpu.memref_slice %arg15[%add3A_899, %dma_start3A_922] : memref<128x64xf32, #tpu.memory_space<vmem>> -> memref<1x64xf32, #tpu.memory_space<vmem>>
        %dma_start3A_924 = arith.constant 0 : i32
        %dma_start3A_925 = tpu.memref_slice %arg6[%squeeze3A_921, %dma_start3A_924] : memref<1000000x64xf32, #tpu.memory_space<hbm>> -> memref<1x64xf32, #tpu.memory_space<hbm>>
        %dma_start3A_926 = arith.constant 0 : i32
        %dma_start3A_927 = tpu.memref_slice %arg15[%add3A_899, %dma_start3A_926] : memref<128x64xf32, #tpu.memory_space<vmem>> -> memref<1x64xf32, #tpu.memory_space<vmem>>
        %dma_start3A_928 = arith.constant 0 : i32
        %dma_start3A_929 = tpu.memref_slice %arg6[%squeeze3A_921, %dma_start3A_928] : memref<1000000x64xf32, #tpu.memory_space<hbm>> -> memref<1x64xf32, #tpu.memory_space<hbm>>
        tpu.enqueue_dma source(%dma_start3A_929 : memref<1x64xf32, #tpu.memory_space<hbm>>) target(%dma_start3A_927 : memref<1x64xf32, #tpu.memory_space<vmem>>) target_semaphore(%arg20 : memref<!tpu.dma_semaphore, #tpu.memory_space<semaphore_mem>>)
        %slice3A_930 = vector.extract_strided_slice %get3A_271 {offsets = [12], sizes = [1], strides = [1]} : vector<16xi32> to vector<1xi32>
        %squeeze3A_931 = vector.extract %slice3A_930[0] : i32 from vector<1xi32>
        %dma_start3A_932 = arith.constant 0 : i32
        %dma_start3A_933 = tpu.memref_slice %arg16[%add3A_899, %dma_start3A_932] : memref<128x1xf32, #tpu.memory_space<vmem>> -> memref<1x1xf32, #tpu.memory_space<vmem>>
        %dma_start3A_934 = arith.constant 0 : i32
        %dma_start3A_935 = tpu.memref_slice %arg7[%squeeze3A_931, %dma_start3A_934] : memref<1000000x1xf32, #tpu.memory_space<hbm>> -> memref<1x1xf32, #tpu.memory_space<hbm>>
        %dma_start3A_936 = arith.constant 0 : i32
        %dma_start3A_937 = tpu.memref_slice %arg16[%add3A_899, %dma_start3A_936] : memref<128x1xf32, #tpu.memory_space<vmem>> -> memref<1x1xf32, #tpu.memory_space<vmem>>
        %dma_start3A_938 = arith.constant 0 : i32
        %dma_start3A_939 = tpu.memref_slice %arg7[%squeeze3A_931, %dma_start3A_938] : memref<1000000x1xf32, #tpu.memory_space<hbm>> -> memref<1x1xf32, #tpu.memory_space<hbm>>
        tpu.enqueue_dma source(%dma_start3A_939 : memref<1x1xf32, #tpu.memory_space<hbm>>) target(%dma_start3A_937 : memref<1x1xf32, #tpu.memory_space<vmem>>) target_semaphore(%arg20 : memref<!tpu.dma_semaphore, #tpu.memory_space<semaphore_mem>>)
        %slice3A_940 = vector.extract_strided_slice %get3A_274 {offsets = [12], sizes = [1], strides = [1]} : vector<16xi32> to vector<1xi32>
        %squeeze3A_941 = vector.extract %slice3A_940[0] : i32 from vector<1xi32>
        %dma_start3A_942 = arith.constant 0 : i32
        %dma_start3A_943 = tpu.memref_slice %arg17[%add3A_899, %dma_start3A_942] : memref<128x1xf32, #tpu.memory_space<vmem>> -> memref<1x1xf32, #tpu.memory_space<vmem>>
        %dma_start3A_944 = arith.constant 0 : i32
        %dma_start3A_945 = tpu.memref_slice %arg7[%squeeze3A_941, %dma_start3A_944] : memref<1000000x1xf32, #tpu.memory_space<hbm>> -> memref<1x1xf32, #tpu.memory_space<hbm>>
        %dma_start3A_946 = arith.constant 0 : i32
        %dma_start3A_947 = tpu.memref_slice %arg17[%add3A_899, %dma_start3A_946] : memref<128x1xf32, #tpu.memory_space<vmem>> -> memref<1x1xf32, #tpu.memory_space<vmem>>
        %dma_start3A_948 = arith.constant 0 : i32
        %dma_start3A_949 = tpu.memref_slice %arg7[%squeeze3A_941, %dma_start3A_948] : memref<1000000x1xf32, #tpu.memory_space<hbm>> -> memref<1x1xf32, #tpu.memory_space<hbm>>
        tpu.enqueue_dma source(%dma_start3A_949 : memref<1x1xf32, #tpu.memory_space<hbm>>) target(%dma_start3A_947 : memref<1x1xf32, #tpu.memory_space<vmem>>) target_semaphore(%arg20 : memref<!tpu.dma_semaphore, #tpu.memory_space<semaphore_mem>>)
        %add3A_950 = arith.constant 13 : i32
        %add3A_951 = arith.addi %mul3A_276, %add3A_950 : i32
        %slice3A_952 = vector.extract_strided_slice %get3A_268 {offsets = [13], sizes = [1], strides = [1]} : vector<16xi32> to vector<1xi32>
        %squeeze3A_953 = vector.extract %slice3A_952[0] : i32 from vector<1xi32>
        %dma_start3A_954 = arith.constant 0 : i32
        %dma_start3A_955 = tpu.memref_slice %arg13[%add3A_951, %dma_start3A_954] : memref<128x64xf32, #tpu.memory_space<vmem>> -> memref<1x64xf32, #tpu.memory_space<vmem>>
        %dma_start3A_956 = arith.constant 0 : i32
        %dma_start3A_957 = tpu.memref_slice %arg5[%squeeze3A_953, %dma_start3A_956] : memref<1000000x64xf32, #tpu.memory_space<hbm>> -> memref<1x64xf32, #tpu.memory_space<hbm>>
        %dma_start3A_958 = arith.constant 0 : i32
        %dma_start3A_959 = tpu.memref_slice %arg13[%add3A_951, %dma_start3A_958] : memref<128x64xf32, #tpu.memory_space<vmem>> -> memref<1x64xf32, #tpu.memory_space<vmem>>
        %dma_start3A_960 = arith.constant 0 : i32
        %dma_start3A_961 = tpu.memref_slice %arg5[%squeeze3A_953, %dma_start3A_960] : memref<1000000x64xf32, #tpu.memory_space<hbm>> -> memref<1x64xf32, #tpu.memory_space<hbm>>
        tpu.enqueue_dma source(%dma_start3A_961 : memref<1x64xf32, #tpu.memory_space<hbm>>) target(%dma_start3A_959 : memref<1x64xf32, #tpu.memory_space<vmem>>) target_semaphore(%arg21 : memref<!tpu.dma_semaphore, #tpu.memory_space<semaphore_mem>>)
        %slice3A_962 = vector.extract_strided_slice %get3A_271 {offsets = [13], sizes = [1], strides = [1]} : vector<16xi32> to vector<1xi32>
        %squeeze3A_963 = vector.extract %slice3A_962[0] : i32 from vector<1xi32>
        %dma_start3A_964 = arith.constant 0 : i32
        %dma_start3A_965 = tpu.memref_slice %arg14[%add3A_951, %dma_start3A_964] : memref<128x64xf32, #tpu.memory_space<vmem>> -> memref<1x64xf32, #tpu.memory_space<vmem>>
        %dma_start3A_966 = arith.constant 0 : i32
        %dma_start3A_967 = tpu.memref_slice %arg6[%squeeze3A_963, %dma_start3A_966] : memref<1000000x64xf32, #tpu.memory_space<hbm>> -> memref<1x64xf32, #tpu.memory_space<hbm>>
        %dma_start3A_968 = arith.constant 0 : i32
        %dma_start3A_969 = tpu.memref_slice %arg14[%add3A_951, %dma_start3A_968] : memref<128x64xf32, #tpu.memory_space<vmem>> -> memref<1x64xf32, #tpu.memory_space<vmem>>
        %dma_start3A_970 = arith.constant 0 : i32
        %dma_start3A_971 = tpu.memref_slice %arg6[%squeeze3A_963, %dma_start3A_970] : memref<1000000x64xf32, #tpu.memory_space<hbm>> -> memref<1x64xf32, #tpu.memory_space<hbm>>
        tpu.enqueue_dma source(%dma_start3A_971 : memref<1x64xf32, #tpu.memory_space<hbm>>) target(%dma_start3A_969 : memref<1x64xf32, #tpu.memory_space<vmem>>) target_semaphore(%arg21 : memref<!tpu.dma_semaphore, #tpu.memory_space<semaphore_mem>>)
        %slice3A_972 = vector.extract_strided_slice %get3A_274 {offsets = [13], sizes = [1], strides = [1]} : vector<16xi32> to vector<1xi32>
        %squeeze3A_973 = vector.extract %slice3A_972[0] : i32 from vector<1xi32>
        %dma_start3A_974 = arith.constant 0 : i32
        %dma_start3A_975 = tpu.memref_slice %arg15[%add3A_951, %dma_start3A_974] : memref<128x64xf32, #tpu.memory_space<vmem>> -> memref<1x64xf32, #tpu.memory_space<vmem>>
        %dma_start3A_976 = arith.constant 0 : i32
        %dma_start3A_977 = tpu.memref_slice %arg6[%squeeze3A_973, %dma_start3A_976] : memref<1000000x64xf32, #tpu.memory_space<hbm>> -> memref<1x64xf32, #tpu.memory_space<hbm>>
        %dma_start3A_978 = arith.constant 0 : i32
        %dma_start3A_979 = tpu.memref_slice %arg15[%add3A_951, %dma_start3A_978] : memref<128x64xf32, #tpu.memory_space<vmem>> -> memref<1x64xf32, #tpu.memory_space<vmem>>
        %dma_start3A_980 = arith.constant 0 : i32
        %dma_start3A_981 = tpu.memref_slice %arg6[%squeeze3A_973, %dma_start3A_980] : memref<1000000x64xf32, #tpu.memory_space<hbm>> -> memref<1x64xf32, #tpu.memory_space<hbm>>
        tpu.enqueue_dma source(%dma_start3A_981 : memref<1x64xf32, #tpu.memory_space<hbm>>) target(%dma_start3A_979 : memref<1x64xf32, #tpu.memory_space<vmem>>) target_semaphore(%arg21 : memref<!tpu.dma_semaphore, #tpu.memory_space<semaphore_mem>>)
        %slice3A_982 = vector.extract_strided_slice %get3A_271 {offsets = [13], sizes = [1], strides = [1]} : vector<16xi32> to vector<1xi32>
        %squeeze3A_983 = vector.extract %slice3A_982[0] : i32 from vector<1xi32>
        %dma_start3A_984 = arith.constant 0 : i32
        %dma_start3A_985 = tpu.memref_slice %arg16[%add3A_951, %dma_start3A_984] : memref<128x1xf32, #tpu.memory_space<vmem>> -> memref<1x1xf32, #tpu.memory_space<vmem>>
        %dma_start3A_986 = arith.constant 0 : i32
        %dma_start3A_987 = tpu.memref_slice %arg7[%squeeze3A_983, %dma_start3A_986] : memref<1000000x1xf32, #tpu.memory_space<hbm>> -> memref<1x1xf32, #tpu.memory_space<hbm>>
        %dma_start3A_988 = arith.constant 0 : i32
        %dma_start3A_989 = tpu.memref_slice %arg16[%add3A_951, %dma_start3A_988] : memref<128x1xf32, #tpu.memory_space<vmem>> -> memref<1x1xf32, #tpu.memory_space<vmem>>
        %dma_start3A_990 = arith.constant 0 : i32
        %dma_start3A_991 = tpu.memref_slice %arg7[%squeeze3A_983, %dma_start3A_990] : memref<1000000x1xf32, #tpu.memory_space<hbm>> -> memref<1x1xf32, #tpu.memory_space<hbm>>
        tpu.enqueue_dma source(%dma_start3A_991 : memref<1x1xf32, #tpu.memory_space<hbm>>) target(%dma_start3A_989 : memref<1x1xf32, #tpu.memory_space<vmem>>) target_semaphore(%arg21 : memref<!tpu.dma_semaphore, #tpu.memory_space<semaphore_mem>>)
        %slice3A_992 = vector.extract_strided_slice %get3A_274 {offsets = [13], sizes = [1], strides = [1]} : vector<16xi32> to vector<1xi32>
        %squeeze3A_993 = vector.extract %slice3A_992[0] : i32 from vector<1xi32>
        %dma_start3A_994 = arith.constant 0 : i32
        %dma_start3A_995 = tpu.memref_slice %arg17[%add3A_951, %dma_start3A_994] : memref<128x1xf32, #tpu.memory_space<vmem>> -> memref<1x1xf32, #tpu.memory_space<vmem>>
        %dma_start3A_996 = arith.constant 0 : i32
        %dma_start3A_997 = tpu.memref_slice %arg7[%squeeze3A_993, %dma_start3A_996] : memref<1000000x1xf32, #tpu.memory_space<hbm>> -> memref<1x1xf32, #tpu.memory_space<hbm>>
        %dma_start3A_998 = arith.constant 0 : i32
        %dma_start3A_999 = tpu.memref_slice %arg17[%add3A_951, %dma_start3A_998] : memref<128x1xf32, #tpu.memory_space<vmem>> -> memref<1x1xf32, #tpu.memory_space<vmem>>
        %dma_start3A_1000 = arith.constant 0 : i32
        %dma_start3A_1001 = tpu.memref_slice %arg7[%squeeze3A_993, %dma_start3A_1000] : memref<1000000x1xf32, #tpu.memory_space<hbm>> -> memref<1x1xf32, #tpu.memory_space<hbm>>
        tpu.enqueue_dma source(%dma_start3A_1001 : memref<1x1xf32, #tpu.memory_space<hbm>>) target(%dma_start3A_999 : memref<1x1xf32, #tpu.memory_space<vmem>>) target_semaphore(%arg21 : memref<!tpu.dma_semaphore, #tpu.memory_space<semaphore_mem>>)
        %add3A_1002 = arith.constant 14 : i32
        %add3A_1003 = arith.addi %mul3A_276, %add3A_1002 : i32
        %slice3A_1004 = vector.extract_strided_slice %get3A_268 {offsets = [14], sizes = [1], strides = [1]} : vector<16xi32> to vector<1xi32>
        %squeeze3A_1005 = vector.extract %slice3A_1004[0] : i32 from vector<1xi32>
        %dma_start3A_1006 = arith.constant 0 : i32
        %dma_start3A_1007 = tpu.memref_slice %arg13[%add3A_1003, %dma_start3A_1006] : memref<128x64xf32, #tpu.memory_space<vmem>> -> memref<1x64xf32, #tpu.memory_space<vmem>>
        %dma_start3A_1008 = arith.constant 0 : i32
        %dma_start3A_1009 = tpu.memref_slice %arg5[%squeeze3A_1005, %dma_start3A_1008] : memref<1000000x64xf32, #tpu.memory_space<hbm>> -> memref<1x64xf32, #tpu.memory_space<hbm>>
        %dma_start3A_1010 = arith.constant 0 : i32
        %dma_start3A_1011 = tpu.memref_slice %arg13[%add3A_1003, %dma_start3A_1010] : memref<128x64xf32, #tpu.memory_space<vmem>> -> memref<1x64xf32, #tpu.memory_space<vmem>>
        %dma_start3A_1012 = arith.constant 0 : i32
        %dma_start3A_1013 = tpu.memref_slice %arg5[%squeeze3A_1005, %dma_start3A_1012] : memref<1000000x64xf32, #tpu.memory_space<hbm>> -> memref<1x64xf32, #tpu.memory_space<hbm>>
        tpu.enqueue_dma source(%dma_start3A_1013 : memref<1x64xf32, #tpu.memory_space<hbm>>) target(%dma_start3A_1011 : memref<1x64xf32, #tpu.memory_space<vmem>>) target_semaphore(%arg22 : memref<!tpu.dma_semaphore, #tpu.memory_space<semaphore_mem>>)
        %slice3A_1014 = vector.extract_strided_slice %get3A_271 {offsets = [14], sizes = [1], strides = [1]} : vector<16xi32> to vector<1xi32>
        %squeeze3A_1015 = vector.extract %slice3A_1014[0] : i32 from vector<1xi32>
        %dma_start3A_1016 = arith.constant 0 : i32
        %dma_start3A_1017 = tpu.memref_slice %arg14[%add3A_1003, %dma_start3A_1016] : memref<128x64xf32, #tpu.memory_space<vmem>> -> memref<1x64xf32, #tpu.memory_space<vmem>>
        %dma_start3A_1018 = arith.constant 0 : i32
        %dma_start3A_1019 = tpu.memref_slice %arg6[%squeeze3A_1015, %dma_start3A_1018] : memref<1000000x64xf32, #tpu.memory_space<hbm>> -> memref<1x64xf32, #tpu.memory_space<hbm>>
        %dma_start3A_1020 = arith.constant 0 : i32
        %dma_start3A_1021 = tpu.memref_slice %arg14[%add3A_1003, %dma_start3A_1020] : memref<128x64xf32, #tpu.memory_space<vmem>> -> memref<1x64xf32, #tpu.memory_space<vmem>>
        %dma_start3A_1022 = arith.constant 0 : i32
        %dma_start3A_1023 = tpu.memref_slice %arg6[%squeeze3A_1015, %dma_start3A_1022] : memref<1000000x64xf32, #tpu.memory_space<hbm>> -> memref<1x64xf32, #tpu.memory_space<hbm>>
        tpu.enqueue_dma source(%dma_start3A_1023 : memref<1x64xf32, #tpu.memory_space<hbm>>) target(%dma_start3A_1021 : memref<1x64xf32, #tpu.memory_space<vmem>>) target_semaphore(%arg22 : memref<!tpu.dma_semaphore, #tpu.memory_space<semaphore_mem>>)
        %slice3A_1024 = vector.extract_strided_slice %get3A_274 {offsets = [14], sizes = [1], strides = [1]} : vector<16xi32> to vector<1xi32>
        %squeeze3A_1025 = vector.extract %slice3A_1024[0] : i32 from vector<1xi32>
        %dma_start3A_1026 = arith.constant 0 : i32
        %dma_start3A_1027 = tpu.memref_slice %arg15[%add3A_1003, %dma_start3A_1026] : memref<128x64xf32, #tpu.memory_space<vmem>> -> memref<1x64xf32, #tpu.memory_space<vmem>>
        %dma_start3A_1028 = arith.constant 0 : i32
        %dma_start3A_1029 = tpu.memref_slice %arg6[%squeeze3A_1025, %dma_start3A_1028] : memref<1000000x64xf32, #tpu.memory_space<hbm>> -> memref<1x64xf32, #tpu.memory_space<hbm>>
        %dma_start3A_1030 = arith.constant 0 : i32
        %dma_start3A_1031 = tpu.memref_slice %arg15[%add3A_1003, %dma_start3A_1030] : memref<128x64xf32, #tpu.memory_space<vmem>> -> memref<1x64xf32, #tpu.memory_space<vmem>>
        %dma_start3A_1032 = arith.constant 0 : i32
        %dma_start3A_1033 = tpu.memref_slice %arg6[%squeeze3A_1025, %dma_start3A_1032] : memref<1000000x64xf32, #tpu.memory_space<hbm>> -> memref<1x64xf32, #tpu.memory_space<hbm>>
        tpu.enqueue_dma source(%dma_start3A_1033 : memref<1x64xf32, #tpu.memory_space<hbm>>) target(%dma_start3A_1031 : memref<1x64xf32, #tpu.memory_space<vmem>>) target_semaphore(%arg22 : memref<!tpu.dma_semaphore, #tpu.memory_space<semaphore_mem>>)
        %slice3A_1034 = vector.extract_strided_slice %get3A_271 {offsets = [14], sizes = [1], strides = [1]} : vector<16xi32> to vector<1xi32>
        %squeeze3A_1035 = vector.extract %slice3A_1034[0] : i32 from vector<1xi32>
        %dma_start3A_1036 = arith.constant 0 : i32
        %dma_start3A_1037 = tpu.memref_slice %arg16[%add3A_1003, %dma_start3A_1036] : memref<128x1xf32, #tpu.memory_space<vmem>> -> memref<1x1xf32, #tpu.memory_space<vmem>>
        %dma_start3A_1038 = arith.constant 0 : i32
        %dma_start3A_1039 = tpu.memref_slice %arg7[%squeeze3A_1035, %dma_start3A_1038] : memref<1000000x1xf32, #tpu.memory_space<hbm>> -> memref<1x1xf32, #tpu.memory_space<hbm>>
        %dma_start3A_1040 = arith.constant 0 : i32
        %dma_start3A_1041 = tpu.memref_slice %arg16[%add3A_1003, %dma_start3A_1040] : memref<128x1xf32, #tpu.memory_space<vmem>> -> memref<1x1xf32, #tpu.memory_space<vmem>>
        %dma_start3A_1042 = arith.constant 0 : i32
        %dma_start3A_1043 = tpu.memref_slice %arg7[%squeeze3A_1035, %dma_start3A_1042] : memref<1000000x1xf32, #tpu.memory_space<hbm>> -> memref<1x1xf32, #tpu.memory_space<hbm>>
        tpu.enqueue_dma source(%dma_start3A_1043 : memref<1x1xf32, #tpu.memory_space<hbm>>) target(%dma_start3A_1041 : memref<1x1xf32, #tpu.memory_space<vmem>>) target_semaphore(%arg22 : memref<!tpu.dma_semaphore, #tpu.memory_space<semaphore_mem>>)
        %slice3A_1044 = vector.extract_strided_slice %get3A_274 {offsets = [14], sizes = [1], strides = [1]} : vector<16xi32> to vector<1xi32>
        %squeeze3A_1045 = vector.extract %slice3A_1044[0] : i32 from vector<1xi32>
        %dma_start3A_1046 = arith.constant 0 : i32
        %dma_start3A_1047 = tpu.memref_slice %arg17[%add3A_1003, %dma_start3A_1046] : memref<128x1xf32, #tpu.memory_space<vmem>> -> memref<1x1xf32, #tpu.memory_space<vmem>>
        %dma_start3A_1048 = arith.constant 0 : i32
        %dma_start3A_1049 = tpu.memref_slice %arg7[%squeeze3A_1045, %dma_start3A_1048] : memref<1000000x1xf32, #tpu.memory_space<hbm>> -> memref<1x1xf32, #tpu.memory_space<hbm>>
        %dma_start3A_1050 = arith.constant 0 : i32
        %dma_start3A_1051 = tpu.memref_slice %arg17[%add3A_1003, %dma_start3A_1050] : memref<128x1xf32, #tpu.memory_space<vmem>> -> memref<1x1xf32, #tpu.memory_space<vmem>>
        %dma_start3A_1052 = arith.constant 0 : i32
        %dma_start3A_1053 = tpu.memref_slice %arg7[%squeeze3A_1045, %dma_start3A_1052] : memref<1000000x1xf32, #tpu.memory_space<hbm>> -> memref<1x1xf32, #tpu.memory_space<hbm>>
        tpu.enqueue_dma source(%dma_start3A_1053 : memref<1x1xf32, #tpu.memory_space<hbm>>) target(%dma_start3A_1051 : memref<1x1xf32, #tpu.memory_space<vmem>>) target_semaphore(%arg22 : memref<!tpu.dma_semaphore, #tpu.memory_space<semaphore_mem>>)
        %add3A_1054 = arith.constant 15 : i32
        %add3A_1055 = arith.addi %mul3A_276, %add3A_1054 : i32
        %slice3A_1056 = vector.extract_strided_slice %get3A_268 {offsets = [15], sizes = [1], strides = [1]} : vector<16xi32> to vector<1xi32>
        %squeeze3A_1057 = vector.extract %slice3A_1056[0] : i32 from vector<1xi32>
        %dma_start3A_1058 = arith.constant 0 : i32
        %dma_start3A_1059 = tpu.memref_slice %arg13[%add3A_1055, %dma_start3A_1058] : memref<128x64xf32, #tpu.memory_space<vmem>> -> memref<1x64xf32, #tpu.memory_space<vmem>>
        %dma_start3A_1060 = arith.constant 0 : i32
        %dma_start3A_1061 = tpu.memref_slice %arg5[%squeeze3A_1057, %dma_start3A_1060] : memref<1000000x64xf32, #tpu.memory_space<hbm>> -> memref<1x64xf32, #tpu.memory_space<hbm>>
        %dma_start3A_1062 = arith.constant 0 : i32
        %dma_start3A_1063 = tpu.memref_slice %arg13[%add3A_1055, %dma_start3A_1062] : memref<128x64xf32, #tpu.memory_space<vmem>> -> memref<1x64xf32, #tpu.memory_space<vmem>>
        %dma_start3A_1064 = arith.constant 0 : i32
        %dma_start3A_1065 = tpu.memref_slice %arg5[%squeeze3A_1057, %dma_start3A_1064] : memref<1000000x64xf32, #tpu.memory_space<hbm>> -> memref<1x64xf32, #tpu.memory_space<hbm>>
        tpu.enqueue_dma source(%dma_start3A_1065 : memref<1x64xf32, #tpu.memory_space<hbm>>) target(%dma_start3A_1063 : memref<1x64xf32, #tpu.memory_space<vmem>>) target_semaphore(%arg23 : memref<!tpu.dma_semaphore, #tpu.memory_space<semaphore_mem>>)
        %slice3A_1066 = vector.extract_strided_slice %get3A_271 {offsets = [15], sizes = [1], strides = [1]} : vector<16xi32> to vector<1xi32>
        %squeeze3A_1067 = vector.extract %slice3A_1066[0] : i32 from vector<1xi32>
        %dma_start3A_1068 = arith.constant 0 : i32
        %dma_start3A_1069 = tpu.memref_slice %arg14[%add3A_1055, %dma_start3A_1068] : memref<128x64xf32, #tpu.memory_space<vmem>> -> memref<1x64xf32, #tpu.memory_space<vmem>>
        %dma_start3A_1070 = arith.constant 0 : i32
        %dma_start3A_1071 = tpu.memref_slice %arg6[%squeeze3A_1067, %dma_start3A_1070] : memref<1000000x64xf32, #tpu.memory_space<hbm>> -> memref<1x64xf32, #tpu.memory_space<hbm>>
        %dma_start3A_1072 = arith.constant 0 : i32
        %dma_start3A_1073 = tpu.memref_slice %arg14[%add3A_1055, %dma_start3A_1072] : memref<128x64xf32, #tpu.memory_space<vmem>> -> memref<1x64xf32, #tpu.memory_space<vmem>>
        %dma_start3A_1074 = arith.constant 0 : i32
        %dma_start3A_1075 = tpu.memref_slice %arg6[%squeeze3A_1067, %dma_start3A_1074] : memref<1000000x64xf32, #tpu.memory_space<hbm>> -> memref<1x64xf32, #tpu.memory_space<hbm>>
        tpu.enqueue_dma source(%dma_start3A_1075 : memref<1x64xf32, #tpu.memory_space<hbm>>) target(%dma_start3A_1073 : memref<1x64xf32, #tpu.memory_space<vmem>>) target_semaphore(%arg23 : memref<!tpu.dma_semaphore, #tpu.memory_space<semaphore_mem>>)
        %slice3A_1076 = vector.extract_strided_slice %get3A_274 {offsets = [15], sizes = [1], strides = [1]} : vector<16xi32> to vector<1xi32>
        %squeeze3A_1077 = vector.extract %slice3A_1076[0] : i32 from vector<1xi32>
        %dma_start3A_1078 = arith.constant 0 : i32
        %dma_start3A_1079 = tpu.memref_slice %arg15[%add3A_1055, %dma_start3A_1078] : memref<128x64xf32, #tpu.memory_space<vmem>> -> memref<1x64xf32, #tpu.memory_space<vmem>>
        %dma_start3A_1080 = arith.constant 0 : i32
        %dma_start3A_1081 = tpu.memref_slice %arg6[%squeeze3A_1077, %dma_start3A_1080] : memref<1000000x64xf32, #tpu.memory_space<hbm>> -> memref<1x64xf32, #tpu.memory_space<hbm>>
        %dma_start3A_1082 = arith.constant 0 : i32
        %dma_start3A_1083 = tpu.memref_slice %arg15[%add3A_1055, %dma_start3A_1082] : memref<128x64xf32, #tpu.memory_space<vmem>> -> memref<1x64xf32, #tpu.memory_space<vmem>>
        %dma_start3A_1084 = arith.constant 0 : i32
        %dma_start3A_1085 = tpu.memref_slice %arg6[%squeeze3A_1077, %dma_start3A_1084] : memref<1000000x64xf32, #tpu.memory_space<hbm>> -> memref<1x64xf32, #tpu.memory_space<hbm>>
        tpu.enqueue_dma source(%dma_start3A_1085 : memref<1x64xf32, #tpu.memory_space<hbm>>) target(%dma_start3A_1083 : memref<1x64xf32, #tpu.memory_space<vmem>>) target_semaphore(%arg23 : memref<!tpu.dma_semaphore, #tpu.memory_space<semaphore_mem>>)
        %slice3A_1086 = vector.extract_strided_slice %get3A_271 {offsets = [15], sizes = [1], strides = [1]} : vector<16xi32> to vector<1xi32>
        %squeeze3A_1087 = vector.extract %slice3A_1086[0] : i32 from vector<1xi32>
        %dma_start3A_1088 = arith.constant 0 : i32
        %dma_start3A_1089 = tpu.memref_slice %arg16[%add3A_1055, %dma_start3A_1088] : memref<128x1xf32, #tpu.memory_space<vmem>> -> memref<1x1xf32, #tpu.memory_space<vmem>>
        %dma_start3A_1090 = arith.constant 0 : i32
        %dma_start3A_1091 = tpu.memref_slice %arg7[%squeeze3A_1087, %dma_start3A_1090] : memref<1000000x1xf32, #tpu.memory_space<hbm>> -> memref<1x1xf32, #tpu.memory_space<hbm>>
        %dma_start3A_1092 = arith.constant 0 : i32
        %dma_start3A_1093 = tpu.memref_slice %arg16[%add3A_1055, %dma_start3A_1092] : memref<128x1xf32, #tpu.memory_space<vmem>> -> memref<1x1xf32, #tpu.memory_space<vmem>>
        %dma_start3A_1094 = arith.constant 0 : i32
        %dma_start3A_1095 = tpu.memref_slice %arg7[%squeeze3A_1087, %dma_start3A_1094] : memref<1000000x1xf32, #tpu.memory_space<hbm>> -> memref<1x1xf32, #tpu.memory_space<hbm>>
        tpu.enqueue_dma source(%dma_start3A_1095 : memref<1x1xf32, #tpu.memory_space<hbm>>) target(%dma_start3A_1093 : memref<1x1xf32, #tpu.memory_space<vmem>>) target_semaphore(%arg23 : memref<!tpu.dma_semaphore, #tpu.memory_space<semaphore_mem>>)
        %slice3A_1096 = vector.extract_strided_slice %get3A_274 {offsets = [15], sizes = [1], strides = [1]} : vector<16xi32> to vector<1xi32>
        %squeeze3A_1097 = vector.extract %slice3A_1096[0] : i32 from vector<1xi32>
        %dma_start3A_1098 = arith.constant 0 : i32
        %dma_start3A_1099 = tpu.memref_slice %arg17[%add3A_1055, %dma_start3A_1098] : memref<128x1xf32, #tpu.memory_space<vmem>> -> memref<1x1xf32, #tpu.memory_space<vmem>>
        %dma_start3A_1100 = arith.constant 0 : i32
        %dma_start3A_1101 = tpu.memref_slice %arg7[%squeeze3A_1097, %dma_start3A_1100] : memref<1000000x1xf32, #tpu.memory_space<hbm>> -> memref<1x1xf32, #tpu.memory_space<hbm>>
        %dma_start3A_1102 = arith.constant 0 : i32
        %dma_start3A_1103 = tpu.memref_slice %arg17[%add3A_1055, %dma_start3A_1102] : memref<128x1xf32, #tpu.memory_space<vmem>> -> memref<1x1xf32, #tpu.memory_space<vmem>>
        %dma_start3A_1104 = arith.constant 0 : i32
        %dma_start3A_1105 = tpu.memref_slice %arg7[%squeeze3A_1097, %dma_start3A_1104] : memref<1000000x1xf32, #tpu.memory_space<hbm>> -> memref<1x1xf32, #tpu.memory_space<hbm>>
        tpu.enqueue_dma source(%dma_start3A_1105 : memref<1x1xf32, #tpu.memory_space<hbm>>) target(%dma_start3A_1103 : memref<1x1xf32, #tpu.memory_space<vmem>>) target_semaphore(%arg23 : memref<!tpu.dma_semaphore, #tpu.memory_space<semaphore_mem>>)
      }
      %scan3A_13 = arith.constant 8 : i32
      %dma_wait3A = arith.constant 0 : i32
      %dma_wait3A_14 = arith.constant 0 : i32
      %dma_wait3A_15 = tpu.memref_slice %arg13[%dma_wait3A, %dma_wait3A_14] : memref<128x64xf32, #tpu.memory_space<vmem>> -> memref<32x64xf32, #tpu.memory_space<vmem>>
      %dma_wait3A_16 = arith.constant 0 : i32
      %dma_wait3A_17 = arith.constant 0 : i32
      %dma_wait3A_18 = tpu.memref_slice %arg5[%dma_wait3A_16, %dma_wait3A_17] : memref<1000000x64xf32, #tpu.memory_space<hbm>> -> memref<32x64xf32, #tpu.memory_space<hbm>>
      %dma_wait3A_19 = arith.constant 0 : i32
      %dma_wait3A_20 = arith.constant 0 : i32
      %dma_wait3A_21 = tpu.memref_slice %arg13[%dma_wait3A_19, %dma_wait3A_20] : memref<128x64xf32, #tpu.memory_space<vmem>> -> memref<32x64xf32, #tpu.memory_space<vmem>>
      %dma_wait3A_22 = arith.constant 0 : i32
      %dma_wait3A_23 = arith.constant 0 : i32
      %dma_wait3A_24 = tpu.memref_slice %arg5[%dma_wait3A_22, %dma_wait3A_23] : memref<1000000x64xf32, #tpu.memory_space<hbm>> -> memref<32x64xf32, #tpu.memory_space<hbm>>
      tpu.wait_dma2 semaphore(%arg20 : memref<!tpu.dma_semaphore, #tpu.memory_space<semaphore_mem>>) src(%dma_wait3A_24 : memref<32x64xf32, #tpu.memory_space<hbm>>) dst(%dma_wait3A_21 : memref<32x64xf32, #tpu.memory_space<vmem>>)
      %dma_wait3A_25 = arith.constant 0 : i32
      %dma_wait3A_26 = arith.constant 0 : i32
      %dma_wait3A_27 = tpu.memref_slice %arg14[%dma_wait3A_25, %dma_wait3A_26] : memref<128x64xf32, #tpu.memory_space<vmem>> -> memref<32x64xf32, #tpu.memory_space<vmem>>
      %dma_wait3A_28 = arith.constant 0 : i32
      %dma_wait3A_29 = arith.constant 0 : i32
      %dma_wait3A_30 = tpu.memref_slice %arg6[%dma_wait3A_28, %dma_wait3A_29] : memref<1000000x64xf32, #tpu.memory_space<hbm>> -> memref<32x64xf32, #tpu.memory_space<hbm>>
      %dma_wait3A_31 = arith.constant 0 : i32
      %dma_wait3A_32 = arith.constant 0 : i32
      %dma_wait3A_33 = tpu.memref_slice %arg14[%dma_wait3A_31, %dma_wait3A_32] : memref<128x64xf32, #tpu.memory_space<vmem>> -> memref<32x64xf32, #tpu.memory_space<vmem>>
      %dma_wait3A_34 = arith.constant 0 : i32
      %dma_wait3A_35 = arith.constant 0 : i32
      %dma_wait3A_36 = tpu.memref_slice %arg6[%dma_wait3A_34, %dma_wait3A_35] : memref<1000000x64xf32, #tpu.memory_space<hbm>> -> memref<32x64xf32, #tpu.memory_space<hbm>>
      tpu.wait_dma2 semaphore(%arg20 : memref<!tpu.dma_semaphore, #tpu.memory_space<semaphore_mem>>) src(%dma_wait3A_36 : memref<32x64xf32, #tpu.memory_space<hbm>>) dst(%dma_wait3A_33 : memref<32x64xf32, #tpu.memory_space<vmem>>)
      %dma_wait3A_37 = arith.constant 0 : i32
      %dma_wait3A_38 = arith.constant 0 : i32
      %dma_wait3A_39 = tpu.memref_slice %arg15[%dma_wait3A_37, %dma_wait3A_38] : memref<128x64xf32, #tpu.memory_space<vmem>> -> memref<32x64xf32, #tpu.memory_space<vmem>>
      %dma_wait3A_40 = arith.constant 0 : i32
      %dma_wait3A_41 = arith.constant 0 : i32
      %dma_wait3A_42 = tpu.memref_slice %arg6[%dma_wait3A_40, %dma_wait3A_41] : memref<1000000x64xf32, #tpu.memory_space<hbm>> -> memref<32x64xf32, #tpu.memory_space<hbm>>
      %dma_wait3A_43 = arith.constant 0 : i32
      %dma_wait3A_44 = arith.constant 0 : i32
      %dma_wait3A_45 = tpu.memref_slice %arg15[%dma_wait3A_43, %dma_wait3A_44] : memref<128x64xf32, #tpu.memory_space<vmem>> -> memref<32x64xf32, #tpu.memory_space<vmem>>
      %dma_wait3A_46 = arith.constant 0 : i32
      %dma_wait3A_47 = arith.constant 0 : i32
      %dma_wait3A_48 = tpu.memref_slice %arg6[%dma_wait3A_46, %dma_wait3A_47] : memref<1000000x64xf32, #tpu.memory_space<hbm>> -> memref<32x64xf32, #tpu.memory_space<hbm>>
      tpu.wait_dma2 semaphore(%arg20 : memref<!tpu.dma_semaphore, #tpu.memory_space<semaphore_mem>>) src(%dma_wait3A_48 : memref<32x64xf32, #tpu.memory_space<hbm>>) dst(%dma_wait3A_45 : memref<32x64xf32, #tpu.memory_space<vmem>>)
      %dma_wait3A_49 = arith.constant 0 : i32
      %dma_wait3A_50 = arith.constant 0 : i32
      %dma_wait3A_51 = tpu.memref_slice %arg16[%dma_wait3A_49, %dma_wait3A_50] : memref<128x1xf32, #tpu.memory_space<vmem>> -> memref<32x1xf32, #tpu.memory_space<vmem>>
      %dma_wait3A_52 = arith.constant 0 : i32
      %dma_wait3A_53 = arith.constant 0 : i32
      %dma_wait3A_54 = tpu.memref_slice %arg7[%dma_wait3A_52, %dma_wait3A_53] : memref<1000000x1xf32, #tpu.memory_space<hbm>> -> memref<32x1xf32, #tpu.memory_space<hbm>>
      %dma_wait3A_55 = arith.constant 0 : i32
      %dma_wait3A_56 = arith.constant 0 : i32
      %dma_wait3A_57 = tpu.memref_slice %arg16[%dma_wait3A_55, %dma_wait3A_56] : memref<128x1xf32, #tpu.memory_space<vmem>> -> memref<32x1xf32, #tpu.memory_space<vmem>>
      %dma_wait3A_58 = arith.constant 0 : i32
      %dma_wait3A_59 = arith.constant 0 : i32
      %dma_wait3A_60 = tpu.memref_slice %arg7[%dma_wait3A_58, %dma_wait3A_59] : memref<1000000x1xf32, #tpu.memory_space<hbm>> -> memref<32x1xf32, #tpu.memory_space<hbm>>
      tpu.wait_dma2 semaphore(%arg20 : memref<!tpu.dma_semaphore, #tpu.memory_space<semaphore_mem>>) src(%dma_wait3A_60 : memref<32x1xf32, #tpu.memory_space<hbm>>) dst(%dma_wait3A_57 : memref<32x1xf32, #tpu.memory_space<vmem>>)
      %dma_wait3A_61 = arith.constant 0 : i32
      %dma_wait3A_62 = arith.constant 0 : i32
      %dma_wait3A_63 = tpu.memref_slice %arg17[%dma_wait3A_61, %dma_wait3A_62] : memref<128x1xf32, #tpu.memory_space<vmem>> -> memref<32x1xf32, #tpu.memory_space<vmem>>
      %dma_wait3A_64 = arith.constant 0 : i32
      %dma_wait3A_65 = arith.constant 0 : i32
      %dma_wait3A_66 = tpu.memref_slice %arg7[%dma_wait3A_64, %dma_wait3A_65] : memref<1000000x1xf32, #tpu.memory_space<hbm>> -> memref<32x1xf32, #tpu.memory_space<hbm>>
      %dma_wait3A_67 = arith.constant 0 : i32
      %dma_wait3A_68 = arith.constant 0 : i32
      %dma_wait3A_69 = tpu.memref_slice %arg17[%dma_wait3A_67, %dma_wait3A_68] : memref<128x1xf32, #tpu.memory_space<vmem>> -> memref<32x1xf32, #tpu.memory_space<vmem>>
      %dma_wait3A_70 = arith.constant 0 : i32
      %dma_wait3A_71 = arith.constant 0 : i32
      %dma_wait3A_72 = tpu.memref_slice %arg7[%dma_wait3A_70, %dma_wait3A_71] : memref<1000000x1xf32, #tpu.memory_space<hbm>> -> memref<32x1xf32, #tpu.memory_space<hbm>>
      tpu.wait_dma2 semaphore(%arg20 : memref<!tpu.dma_semaphore, #tpu.memory_space<semaphore_mem>>) src(%dma_wait3A_72 : memref<32x1xf32, #tpu.memory_space<hbm>>) dst(%dma_wait3A_69 : memref<32x1xf32, #tpu.memory_space<vmem>>)
      %dma_wait3A_73 = arith.constant 0 : i32
      %dma_wait3A_74 = arith.constant 0 : i32
      %dma_wait3A_75 = tpu.memref_slice %arg13[%dma_wait3A_73, %dma_wait3A_74] : memref<128x64xf32, #tpu.memory_space<vmem>> -> memref<32x64xf32, #tpu.memory_space<vmem>>
      %dma_wait3A_76 = arith.constant 0 : i32
      %dma_wait3A_77 = arith.constant 0 : i32
      %dma_wait3A_78 = tpu.memref_slice %arg5[%dma_wait3A_76, %dma_wait3A_77] : memref<1000000x64xf32, #tpu.memory_space<hbm>> -> memref<32x64xf32, #tpu.memory_space<hbm>>
      %dma_wait3A_79 = arith.constant 0 : i32
      %dma_wait3A_80 = arith.constant 0 : i32
      %dma_wait3A_81 = tpu.memref_slice %arg13[%dma_wait3A_79, %dma_wait3A_80] : memref<128x64xf32, #tpu.memory_space<vmem>> -> memref<32x64xf32, #tpu.memory_space<vmem>>
      %dma_wait3A_82 = arith.constant 0 : i32
      %dma_wait3A_83 = arith.constant 0 : i32
      %dma_wait3A_84 = tpu.memref_slice %arg5[%dma_wait3A_82, %dma_wait3A_83] : memref<1000000x64xf32, #tpu.memory_space<hbm>> -> memref<32x64xf32, #tpu.memory_space<hbm>>
      tpu.wait_dma2 semaphore(%arg21 : memref<!tpu.dma_semaphore, #tpu.memory_space<semaphore_mem>>) src(%dma_wait3A_84 : memref<32x64xf32, #tpu.memory_space<hbm>>) dst(%dma_wait3A_81 : memref<32x64xf32, #tpu.memory_space<vmem>>)
      %dma_wait3A_85 = arith.constant 0 : i32
      %dma_wait3A_86 = arith.constant 0 : i32
      %dma_wait3A_87 = tpu.memref_slice %arg14[%dma_wait3A_85, %dma_wait3A_86] : memref<128x64xf32, #tpu.memory_space<vmem>> -> memref<32x64xf32, #tpu.memory_space<vmem>>
      %dma_wait3A_88 = arith.constant 0 : i32
      %dma_wait3A_89 = arith.constant 0 : i32
      %dma_wait3A_90 = tpu.memref_slice %arg6[%dma_wait3A_88, %dma_wait3A_89] : memref<1000000x64xf32, #tpu.memory_space<hbm>> -> memref<32x64xf32, #tpu.memory_space<hbm>>
      %dma_wait3A_91 = arith.constant 0 : i32
      %dma_wait3A_92 = arith.constant 0 : i32
      %dma_wait3A_93 = tpu.memref_slice %arg14[%dma_wait3A_91, %dma_wait3A_92] : memref<128x64xf32, #tpu.memory_space<vmem>> -> memref<32x64xf32, #tpu.memory_space<vmem>>
      %dma_wait3A_94 = arith.constant 0 : i32
      %dma_wait3A_95 = arith.constant 0 : i32
      %dma_wait3A_96 = tpu.memref_slice %arg6[%dma_wait3A_94, %dma_wait3A_95] : memref<1000000x64xf32, #tpu.memory_space<hbm>> -> memref<32x64xf32, #tpu.memory_space<hbm>>
      tpu.wait_dma2 semaphore(%arg21 : memref<!tpu.dma_semaphore, #tpu.memory_space<semaphore_mem>>) src(%dma_wait3A_96 : memref<32x64xf32, #tpu.memory_space<hbm>>) dst(%dma_wait3A_93 : memref<32x64xf32, #tpu.memory_space<vmem>>)
      %dma_wait3A_97 = arith.constant 0 : i32
      %dma_wait3A_98 = arith.constant 0 : i32
      %dma_wait3A_99 = tpu.memref_slice %arg15[%dma_wait3A_97, %dma_wait3A_98] : memref<128x64xf32, #tpu.memory_space<vmem>> -> memref<32x64xf32, #tpu.memory_space<vmem>>
      %dma_wait3A_100 = arith.constant 0 : i32
      %dma_wait3A_101 = arith.constant 0 : i32
      %dma_wait3A_102 = tpu.memref_slice %arg6[%dma_wait3A_100, %dma_wait3A_101] : memref<1000000x64xf32, #tpu.memory_space<hbm>> -> memref<32x64xf32, #tpu.memory_space<hbm>>
      %dma_wait3A_103 = arith.constant 0 : i32
      %dma_wait3A_104 = arith.constant 0 : i32
      %dma_wait3A_105 = tpu.memref_slice %arg15[%dma_wait3A_103, %dma_wait3A_104] : memref<128x64xf32, #tpu.memory_space<vmem>> -> memref<32x64xf32, #tpu.memory_space<vmem>>
      %dma_wait3A_106 = arith.constant 0 : i32
      %dma_wait3A_107 = arith.constant 0 : i32
      %dma_wait3A_108 = tpu.memref_slice %arg6[%dma_wait3A_106, %dma_wait3A_107] : memref<1000000x64xf32, #tpu.memory_space<hbm>> -> memref<32x64xf32, #tpu.memory_space<hbm>>
      tpu.wait_dma2 semaphore(%arg21 : memref<!tpu.dma_semaphore, #tpu.memory_space<semaphore_mem>>) src(%dma_wait3A_108 : memref<32x64xf32, #tpu.memory_space<hbm>>) dst(%dma_wait3A_105 : memref<32x64xf32, #tpu.memory_space<vmem>>)
      %dma_wait3A_109 = arith.constant 0 : i32
      %dma_wait3A_110 = arith.constant 0 : i32
      %dma_wait3A_111 = tpu.memref_slice %arg16[%dma_wait3A_109, %dma_wait3A_110] : memref<128x1xf32, #tpu.memory_space<vmem>> -> memref<32x1xf32, #tpu.memory_space<vmem>>
      %dma_wait3A_112 = arith.constant 0 : i32
      %dma_wait3A_113 = arith.constant 0 : i32
      %dma_wait3A_114 = tpu.memref_slice %arg7[%dma_wait3A_112, %dma_wait3A_113] : memref<1000000x1xf32, #tpu.memory_space<hbm>> -> memref<32x1xf32, #tpu.memory_space<hbm>>
      %dma_wait3A_115 = arith.constant 0 : i32
      %dma_wait3A_116 = arith.constant 0 : i32
      %dma_wait3A_117 = tpu.memref_slice %arg16[%dma_wait3A_115, %dma_wait3A_116] : memref<128x1xf32, #tpu.memory_space<vmem>> -> memref<32x1xf32, #tpu.memory_space<vmem>>
      %dma_wait3A_118 = arith.constant 0 : i32
      %dma_wait3A_119 = arith.constant 0 : i32
      %dma_wait3A_120 = tpu.memref_slice %arg7[%dma_wait3A_118, %dma_wait3A_119] : memref<1000000x1xf32, #tpu.memory_space<hbm>> -> memref<32x1xf32, #tpu.memory_space<hbm>>
      tpu.wait_dma2 semaphore(%arg21 : memref<!tpu.dma_semaphore, #tpu.memory_space<semaphore_mem>>) src(%dma_wait3A_120 : memref<32x1xf32, #tpu.memory_space<hbm>>) dst(%dma_wait3A_117 : memref<32x1xf32, #tpu.memory_space<vmem>>)
      %dma_wait3A_121 = arith.constant 0 : i32
      %dma_wait3A_122 = arith.constant 0 : i32
      %dma_wait3A_123 = tpu.memref_slice %arg17[%dma_wait3A_121, %dma_wait3A_122] : memref<128x1xf32, #tpu.memory_space<vmem>> -> memref<32x1xf32, #tpu.memory_space<vmem>>
      %dma_wait3A_124 = arith.constant 0 : i32
      %dma_wait3A_125 = arith.constant 0 : i32
      %dma_wait3A_126 = tpu.memref_slice %arg7[%dma_wait3A_124, %dma_wait3A_125] : memref<1000000x1xf32, #tpu.memory_space<hbm>> -> memref<32x1xf32, #tpu.memory_space<hbm>>
      %dma_wait3A_127 = arith.constant 0 : i32
      %dma_wait3A_128 = arith.constant 0 : i32
      %dma_wait3A_129 = tpu.memref_slice %arg17[%dma_wait3A_127, %dma_wait3A_128] : memref<128x1xf32, #tpu.memory_space<vmem>> -> memref<32x1xf32, #tpu.memory_space<vmem>>
      %dma_wait3A_130 = arith.constant 0 : i32
      %dma_wait3A_131 = arith.constant 0 : i32
      %dma_wait3A_132 = tpu.memref_slice %arg7[%dma_wait3A_130, %dma_wait3A_131] : memref<1000000x1xf32, #tpu.memory_space<hbm>> -> memref<32x1xf32, #tpu.memory_space<hbm>>
      tpu.wait_dma2 semaphore(%arg21 : memref<!tpu.dma_semaphore, #tpu.memory_space<semaphore_mem>>) src(%dma_wait3A_132 : memref<32x1xf32, #tpu.memory_space<hbm>>) dst(%dma_wait3A_129 : memref<32x1xf32, #tpu.memory_space<vmem>>)
      %dma_wait3A_133 = arith.constant 0 : i32
      %dma_wait3A_134 = arith.constant 0 : i32
      %dma_wait3A_135 = tpu.memref_slice %arg13[%dma_wait3A_133, %dma_wait3A_134] : memref<128x64xf32, #tpu.memory_space<vmem>> -> memref<32x64xf32, #tpu.memory_space<vmem>>
      %dma_wait3A_136 = arith.constant 0 : i32
      %dma_wait3A_137 = arith.constant 0 : i32
      %dma_wait3A_138 = tpu.memref_slice %arg5[%dma_wait3A_136, %dma_wait3A_137] : memref<1000000x64xf32, #tpu.memory_space<hbm>> -> memref<32x64xf32, #tpu.memory_space<hbm>>
      %dma_wait3A_139 = arith.constant 0 : i32
      %dma_wait3A_140 = arith.constant 0 : i32
      %dma_wait3A_141 = tpu.memref_slice %arg13[%dma_wait3A_139, %dma_wait3A_140] : memref<128x64xf32, #tpu.memory_space<vmem>> -> memref<32x64xf32, #tpu.memory_space<vmem>>
      %dma_wait3A_142 = arith.constant 0 : i32
      %dma_wait3A_143 = arith.constant 0 : i32
      %dma_wait3A_144 = tpu.memref_slice %arg5[%dma_wait3A_142, %dma_wait3A_143] : memref<1000000x64xf32, #tpu.memory_space<hbm>> -> memref<32x64xf32, #tpu.memory_space<hbm>>
      tpu.wait_dma2 semaphore(%arg22 : memref<!tpu.dma_semaphore, #tpu.memory_space<semaphore_mem>>) src(%dma_wait3A_144 : memref<32x64xf32, #tpu.memory_space<hbm>>) dst(%dma_wait3A_141 : memref<32x64xf32, #tpu.memory_space<vmem>>)
      %dma_wait3A_145 = arith.constant 0 : i32
      %dma_wait3A_146 = arith.constant 0 : i32
      %dma_wait3A_147 = tpu.memref_slice %arg14[%dma_wait3A_145, %dma_wait3A_146] : memref<128x64xf32, #tpu.memory_space<vmem>> -> memref<32x64xf32, #tpu.memory_space<vmem>>
      %dma_wait3A_148 = arith.constant 0 : i32
      %dma_wait3A_149 = arith.constant 0 : i32
      %dma_wait3A_150 = tpu.memref_slice %arg6[%dma_wait3A_148, %dma_wait3A_149] : memref<1000000x64xf32, #tpu.memory_space<hbm>> -> memref<32x64xf32, #tpu.memory_space<hbm>>
      %dma_wait3A_151 = arith.constant 0 : i32
      %dma_wait3A_152 = arith.constant 0 : i32
      %dma_wait3A_153 = tpu.memref_slice %arg14[%dma_wait3A_151, %dma_wait3A_152] : memref<128x64xf32, #tpu.memory_space<vmem>> -> memref<32x64xf32, #tpu.memory_space<vmem>>
      %dma_wait3A_154 = arith.constant 0 : i32
      %dma_wait3A_155 = arith.constant 0 : i32
      %dma_wait3A_156 = tpu.memref_slice %arg6[%dma_wait3A_154, %dma_wait3A_155] : memref<1000000x64xf32, #tpu.memory_space<hbm>> -> memref<32x64xf32, #tpu.memory_space<hbm>>
      tpu.wait_dma2 semaphore(%arg22 : memref<!tpu.dma_semaphore, #tpu.memory_space<semaphore_mem>>) src(%dma_wait3A_156 : memref<32x64xf32, #tpu.memory_space<hbm>>) dst(%dma_wait3A_153 : memref<32x64xf32, #tpu.memory_space<vmem>>)
      %dma_wait3A_157 = arith.constant 0 : i32
      %dma_wait3A_158 = arith.constant 0 : i32
      %dma_wait3A_159 = tpu.memref_slice %arg15[%dma_wait3A_157, %dma_wait3A_158] : memref<128x64xf32, #tpu.memory_space<vmem>> -> memref<32x64xf32, #tpu.memory_space<vmem>>
      %dma_wait3A_160 = arith.constant 0 : i32
      %dma_wait3A_161 = arith.constant 0 : i32
      %dma_wait3A_162 = tpu.memref_slice %arg6[%dma_wait3A_160, %dma_wait3A_161] : memref<1000000x64xf32, #tpu.memory_space<hbm>> -> memref<32x64xf32, #tpu.memory_space<hbm>>
      %dma_wait3A_163 = arith.constant 0 : i32
      %dma_wait3A_164 = arith.constant 0 : i32
      %dma_wait3A_165 = tpu.memref_slice %arg15[%dma_wait3A_163, %dma_wait3A_164] : memref<128x64xf32, #tpu.memory_space<vmem>> -> memref<32x64xf32, #tpu.memory_space<vmem>>
      %dma_wait3A_166 = arith.constant 0 : i32
      %dma_wait3A_167 = arith.constant 0 : i32
      %dma_wait3A_168 = tpu.memref_slice %arg6[%dma_wait3A_166, %dma_wait3A_167] : memref<1000000x64xf32, #tpu.memory_space<hbm>> -> memref<32x64xf32, #tpu.memory_space<hbm>>
      tpu.wait_dma2 semaphore(%arg22 : memref<!tpu.dma_semaphore, #tpu.memory_space<semaphore_mem>>) src(%dma_wait3A_168 : memref<32x64xf32, #tpu.memory_space<hbm>>) dst(%dma_wait3A_165 : memref<32x64xf32, #tpu.memory_space<vmem>>)
      %dma_wait3A_169 = arith.constant 0 : i32
      %dma_wait3A_170 = arith.constant 0 : i32
      %dma_wait3A_171 = tpu.memref_slice %arg16[%dma_wait3A_169, %dma_wait3A_170] : memref<128x1xf32, #tpu.memory_space<vmem>> -> memref<32x1xf32, #tpu.memory_space<vmem>>
      %dma_wait3A_172 = arith.constant 0 : i32
      %dma_wait3A_173 = arith.constant 0 : i32
      %dma_wait3A_174 = tpu.memref_slice %arg7[%dma_wait3A_172, %dma_wait3A_173] : memref<1000000x1xf32, #tpu.memory_space<hbm>> -> memref<32x1xf32, #tpu.memory_space<hbm>>
      %dma_wait3A_175 = arith.constant 0 : i32
      %dma_wait3A_176 = arith.constant 0 : i32
      %dma_wait3A_177 = tpu.memref_slice %arg16[%dma_wait3A_175, %dma_wait3A_176] : memref<128x1xf32, #tpu.memory_space<vmem>> -> memref<32x1xf32, #tpu.memory_space<vmem>>
      %dma_wait3A_178 = arith.constant 0 : i32
      %dma_wait3A_179 = arith.constant 0 : i32
      %dma_wait3A_180 = tpu.memref_slice %arg7[%dma_wait3A_178, %dma_wait3A_179] : memref<1000000x1xf32, #tpu.memory_space<hbm>> -> memref<32x1xf32, #tpu.memory_space<hbm>>
      tpu.wait_dma2 semaphore(%arg22 : memref<!tpu.dma_semaphore, #tpu.memory_space<semaphore_mem>>) src(%dma_wait3A_180 : memref<32x1xf32, #tpu.memory_space<hbm>>) dst(%dma_wait3A_177 : memref<32x1xf32, #tpu.memory_space<vmem>>)
      %dma_wait3A_181 = arith.constant 0 : i32
      %dma_wait3A_182 = arith.constant 0 : i32
      %dma_wait3A_183 = tpu.memref_slice %arg17[%dma_wait3A_181, %dma_wait3A_182] : memref<128x1xf32, #tpu.memory_space<vmem>> -> memref<32x1xf32, #tpu.memory_space<vmem>>
      %dma_wait3A_184 = arith.constant 0 : i32
      %dma_wait3A_185 = arith.constant 0 : i32
      %dma_wait3A_186 = tpu.memref_slice %arg7[%dma_wait3A_184, %dma_wait3A_185] : memref<1000000x1xf32, #tpu.memory_space<hbm>> -> memref<32x1xf32, #tpu.memory_space<hbm>>
      %dma_wait3A_187 = arith.constant 0 : i32
      %dma_wait3A_188 = arith.constant 0 : i32
      %dma_wait3A_189 = tpu.memref_slice %arg17[%dma_wait3A_187, %dma_wait3A_188] : memref<128x1xf32, #tpu.memory_space<vmem>> -> memref<32x1xf32, #tpu.memory_space<vmem>>
      %dma_wait3A_190 = arith.constant 0 : i32
      %dma_wait3A_191 = arith.constant 0 : i32
      %dma_wait3A_192 = tpu.memref_slice %arg7[%dma_wait3A_190, %dma_wait3A_191] : memref<1000000x1xf32, #tpu.memory_space<hbm>> -> memref<32x1xf32, #tpu.memory_space<hbm>>
      tpu.wait_dma2 semaphore(%arg22 : memref<!tpu.dma_semaphore, #tpu.memory_space<semaphore_mem>>) src(%dma_wait3A_192 : memref<32x1xf32, #tpu.memory_space<hbm>>) dst(%dma_wait3A_189 : memref<32x1xf32, #tpu.memory_space<vmem>>)
      %dma_wait3A_193 = arith.constant 0 : i32
      %dma_wait3A_194 = arith.constant 0 : i32
      %dma_wait3A_195 = tpu.memref_slice %arg13[%dma_wait3A_193, %dma_wait3A_194] : memref<128x64xf32, #tpu.memory_space<vmem>> -> memref<32x64xf32, #tpu.memory_space<vmem>>
      %dma_wait3A_196 = arith.constant 0 : i32
      %dma_wait3A_197 = arith.constant 0 : i32
      %dma_wait3A_198 = tpu.memref_slice %arg5[%dma_wait3A_196, %dma_wait3A_197] : memref<1000000x64xf32, #tpu.memory_space<hbm>> -> memref<32x64xf32, #tpu.memory_space<hbm>>
      %dma_wait3A_199 = arith.constant 0 : i32
      %dma_wait3A_200 = arith.constant 0 : i32
      %dma_wait3A_201 = tpu.memref_slice %arg13[%dma_wait3A_199, %dma_wait3A_200] : memref<128x64xf32, #tpu.memory_space<vmem>> -> memref<32x64xf32, #tpu.memory_space<vmem>>
      %dma_wait3A_202 = arith.constant 0 : i32
      %dma_wait3A_203 = arith.constant 0 : i32
      %dma_wait3A_204 = tpu.memref_slice %arg5[%dma_wait3A_202, %dma_wait3A_203] : memref<1000000x64xf32, #tpu.memory_space<hbm>> -> memref<32x64xf32, #tpu.memory_space<hbm>>
      tpu.wait_dma2 semaphore(%arg23 : memref<!tpu.dma_semaphore, #tpu.memory_space<semaphore_mem>>) src(%dma_wait3A_204 : memref<32x64xf32, #tpu.memory_space<hbm>>) dst(%dma_wait3A_201 : memref<32x64xf32, #tpu.memory_space<vmem>>)
      %dma_wait3A_205 = arith.constant 0 : i32
      %dma_wait3A_206 = arith.constant 0 : i32
      %dma_wait3A_207 = tpu.memref_slice %arg14[%dma_wait3A_205, %dma_wait3A_206] : memref<128x64xf32, #tpu.memory_space<vmem>> -> memref<32x64xf32, #tpu.memory_space<vmem>>
      %dma_wait3A_208 = arith.constant 0 : i32
      %dma_wait3A_209 = arith.constant 0 : i32
      %dma_wait3A_210 = tpu.memref_slice %arg6[%dma_wait3A_208, %dma_wait3A_209] : memref<1000000x64xf32, #tpu.memory_space<hbm>> -> memref<32x64xf32, #tpu.memory_space<hbm>>
      %dma_wait3A_211 = arith.constant 0 : i32
      %dma_wait3A_212 = arith.constant 0 : i32
      %dma_wait3A_213 = tpu.memref_slice %arg14[%dma_wait3A_211, %dma_wait3A_212] : memref<128x64xf32, #tpu.memory_space<vmem>> -> memref<32x64xf32, #tpu.memory_space<vmem>>
      %dma_wait3A_214 = arith.constant 0 : i32
      %dma_wait3A_215 = arith.constant 0 : i32
      %dma_wait3A_216 = tpu.memref_slice %arg6[%dma_wait3A_214, %dma_wait3A_215] : memref<1000000x64xf32, #tpu.memory_space<hbm>> -> memref<32x64xf32, #tpu.memory_space<hbm>>
      tpu.wait_dma2 semaphore(%arg23 : memref<!tpu.dma_semaphore, #tpu.memory_space<semaphore_mem>>) src(%dma_wait3A_216 : memref<32x64xf32, #tpu.memory_space<hbm>>) dst(%dma_wait3A_213 : memref<32x64xf32, #tpu.memory_space<vmem>>)
      %dma_wait3A_217 = arith.constant 0 : i32
      %dma_wait3A_218 = arith.constant 0 : i32
      %dma_wait3A_219 = tpu.memref_slice %arg15[%dma_wait3A_217, %dma_wait3A_218] : memref<128x64xf32, #tpu.memory_space<vmem>> -> memref<32x64xf32, #tpu.memory_space<vmem>>
      %dma_wait3A_220 = arith.constant 0 : i32
      %dma_wait3A_221 = arith.constant 0 : i32
      %dma_wait3A_222 = tpu.memref_slice %arg6[%dma_wait3A_220, %dma_wait3A_221] : memref<1000000x64xf32, #tpu.memory_space<hbm>> -> memref<32x64xf32, #tpu.memory_space<hbm>>
      %dma_wait3A_223 = arith.constant 0 : i32
      %dma_wait3A_224 = arith.constant 0 : i32
      %dma_wait3A_225 = tpu.memref_slice %arg15[%dma_wait3A_223, %dma_wait3A_224] : memref<128x64xf32, #tpu.memory_space<vmem>> -> memref<32x64xf32, #tpu.memory_space<vmem>>
      %dma_wait3A_226 = arith.constant 0 : i32
      %dma_wait3A_227 = arith.constant 0 : i32
      %dma_wait3A_228 = tpu.memref_slice %arg6[%dma_wait3A_226, %dma_wait3A_227] : memref<1000000x64xf32, #tpu.memory_space<hbm>> -> memref<32x64xf32, #tpu.memory_space<hbm>>
      tpu.wait_dma2 semaphore(%arg23 : memref<!tpu.dma_semaphore, #tpu.memory_space<semaphore_mem>>) src(%dma_wait3A_228 : memref<32x64xf32, #tpu.memory_space<hbm>>) dst(%dma_wait3A_225 : memref<32x64xf32, #tpu.memory_space<vmem>>)
      %dma_wait3A_229 = arith.constant 0 : i32
      %dma_wait3A_230 = arith.constant 0 : i32
      %dma_wait3A_231 = tpu.memref_slice %arg16[%dma_wait3A_229, %dma_wait3A_230] : memref<128x1xf32, #tpu.memory_space<vmem>> -> memref<32x1xf32, #tpu.memory_space<vmem>>
      %dma_wait3A_232 = arith.constant 0 : i32
      %dma_wait3A_233 = arith.constant 0 : i32
      %dma_wait3A_234 = tpu.memref_slice %arg7[%dma_wait3A_232, %dma_wait3A_233] : memref<1000000x1xf32, #tpu.memory_space<hbm>> -> memref<32x1xf32, #tpu.memory_space<hbm>>
      %dma_wait3A_235 = arith.constant 0 : i32
      %dma_wait3A_236 = arith.constant 0 : i32
      %dma_wait3A_237 = tpu.memref_slice %arg16[%dma_wait3A_235, %dma_wait3A_236] : memref<128x1xf32, #tpu.memory_space<vmem>> -> memref<32x1xf32, #tpu.memory_space<vmem>>
      %dma_wait3A_238 = arith.constant 0 : i32
      %dma_wait3A_239 = arith.constant 0 : i32
      %dma_wait3A_240 = tpu.memref_slice %arg7[%dma_wait3A_238, %dma_wait3A_239] : memref<1000000x1xf32, #tpu.memory_space<hbm>> -> memref<32x1xf32, #tpu.memory_space<hbm>>
      tpu.wait_dma2 semaphore(%arg23 : memref<!tpu.dma_semaphore, #tpu.memory_space<semaphore_mem>>) src(%dma_wait3A_240 : memref<32x1xf32, #tpu.memory_space<hbm>>) dst(%dma_wait3A_237 : memref<32x1xf32, #tpu.memory_space<vmem>>)
      %dma_wait3A_241 = arith.constant 0 : i32
      %dma_wait3A_242 = arith.constant 0 : i32
      %dma_wait3A_243 = tpu.memref_slice %arg17[%dma_wait3A_241, %dma_wait3A_242] : memref<128x1xf32, #tpu.memory_space<vmem>> -> memref<32x1xf32, #tpu.memory_space<vmem>>
      %dma_wait3A_244 = arith.constant 0 : i32
      %dma_wait3A_245 = arith.constant 0 : i32
      %dma_wait3A_246 = tpu.memref_slice %arg7[%dma_wait3A_244, %dma_wait3A_245] : memref<1000000x1xf32, #tpu.memory_space<hbm>> -> memref<32x1xf32, #tpu.memory_space<hbm>>
      %dma_wait3A_247 = arith.constant 0 : i32
      %dma_wait3A_248 = arith.constant 0 : i32
      %dma_wait3A_249 = tpu.memref_slice %arg17[%dma_wait3A_247, %dma_wait3A_248] : memref<128x1xf32, #tpu.memory_space<vmem>> -> memref<32x1xf32, #tpu.memory_space<vmem>>
      %dma_wait3A_250 = arith.constant 0 : i32
      %dma_wait3A_251 = arith.constant 0 : i32
      %dma_wait3A_252 = tpu.memref_slice %arg7[%dma_wait3A_250, %dma_wait3A_251] : memref<1000000x1xf32, #tpu.memory_space<hbm>> -> memref<32x1xf32, #tpu.memory_space<hbm>>
      tpu.wait_dma2 semaphore(%arg23 : memref<!tpu.dma_semaphore, #tpu.memory_space<semaphore_mem>>) src(%dma_wait3A_252 : memref<32x1xf32, #tpu.memory_space<hbm>>) dst(%dma_wait3A_249 : memref<32x1xf32, #tpu.memory_space<vmem>>)
      %scan3A_253 = arith.constant 0 : i32
      %scan3A_254 = arith.constant 0 : i32
      %scan3A_255 = arith.constant 8 : i32
      %scan3A_256 = arith.addi %scan3A_254, %scan3A_255 : i32
      %scan3A_257 = arith.constant 1 : i32
      scf.for %scan3A_259 = %scan3A_254 to %scan3A_256 step %scan3A_257  : i32 {
        %mul3A_260 = arith.constant 8 : i32
        %mul3A_261 = arith.muli %scan3A_7, %mul3A_260 : i32
        %add3A_262 = arith.addi %mul3A_261, %scan3A_259 : i32
        %shift_right_logical3A = arith.constant 2 : i32
        %shift_right_logical3A_263 = arith.shrui %add3A_262, %shift_right_logical3A : i32
        %and3A = arith.constant 3 : i32
        %and3A_264 = arith.andi %add3A_262, %and3A : i32
        %mul3A_265 = arith.constant 16 : i32
        %mul3A_266 = arith.muli %and3A_264, %mul3A_265 : i32
        %mul3A_267 = arith.constant 16 : i32
        %mul3A_268 = arith.muli %scan3A_259, %mul3A_267 : i32
        %add3A_269 = vector.broadcast %mul3A_268 : i32 to vector<16xi32>
        %add3A_270 = arith.addi %add3A_269, %iota3A : vector<16xi32>
        %gather3A = tpu.vector_load_idx %arg16[%add3A_270, %broadcast_in_dim3A_1] : memref<128x1xf32, #tpu.memory_space<vmem>>[vector<16xi32>, vector<16xi32>], vector<16xf32>,
        %gather3A_271 = tpu.vector_load_idx %arg17[%add3A_270, %broadcast_in_dim3A_1] : memref<128x1xf32, #tpu.memory_space<vmem>>[vector<16xi32>, vector<16xi32>], vector<16xf32>,
        %broadcast_in_dim3A_272 = arith.constant 0 : i32
        %broadcast_in_dim3A_273 = vector.broadcast %broadcast_in_dim3A_272 : i32 to vector<16xi32>
        %gather3A_274 = tpu.vector_load_idx %arg13[%add3A_270, %broadcast_in_dim3A_273] : memref<128x64xf32, #tpu.memory_space<vmem>>[vector<16xi32>, vector<16xi32>], vector<16xf32>,
        %gather3A_275 = tpu.vector_load_idx %arg14[%add3A_270, %broadcast_in_dim3A_273] : memref<128x64xf32, #tpu.memory_space<vmem>>[vector<16xi32>, vector<16xi32>], vector<16xf32>,
        %gather3A_276 = tpu.vector_load_idx %arg15[%add3A_270, %broadcast_in_dim3A_273] : memref<128x64xf32, #tpu.memory_space<vmem>>[vector<16xi32>, vector<16xi32>], vector<16xf32>,
        %mul3A_277 = arith.mulf %gather3A_274, %gather3A_275 : vector<16xf32>
        %add3A_278 = arith.addf %gather3A, %mul3A_277 : vector<16xf32>
        %mul3A_279 = arith.mulf %gather3A_274, %gather3A_276 : vector<16xf32>
        %add3A_280 = arith.addf %gather3A_271, %mul3A_279 : vector<16xf32>
        %broadcast_in_dim3A_281 = arith.constant 1 : i32
        %broadcast_in_dim3A_282 = vector.broadcast %broadcast_in_dim3A_281 : i32 to vector<16xi32>
        %gather3A_283 = tpu.vector_load_idx %arg13[%add3A_270, %broadcast_in_dim3A_282] : memref<128x64xf32, #tpu.memory_space<vmem>>[vector<16xi32>, vector<16xi32>], vector<16xf32>,
        %gather3A_284 = tpu.vector_load_idx %arg14[%add3A_270, %broadcast_in_dim3A_282] : memref<128x64xf32, #tpu.memory_space<vmem>>[vector<16xi32>, vector<16xi32>], vector<16xf32>,
        %gather3A_285 = tpu.vector_load_idx %arg15[%add3A_270, %broadcast_in_dim3A_282] : memref<128x64xf32, #tpu.memory_space<vmem>>[vector<16xi32>, vector<16xi32>], vector<16xf32>,
        %mul3A_286 = arith.mulf %gather3A_283, %gather3A_284 : vector<16xf32>
        %add3A_287 = arith.addf %add3A_278, %mul3A_286 : vector<16xf32>
        %mul3A_288 = arith.mulf %gather3A_283, %gather3A_285 : vector<16xf32>
        %add3A_289 = arith.addf %add3A_280, %mul3A_288 : vector<16xf32>
        %broadcast_in_dim3A_290 = arith.constant 2 : i32
        %broadcast_in_dim3A_291 = vector.broadcast %broadcast_in_dim3A_290 : i32 to vector<16xi32>
        %gather3A_292 = tpu.vector_load_idx %arg13[%add3A_270, %broadcast_in_dim3A_291] : memref<128x64xf32, #tpu.memory_space<vmem>>[vector<16xi32>, vector<16xi32>], vector<16xf32>,
        %gather3A_293 = tpu.vector_load_idx %arg14[%add3A_270, %broadcast_in_dim3A_291] : memref<128x64xf32, #tpu.memory_space<vmem>>[vector<16xi32>, vector<16xi32>], vector<16xf32>,
        %gather3A_294 = tpu.vector_load_idx %arg15[%add3A_270, %broadcast_in_dim3A_291] : memref<128x64xf32, #tpu.memory_space<vmem>>[vector<16xi32>, vector<16xi32>], vector<16xf32>,
        %mul3A_295 = arith.mulf %gather3A_292, %gather3A_293 : vector<16xf32>
        %add3A_296 = arith.addf %add3A_287, %mul3A_295 : vector<16xf32>
        %mul3A_297 = arith.mulf %gather3A_292, %gather3A_294 : vector<16xf32>
        %add3A_298 = arith.addf %add3A_289, %mul3A_297 : vector<16xf32>
        %broadcast_in_dim3A_299 = arith.constant 3 : i32
        %broadcast_in_dim3A_300 = vector.broadcast %broadcast_in_dim3A_299 : i32 to vector<16xi32>
        %gather3A_301 = tpu.vector_load_idx %arg13[%add3A_270, %broadcast_in_dim3A_300] : memref<128x64xf32, #tpu.memory_space<vmem>>[vector<16xi32>, vector<16xi32>], vector<16xf32>,
        %gather3A_302 = tpu.vector_load_idx %arg14[%add3A_270, %broadcast_in_dim3A_300] : memref<128x64xf32, #tpu.memory_space<vmem>>[vector<16xi32>, vector<16xi32>], vector<16xf32>,
        %gather3A_303 = tpu.vector_load_idx %arg15[%add3A_270, %broadcast_in_dim3A_300] : memref<128x64xf32, #tpu.memory_space<vmem>>[vector<16xi32>, vector<16xi32>], vector<16xf32>,
        %mul3A_304 = arith.mulf %gather3A_301, %gather3A_302 : vector<16xf32>
        %add3A_305 = arith.addf %add3A_296, %mul3A_304 : vector<16xf32>
        %mul3A_306 = arith.mulf %gather3A_301, %gather3A_303 : vector<16xf32>
        %add3A_307 = arith.addf %add3A_298, %mul3A_306 : vector<16xf32>
        %broadcast_in_dim3A_308 = arith.constant 4 : i32
        %broadcast_in_dim3A_309 = vector.broadcast %broadcast_in_dim3A_308 : i32 to vector<16xi32>
        %gather3A_310 = tpu.vector_load_idx %arg13[%add3A_270, %broadcast_in_dim3A_309] : memref<128x64xf32, #tpu.memory_space<vmem>>[vector<16xi32>, vector<16xi32>], vector<16xf32>,
        %gather3A_311 = tpu.vector_load_idx %arg14[%add3A_270, %broadcast_in_dim3A_309] : memref<128x64xf32, #tpu.memory_space<vmem>>[vector<16xi32>, vector<16xi32>], vector<16xf32>,
        %gather3A_312 = tpu.vector_load_idx %arg15[%add3A_270, %broadcast_in_dim3A_309] : memref<128x64xf32, #tpu.memory_space<vmem>>[vector<16xi32>, vector<16xi32>], vector<16xf32>,
        %mul3A_313 = arith.mulf %gather3A_310, %gather3A_311 : vector<16xf32>
        %add3A_314 = arith.addf %add3A_305, %mul3A_313 : vector<16xf32>
        %mul3A_315 = arith.mulf %gather3A_310, %gather3A_312 : vector<16xf32>
        %add3A_316 = arith.addf %add3A_307, %mul3A_315 : vector<16xf32>
        %broadcast_in_dim3A_317 = arith.constant 5 : i32
        %broadcast_in_dim3A_318 = vector.broadcast %broadcast_in_dim3A_317 : i32 to vector<16xi32>
        %gather3A_319 = tpu.vector_load_idx %arg13[%add3A_270, %broadcast_in_dim3A_318] : memref<128x64xf32, #tpu.memory_space<vmem>>[vector<16xi32>, vector<16xi32>], vector<16xf32>,
        %gather3A_320 = tpu.vector_load_idx %arg14[%add3A_270, %broadcast_in_dim3A_318] : memref<128x64xf32, #tpu.memory_space<vmem>>[vector<16xi32>, vector<16xi32>], vector<16xf32>,
        %gather3A_321 = tpu.vector_load_idx %arg15[%add3A_270, %broadcast_in_dim3A_318] : memref<128x64xf32, #tpu.memory_space<vmem>>[vector<16xi32>, vector<16xi32>], vector<16xf32>,
        %mul3A_322 = arith.mulf %gather3A_319, %gather3A_320 : vector<16xf32>
        %add3A_323 = arith.addf %add3A_314, %mul3A_322 : vector<16xf32>
        %mul3A_324 = arith.mulf %gather3A_319, %gather3A_321 : vector<16xf32>
        %add3A_325 = arith.addf %add3A_316, %mul3A_324 : vector<16xf32>
        %broadcast_in_dim3A_326 = arith.constant 6 : i32
        %broadcast_in_dim3A_327 = vector.broadcast %broadcast_in_dim3A_326 : i32 to vector<16xi32>
        %gather3A_328 = tpu.vector_load_idx %arg13[%add3A_270, %broadcast_in_dim3A_327] : memref<128x64xf32, #tpu.memory_space<vmem>>[vector<16xi32>, vector<16xi32>], vector<16xf32>,
        %gather3A_329 = tpu.vector_load_idx %arg14[%add3A_270, %broadcast_in_dim3A_327] : memref<128x64xf32, #tpu.memory_space<vmem>>[vector<16xi32>, vector<16xi32>], vector<16xf32>,
        %gather3A_330 = tpu.vector_load_idx %arg15[%add3A_270, %broadcast_in_dim3A_327] : memref<128x64xf32, #tpu.memory_space<vmem>>[vector<16xi32>, vector<16xi32>], vector<16xf32>,
        %mul3A_331 = arith.mulf %gather3A_328, %gather3A_329 : vector<16xf32>
        %add3A_332 = arith.addf %add3A_323, %mul3A_331 : vector<16xf32>
        %mul3A_333 = arith.mulf %gather3A_328, %gather3A_330 : vector<16xf32>
        %add3A_334 = arith.addf %add3A_325, %mul3A_333 : vector<16xf32>
        %broadcast_in_dim3A_335 = arith.constant 7 : i32
        %broadcast_in_dim3A_336 = vector.broadcast %broadcast_in_dim3A_335 : i32 to vector<16xi32>
        %gather3A_337 = tpu.vector_load_idx %arg13[%add3A_270, %broadcast_in_dim3A_336] : memref<128x64xf32, #tpu.memory_space<vmem>>[vector<16xi32>, vector<16xi32>], vector<16xf32>,
        %gather3A_338 = tpu.vector_load_idx %arg14[%add3A_270, %broadcast_in_dim3A_336] : memref<128x64xf32, #tpu.memory_space<vmem>>[vector<16xi32>, vector<16xi32>], vector<16xf32>,
        %gather3A_339 = tpu.vector_load_idx %arg15[%add3A_270, %broadcast_in_dim3A_336] : memref<128x64xf32, #tpu.memory_space<vmem>>[vector<16xi32>, vector<16xi32>], vector<16xf32>,
        %mul3A_340 = arith.mulf %gather3A_337, %gather3A_338 : vector<16xf32>
        %add3A_341 = arith.addf %add3A_332, %mul3A_340 : vector<16xf32>
        %mul3A_342 = arith.mulf %gather3A_337, %gather3A_339 : vector<16xf32>
        %add3A_343 = arith.addf %add3A_334, %mul3A_342 : vector<16xf32>
        %broadcast_in_dim3A_344 = arith.constant 8 : i32
        %broadcast_in_dim3A_345 = vector.broadcast %broadcast_in_dim3A_344 : i32 to vector<16xi32>
        %gather3A_346 = tpu.vector_load_idx %arg13[%add3A_270, %broadcast_in_dim3A_345] : memref<128x64xf32, #tpu.memory_space<vmem>>[vector<16xi32>, vector<16xi32>], vector<16xf32>,
        %gather3A_347 = tpu.vector_load_idx %arg14[%add3A_270, %broadcast_in_dim3A_345] : memref<128x64xf32, #tpu.memory_space<vmem>>[vector<16xi32>, vector<16xi32>], vector<16xf32>,
        %gather3A_348 = tpu.vector_load_idx %arg15[%add3A_270, %broadcast_in_dim3A_345] : memref<128x64xf32, #tpu.memory_space<vmem>>[vector<16xi32>, vector<16xi32>], vector<16xf32>,
        %mul3A_349 = arith.mulf %gather3A_346, %gather3A_347 : vector<16xf32>
        %add3A_350 = arith.addf %add3A_341, %mul3A_349 : vector<16xf32>
        %mul3A_351 = arith.mulf %gather3A_346, %gather3A_348 : vector<16xf32>
        %add3A_352 = arith.addf %add3A_343, %mul3A_351 : vector<16xf32>
        %broadcast_in_dim3A_353 = arith.constant 9 : i32
        %broadcast_in_dim3A_354 = vector.broadcast %broadcast_in_dim3A_353 : i32 to vector<16xi32>
        %gather3A_355 = tpu.vector_load_idx %arg13[%add3A_270, %broadcast_in_dim3A_354] : memref<128x64xf32, #tpu.memory_space<vmem>>[vector<16xi32>, vector<16xi32>], vector<16xf32>,
        %gather3A_356 = tpu.vector_load_idx %arg14[%add3A_270, %broadcast_in_dim3A_354] : memref<128x64xf32, #tpu.memory_space<vmem>>[vector<16xi32>, vector<16xi32>], vector<16xf32>,
        %gather3A_357 = tpu.vector_load_idx %arg15[%add3A_270, %broadcast_in_dim3A_354] : memref<128x64xf32, #tpu.memory_space<vmem>>[vector<16xi32>, vector<16xi32>], vector<16xf32>,
        %mul3A_358 = arith.mulf %gather3A_355, %gather3A_356 : vector<16xf32>
        %add3A_359 = arith.addf %add3A_350, %mul3A_358 : vector<16xf32>
        %mul3A_360 = arith.mulf %gather3A_355, %gather3A_357 : vector<16xf32>
        %add3A_361 = arith.addf %add3A_352, %mul3A_360 : vector<16xf32>
        %broadcast_in_dim3A_362 = arith.constant 10 : i32
        %broadcast_in_dim3A_363 = vector.broadcast %broadcast_in_dim3A_362 : i32 to vector<16xi32>
        %gather3A_364 = tpu.vector_load_idx %arg13[%add3A_270, %broadcast_in_dim3A_363] : memref<128x64xf32, #tpu.memory_space<vmem>>[vector<16xi32>, vector<16xi32>], vector<16xf32>,
        %gather3A_365 = tpu.vector_load_idx %arg14[%add3A_270, %broadcast_in_dim3A_363] : memref<128x64xf32, #tpu.memory_space<vmem>>[vector<16xi32>, vector<16xi32>], vector<16xf32>,
        %gather3A_366 = tpu.vector_load_idx %arg15[%add3A_270, %broadcast_in_dim3A_363] : memref<128x64xf32, #tpu.memory_space<vmem>>[vector<16xi32>, vector<16xi32>], vector<16xf32>,
        %mul3A_367 = arith.mulf %gather3A_364, %gather3A_365 : vector<16xf32>
        %add3A_368 = arith.addf %add3A_359, %mul3A_367 : vector<16xf32>
        %mul3A_369 = arith.mulf %gather3A_364, %gather3A_366 : vector<16xf32>
        %add3A_370 = arith.addf %add3A_361, %mul3A_369 : vector<16xf32>
        %broadcast_in_dim3A_371 = arith.constant 11 : i32
        %broadcast_in_dim3A_372 = vector.broadcast %broadcast_in_dim3A_371 : i32 to vector<16xi32>
        %gather3A_373 = tpu.vector_load_idx %arg13[%add3A_270, %broadcast_in_dim3A_372] : memref<128x64xf32, #tpu.memory_space<vmem>>[vector<16xi32>, vector<16xi32>], vector<16xf32>,
        %gather3A_374 = tpu.vector_load_idx %arg14[%add3A_270, %broadcast_in_dim3A_372] : memref<128x64xf32, #tpu.memory_space<vmem>>[vector<16xi32>, vector<16xi32>], vector<16xf32>,
        %gather3A_375 = tpu.vector_load_idx %arg15[%add3A_270, %broadcast_in_dim3A_372] : memref<128x64xf32, #tpu.memory_space<vmem>>[vector<16xi32>, vector<16xi32>], vector<16xf32>,
        %mul3A_376 = arith.mulf %gather3A_373, %gather3A_374 : vector<16xf32>
        %add3A_377 = arith.addf %add3A_368, %mul3A_376 : vector<16xf32>
        %mul3A_378 = arith.mulf %gather3A_373, %gather3A_375 : vector<16xf32>
        %add3A_379 = arith.addf %add3A_370, %mul3A_378 : vector<16xf32>
        %broadcast_in_dim3A_380 = arith.constant 12 : i32
        %broadcast_in_dim3A_381 = vector.broadcast %broadcast_in_dim3A_380 : i32 to vector<16xi32>
        %gather3A_382 = tpu.vector_load_idx %arg13[%add3A_270, %broadcast_in_dim3A_381] : memref<128x64xf32, #tpu.memory_space<vmem>>[vector<16xi32>, vector<16xi32>], vector<16xf32>,
        %gather3A_383 = tpu.vector_load_idx %arg14[%add3A_270, %broadcast_in_dim3A_381] : memref<128x64xf32, #tpu.memory_space<vmem>>[vector<16xi32>, vector<16xi32>], vector<16xf32>,
        %gather3A_384 = tpu.vector_load_idx %arg15[%add3A_270, %broadcast_in_dim3A_381] : memref<128x64xf32, #tpu.memory_space<vmem>>[vector<16xi32>, vector<16xi32>], vector<16xf32>,
        %mul3A_385 = arith.mulf %gather3A_382, %gather3A_383 : vector<16xf32>
        %add3A_386 = arith.addf %add3A_377, %mul3A_385 : vector<16xf32>
        %mul3A_387 = arith.mulf %gather3A_382, %gather3A_384 : vector<16xf32>
        %add3A_388 = arith.addf %add3A_379, %mul3A_387 : vector<16xf32>
        %broadcast_in_dim3A_389 = arith.constant 13 : i32
        %broadcast_in_dim3A_390 = vector.broadcast %broadcast_in_dim3A_389 : i32 to vector<16xi32>
        %gather3A_391 = tpu.vector_load_idx %arg13[%add3A_270, %broadcast_in_dim3A_390] : memref<128x64xf32, #tpu.memory_space<vmem>>[vector<16xi32>, vector<16xi32>], vector<16xf32>,
        %gather3A_392 = tpu.vector_load_idx %arg14[%add3A_270, %broadcast_in_dim3A_390] : memref<128x64xf32, #tpu.memory_space<vmem>>[vector<16xi32>, vector<16xi32>], vector<16xf32>,
        %gather3A_393 = tpu.vector_load_idx %arg15[%add3A_270, %broadcast_in_dim3A_390] : memref<128x64xf32, #tpu.memory_space<vmem>>[vector<16xi32>, vector<16xi32>], vector<16xf32>,
        %mul3A_394 = arith.mulf %gather3A_391, %gather3A_392 : vector<16xf32>
        %add3A_395 = arith.addf %add3A_386, %mul3A_394 : vector<16xf32>
        %mul3A_396 = arith.mulf %gather3A_391, %gather3A_393 : vector<16xf32>
        %add3A_397 = arith.addf %add3A_388, %mul3A_396 : vector<16xf32>
        %broadcast_in_dim3A_398 = arith.constant 14 : i32
        %broadcast_in_dim3A_399 = vector.broadcast %broadcast_in_dim3A_398 : i32 to vector<16xi32>
        %gather3A_400 = tpu.vector_load_idx %arg13[%add3A_270, %broadcast_in_dim3A_399] : memref<128x64xf32, #tpu.memory_space<vmem>>[vector<16xi32>, vector<16xi32>], vector<16xf32>,
        %gather3A_401 = tpu.vector_load_idx %arg14[%add3A_270, %broadcast_in_dim3A_399] : memref<128x64xf32, #tpu.memory_space<vmem>>[vector<16xi32>, vector<16xi32>], vector<16xf32>,
        %gather3A_402 = tpu.vector_load_idx %arg15[%add3A_270, %broadcast_in_dim3A_399] : memref<128x64xf32, #tpu.memory_space<vmem>>[vector<16xi32>, vector<16xi32>], vector<16xf32>,
        %mul3A_403 = arith.mulf %gather3A_400, %gather3A_401 : vector<16xf32>
        %add3A_404 = arith.addf %add3A_395, %mul3A_403 : vector<16xf32>
        %mul3A_405 = arith.mulf %gather3A_400, %gather3A_402 : vector<16xf32>
        %add3A_406 = arith.addf %add3A_397, %mul3A_405 : vector<16xf32>
        %broadcast_in_dim3A_407 = arith.constant 15 : i32
        %broadcast_in_dim3A_408 = vector.broadcast %broadcast_in_dim3A_407 : i32 to vector<16xi32>
        %gather3A_409 = tpu.vector_load_idx %arg13[%add3A_270, %broadcast_in_dim3A_408] : memref<128x64xf32, #tpu.memory_space<vmem>>[vector<16xi32>, vector<16xi32>], vector<16xf32>,
        %gather3A_410 = tpu.vector_load_idx %arg14[%add3A_270, %broadcast_in_dim3A_408] : memref<128x64xf32, #tpu.memory_space<vmem>>[vector<16xi32>, vector<16xi32>], vector<16xf32>,
        %gather3A_411 = tpu.vector_load_idx %arg15[%add3A_270, %broadcast_in_dim3A_408] : memref<128x64xf32, #tpu.memory_space<vmem>>[vector<16xi32>, vector<16xi32>], vector<16xf32>,
        %mul3A_412 = arith.mulf %gather3A_409, %gather3A_410 : vector<16xf32>
        %add3A_413 = arith.addf %add3A_404, %mul3A_412 : vector<16xf32>
        %mul3A_414 = arith.mulf %gather3A_409, %gather3A_411 : vector<16xf32>
        %add3A_415 = arith.addf %add3A_406, %mul3A_414 : vector<16xf32>
        %broadcast_in_dim3A_416 = arith.constant 16 : i32
        %broadcast_in_dim3A_417 = vector.broadcast %broadcast_in_dim3A_416 : i32 to vector<16xi32>
        %gather3A_418 = tpu.vector_load_idx %arg13[%add3A_270, %broadcast_in_dim3A_417] : memref<128x64xf32, #tpu.memory_space<vmem>>[vector<16xi32>, vector<16xi32>], vector<16xf32>,
        %gather3A_419 = tpu.vector_load_idx %arg14[%add3A_270, %broadcast_in_dim3A_417] : memref<128x64xf32, #tpu.memory_space<vmem>>[vector<16xi32>, vector<16xi32>], vector<16xf32>,
        %gather3A_420 = tpu.vector_load_idx %arg15[%add3A_270, %broadcast_in_dim3A_417] : memref<128x64xf32, #tpu.memory_space<vmem>>[vector<16xi32>, vector<16xi32>], vector<16xf32>,
        %mul3A_421 = arith.mulf %gather3A_418, %gather3A_419 : vector<16xf32>
        %add3A_422 = arith.addf %add3A_413, %mul3A_421 : vector<16xf32>
        %mul3A_423 = arith.mulf %gather3A_418, %gather3A_420 : vector<16xf32>
        %add3A_424 = arith.addf %add3A_415, %mul3A_423 : vector<16xf32>
        %broadcast_in_dim3A_425 = arith.constant 17 : i32
        %broadcast_in_dim3A_426 = vector.broadcast %broadcast_in_dim3A_425 : i32 to vector<16xi32>
        %gather3A_427 = tpu.vector_load_idx %arg13[%add3A_270, %broadcast_in_dim3A_426] : memref<128x64xf32, #tpu.memory_space<vmem>>[vector<16xi32>, vector<16xi32>], vector<16xf32>,
        %gather3A_428 = tpu.vector_load_idx %arg14[%add3A_270, %broadcast_in_dim3A_426] : memref<128x64xf32, #tpu.memory_space<vmem>>[vector<16xi32>, vector<16xi32>], vector<16xf32>,
        %gather3A_429 = tpu.vector_load_idx %arg15[%add3A_270, %broadcast_in_dim3A_426] : memref<128x64xf32, #tpu.memory_space<vmem>>[vector<16xi32>, vector<16xi32>], vector<16xf32>,
        %mul3A_430 = arith.mulf %gather3A_427, %gather3A_428 : vector<16xf32>
        %add3A_431 = arith.addf %add3A_422, %mul3A_430 : vector<16xf32>
        %mul3A_432 = arith.mulf %gather3A_427, %gather3A_429 : vector<16xf32>
        %add3A_433 = arith.addf %add3A_424, %mul3A_432 : vector<16xf32>
        %broadcast_in_dim3A_434 = arith.constant 18 : i32
        %broadcast_in_dim3A_435 = vector.broadcast %broadcast_in_dim3A_434 : i32 to vector<16xi32>
        %gather3A_436 = tpu.vector_load_idx %arg13[%add3A_270, %broadcast_in_dim3A_435] : memref<128x64xf32, #tpu.memory_space<vmem>>[vector<16xi32>, vector<16xi32>], vector<16xf32>,
        %gather3A_437 = tpu.vector_load_idx %arg14[%add3A_270, %broadcast_in_dim3A_435] : memref<128x64xf32, #tpu.memory_space<vmem>>[vector<16xi32>, vector<16xi32>], vector<16xf32>,
        %gather3A_438 = tpu.vector_load_idx %arg15[%add3A_270, %broadcast_in_dim3A_435] : memref<128x64xf32, #tpu.memory_space<vmem>>[vector<16xi32>, vector<16xi32>], vector<16xf32>,
        %mul3A_439 = arith.mulf %gather3A_436, %gather3A_437 : vector<16xf32>
        %add3A_440 = arith.addf %add3A_431, %mul3A_439 : vector<16xf32>
        %mul3A_441 = arith.mulf %gather3A_436, %gather3A_438 : vector<16xf32>
        %add3A_442 = arith.addf %add3A_433, %mul3A_441 : vector<16xf32>
        %broadcast_in_dim3A_443 = arith.constant 19 : i32
        %broadcast_in_dim3A_444 = vector.broadcast %broadcast_in_dim3A_443 : i32 to vector<16xi32>
        %gather3A_445 = tpu.vector_load_idx %arg13[%add3A_270, %broadcast_in_dim3A_444] : memref<128x64xf32, #tpu.memory_space<vmem>>[vector<16xi32>, vector<16xi32>], vector<16xf32>,
        %gather3A_446 = tpu.vector_load_idx %arg14[%add3A_270, %broadcast_in_dim3A_444] : memref<128x64xf32, #tpu.memory_space<vmem>>[vector<16xi32>, vector<16xi32>], vector<16xf32>,
        %gather3A_447 = tpu.vector_load_idx %arg15[%add3A_270, %broadcast_in_dim3A_444] : memref<128x64xf32, #tpu.memory_space<vmem>>[vector<16xi32>, vector<16xi32>], vector<16xf32>,
        %mul3A_448 = arith.mulf %gather3A_445, %gather3A_446 : vector<16xf32>
        %add3A_449 = arith.addf %add3A_440, %mul3A_448 : vector<16xf32>
        %mul3A_450 = arith.mulf %gather3A_445, %gather3A_447 : vector<16xf32>
        %add3A_451 = arith.addf %add3A_442, %mul3A_450 : vector<16xf32>
        %broadcast_in_dim3A_452 = arith.constant 20 : i32
        %broadcast_in_dim3A_453 = vector.broadcast %broadcast_in_dim3A_452 : i32 to vector<16xi32>
        %gather3A_454 = tpu.vector_load_idx %arg13[%add3A_270, %broadcast_in_dim3A_453] : memref<128x64xf32, #tpu.memory_space<vmem>>[vector<16xi32>, vector<16xi32>], vector<16xf32>,
        %gather3A_455 = tpu.vector_load_idx %arg14[%add3A_270, %broadcast_in_dim3A_453] : memref<128x64xf32, #tpu.memory_space<vmem>>[vector<16xi32>, vector<16xi32>], vector<16xf32>,
        %gather3A_456 = tpu.vector_load_idx %arg15[%add3A_270, %broadcast_in_dim3A_453] : memref<128x64xf32, #tpu.memory_space<vmem>>[vector<16xi32>, vector<16xi32>], vector<16xf32>,
        %mul3A_457 = arith.mulf %gather3A_454, %gather3A_455 : vector<16xf32>
        %add3A_458 = arith.addf %add3A_449, %mul3A_457 : vector<16xf32>
        %mul3A_459 = arith.mulf %gather3A_454, %gather3A_456 : vector<16xf32>
        %add3A_460 = arith.addf %add3A_451, %mul3A_459 : vector<16xf32>
        %broadcast_in_dim3A_461 = arith.constant 21 : i32
        %broadcast_in_dim3A_462 = vector.broadcast %broadcast_in_dim3A_461 : i32 to vector<16xi32>
        %gather3A_463 = tpu.vector_load_idx %arg13[%add3A_270, %broadcast_in_dim3A_462] : memref<128x64xf32, #tpu.memory_space<vmem>>[vector<16xi32>, vector<16xi32>], vector<16xf32>,
        %gather3A_464 = tpu.vector_load_idx %arg14[%add3A_270, %broadcast_in_dim3A_462] : memref<128x64xf32, #tpu.memory_space<vmem>>[vector<16xi32>, vector<16xi32>], vector<16xf32>,
        %gather3A_465 = tpu.vector_load_idx %arg15[%add3A_270, %broadcast_in_dim3A_462] : memref<128x64xf32, #tpu.memory_space<vmem>>[vector<16xi32>, vector<16xi32>], vector<16xf32>,
        %mul3A_466 = arith.mulf %gather3A_463, %gather3A_464 : vector<16xf32>
        %add3A_467 = arith.addf %add3A_458, %mul3A_466 : vector<16xf32>
        %mul3A_468 = arith.mulf %gather3A_463, %gather3A_465 : vector<16xf32>
        %add3A_469 = arith.addf %add3A_460, %mul3A_468 : vector<16xf32>
        %broadcast_in_dim3A_470 = arith.constant 22 : i32
        %broadcast_in_dim3A_471 = vector.broadcast %broadcast_in_dim3A_470 : i32 to vector<16xi32>
        %gather3A_472 = tpu.vector_load_idx %arg13[%add3A_270, %broadcast_in_dim3A_471] : memref<128x64xf32, #tpu.memory_space<vmem>>[vector<16xi32>, vector<16xi32>], vector<16xf32>,
        %gather3A_473 = tpu.vector_load_idx %arg14[%add3A_270, %broadcast_in_dim3A_471] : memref<128x64xf32, #tpu.memory_space<vmem>>[vector<16xi32>, vector<16xi32>], vector<16xf32>,
        %gather3A_474 = tpu.vector_load_idx %arg15[%add3A_270, %broadcast_in_dim3A_471] : memref<128x64xf32, #tpu.memory_space<vmem>>[vector<16xi32>, vector<16xi32>], vector<16xf32>,
        %mul3A_475 = arith.mulf %gather3A_472, %gather3A_473 : vector<16xf32>
        %add3A_476 = arith.addf %add3A_467, %mul3A_475 : vector<16xf32>
        %mul3A_477 = arith.mulf %gather3A_472, %gather3A_474 : vector<16xf32>
        %add3A_478 = arith.addf %add3A_469, %mul3A_477 : vector<16xf32>
        %broadcast_in_dim3A_479 = arith.constant 23 : i32
        %broadcast_in_dim3A_480 = vector.broadcast %broadcast_in_dim3A_479 : i32 to vector<16xi32>
        %gather3A_481 = tpu.vector_load_idx %arg13[%add3A_270, %broadcast_in_dim3A_480] : memref<128x64xf32, #tpu.memory_space<vmem>>[vector<16xi32>, vector<16xi32>], vector<16xf32>,
        %gather3A_482 = tpu.vector_load_idx %arg14[%add3A_270, %broadcast_in_dim3A_480] : memref<128x64xf32, #tpu.memory_space<vmem>>[vector<16xi32>, vector<16xi32>], vector<16xf32>,
        %gather3A_483 = tpu.vector_load_idx %arg15[%add3A_270, %broadcast_in_dim3A_480] : memref<128x64xf32, #tpu.memory_space<vmem>>[vector<16xi32>, vector<16xi32>], vector<16xf32>,
        %mul3A_484 = arith.mulf %gather3A_481, %gather3A_482 : vector<16xf32>
        %add3A_485 = arith.addf %add3A_476, %mul3A_484 : vector<16xf32>
        %mul3A_486 = arith.mulf %gather3A_481, %gather3A_483 : vector<16xf32>
        %add3A_487 = arith.addf %add3A_478, %mul3A_486 : vector<16xf32>
        %broadcast_in_dim3A_488 = arith.constant 24 : i32
        %broadcast_in_dim3A_489 = vector.broadcast %broadcast_in_dim3A_488 : i32 to vector<16xi32>
        %gather3A_490 = tpu.vector_load_idx %arg13[%add3A_270, %broadcast_in_dim3A_489] : memref<128x64xf32, #tpu.memory_space<vmem>>[vector<16xi32>, vector<16xi32>], vector<16xf32>,
        %gather3A_491 = tpu.vector_load_idx %arg14[%add3A_270, %broadcast_in_dim3A_489] : memref<128x64xf32, #tpu.memory_space<vmem>>[vector<16xi32>, vector<16xi32>], vector<16xf32>,
        %gather3A_492 = tpu.vector_load_idx %arg15[%add3A_270, %broadcast_in_dim3A_489] : memref<128x64xf32, #tpu.memory_space<vmem>>[vector<16xi32>, vector<16xi32>], vector<16xf32>,
        %mul3A_493 = arith.mulf %gather3A_490, %gather3A_491 : vector<16xf32>
        %add3A_494 = arith.addf %add3A_485, %mul3A_493 : vector<16xf32>
        %mul3A_495 = arith.mulf %gather3A_490, %gather3A_492 : vector<16xf32>
        %add3A_496 = arith.addf %add3A_487, %mul3A_495 : vector<16xf32>
        %broadcast_in_dim3A_497 = arith.constant 25 : i32
        %broadcast_in_dim3A_498 = vector.broadcast %broadcast_in_dim3A_497 : i32 to vector<16xi32>
        %gather3A_499 = tpu.vector_load_idx %arg13[%add3A_270, %broadcast_in_dim3A_498] : memref<128x64xf32, #tpu.memory_space<vmem>>[vector<16xi32>, vector<16xi32>], vector<16xf32>,
        %gather3A_500 = tpu.vector_load_idx %arg14[%add3A_270, %broadcast_in_dim3A_498] : memref<128x64xf32, #tpu.memory_space<vmem>>[vector<16xi32>, vector<16xi32>], vector<16xf32>,
        %gather3A_501 = tpu.vector_load_idx %arg15[%add3A_270, %broadcast_in_dim3A_498] : memref<128x64xf32, #tpu.memory_space<vmem>>[vector<16xi32>, vector<16xi32>], vector<16xf32>,
        %mul3A_502 = arith.mulf %gather3A_499, %gather3A_500 : vector<16xf32>
        %add3A_503 = arith.addf %add3A_494, %mul3A_502 : vector<16xf32>
        %mul3A_504 = arith.mulf %gather3A_499, %gather3A_501 : vector<16xf32>
        %add3A_505 = arith.addf %add3A_496, %mul3A_504 : vector<16xf32>
        %broadcast_in_dim3A_506 = arith.constant 26 : i32
        %broadcast_in_dim3A_507 = vector.broadcast %broadcast_in_dim3A_506 : i32 to vector<16xi32>
        %gather3A_508 = tpu.vector_load_idx %arg13[%add3A_270, %broadcast_in_dim3A_507] : memref<128x64xf32, #tpu.memory_space<vmem>>[vector<16xi32>, vector<16xi32>], vector<16xf32>,
        %gather3A_509 = tpu.vector_load_idx %arg14[%add3A_270, %broadcast_in_dim3A_507] : memref<128x64xf32, #tpu.memory_space<vmem>>[vector<16xi32>, vector<16xi32>], vector<16xf32>,
        %gather3A_510 = tpu.vector_load_idx %arg15[%add3A_270, %broadcast_in_dim3A_507] : memref<128x64xf32, #tpu.memory_space<vmem>>[vector<16xi32>, vector<16xi32>], vector<16xf32>,
        %mul3A_511 = arith.mulf %gather3A_508, %gather3A_509 : vector<16xf32>
        %add3A_512 = arith.addf %add3A_503, %mul3A_511 : vector<16xf32>
        %mul3A_513 = arith.mulf %gather3A_508, %gather3A_510 : vector<16xf32>
        %add3A_514 = arith.addf %add3A_505, %mul3A_513 : vector<16xf32>
        %broadcast_in_dim3A_515 = arith.constant 27 : i32
        %broadcast_in_dim3A_516 = vector.broadcast %broadcast_in_dim3A_515 : i32 to vector<16xi32>
        %gather3A_517 = tpu.vector_load_idx %arg13[%add3A_270, %broadcast_in_dim3A_516] : memref<128x64xf32, #tpu.memory_space<vmem>>[vector<16xi32>, vector<16xi32>], vector<16xf32>,
        %gather3A_518 = tpu.vector_load_idx %arg14[%add3A_270, %broadcast_in_dim3A_516] : memref<128x64xf32, #tpu.memory_space<vmem>>[vector<16xi32>, vector<16xi32>], vector<16xf32>,
        %gather3A_519 = tpu.vector_load_idx %arg15[%add3A_270, %broadcast_in_dim3A_516] : memref<128x64xf32, #tpu.memory_space<vmem>>[vector<16xi32>, vector<16xi32>], vector<16xf32>,
        %mul3A_520 = arith.mulf %gather3A_517, %gather3A_518 : vector<16xf32>
        %add3A_521 = arith.addf %add3A_512, %mul3A_520 : vector<16xf32>
        %mul3A_522 = arith.mulf %gather3A_517, %gather3A_519 : vector<16xf32>
        %add3A_523 = arith.addf %add3A_514, %mul3A_522 : vector<16xf32>
        %broadcast_in_dim3A_524 = arith.constant 28 : i32
        %broadcast_in_dim3A_525 = vector.broadcast %broadcast_in_dim3A_524 : i32 to vector<16xi32>
        %gather3A_526 = tpu.vector_load_idx %arg13[%add3A_270, %broadcast_in_dim3A_525] : memref<128x64xf32, #tpu.memory_space<vmem>>[vector<16xi32>, vector<16xi32>], vector<16xf32>,
        %gather3A_527 = tpu.vector_load_idx %arg14[%add3A_270, %broadcast_in_dim3A_525] : memref<128x64xf32, #tpu.memory_space<vmem>>[vector<16xi32>, vector<16xi32>], vector<16xf32>,
        %gather3A_528 = tpu.vector_load_idx %arg15[%add3A_270, %broadcast_in_dim3A_525] : memref<128x64xf32, #tpu.memory_space<vmem>>[vector<16xi32>, vector<16xi32>], vector<16xf32>,
        %mul3A_529 = arith.mulf %gather3A_526, %gather3A_527 : vector<16xf32>
        %add3A_530 = arith.addf %add3A_521, %mul3A_529 : vector<16xf32>
        %mul3A_531 = arith.mulf %gather3A_526, %gather3A_528 : vector<16xf32>
        %add3A_532 = arith.addf %add3A_523, %mul3A_531 : vector<16xf32>
        %broadcast_in_dim3A_533 = arith.constant 29 : i32
        %broadcast_in_dim3A_534 = vector.broadcast %broadcast_in_dim3A_533 : i32 to vector<16xi32>
        %gather3A_535 = tpu.vector_load_idx %arg13[%add3A_270, %broadcast_in_dim3A_534] : memref<128x64xf32, #tpu.memory_space<vmem>>[vector<16xi32>, vector<16xi32>], vector<16xf32>,
        %gather3A_536 = tpu.vector_load_idx %arg14[%add3A_270, %broadcast_in_dim3A_534] : memref<128x64xf32, #tpu.memory_space<vmem>>[vector<16xi32>, vector<16xi32>], vector<16xf32>,
        %gather3A_537 = tpu.vector_load_idx %arg15[%add3A_270, %broadcast_in_dim3A_534] : memref<128x64xf32, #tpu.memory_space<vmem>>[vector<16xi32>, vector<16xi32>], vector<16xf32>,
        %mul3A_538 = arith.mulf %gather3A_535, %gather3A_536 : vector<16xf32>
        %add3A_539 = arith.addf %add3A_530, %mul3A_538 : vector<16xf32>
        %mul3A_540 = arith.mulf %gather3A_535, %gather3A_537 : vector<16xf32>
        %add3A_541 = arith.addf %add3A_532, %mul3A_540 : vector<16xf32>
        %broadcast_in_dim3A_542 = arith.constant 30 : i32
        %broadcast_in_dim3A_543 = vector.broadcast %broadcast_in_dim3A_542 : i32 to vector<16xi32>
        %gather3A_544 = tpu.vector_load_idx %arg13[%add3A_270, %broadcast_in_dim3A_543] : memref<128x64xf32, #tpu.memory_space<vmem>>[vector<16xi32>, vector<16xi32>], vector<16xf32>,
        %gather3A_545 = tpu.vector_load_idx %arg14[%add3A_270, %broadcast_in_dim3A_543] : memref<128x64xf32, #tpu.memory_space<vmem>>[vector<16xi32>, vector<16xi32>], vector<16xf32>,
        %gather3A_546 = tpu.vector_load_idx %arg15[%add3A_270, %broadcast_in_dim3A_543] : memref<128x64xf32, #tpu.memory_space<vmem>>[vector<16xi32>, vector<16xi32>], vector<16xf32>,
        %mul3A_547 = arith.mulf %gather3A_544, %gather3A_545 : vector<16xf32>
        %add3A_548 = arith.addf %add3A_539, %mul3A_547 : vector<16xf32>
        %mul3A_549 = arith.mulf %gather3A_544, %gather3A_546 : vector<16xf32>
        %add3A_550 = arith.addf %add3A_541, %mul3A_549 : vector<16xf32>
        %broadcast_in_dim3A_551 = arith.constant 31 : i32
        %broadcast_in_dim3A_552 = vector.broadcast %broadcast_in_dim3A_551 : i32 to vector<16xi32>
        %gather3A_553 = tpu.vector_load_idx %arg13[%add3A_270, %broadcast_in_dim3A_552] : memref<128x64xf32, #tpu.memory_space<vmem>>[vector<16xi32>, vector<16xi32>], vector<16xf32>,
        %gather3A_554 = tpu.vector_load_idx %arg14[%add3A_270, %broadcast_in_dim3A_552] : memref<128x64xf32, #tpu.memory_space<vmem>>[vector<16xi32>, vector<16xi32>], vector<16xf32>,
        %gather3A_555 = tpu.vector_load_idx %arg15[%add3A_270, %broadcast_in_dim3A_552] : memref<128x64xf32, #tpu.memory_space<vmem>>[vector<16xi32>, vector<16xi32>], vector<16xf32>,
        %mul3A_556 = arith.mulf %gather3A_553, %gather3A_554 : vector<16xf32>
        %add3A_557 = arith.addf %add3A_548, %mul3A_556 : vector<16xf32>
        %mul3A_558 = arith.mulf %gather3A_553, %gather3A_555 : vector<16xf32>
        %add3A_559 = arith.addf %add3A_550, %mul3A_558 : vector<16xf32>
        %broadcast_in_dim3A_560 = arith.constant 32 : i32
        %broadcast_in_dim3A_561 = vector.broadcast %broadcast_in_dim3A_560 : i32 to vector<16xi32>
        %gather3A_562 = tpu.vector_load_idx %arg13[%add3A_270, %broadcast_in_dim3A_561] : memref<128x64xf32, #tpu.memory_space<vmem>>[vector<16xi32>, vector<16xi32>], vector<16xf32>,
        %gather3A_563 = tpu.vector_load_idx %arg14[%add3A_270, %broadcast_in_dim3A_561] : memref<128x64xf32, #tpu.memory_space<vmem>>[vector<16xi32>, vector<16xi32>], vector<16xf32>,
        %gather3A_564 = tpu.vector_load_idx %arg15[%add3A_270, %broadcast_in_dim3A_561] : memref<128x64xf32, #tpu.memory_space<vmem>>[vector<16xi32>, vector<16xi32>], vector<16xf32>,
        %mul3A_565 = arith.mulf %gather3A_562, %gather3A_563 : vector<16xf32>
        %add3A_566 = arith.addf %add3A_557, %mul3A_565 : vector<16xf32>
        %mul3A_567 = arith.mulf %gather3A_562, %gather3A_564 : vector<16xf32>
        %add3A_568 = arith.addf %add3A_559, %mul3A_567 : vector<16xf32>
        %broadcast_in_dim3A_569 = arith.constant 33 : i32
        %broadcast_in_dim3A_570 = vector.broadcast %broadcast_in_dim3A_569 : i32 to vector<16xi32>
        %gather3A_571 = tpu.vector_load_idx %arg13[%add3A_270, %broadcast_in_dim3A_570] : memref<128x64xf32, #tpu.memory_space<vmem>>[vector<16xi32>, vector<16xi32>], vector<16xf32>,
        %gather3A_572 = tpu.vector_load_idx %arg14[%add3A_270, %broadcast_in_dim3A_570] : memref<128x64xf32, #tpu.memory_space<vmem>>[vector<16xi32>, vector<16xi32>], vector<16xf32>,
        %gather3A_573 = tpu.vector_load_idx %arg15[%add3A_270, %broadcast_in_dim3A_570] : memref<128x64xf32, #tpu.memory_space<vmem>>[vector<16xi32>, vector<16xi32>], vector<16xf32>,
        %mul3A_574 = arith.mulf %gather3A_571, %gather3A_572 : vector<16xf32>
        %add3A_575 = arith.addf %add3A_566, %mul3A_574 : vector<16xf32>
        %mul3A_576 = arith.mulf %gather3A_571, %gather3A_573 : vector<16xf32>
        %add3A_577 = arith.addf %add3A_568, %mul3A_576 : vector<16xf32>
        %broadcast_in_dim3A_578 = arith.constant 34 : i32
        %broadcast_in_dim3A_579 = vector.broadcast %broadcast_in_dim3A_578 : i32 to vector<16xi32>
        %gather3A_580 = tpu.vector_load_idx %arg13[%add3A_270, %broadcast_in_dim3A_579] : memref<128x64xf32, #tpu.memory_space<vmem>>[vector<16xi32>, vector<16xi32>], vector<16xf32>,
        %gather3A_581 = tpu.vector_load_idx %arg14[%add3A_270, %broadcast_in_dim3A_579] : memref<128x64xf32, #tpu.memory_space<vmem>>[vector<16xi32>, vector<16xi32>], vector<16xf32>,
        %gather3A_582 = tpu.vector_load_idx %arg15[%add3A_270, %broadcast_in_dim3A_579] : memref<128x64xf32, #tpu.memory_space<vmem>>[vector<16xi32>, vector<16xi32>], vector<16xf32>,
        %mul3A_583 = arith.mulf %gather3A_580, %gather3A_581 : vector<16xf32>
        %add3A_584 = arith.addf %add3A_575, %mul3A_583 : vector<16xf32>
        %mul3A_585 = arith.mulf %gather3A_580, %gather3A_582 : vector<16xf32>
        %add3A_586 = arith.addf %add3A_577, %mul3A_585 : vector<16xf32>
        %broadcast_in_dim3A_587 = arith.constant 35 : i32
        %broadcast_in_dim3A_588 = vector.broadcast %broadcast_in_dim3A_587 : i32 to vector<16xi32>
        %gather3A_589 = tpu.vector_load_idx %arg13[%add3A_270, %broadcast_in_dim3A_588] : memref<128x64xf32, #tpu.memory_space<vmem>>[vector<16xi32>, vector<16xi32>], vector<16xf32>,
        %gather3A_590 = tpu.vector_load_idx %arg14[%add3A_270, %broadcast_in_dim3A_588] : memref<128x64xf32, #tpu.memory_space<vmem>>[vector<16xi32>, vector<16xi32>], vector<16xf32>,
        %gather3A_591 = tpu.vector_load_idx %arg15[%add3A_270, %broadcast_in_dim3A_588] : memref<128x64xf32, #tpu.memory_space<vmem>>[vector<16xi32>, vector<16xi32>], vector<16xf32>,
        %mul3A_592 = arith.mulf %gather3A_589, %gather3A_590 : vector<16xf32>
        %add3A_593 = arith.addf %add3A_584, %mul3A_592 : vector<16xf32>
        %mul3A_594 = arith.mulf %gather3A_589, %gather3A_591 : vector<16xf32>
        %add3A_595 = arith.addf %add3A_586, %mul3A_594 : vector<16xf32>
        %broadcast_in_dim3A_596 = arith.constant 36 : i32
        %broadcast_in_dim3A_597 = vector.broadcast %broadcast_in_dim3A_596 : i32 to vector<16xi32>
        %gather3A_598 = tpu.vector_load_idx %arg13[%add3A_270, %broadcast_in_dim3A_597] : memref<128x64xf32, #tpu.memory_space<vmem>>[vector<16xi32>, vector<16xi32>], vector<16xf32>,
        %gather3A_599 = tpu.vector_load_idx %arg14[%add3A_270, %broadcast_in_dim3A_597] : memref<128x64xf32, #tpu.memory_space<vmem>>[vector<16xi32>, vector<16xi32>], vector<16xf32>,
        %gather3A_600 = tpu.vector_load_idx %arg15[%add3A_270, %broadcast_in_dim3A_597] : memref<128x64xf32, #tpu.memory_space<vmem>>[vector<16xi32>, vector<16xi32>], vector<16xf32>,
        %mul3A_601 = arith.mulf %gather3A_598, %gather3A_599 : vector<16xf32>
        %add3A_602 = arith.addf %add3A_593, %mul3A_601 : vector<16xf32>
        %mul3A_603 = arith.mulf %gather3A_598, %gather3A_600 : vector<16xf32>
        %add3A_604 = arith.addf %add3A_595, %mul3A_603 : vector<16xf32>
        %broadcast_in_dim3A_605 = arith.constant 37 : i32
        %broadcast_in_dim3A_606 = vector.broadcast %broadcast_in_dim3A_605 : i32 to vector<16xi32>
        %gather3A_607 = tpu.vector_load_idx %arg13[%add3A_270, %broadcast_in_dim3A_606] : memref<128x64xf32, #tpu.memory_space<vmem>>[vector<16xi32>, vector<16xi32>], vector<16xf32>,
        %gather3A_608 = tpu.vector_load_idx %arg14[%add3A_270, %broadcast_in_dim3A_606] : memref<128x64xf32, #tpu.memory_space<vmem>>[vector<16xi32>, vector<16xi32>], vector<16xf32>,
        %gather3A_609 = tpu.vector_load_idx %arg15[%add3A_270, %broadcast_in_dim3A_606] : memref<128x64xf32, #tpu.memory_space<vmem>>[vector<16xi32>, vector<16xi32>], vector<16xf32>,
        %mul3A_610 = arith.mulf %gather3A_607, %gather3A_608 : vector<16xf32>
        %add3A_611 = arith.addf %add3A_602, %mul3A_610 : vector<16xf32>
        %mul3A_612 = arith.mulf %gather3A_607, %gather3A_609 : vector<16xf32>
        %add3A_613 = arith.addf %add3A_604, %mul3A_612 : vector<16xf32>
        %broadcast_in_dim3A_614 = arith.constant 38 : i32
        %broadcast_in_dim3A_615 = vector.broadcast %broadcast_in_dim3A_614 : i32 to vector<16xi32>
        %gather3A_616 = tpu.vector_load_idx %arg13[%add3A_270, %broadcast_in_dim3A_615] : memref<128x64xf32, #tpu.memory_space<vmem>>[vector<16xi32>, vector<16xi32>], vector<16xf32>,
        %gather3A_617 = tpu.vector_load_idx %arg14[%add3A_270, %broadcast_in_dim3A_615] : memref<128x64xf32, #tpu.memory_space<vmem>>[vector<16xi32>, vector<16xi32>], vector<16xf32>,
        %gather3A_618 = tpu.vector_load_idx %arg15[%add3A_270, %broadcast_in_dim3A_615] : memref<128x64xf32, #tpu.memory_space<vmem>>[vector<16xi32>, vector<16xi32>], vector<16xf32>,
        %mul3A_619 = arith.mulf %gather3A_616, %gather3A_617 : vector<16xf32>
        %add3A_620 = arith.addf %add3A_611, %mul3A_619 : vector<16xf32>
        %mul3A_621 = arith.mulf %gather3A_616, %gather3A_618 : vector<16xf32>
        %add3A_622 = arith.addf %add3A_613, %mul3A_621 : vector<16xf32>
        %broadcast_in_dim3A_623 = arith.constant 39 : i32
        %broadcast_in_dim3A_624 = vector.broadcast %broadcast_in_dim3A_623 : i32 to vector<16xi32>
        %gather3A_625 = tpu.vector_load_idx %arg13[%add3A_270, %broadcast_in_dim3A_624] : memref<128x64xf32, #tpu.memory_space<vmem>>[vector<16xi32>, vector<16xi32>], vector<16xf32>,
        %gather3A_626 = tpu.vector_load_idx %arg14[%add3A_270, %broadcast_in_dim3A_624] : memref<128x64xf32, #tpu.memory_space<vmem>>[vector<16xi32>, vector<16xi32>], vector<16xf32>,
        %gather3A_627 = tpu.vector_load_idx %arg15[%add3A_270, %broadcast_in_dim3A_624] : memref<128x64xf32, #tpu.memory_space<vmem>>[vector<16xi32>, vector<16xi32>], vector<16xf32>,
        %mul3A_628 = arith.mulf %gather3A_625, %gather3A_626 : vector<16xf32>
        %add3A_629 = arith.addf %add3A_620, %mul3A_628 : vector<16xf32>
        %mul3A_630 = arith.mulf %gather3A_625, %gather3A_627 : vector<16xf32>
        %add3A_631 = arith.addf %add3A_622, %mul3A_630 : vector<16xf32>
        %broadcast_in_dim3A_632 = arith.constant 40 : i32
        %broadcast_in_dim3A_633 = vector.broadcast %broadcast_in_dim3A_632 : i32 to vector<16xi32>
        %gather3A_634 = tpu.vector_load_idx %arg13[%add3A_270, %broadcast_in_dim3A_633] : memref<128x64xf32, #tpu.memory_space<vmem>>[vector<16xi32>, vector<16xi32>], vector<16xf32>,
        %gather3A_635 = tpu.vector_load_idx %arg14[%add3A_270, %broadcast_in_dim3A_633] : memref<128x64xf32, #tpu.memory_space<vmem>>[vector<16xi32>, vector<16xi32>], vector<16xf32>,
        %gather3A_636 = tpu.vector_load_idx %arg15[%add3A_270, %broadcast_in_dim3A_633] : memref<128x64xf32, #tpu.memory_space<vmem>>[vector<16xi32>, vector<16xi32>], vector<16xf32>,
        %mul3A_637 = arith.mulf %gather3A_634, %gather3A_635 : vector<16xf32>
        %add3A_638 = arith.addf %add3A_629, %mul3A_637 : vector<16xf32>
        %mul3A_639 = arith.mulf %gather3A_634, %gather3A_636 : vector<16xf32>
        %add3A_640 = arith.addf %add3A_631, %mul3A_639 : vector<16xf32>
        %broadcast_in_dim3A_641 = arith.constant 41 : i32
        %broadcast_in_dim3A_642 = vector.broadcast %broadcast_in_dim3A_641 : i32 to vector<16xi32>
        %gather3A_643 = tpu.vector_load_idx %arg13[%add3A_270, %broadcast_in_dim3A_642] : memref<128x64xf32, #tpu.memory_space<vmem>>[vector<16xi32>, vector<16xi32>], vector<16xf32>,
        %gather3A_644 = tpu.vector_load_idx %arg14[%add3A_270, %broadcast_in_dim3A_642] : memref<128x64xf32, #tpu.memory_space<vmem>>[vector<16xi32>, vector<16xi32>], vector<16xf32>,
        %gather3A_645 = tpu.vector_load_idx %arg15[%add3A_270, %broadcast_in_dim3A_642] : memref<128x64xf32, #tpu.memory_space<vmem>>[vector<16xi32>, vector<16xi32>], vector<16xf32>,
        %mul3A_646 = arith.mulf %gather3A_643, %gather3A_644 : vector<16xf32>
        %add3A_647 = arith.addf %add3A_638, %mul3A_646 : vector<16xf32>
        %mul3A_648 = arith.mulf %gather3A_643, %gather3A_645 : vector<16xf32>
        %add3A_649 = arith.addf %add3A_640, %mul3A_648 : vector<16xf32>
        %broadcast_in_dim3A_650 = arith.constant 42 : i32
        %broadcast_in_dim3A_651 = vector.broadcast %broadcast_in_dim3A_650 : i32 to vector<16xi32>
        %gather3A_652 = tpu.vector_load_idx %arg13[%add3A_270, %broadcast_in_dim3A_651] : memref<128x64xf32, #tpu.memory_space<vmem>>[vector<16xi32>, vector<16xi32>], vector<16xf32>,
        %gather3A_653 = tpu.vector_load_idx %arg14[%add3A_270, %broadcast_in_dim3A_651] : memref<128x64xf32, #tpu.memory_space<vmem>>[vector<16xi32>, vector<16xi32>], vector<16xf32>,
        %gather3A_654 = tpu.vector_load_idx %arg15[%add3A_270, %broadcast_in_dim3A_651] : memref<128x64xf32, #tpu.memory_space<vmem>>[vector<16xi32>, vector<16xi32>], vector<16xf32>,
        %mul3A_655 = arith.mulf %gather3A_652, %gather3A_653 : vector<16xf32>
        %add3A_656 = arith.addf %add3A_647, %mul3A_655 : vector<16xf32>
        %mul3A_657 = arith.mulf %gather3A_652, %gather3A_654 : vector<16xf32>
        %add3A_658 = arith.addf %add3A_649, %mul3A_657 : vector<16xf32>
        %broadcast_in_dim3A_659 = arith.constant 43 : i32
        %broadcast_in_dim3A_660 = vector.broadcast %broadcast_in_dim3A_659 : i32 to vector<16xi32>
        %gather3A_661 = tpu.vector_load_idx %arg13[%add3A_270, %broadcast_in_dim3A_660] : memref<128x64xf32, #tpu.memory_space<vmem>>[vector<16xi32>, vector<16xi32>], vector<16xf32>,
        %gather3A_662 = tpu.vector_load_idx %arg14[%add3A_270, %broadcast_in_dim3A_660] : memref<128x64xf32, #tpu.memory_space<vmem>>[vector<16xi32>, vector<16xi32>], vector<16xf32>,
        %gather3A_663 = tpu.vector_load_idx %arg15[%add3A_270, %broadcast_in_dim3A_660] : memref<128x64xf32, #tpu.memory_space<vmem>>[vector<16xi32>, vector<16xi32>], vector<16xf32>,
        %mul3A_664 = arith.mulf %gather3A_661, %gather3A_662 : vector<16xf32>
        %add3A_665 = arith.addf %add3A_656, %mul3A_664 : vector<16xf32>
        %mul3A_666 = arith.mulf %gather3A_661, %gather3A_663 : vector<16xf32>
        %add3A_667 = arith.addf %add3A_658, %mul3A_666 : vector<16xf32>
        %broadcast_in_dim3A_668 = arith.constant 44 : i32
        %broadcast_in_dim3A_669 = vector.broadcast %broadcast_in_dim3A_668 : i32 to vector<16xi32>
        %gather3A_670 = tpu.vector_load_idx %arg13[%add3A_270, %broadcast_in_dim3A_669] : memref<128x64xf32, #tpu.memory_space<vmem>>[vector<16xi32>, vector<16xi32>], vector<16xf32>,
        %gather3A_671 = tpu.vector_load_idx %arg14[%add3A_270, %broadcast_in_dim3A_669] : memref<128x64xf32, #tpu.memory_space<vmem>>[vector<16xi32>, vector<16xi32>], vector<16xf32>,
        %gather3A_672 = tpu.vector_load_idx %arg15[%add3A_270, %broadcast_in_dim3A_669] : memref<128x64xf32, #tpu.memory_space<vmem>>[vector<16xi32>, vector<16xi32>], vector<16xf32>,
        %mul3A_673 = arith.mulf %gather3A_670, %gather3A_671 : vector<16xf32>
        %add3A_674 = arith.addf %add3A_665, %mul3A_673 : vector<16xf32>
        %mul3A_675 = arith.mulf %gather3A_670, %gather3A_672 : vector<16xf32>
        %add3A_676 = arith.addf %add3A_667, %mul3A_675 : vector<16xf32>
        %broadcast_in_dim3A_677 = arith.constant 45 : i32
        %broadcast_in_dim3A_678 = vector.broadcast %broadcast_in_dim3A_677 : i32 to vector<16xi32>
        %gather3A_679 = tpu.vector_load_idx %arg13[%add3A_270, %broadcast_in_dim3A_678] : memref<128x64xf32, #tpu.memory_space<vmem>>[vector<16xi32>, vector<16xi32>], vector<16xf32>,
        %gather3A_680 = tpu.vector_load_idx %arg14[%add3A_270, %broadcast_in_dim3A_678] : memref<128x64xf32, #tpu.memory_space<vmem>>[vector<16xi32>, vector<16xi32>], vector<16xf32>,
        %gather3A_681 = tpu.vector_load_idx %arg15[%add3A_270, %broadcast_in_dim3A_678] : memref<128x64xf32, #tpu.memory_space<vmem>>[vector<16xi32>, vector<16xi32>], vector<16xf32>,
        %mul3A_682 = arith.mulf %gather3A_679, %gather3A_680 : vector<16xf32>
        %add3A_683 = arith.addf %add3A_674, %mul3A_682 : vector<16xf32>
        %mul3A_684 = arith.mulf %gather3A_679, %gather3A_681 : vector<16xf32>
        %add3A_685 = arith.addf %add3A_676, %mul3A_684 : vector<16xf32>
        %broadcast_in_dim3A_686 = arith.constant 46 : i32
        %broadcast_in_dim3A_687 = vector.broadcast %broadcast_in_dim3A_686 : i32 to vector<16xi32>
        %gather3A_688 = tpu.vector_load_idx %arg13[%add3A_270, %broadcast_in_dim3A_687] : memref<128x64xf32, #tpu.memory_space<vmem>>[vector<16xi32>, vector<16xi32>], vector<16xf32>,
        %gather3A_689 = tpu.vector_load_idx %arg14[%add3A_270, %broadcast_in_dim3A_687] : memref<128x64xf32, #tpu.memory_space<vmem>>[vector<16xi32>, vector<16xi32>], vector<16xf32>,
        %gather3A_690 = tpu.vector_load_idx %arg15[%add3A_270, %broadcast_in_dim3A_687] : memref<128x64xf32, #tpu.memory_space<vmem>>[vector<16xi32>, vector<16xi32>], vector<16xf32>,
        %mul3A_691 = arith.mulf %gather3A_688, %gather3A_689 : vector<16xf32>
        %add3A_692 = arith.addf %add3A_683, %mul3A_691 : vector<16xf32>
        %mul3A_693 = arith.mulf %gather3A_688, %gather3A_690 : vector<16xf32>
        %add3A_694 = arith.addf %add3A_685, %mul3A_693 : vector<16xf32>
        %broadcast_in_dim3A_695 = arith.constant 47 : i32
        %broadcast_in_dim3A_696 = vector.broadcast %broadcast_in_dim3A_695 : i32 to vector<16xi32>
        %gather3A_697 = tpu.vector_load_idx %arg13[%add3A_270, %broadcast_in_dim3A_696] : memref<128x64xf32, #tpu.memory_space<vmem>>[vector<16xi32>, vector<16xi32>], vector<16xf32>,
        %gather3A_698 = tpu.vector_load_idx %arg14[%add3A_270, %broadcast_in_dim3A_696] : memref<128x64xf32, #tpu.memory_space<vmem>>[vector<16xi32>, vector<16xi32>], vector<16xf32>,
        %gather3A_699 = tpu.vector_load_idx %arg15[%add3A_270, %broadcast_in_dim3A_696] : memref<128x64xf32, #tpu.memory_space<vmem>>[vector<16xi32>, vector<16xi32>], vector<16xf32>,
        %mul3A_700 = arith.mulf %gather3A_697, %gather3A_698 : vector<16xf32>
        %add3A_701 = arith.addf %add3A_692, %mul3A_700 : vector<16xf32>
        %mul3A_702 = arith.mulf %gather3A_697, %gather3A_699 : vector<16xf32>
        %add3A_703 = arith.addf %add3A_694, %mul3A_702 : vector<16xf32>
        %broadcast_in_dim3A_704 = arith.constant 48 : i32
        %broadcast_in_dim3A_705 = vector.broadcast %broadcast_in_dim3A_704 : i32 to vector<16xi32>
        %gather3A_706 = tpu.vector_load_idx %arg13[%add3A_270, %broadcast_in_dim3A_705] : memref<128x64xf32, #tpu.memory_space<vmem>>[vector<16xi32>, vector<16xi32>], vector<16xf32>,
        %gather3A_707 = tpu.vector_load_idx %arg14[%add3A_270, %broadcast_in_dim3A_705] : memref<128x64xf32, #tpu.memory_space<vmem>>[vector<16xi32>, vector<16xi32>], vector<16xf32>,
        %gather3A_708 = tpu.vector_load_idx %arg15[%add3A_270, %broadcast_in_dim3A_705] : memref<128x64xf32, #tpu.memory_space<vmem>>[vector<16xi32>, vector<16xi32>], vector<16xf32>,
        %mul3A_709 = arith.mulf %gather3A_706, %gather3A_707 : vector<16xf32>
        %add3A_710 = arith.addf %add3A_701, %mul3A_709 : vector<16xf32>
        %mul3A_711 = arith.mulf %gather3A_706, %gather3A_708 : vector<16xf32>
        %add3A_712 = arith.addf %add3A_703, %mul3A_711 : vector<16xf32>
        %broadcast_in_dim3A_713 = arith.constant 49 : i32
        %broadcast_in_dim3A_714 = vector.broadcast %broadcast_in_dim3A_713 : i32 to vector<16xi32>
        %gather3A_715 = tpu.vector_load_idx %arg13[%add3A_270, %broadcast_in_dim3A_714] : memref<128x64xf32, #tpu.memory_space<vmem>>[vector<16xi32>, vector<16xi32>], vector<16xf32>,
        %gather3A_716 = tpu.vector_load_idx %arg14[%add3A_270, %broadcast_in_dim3A_714] : memref<128x64xf32, #tpu.memory_space<vmem>>[vector<16xi32>, vector<16xi32>], vector<16xf32>,
        %gather3A_717 = tpu.vector_load_idx %arg15[%add3A_270, %broadcast_in_dim3A_714] : memref<128x64xf32, #tpu.memory_space<vmem>>[vector<16xi32>, vector<16xi32>], vector<16xf32>,
        %mul3A_718 = arith.mulf %gather3A_715, %gather3A_716 : vector<16xf32>
        %add3A_719 = arith.addf %add3A_710, %mul3A_718 : vector<16xf32>
        %mul3A_720 = arith.mulf %gather3A_715, %gather3A_717 : vector<16xf32>
        %add3A_721 = arith.addf %add3A_712, %mul3A_720 : vector<16xf32>
        %broadcast_in_dim3A_722 = arith.constant 50 : i32
        %broadcast_in_dim3A_723 = vector.broadcast %broadcast_in_dim3A_722 : i32 to vector<16xi32>
        %gather3A_724 = tpu.vector_load_idx %arg13[%add3A_270, %broadcast_in_dim3A_723] : memref<128x64xf32, #tpu.memory_space<vmem>>[vector<16xi32>, vector<16xi32>], vector<16xf32>,
        %gather3A_725 = tpu.vector_load_idx %arg14[%add3A_270, %broadcast_in_dim3A_723] : memref<128x64xf32, #tpu.memory_space<vmem>>[vector<16xi32>, vector<16xi32>], vector<16xf32>,
        %gather3A_726 = tpu.vector_load_idx %arg15[%add3A_270, %broadcast_in_dim3A_723] : memref<128x64xf32, #tpu.memory_space<vmem>>[vector<16xi32>, vector<16xi32>], vector<16xf32>,
        %mul3A_727 = arith.mulf %gather3A_724, %gather3A_725 : vector<16xf32>
        %add3A_728 = arith.addf %add3A_719, %mul3A_727 : vector<16xf32>
        %mul3A_729 = arith.mulf %gather3A_724, %gather3A_726 : vector<16xf32>
        %add3A_730 = arith.addf %add3A_721, %mul3A_729 : vector<16xf32>
        %broadcast_in_dim3A_731 = arith.constant 51 : i32
        %broadcast_in_dim3A_732 = vector.broadcast %broadcast_in_dim3A_731 : i32 to vector<16xi32>
        %gather3A_733 = tpu.vector_load_idx %arg13[%add3A_270, %broadcast_in_dim3A_732] : memref<128x64xf32, #tpu.memory_space<vmem>>[vector<16xi32>, vector<16xi32>], vector<16xf32>,
        %gather3A_734 = tpu.vector_load_idx %arg14[%add3A_270, %broadcast_in_dim3A_732] : memref<128x64xf32, #tpu.memory_space<vmem>>[vector<16xi32>, vector<16xi32>], vector<16xf32>,
        %gather3A_735 = tpu.vector_load_idx %arg15[%add3A_270, %broadcast_in_dim3A_732] : memref<128x64xf32, #tpu.memory_space<vmem>>[vector<16xi32>, vector<16xi32>], vector<16xf32>,
        %mul3A_736 = arith.mulf %gather3A_733, %gather3A_734 : vector<16xf32>
        %add3A_737 = arith.addf %add3A_728, %mul3A_736 : vector<16xf32>
        %mul3A_738 = arith.mulf %gather3A_733, %gather3A_735 : vector<16xf32>
        %add3A_739 = arith.addf %add3A_730, %mul3A_738 : vector<16xf32>
        %broadcast_in_dim3A_740 = arith.constant 52 : i32
        %broadcast_in_dim3A_741 = vector.broadcast %broadcast_in_dim3A_740 : i32 to vector<16xi32>
        %gather3A_742 = tpu.vector_load_idx %arg13[%add3A_270, %broadcast_in_dim3A_741] : memref<128x64xf32, #tpu.memory_space<vmem>>[vector<16xi32>, vector<16xi32>], vector<16xf32>,
        %gather3A_743 = tpu.vector_load_idx %arg14[%add3A_270, %broadcast_in_dim3A_741] : memref<128x64xf32, #tpu.memory_space<vmem>>[vector<16xi32>, vector<16xi32>], vector<16xf32>,
        %gather3A_744 = tpu.vector_load_idx %arg15[%add3A_270, %broadcast_in_dim3A_741] : memref<128x64xf32, #tpu.memory_space<vmem>>[vector<16xi32>, vector<16xi32>], vector<16xf32>,
        %mul3A_745 = arith.mulf %gather3A_742, %gather3A_743 : vector<16xf32>
        %add3A_746 = arith.addf %add3A_737, %mul3A_745 : vector<16xf32>
        %mul3A_747 = arith.mulf %gather3A_742, %gather3A_744 : vector<16xf32>
        %add3A_748 = arith.addf %add3A_739, %mul3A_747 : vector<16xf32>
        %broadcast_in_dim3A_749 = arith.constant 53 : i32
        %broadcast_in_dim3A_750 = vector.broadcast %broadcast_in_dim3A_749 : i32 to vector<16xi32>
        %gather3A_751 = tpu.vector_load_idx %arg13[%add3A_270, %broadcast_in_dim3A_750] : memref<128x64xf32, #tpu.memory_space<vmem>>[vector<16xi32>, vector<16xi32>], vector<16xf32>,
        %gather3A_752 = tpu.vector_load_idx %arg14[%add3A_270, %broadcast_in_dim3A_750] : memref<128x64xf32, #tpu.memory_space<vmem>>[vector<16xi32>, vector<16xi32>], vector<16xf32>,
        %gather3A_753 = tpu.vector_load_idx %arg15[%add3A_270, %broadcast_in_dim3A_750] : memref<128x64xf32, #tpu.memory_space<vmem>>[vector<16xi32>, vector<16xi32>], vector<16xf32>,
        %mul3A_754 = arith.mulf %gather3A_751, %gather3A_752 : vector<16xf32>
        %add3A_755 = arith.addf %add3A_746, %mul3A_754 : vector<16xf32>
        %mul3A_756 = arith.mulf %gather3A_751, %gather3A_753 : vector<16xf32>
        %add3A_757 = arith.addf %add3A_748, %mul3A_756 : vector<16xf32>
        %broadcast_in_dim3A_758 = arith.constant 54 : i32
        %broadcast_in_dim3A_759 = vector.broadcast %broadcast_in_dim3A_758 : i32 to vector<16xi32>
        %gather3A_760 = tpu.vector_load_idx %arg13[%add3A_270, %broadcast_in_dim3A_759] : memref<128x64xf32, #tpu.memory_space<vmem>>[vector<16xi32>, vector<16xi32>], vector<16xf32>,
        %gather3A_761 = tpu.vector_load_idx %arg14[%add3A_270, %broadcast_in_dim3A_759] : memref<128x64xf32, #tpu.memory_space<vmem>>[vector<16xi32>, vector<16xi32>], vector<16xf32>,
        %gather3A_762 = tpu.vector_load_idx %arg15[%add3A_270, %broadcast_in_dim3A_759] : memref<128x64xf32, #tpu.memory_space<vmem>>[vector<16xi32>, vector<16xi32>], vector<16xf32>,
        %mul3A_763 = arith.mulf %gather3A_760, %gather3A_761 : vector<16xf32>
        %add3A_764 = arith.addf %add3A_755, %mul3A_763 : vector<16xf32>
        %mul3A_765 = arith.mulf %gather3A_760, %gather3A_762 : vector<16xf32>
        %add3A_766 = arith.addf %add3A_757, %mul3A_765 : vector<16xf32>
        %broadcast_in_dim3A_767 = arith.constant 55 : i32
        %broadcast_in_dim3A_768 = vector.broadcast %broadcast_in_dim3A_767 : i32 to vector<16xi32>
        %gather3A_769 = tpu.vector_load_idx %arg13[%add3A_270, %broadcast_in_dim3A_768] : memref<128x64xf32, #tpu.memory_space<vmem>>[vector<16xi32>, vector<16xi32>], vector<16xf32>,
        %gather3A_770 = tpu.vector_load_idx %arg14[%add3A_270, %broadcast_in_dim3A_768] : memref<128x64xf32, #tpu.memory_space<vmem>>[vector<16xi32>, vector<16xi32>], vector<16xf32>,
        %gather3A_771 = tpu.vector_load_idx %arg15[%add3A_270, %broadcast_in_dim3A_768] : memref<128x64xf32, #tpu.memory_space<vmem>>[vector<16xi32>, vector<16xi32>], vector<16xf32>,
        %mul3A_772 = arith.mulf %gather3A_769, %gather3A_770 : vector<16xf32>
        %add3A_773 = arith.addf %add3A_764, %mul3A_772 : vector<16xf32>
        %mul3A_774 = arith.mulf %gather3A_769, %gather3A_771 : vector<16xf32>
        %add3A_775 = arith.addf %add3A_766, %mul3A_774 : vector<16xf32>
        %broadcast_in_dim3A_776 = arith.constant 56 : i32
        %broadcast_in_dim3A_777 = vector.broadcast %broadcast_in_dim3A_776 : i32 to vector<16xi32>
        %gather3A_778 = tpu.vector_load_idx %arg13[%add3A_270, %broadcast_in_dim3A_777] : memref<128x64xf32, #tpu.memory_space<vmem>>[vector<16xi32>, vector<16xi32>], vector<16xf32>,
        %gather3A_779 = tpu.vector_load_idx %arg14[%add3A_270, %broadcast_in_dim3A_777] : memref<128x64xf32, #tpu.memory_space<vmem>>[vector<16xi32>, vector<16xi32>], vector<16xf32>,
        %gather3A_780 = tpu.vector_load_idx %arg15[%add3A_270, %broadcast_in_dim3A_777] : memref<128x64xf32, #tpu.memory_space<vmem>>[vector<16xi32>, vector<16xi32>], vector<16xf32>,
        %mul3A_781 = arith.mulf %gather3A_778, %gather3A_779 : vector<16xf32>
        %add3A_782 = arith.addf %add3A_773, %mul3A_781 : vector<16xf32>
        %mul3A_783 = arith.mulf %gather3A_778, %gather3A_780 : vector<16xf32>
        %add3A_784 = arith.addf %add3A_775, %mul3A_783 : vector<16xf32>
        %broadcast_in_dim3A_785 = arith.constant 57 : i32
        %broadcast_in_dim3A_786 = vector.broadcast %broadcast_in_dim3A_785 : i32 to vector<16xi32>
        %gather3A_787 = tpu.vector_load_idx %arg13[%add3A_270, %broadcast_in_dim3A_786] : memref<128x64xf32, #tpu.memory_space<vmem>>[vector<16xi32>, vector<16xi32>], vector<16xf32>,
        %gather3A_788 = tpu.vector_load_idx %arg14[%add3A_270, %broadcast_in_dim3A_786] : memref<128x64xf32, #tpu.memory_space<vmem>>[vector<16xi32>, vector<16xi32>], vector<16xf32>,
        %gather3A_789 = tpu.vector_load_idx %arg15[%add3A_270, %broadcast_in_dim3A_786] : memref<128x64xf32, #tpu.memory_space<vmem>>[vector<16xi32>, vector<16xi32>], vector<16xf32>,
        %mul3A_790 = arith.mulf %gather3A_787, %gather3A_788 : vector<16xf32>
        %add3A_791 = arith.addf %add3A_782, %mul3A_790 : vector<16xf32>
        %mul3A_792 = arith.mulf %gather3A_787, %gather3A_789 : vector<16xf32>
        %add3A_793 = arith.addf %add3A_784, %mul3A_792 : vector<16xf32>
        %broadcast_in_dim3A_794 = arith.constant 58 : i32
        %broadcast_in_dim3A_795 = vector.broadcast %broadcast_in_dim3A_794 : i32 to vector<16xi32>
        %gather3A_796 = tpu.vector_load_idx %arg13[%add3A_270, %broadcast_in_dim3A_795] : memref<128x64xf32, #tpu.memory_space<vmem>>[vector<16xi32>, vector<16xi32>], vector<16xf32>,
        %gather3A_797 = tpu.vector_load_idx %arg14[%add3A_270, %broadcast_in_dim3A_795] : memref<128x64xf32, #tpu.memory_space<vmem>>[vector<16xi32>, vector<16xi32>], vector<16xf32>,
        %gather3A_798 = tpu.vector_load_idx %arg15[%add3A_270, %broadcast_in_dim3A_795] : memref<128x64xf32, #tpu.memory_space<vmem>>[vector<16xi32>, vector<16xi32>], vector<16xf32>,
        %mul3A_799 = arith.mulf %gather3A_796, %gather3A_797 : vector<16xf32>
        %add3A_800 = arith.addf %add3A_791, %mul3A_799 : vector<16xf32>
        %mul3A_801 = arith.mulf %gather3A_796, %gather3A_798 : vector<16xf32>
        %add3A_802 = arith.addf %add3A_793, %mul3A_801 : vector<16xf32>
        %broadcast_in_dim3A_803 = arith.constant 59 : i32
        %broadcast_in_dim3A_804 = vector.broadcast %broadcast_in_dim3A_803 : i32 to vector<16xi32>
        %gather3A_805 = tpu.vector_load_idx %arg13[%add3A_270, %broadcast_in_dim3A_804] : memref<128x64xf32, #tpu.memory_space<vmem>>[vector<16xi32>, vector<16xi32>], vector<16xf32>,
        %gather3A_806 = tpu.vector_load_idx %arg14[%add3A_270, %broadcast_in_dim3A_804] : memref<128x64xf32, #tpu.memory_space<vmem>>[vector<16xi32>, vector<16xi32>], vector<16xf32>,
        %gather3A_807 = tpu.vector_load_idx %arg15[%add3A_270, %broadcast_in_dim3A_804] : memref<128x64xf32, #tpu.memory_space<vmem>>[vector<16xi32>, vector<16xi32>], vector<16xf32>,
        %mul3A_808 = arith.mulf %gather3A_805, %gather3A_806 : vector<16xf32>
        %add3A_809 = arith.addf %add3A_800, %mul3A_808 : vector<16xf32>
        %mul3A_810 = arith.mulf %gather3A_805, %gather3A_807 : vector<16xf32>
        %add3A_811 = arith.addf %add3A_802, %mul3A_810 : vector<16xf32>
        %broadcast_in_dim3A_812 = arith.constant 60 : i32
        %broadcast_in_dim3A_813 = vector.broadcast %broadcast_in_dim3A_812 : i32 to vector<16xi32>
        %gather3A_814 = tpu.vector_load_idx %arg13[%add3A_270, %broadcast_in_dim3A_813] : memref<128x64xf32, #tpu.memory_space<vmem>>[vector<16xi32>, vector<16xi32>], vector<16xf32>,
        %gather3A_815 = tpu.vector_load_idx %arg14[%add3A_270, %broadcast_in_dim3A_813] : memref<128x64xf32, #tpu.memory_space<vmem>>[vector<16xi32>, vector<16xi32>], vector<16xf32>,
        %gather3A_816 = tpu.vector_load_idx %arg15[%add3A_270, %broadcast_in_dim3A_813] : memref<128x64xf32, #tpu.memory_space<vmem>>[vector<16xi32>, vector<16xi32>], vector<16xf32>,
        %mul3A_817 = arith.mulf %gather3A_814, %gather3A_815 : vector<16xf32>
        %add3A_818 = arith.addf %add3A_809, %mul3A_817 : vector<16xf32>
        %mul3A_819 = arith.mulf %gather3A_814, %gather3A_816 : vector<16xf32>
        %add3A_820 = arith.addf %add3A_811, %mul3A_819 : vector<16xf32>
        %broadcast_in_dim3A_821 = arith.constant 61 : i32
        %broadcast_in_dim3A_822 = vector.broadcast %broadcast_in_dim3A_821 : i32 to vector<16xi32>
        %gather3A_823 = tpu.vector_load_idx %arg13[%add3A_270, %broadcast_in_dim3A_822] : memref<128x64xf32, #tpu.memory_space<vmem>>[vector<16xi32>, vector<16xi32>], vector<16xf32>,
        %gather3A_824 = tpu.vector_load_idx %arg14[%add3A_270, %broadcast_in_dim3A_822] : memref<128x64xf32, #tpu.memory_space<vmem>>[vector<16xi32>, vector<16xi32>], vector<16xf32>,
        %gather3A_825 = tpu.vector_load_idx %arg15[%add3A_270, %broadcast_in_dim3A_822] : memref<128x64xf32, #tpu.memory_space<vmem>>[vector<16xi32>, vector<16xi32>], vector<16xf32>,
        %mul3A_826 = arith.mulf %gather3A_823, %gather3A_824 : vector<16xf32>
        %add3A_827 = arith.addf %add3A_818, %mul3A_826 : vector<16xf32>
        %mul3A_828 = arith.mulf %gather3A_823, %gather3A_825 : vector<16xf32>
        %add3A_829 = arith.addf %add3A_820, %mul3A_828 : vector<16xf32>
        %broadcast_in_dim3A_830 = arith.constant 62 : i32
        %broadcast_in_dim3A_831 = vector.broadcast %broadcast_in_dim3A_830 : i32 to vector<16xi32>
        %gather3A_832 = tpu.vector_load_idx %arg13[%add3A_270, %broadcast_in_dim3A_831] : memref<128x64xf32, #tpu.memory_space<vmem>>[vector<16xi32>, vector<16xi32>], vector<16xf32>,
        %gather3A_833 = tpu.vector_load_idx %arg14[%add3A_270, %broadcast_in_dim3A_831] : memref<128x64xf32, #tpu.memory_space<vmem>>[vector<16xi32>, vector<16xi32>], vector<16xf32>,
        %gather3A_834 = tpu.vector_load_idx %arg15[%add3A_270, %broadcast_in_dim3A_831] : memref<128x64xf32, #tpu.memory_space<vmem>>[vector<16xi32>, vector<16xi32>], vector<16xf32>,
        %mul3A_835 = arith.mulf %gather3A_832, %gather3A_833 : vector<16xf32>
        %add3A_836 = arith.addf %add3A_827, %mul3A_835 : vector<16xf32>
        %mul3A_837 = arith.mulf %gather3A_832, %gather3A_834 : vector<16xf32>
        %add3A_838 = arith.addf %add3A_829, %mul3A_837 : vector<16xf32>
        %broadcast_in_dim3A_839 = arith.constant 63 : i32
        %broadcast_in_dim3A_840 = vector.broadcast %broadcast_in_dim3A_839 : i32 to vector<16xi32>
        %gather3A_841 = tpu.vector_load_idx %arg13[%add3A_270, %broadcast_in_dim3A_840] : memref<128x64xf32, #tpu.memory_space<vmem>>[vector<16xi32>, vector<16xi32>], vector<16xf32>,
        %gather3A_842 = tpu.vector_load_idx %arg14[%add3A_270, %broadcast_in_dim3A_840] : memref<128x64xf32, #tpu.memory_space<vmem>>[vector<16xi32>, vector<16xi32>], vector<16xf32>,
        %gather3A_843 = tpu.vector_load_idx %arg15[%add3A_270, %broadcast_in_dim3A_840] : memref<128x64xf32, #tpu.memory_space<vmem>>[vector<16xi32>, vector<16xi32>], vector<16xf32>,
        %mul3A_844 = arith.mulf %gather3A_841, %gather3A_842 : vector<16xf32>
        %add3A_845 = arith.addf %add3A_836, %mul3A_844 : vector<16xf32>
        %mul3A_846 = arith.mulf %gather3A_841, %gather3A_843 : vector<16xf32>
        %add3A_847 = arith.addf %add3A_838, %mul3A_846 : vector<16xf32>
        %swap3A = arith.index_cast %shift_right_logical3A_263 : i32 to index
        %swap3A_848 = arith.index_cast %mul3A_266 : i32 to index
        %swap3A_849 = tpu.vector_load %arg18[%swap3A, %swap3A_848] {strides = array<i32>} : memref<8x64xf32, #tpu.memory_space<vmem>>, vector<16xf32>,
        tpu.vector_store %arg18[%swap3A, %swap3A_848], %add3A_845 {strides = array<i32>} : memref<8x64xf32, #tpu.memory_space<vmem>>, vector<16xf32>,
        %swap3A_850 = arith.index_cast %shift_right_logical3A_263 : i32 to index
        %swap3A_851 = arith.index_cast %mul3A_266 : i32 to index
        %swap3A_852 = tpu.vector_load %arg19[%swap3A_850, %swap3A_851] {strides = array<i32>} : memref<8x64xf32, #tpu.memory_space<vmem>>, vector<16xf32>,
        tpu.vector_store %arg19[%swap3A_850, %swap3A_851], %add3A_847 {strides = array<i32>} : memref<8x64xf32, #tpu.memory_space<vmem>>, vector<16xf32>,
      }
      %scan3A_258 = arith.constant 8 : i32
    }
    %scan3A_6 = arith.constant 4 : i32
    "tpu.region"() ({
      %run_scoped3A = tpu.sem_alloc : memref<!tpu.dma_semaphore, #tpu.memory_space<semaphore_mem>>
      %dma_start3A = arith.constant 0 : i32
      %dma_start3A_7 = arith.constant 0 : i32
      %dma_start3A_8 = tpu.memref_slice %arg8[%add3A, %dma_start3A, %dma_start3A_7] : memref<32x8x64xf32, #tpu.memory_space<hbm>> -> memref<1x8x64xf32, #tpu.memory_space<hbm>>
      %dma_start3A_9 = tpu.memref_squeeze %dma_start3A_8 : memref<1x8x64xf32, #tpu.memory_space<hbm>> -> memref<8x64xf32, #tpu.memory_space<hbm>>
      %dma_start3A_10 = arith.constant 0 : i32
      %dma_start3A_11 = arith.constant 0 : i32
      %dma_start3A_12 = tpu.memref_slice %arg8[%add3A, %dma_start3A_10, %dma_start3A_11] : memref<32x8x64xf32, #tpu.memory_space<hbm>> -> memref<1x8x64xf32, #tpu.memory_space<hbm>>
      %dma_start3A_13 = tpu.memref_squeeze %dma_start3A_12 : memref<1x8x64xf32, #tpu.memory_space<hbm>> -> memref<8x64xf32, #tpu.memory_space<hbm>>
      tpu.enqueue_dma source(%arg18 : memref<8x64xf32, #tpu.memory_space<vmem>>) target(%dma_start3A_13 : memref<8x64xf32, #tpu.memory_space<hbm>>) target_semaphore(%run_scoped3A : memref<!tpu.dma_semaphore, #tpu.memory_space<semaphore_mem>>)
      %dma_wait3A = arith.constant 0 : i32
      %dma_wait3A_14 = arith.constant 0 : i32
      %dma_wait3A_15 = tpu.memref_slice %arg8[%add3A, %dma_wait3A, %dma_wait3A_14] : memref<32x8x64xf32, #tpu.memory_space<hbm>> -> memref<1x8x64xf32, #tpu.memory_space<hbm>>
      %dma_wait3A_16 = tpu.memref_squeeze %dma_wait3A_15 : memref<1x8x64xf32, #tpu.memory_space<hbm>> -> memref<8x64xf32, #tpu.memory_space<hbm>>
      %dma_wait3A_17 = arith.constant 0 : i32
      %dma_wait3A_18 = arith.constant 0 : i32
      %dma_wait3A_19 = tpu.memref_slice %arg8[%add3A, %dma_wait3A_17, %dma_wait3A_18] : memref<32x8x64xf32, #tpu.memory_space<hbm>> -> memref<1x8x64xf32, #tpu.memory_space<hbm>>
      %dma_wait3A_20 = tpu.memref_squeeze %dma_wait3A_19 : memref<1x8x64xf32, #tpu.memory_space<hbm>> -> memref<8x64xf32, #tpu.memory_space<hbm>>
      tpu.wait_dma2 semaphore(%run_scoped3A : memref<!tpu.dma_semaphore, #tpu.memory_space<semaphore_mem>>) src(%arg18 : memref<8x64xf32, #tpu.memory_space<vmem>>) dst(%dma_wait3A_20 : memref<8x64xf32, #tpu.memory_space<hbm>>)
      tpu.yield
    }) : () -> ()
    "tpu.region"() ({
      %run_scoped3A = tpu.sem_alloc : memref<!tpu.dma_semaphore, #tpu.memory_space<semaphore_mem>>
      %dma_start3A = arith.constant 0 : i32
      %dma_start3A_7 = arith.constant 0 : i32
      %dma_start3A_8 = tpu.memref_slice %arg9[%add3A, %dma_start3A, %dma_start3A_7] : memref<32x8x64xf32, #tpu.memory_space<hbm>> -> memref<1x8x64xf32, #tpu.memory_space<hbm>>
      %dma_start3A_9 = tpu.memref_squeeze %dma_start3A_8 : memref<1x8x64xf32, #tpu.memory_space<hbm>> -> memref<8x64xf32, #tpu.memory_space<hbm>>
      %dma_start3A_10 = arith.constant 0 : i32
      %dma_start3A_11 = arith.constant 0 : i32
      %dma_start3A_12 = tpu.memref_slice %arg9[%add3A, %dma_start3A_10, %dma_start3A_11] : memref<32x8x64xf32, #tpu.memory_space<hbm>> -> memref<1x8x64xf32, #tpu.memory_space<hbm>>
      %dma_start3A_13 = tpu.memref_squeeze %dma_start3A_12 : memref<1x8x64xf32, #tpu.memory_space<hbm>> -> memref<8x64xf32, #tpu.memory_space<hbm>>
      tpu.enqueue_dma source(%arg19 : memref<8x64xf32, #tpu.memory_space<vmem>>) target(%dma_start3A_13 : memref<8x64xf32, #tpu.memory_space<hbm>>) target_semaphore(%run_scoped3A : memref<!tpu.dma_semaphore, #tpu.memory_space<semaphore_mem>>)
      %dma_wait3A = arith.constant 0 : i32
      %dma_wait3A_14 = arith.constant 0 : i32
      %dma_wait3A_15 = tpu.memref_slice %arg9[%add3A, %dma_wait3A, %dma_wait3A_14] : memref<32x8x64xf32, #tpu.memory_space<hbm>> -> memref<1x8x64xf32, #tpu.memory_space<hbm>>
      %dma_wait3A_16 = tpu.memref_squeeze %dma_wait3A_15 : memref<1x8x64xf32, #tpu.memory_space<hbm>> -> memref<8x64xf32, #tpu.memory_space<hbm>>
      %dma_wait3A_17 = arith.constant 0 : i32
      %dma_wait3A_18 = arith.constant 0 : i32
      %dma_wait3A_19 = tpu.memref_slice %arg9[%add3A, %dma_wait3A_17, %dma_wait3A_18] : memref<32x8x64xf32, #tpu.memory_space<hbm>> -> memref<1x8x64xf32, #tpu.memory_space<hbm>>
      %dma_wait3A_20 = tpu.memref_squeeze %dma_wait3A_19 : memref<1x8x64xf32, #tpu.memory_space<hbm>> -> memref<8x64xf32, #tpu.memory_space<hbm>>
      tpu.wait_dma2 semaphore(%run_scoped3A : memref<!tpu.dma_semaphore, #tpu.memory_space<semaphore_mem>>) src(%arg19 : memref<8x64xf32, #tpu.memory_space<vmem>>) dst(%dma_wait3A_20 : memref<8x64xf32, #tpu.memory_space<hbm>>)
      tpu.yield
    }) : () -> ()
    return
  }
}

</mosaic_0001>

<sc_bundles>
// kernel: bprmf_sc.3.cloned.1.call-start
scs
__scs_entry_jumppad:
0x0: {  	(pc) =	sbr.rel $0x88, $3  }
0x1: {  	(tag) =	ssettag $0x0;
	lr =	simm.s32 $0x1  }
0x2: {  	[smem:$0x3F9B] =	sst lr;
	_ =	strace $0xD0000000  }
0x3: {  	_ = 	snop  }
0x4: {  	_ = 	snop  }
0x5: {  	_ = 	snop  }
0x6: {  	_ = 	snop  }
0x7: {  	_ = 	snop  }
__scs_overlays_trampoline_lowered:
0x8: {  	[smem:$0x3FAA] =	sst s0  }
0x9: {  	[smem:$0x3FAB] =	sst s1  }
0xa: {  	[smem:$0x3FAC] =	sst s2  }
0xb: {  	[smem:$0x3FAD] =	sst s3  }
0xc: {  	[smem:$0x3FAE] =	sst s4  }
0xd: {  	[smem:$0x3FAF] =	sst s5  }
0xe: {  	[smem:$0x3FB0] =	sst s6  }
0xf: {  	[smem:$0x3FB1] =	sst s7  }
0x10: {  	[smem:$0x3FB2] =	sst s8  }
0x11: {  	[smem:$0x3FB3] =	sst s9;
	s0 =	simm.s32 @!p0 $0x0  }
0x12: {  	s1 =	sld [smem:$0x3F99];
	s0 =	simm.s32 @p0 $0x1  }
0x13: {  	[smem:$0x3FB4] =	sst s0;
	s0 =	simm.s32 @!p1 $0x0  }
0x14: {  	s2 =	sld [smem:$0x3F98];
	s0 =	simm.s32 @p1 $0x1  }
0x15: {  	[smem:$0x3FB5] =	sst s0;
	s0 =	simm.s32 @!p2 $0x0  }
0x16: {  	s3 =	sld [smem:$0x3FDB];
	s0 =	simm.s32 @p2 $0x1  }
0x17: {  	s4 =	simm.s32 $0x1BF5;
	[smem:$0x3FB7] =	sst s0  }
0x18: {  	s0 =	sld [smem:$0x3F9A];
	_ =	swait.ge [sflag:s4], $0x0  }
0x19: {  	s7 =	sld [smem:$0x3F9B]  }
0x1a: {  	s8 =	sadd.s32 $0xFFFFE003, lr  }
0x1b: {  	s9 =	sadd.s32 $0xFFFFFEF7, lr;
	s5 =	simm.s32 $0xFFFFFFFF;
	p2 =	slt.u32 s8, $0xFFFFF086  }
0x1c: {  	p1 =	slt.u32 s9, $0xF7A;
	s5 =	simm.s32 @!p2 $0x0  }
0x1d: {  	s5 =	simm.s32 @p1 $0x1;
	p0 =	seq.s32 s7, s2  }
0x1e: {  	s7 =	smul.u32 @!p0 $0xF7A, s2;
	p2 =	seq.s32 @!p0 s5, $0x0  }
0x1f: {  	s9 =	smul.u32 $0xF7A, s1;
	s8 =	simm.s32 @!p0 $0x1BF5;
	p2 =	por !p2, p0  }
0x20: {  	[sflag:s8] =	ssyncset.s32 @!p0 $0xFFFFF086;
	s6 =	sadd.s32 @!p0 s3, s7;
	s7 =	simm.s32 @!p0 $0x108  }
0x21: {  	s3 =	sadd.s32 s3, s9;
	s6 =	sadd.s32 @!p0 $0x88, s6;
	s7 =	simm.s32 @p2 $0x1082  }
0x22: {  	[simem:s7], [sflag:s8] =	dma.local @!p0 [hbm:s6], $0xF7A  }
0x23: {  	s9 =	sor.u32 $0xD0000000, s2;
	s6 =	simm.s32 $0x108;
	_ =	swait.ge @!p0 [sflag:s8], $0x0  }
0x24: {  	s3 =	sadd.s32 $0x88, s3;
	s6 =	simm.s32 @!p1 $0x1082;
	[sflag:s4] =	ssyncset.s32 $0xFFFFF086  }
0x25: {  	[simem:s6], [sflag:s4] =	dma.local [hbm:s3], $0xF7A  }
0x26: {  	[smem:$0x3F9B] =	sst s1;
	(tag) =	ssettag s2;
	_ =	strace s9  }
0x27: {  	s1 =	sld [smem:$0x3FAB]  }
0x28: {  	s2 =	sld [smem:$0x3FAC]  }
0x29: {  	s4 =	sld [smem:$0x3FAE]  }
0x2a: {  	p0 =	seq.s32 s5, $0x0;
	s5 =	sld [smem:$0x3FAF]  }
0x2b: {  	s6 =	sld [smem:$0x3FB0]  }
0x2c: {  	s7 =	sld [smem:$0x3FB1]  }
0x2d: {  	s3 =	simm.s32 $0x108;
	s8 =	sld [smem:$0x3FB2]  }
0x2e: {  	s3 =	simm.s32 @!p0 $0x1082;
	s9 =	sld [smem:$0x3FB3]  }
0x2f: {  	lr =	sadd.s32 s0, s3;
	s0 =	sld [smem:$0x3FAA]  }
0x30: {  	s3 =	sld [smem:$0x3FAD]  }
0x31: {  	[smem:$0x3FB6] =	sst s10  }
0x32: {  	s10 =	sld [smem:$0x3FB4];
	_ =	sdelay $0x3  }
0x33: {  	p0 =	seq.s32 s10, $0x1;
	s10 =	sld [smem:$0x3FB6];
	_ =	sdelay $0x3  }
0x34: {  	[smem:$0x3FB6] =	sst s10  }
0x35: {  	s10 =	sld [smem:$0x3FB5];
	_ =	sdelay $0x3  }
0x36: {  	p1 =	seq.s32 s10, $0x1;
	s10 =	sld [smem:$0x3FB6];
	_ =	sdelay $0x3  }
0x37: {  	[smem:$0x3FB6] =	sst s10  }
0x38: {  	s10 =	sld [smem:$0x3FB7]  }
0x39: {  	_ = 	snop;
	(pc) =	sbr.ind lr, $3  }
0x3a: {  	_ = 	snop  }
0x3b: {  	_ = 	snop  }
0x3c: {  	p2 =	seq.s32 s10, $0x1;
	s10 =	sld [smem:$0x3FB6]  }
0x3d: {  	_ =	shalt  }
0x3e: {  	_ =	shalt  }
0x3f: {  	_ =	shalt  }
0x40: {  	_ =	shalt  }
0x41: {  	_ =	shalt  }
0x42: {  	_ =	shalt  }
0x43: {  	_ =	shalt  }
0x44: {  	_ =	shalt  }
0x45: {  	_ =	shalt  }
0x46: {  	_ =	shalt  }
0x47: {  	_ =	shalt  }
0x48: {  	_ =	shalt  }
0x49: {  	_ =	shalt  }
0x4a: {  	_ =	shalt  }
0x4b: {  	_ =	shalt  }
0x4c: {  	_ =	shalt  }
0x4d: {  	_ =	shalt  }
0x4e: {  	_ =	shalt  }
0x4f: {  	_ =	shalt  }
0x50: {  	_ =	shalt  }
0x51: {  	_ =	shalt  }
0x52: {  	_ =	shalt  }
0x53: {  	_ =	shalt  }
0x54: {  	_ =	shalt  }
0x55: {  	_ =	shalt  }
0x56: {  	_ =	shalt  }
0x57: {  	_ =	shalt  }
0x58: {  	_ =	shalt  }
0x59: {  	_ =	shalt  }
0x5a: {  	_ =	shalt  }
0x5b: {  	_ =	shalt  }
0x5c: {  	_ =	shalt  }
0x5d: {  	_ =	shalt  }
0x5e: {  	_ =	shalt  }
0x5f: {  	_ =	shalt  }
0x60: {  	_ =	shalt  }
0x61: {  	_ =	shalt  }
0x62: {  	_ =	shalt  }
0x63: {  	_ =	shalt  }
0x64: {  	_ =	shalt  }
0x65: {  	_ =	shalt  }
0x66: {  	_ =	shalt  }
0x67: {  	_ =	shalt  }
0x68: {  	_ =	shalt  }
0x69: {  	_ =	shalt  }
0x6a: {  	_ =	shalt  }
0x6b: {  	_ =	shalt  }
0x6c: {  	_ =	shalt  }
0x6d: {  	_ =	shalt  }
0x6e: {  	_ =	shalt  }
0x6f: {  	_ =	shalt  }
0x70: {  	_ =	shalt  }
0x71: {  	_ =	shalt  }
0x72: {  	_ =	shalt  }
0x73: {  	_ =	shalt  }
0x74: {  	_ =	shalt  }
0x75: {  	_ =	shalt  }
0x76: {  	_ =	shalt  }
0x77: {  	_ =	shalt  }
0x78: {  	_ =	shalt  }
0x79: {  	_ =	shalt  }
0x7a: {  	_ =	shalt  }
0x7b: {  	_ =	shalt  }
0x7c: {  	_ =	shalt  }
0x7d: {  	_ =	shalt  }
0x7e: {  	_ =	shalt  }
0x7f: {  	_ =	shalt  }
0x80: {  	_ =	shalt  }
0x81: {  	_ =	shalt  }
0x82: {  	_ =	shalt  }
0x83: {  	_ =	shalt  }
0x84: {  	_ =	shalt  }
0x85: {  	_ =	shalt  }
0x86: {  	_ =	shalt  }
0x87: {  	_ =	shalt  }
.Lfunc_end0:
.L_simem_size_0:
called_computation_lowered:
.L_overlay_start_0:
0x88: {  	s2 =	sld [smem:$0x3FD9]  }
0x89: {  	s3 =	sld [smem:$0x3FFE];
	_ =	sdelay $0x1  }
0x8a: {  	s1 =	srdreg.scid  }
0x8b: {  	s0 =	sand.u32 $0x1, s1  }
0x8c: {  	s16 =	sshll.u32 s0, $0xA;
	s2 =	sadd.s32 s3, s2  }
0x8d: {  	s2 =	sadd.s32 s2, s16  }
0x8e: {  	[smem:$0x3FC2] =	sst s2  }
0x8f: {  	_ = 	snop  }
0x90: {  	(tm) =	ssettm $0x1  }
0x91: {  	s17 =	sld [smem:$0x3FFB];
	_ =	sdelay $0x3  }
0x92: {  	_ =	strace s17  }
0x93: {  	s2 =	sld [smem:$0x3FFC];
	_ =	sdelay $0x3  }
0x94: {  	_ =	strace s2  }
0x95: {  	s2 =	sld [smem:$0x3FFD];
	_ =	sdelay $0x3  }
0x96: {  	_ =	strace s2  }
0x97: {  	_ =	strace $0x8FFFFFFF  }
0x98: {  	s18 =	sld [smem:$0x3FDB];
	_ =	sdelay $0x1  }
0x99: {  	s19 =	simm.s32 $_scs_section_size  }
0x9a: {  	s4 =	simm.s32 $_size__tile_overlayer_lowered;
	s5 =	simm.s32 $_tile_overlayer_lowered  }
0x9b: {  	s22 =	simm.s32 $0x1BFF;
	s21 =	sshll.u32 s5, $0x1;
	s2 =	sadd.s32 s19, s18  }
0x9c: {  	s6 =	simm.s32 $0x0;
	s20 =	sshll.u32 s4, $0x1;
	s4 =	sadd.s32 s21, s2  }
0x9d: {  	[timem:s6], [sflag:s22] =	dma.local [hbm:s4], s20  }
0x9e: {  	_ =	swait.ge [sflag:s22], s20  }
0x9f: {  	s3 =	ssub.s32 $0x0, s20;
	[sflag:s22] =	ssyncset.done $0x0  }
0xa0: {  	[sflag:s22] =	ssyncadd.s32 s3;
	_ =	sdelay $0x1  }
0xa1: {  	s23 =	simm.s32 $0x1B8B  }
0xa2: {  	_ =	swait.ge [sflag:s23], $0x1  }
0xa3: {  	[sflag:s23] =	ssyncset.done $0x0  }
0xa4: {  	s25 =	simm.s32 $0x1B8E;
	s24 =	sld [smem:$0x3FFE];
	[sflag:s23] =	ssyncadd.s32 $0xFFFFFFFF  }
0xa5: {  	s26 =	simm.s32 $execute0_lowered;
	[smem:$0x3FD2] =	sst s25  }
0xa6: {  	s4 =	sshll.u32 s26, $0x1;
	_ =	strace $0x80000046;
	[dreg:$0x1] =	wrdreg $0xFFFFFFFF  }
0xa7: {  	s28 =	simm.s32 $_size_execute0_lowered;
	s2 =	sadd.s32 s2, s4;
	[dreg:$0x0] =	wrdreg $0x0  }
0xa8: {  	s4 =	sshll.u32 s28, $0x1;
	[dreg:$0x2] =	wrdreg s2  }
0xa9: {  	[dreg:$0x3] =	wrdreg s4  }
0xaa: {  	[dreg:$0x4] =	wrdreg $0xC0  }
0xab: {  	_ =	task [dreg:s6], $0x5FFFF  }
0xac: {  	[dreg:$0x1] =	wrdreg $0xFFFFFFFF  }
0xad: {  	[dreg:$0x0] =	wrdreg $0x60  }
0xae: {  	[dreg:$0x2] =	wrdreg s24  }
0xaf: {  	[dreg:$0x3] =	wrdreg $0x9  }
0xb0: {  	_ =	task.clear_ibuf [dreg:s6], $0x4FFFF;
	_ =	strace $0x90000046  }
0xb1: {  	s29 =	simm.s32 $0x9;
	_ =	strace $0x80000048  }
0xb2: {  	_ =	swait.ge [sflag:s29], $0x1  }
0xb3: {  	[sflag:s29] =	ssyncadd.s32 $0xFFFFFFFF  }
0xb4: {  	_ =	strace $0x90000048  }
0xb5: {  	_ =	sfence  }
0xb6: {  	s30 =	sld [smem:$0x0];
	_ =	sdelay $0x2  }
0xb7: {  	s31 =	sshll.u32 s1, $0xD;
	s1 =	sshrl.u32 s1, $0x2  }
0xb8: {  	s3 =	sand.u32 $0x4000, s31;
	s1 =	sadd.s32 s1, s30  }
0xb9: {  	s0 =	sor.u32 s3, s0;
	s1 =	sshll.u32 s1, $0x11  }
0xba: {  	s0 =	sor.u32 s1, s0  }
0xbb: {  	s0 =	sadd.s32 $0x8F2B, s0  }
0xbc: {  	[sflag:s0] =	ssyncadd.remote.s32 $0x1  }
0xbd: {  	_ =	sfence.sel $0xFFFF  }
0xbe: {  	[dreg:$0x0] =	wrdreg $0xFFFFFFFF;
	(pc) =	sbr.abs _section_cstart, $3  }
0xbf: {  	[dreg:$0x1] =	wrdreg $0xFFFFFFFF  }
0xc0: {  	_ =	task.clear_ibuf [dreg:s6], $0x2FFFF;
	_ =	strace $0x9FFFFFFF  }
0xc1: {  	(tm) =	ssettm $0x7FFFFFFF  }
tec
execute0_lowered:
.L_overlay_start_1:
0x0: {  	(tag) =	ssettag $0x1  }
0x1: {  	s2 =	srdreg.scid  }
0x2: {  	s0 =	rddreg [dreg:$0x0];
	s4 =	stileid.u32;
	s2 =	sand.u32 $0x1, s2  }
0x3: {  	s1 =	simm.s32 $0x0;
	s5 =	sshll.u32 s4, $0x8;
	s6 =	sshll.u32 s2, $0x7  }
0x4: {  	s21 =	simm.s32 $0xC00;
	s3 =	sadd.s32 $0x3A00, s0;
	s6 =	sor.u32 s6, s5  }
0x5: {  	s4 =	sadd.s32 $0xF45E00, s0;
	s5 =	sadd.s32 $0x1E88200, s0;
	s0 =	sadd.s32 s6, s0  }
0x6: {  	s22 =	simm.s32 $0x4C00;
	[smem:$0x7FF] =	sst s1;
	s6 =	sadd.s32 $0xA00, s0  }
0x7: {  	_ =	strace $0x80000047;
	s28 =	sadd.s32 $0x1A00, s0;
	[dreg:$0x3] =	wrdreg s6  }
0x8: {  	s2 =	ssub.s32 $0x2, s2;
	s29 =	sadd.s32 $0x2A00, s0;
	[dreg:$0x4] =	wrdreg s28  }
0x9: {  	v0 =	vlaneseq.u32;
	s7 =	sshrl.u32 s2, $0x1;
	s30 =	sadd.s32 $0x2DCA600, s0;
	[dreg:$0x5] =	wrdreg s29  }
0xa: {  	v5 =	vmul.u32 $0x80, v0;
	s2 =	ssub.s32 s2, s7;
	s0 =	sadd.s32 $0x2DCB600, s0;
	[dreg:$0x6] =	wrdreg s30  }
0xb: {  	s23 =	simm.s32 $0x8C00;
	s31 =	smax.u32 s2, $0x1;
	[dreg:$0x7] =	wrdreg s0  }
0xc: {  	[tilespmem:$0x1FFF0] =	vst v5;
	s2 =	simm.s32 $0x5;
	[dreg:$0x8] =	wrdreg s31;
	s6 =	simm.s32 $0x0  }
.LBB2_1:
0xd: {  	[dreg:$0x9] =	wrdreg s6  }
0xe: {  	s0 =	rddreg [dreg:$0x3]  }
0xf: {  	[tilespmem:s1], [sflag:$0x5] =	stream.linear.gather [hbm4b:s0+s1], $0x400, $0x38;
	[tilespmem:$0x15400] =	vst v63  }
0x10: {  	_ =	swait.ge [sflag:s2], $0x400  }
0x11: {  	[sflag:s2] =	ssyncset.done $0x0  }
0x12: {  	s29 =	simm.s32 $0x400;
	s28 =	rddreg [dreg:$0x4];
	[sflag:s2] =	ssyncadd.s32 $0xFFFFFC00  }
0x13: {  	[tilespmem:s29], [sflag:$0x5] =	stream.linear.gather [hbm4b:s28+s1], $0x400, $0x38;
	[tilespmem:$0x15400] =	vst v63  }
0x14: {  	_ =	swait.ge [sflag:s2], $0x400  }
0x15: {  	[sflag:s2] =	ssyncset.done $0x0  }
0x16: {  	s31 =	simm.s32 $0x800;
	s30 =	rddreg [dreg:$0x5];
	[sflag:s2] =	ssyncadd.s32 $0xFFFFFC00  }
0x17: {  	[tilespmem:s31], [sflag:$0x5] =	stream.linear.gather [hbm4b:s30+s1], $0x400, $0x38;
	[tilespmem:$0x15400] =	vst v63  }
0x18: {  	_ =	swait.ge [sflag:s2], $0x400  }
0x19: {  	[sflag:s2] =	ssyncset.done $0x0  }
0x1a: {  	s6 =	simm.s32 $0x0;
	[sflag:s2] =	ssyncadd.s32 $0xFFFFFC00  }
.LBB2_2:
0x1b: {  	s0 =	simm.s32 $0x0  }
0x1c: {  	s2 =	sand.u32 $0x30, s0;
	s0 =	sand.u32 $0x80, s0  }
0x1d: {  	s12 =	sshll.u32 s6, $0x8;
	s0 =	sor.u32 s2, s0  }
0x1e: {  	s0 =	sor.u32 s12, s0  }
0x1f: {  	v0 =	vld [tilespmem:s0+$0x400]  }
0x20: {  	v2 =	vld [tilespmem:s0+$0x0];
	_ =	sdelay $0x2  }
0x21: {  	v4 =	vld [tilespmem:s0+$0x800]  }
0x22: {  	v1 =	vshll.u32 v0, $0x4  }
0x23: {  	v3 =	vshll.u32 v2, $0x4;
	(v2sf) =	vpush v1, $0x0  }
0x24: {  	(v2sf) =	vpush v3, $0x1  }
0x25: {  	(v2sf) =	vpush v3, $0x0  }
0x26: {  	v63 =	vshll.u32 v4, $0x4;
	(v2sf) =	vpush v1, $0x1  }
0x27: {  	(v2sf) =	vpush v63, $0x0;
	_ =	sdelay $0x3  }
0x28: {  	(v2sf) =	vpush v63, $0x1;
	_ =	sdelay $0x3  }
0x29: {  	[dreg:$0xa] =	wrdreg s6;
	(v2sf) =	vpush v3, $0x2  }
0x2a: {  	s7 =	simm.s32 $0xC00;
	s10 =	simm.s32 $0x4C00;
	s13 =	simm.s32 $0x8C00  }
0x2b: {  	s14 =	simm.s32 $0xCC00;
	s15 =	simm.s32 $0x10C00;
	s19 =	simm.s32 $0xC80  }
0x2c: {  	s30 =	simm.s32 $0x10;
	s31 =	simm.s32 $0x20;
	s24 =	spop (v2sf)  }
0x2d: {  	s0 =	simm.s32 $0xE00;
	s25 =	spop (v2sf);
	(v2sf) =	vpush v63, $0x2;
	s9 =	sand.u32 $0x1FFFFFF0, s24  }
0x2e: {  	s24 =	simm.s32 $0x4C80;
	s26 =	spop (v2sf);
	s11 =	sadd.s32 s4, s9  }
0x2f: {  	(v2sf) =	vpush v1, $0x2;
	s9 =	sadd.s32 s5, s9;
	s6 =	sand.u32 $0x1FFFFFF0, s26;
	s8 =	spop (v2sf)  }
0x30: {  	s2 =	sand.u32 $0x1FFFFFF0, s25;
	s28 =	sadd.s32 s3, s6;
	s29 =	spop (v2sf)  }
0x31: {  	[tilespmem:s7], [sflag:$0x1] =	stream.linear.gather [hbm4b:s28+s1], $0x80, $0x38;
	[tilespmem:$0x15400] =	vst v63  }
0x32: {  	s2 =	sadd.s32 s3, s2;
	s26 =	simm.s32 $0x8C80;
	(v2sf) =	vpush v3, $0x3;
	s6 =	sand.u32 $0x1FFFFFF0, s29  }
0x33: {  	[tilespmem:s10], [sflag:$0x1] =	stream.linear.gather [hbm4b:s11+s1], $0x80, $0x38;
	[tilespmem:$0x15400] =	vst v63  }
0x34: {  	s8 =	sand.u32 $0x1FFFFFF0, s8;
	s16 =	spop (v2sf);
	(v2sf) =	vpush v63, $0x3;
	s10 =	sadd.s32 s4, s6  }
0x35: {  	[tilespmem:s13], [sflag:$0x1] =	stream.linear.gather [hbm4b:s10+s1], $0x80, $0x38;
	[tilespmem:$0x15400] =	vst v63  }
0x36: {  	s25 =	sadd.s32 s4, s8;
	s8 =	sadd.s32 s5, s8;
	s7 =	sand.u32 $0x1FFFFFF0, s16;
	(v2sf) =	vpush v1, $0x3  }
0x37: {  	[tilespmem:s14], [sflag:$0x1] =	stream.linear.gather [hbm4b:s9+s1], $0x80, $0x38;
	[tilespmem:$0x15400] =	vst v63  }
0x38: {  	s17 =	spop (v2sf);
	s16 =	simm.s32 $0xD00;
	s6 =	sadd.s32 s5, s6  }
0x39: {  	[tilespmem:s15], [sflag:$0x1] =	stream.linear.gather [hbm4b:s6+s1], $0x80, $0x38;
	[tilespmem:$0x15400] =	vst v63  }
0x3a: {  	s18 =	sand.u32 $0x1FFFFFF0, s17;
	s28 =	sadd.s32 s4, s7;
	s11 =	simm.s32 $0xCC80  }
0x3b: {  	[tilespmem:s19], [sflag:$0x2] =	stream.linear.gather [hbm4b:s2+s1], $0x80, $0x38;
	[tilespmem:$0x15400] =	vst v63  }
0x3c: {  	s7 =	sadd.s32 s5, s7;
	s14 =	simm.s32 $0x10C80;
	s20 =	spop (v2sf)  }
0x3d: {  	[tilespmem:s24], [sflag:$0x2] =	stream.linear.gather [hbm4b:s25+s1], $0x80, $0x38;
	[tilespmem:$0x15400] =	vst v63  }
0x3e: {  	s6 =	sadd.s32 s3, s18;
	s18 =	simm.s32 $0x4D00;
	(v2sf) =	vpush v3, $0x4;
	s29 =	spop (v2sf)  }
0x3f: {  	s2 =	sand.u32 $0x1FFFFFF0, s20;
	s24 =	simm.s32 $0x8D00;
	s13 =	sand.u32 $0x1FFFFFF0, s29  }
0x40: {  	[tilespmem:s26], [sflag:$0x2] =	stream.linear.gather [hbm4b:s28+s1], $0x80, $0x38;
	[tilespmem:$0x15400] =	vst v63  }
0x41: {  	s25 =	sadd.s32 s4, s2;
	s29 =	simm.s32 $0x10D00;
	s15 =	spop (v2sf)  }
0x42: {  	(v2sf) =	vpush v63, $0x4;
	[tilespmem:s11], [sflag:$0x2] =	stream.linear.gather [hbm4b:s8+s1], $0x80, $0x38;
	[tilespmem:$0x15400] =	vst v63  }
0x43: {  	s2 =	sadd.s32 s5, s2;
	s19 =	sadd.s32 s4, s13;
	s20 =	spop (v2sf)  }
0x44: {  	(v2sf) =	vpush v1, $0x4;
	[tilespmem:s14], [sflag:$0x2] =	stream.linear.gather [hbm4b:s7+s1], $0x80, $0x38;
	[tilespmem:$0x15400] =	vst v63  }
0x45: {  	s26 =	simm.s32 $0xCD00;
	s17 =	sand.u32 $0x1FFFFFF0, s15;
	s28 =	spop (v2sf)  }
0x46: {  	(v2sf) =	vpush v3, $0x5;
	[tilespmem:s16], [sflag:$0x3] =	stream.linear.gather [hbm4b:s6+s1], $0x80, $0x38;
	[tilespmem:$0x15400] =	vst v63  }
0x47: {  	s8 =	sadd.s32 s5, s13;
	s11 =	simm.s32 $0xD80;
	s10 =	sand.u32 $0x1FFFFFF0, s28  }
0x48: {  	(v2sf) =	vpush v63, $0x5;
	[tilespmem:s18], [sflag:$0x3] =	stream.linear.gather [hbm4b:s19+s1], $0x80, $0x38;
	[tilespmem:$0x15400] =	vst v63  }
0x49: {  	s7 =	sand.u32 $0x1FFFFFF0, s20;
	s14 =	simm.s32 $0x4D80;
	s15 =	sadd.s32 s4, s10  }
0x4a: {  	[tilespmem:s24], [sflag:$0x3] =	stream.linear.gather [hbm4b:s25+s1], $0x80, $0x38;
	[tilespmem:$0x15400] =	vst v63  }
0x4b: {  	s6 =	sadd.s32 s3, s17;
	s16 =	simm.s32 $0x8D80;
	s17 =	sadd.s32 s4, s7  }
0x4c: {  	[tilespmem:s26], [sflag:$0x3] =	stream.linear.gather [hbm4b:s8+s1], $0x80, $0x38;
	[tilespmem:$0x15400] =	vst v63  }
0x4d: {  	s7 =	sadd.s32 s5, s7;
	s19 =	simm.s32 $0xCD80;
	s13 =	spop (v2sf)  }
0x4e: {  	(v2sf) =	vpush v1, $0x5;
	[tilespmem:s29], [sflag:$0x3] =	stream.linear.gather [hbm4b:s2+s1], $0x80, $0x38;
	[tilespmem:$0x15400] =	vst v63  }
0x4f: {  	s24 =	simm.s32 $0x10D80;
	s26 =	simm.s32 $0x4E00;
	s2 =	sadd.s32 s5, s10  }
0x50: {  	[tilespmem:s11], [sflag:$0x4] =	stream.linear.gather [hbm4b:s6+s1], $0x80, $0x38;
	[tilespmem:$0x15400] =	vst v63  }
0x51: {  	s10 =	simm.s32 $0x8E00;
	s18 =	spop (v2sf);
	s6 =	sand.u32 $0x1FFFFFF0, s13  }
0x52: {  	(v2sf) =	vpush v3, $0x6;
	[tilespmem:s14], [sflag:$0x4] =	stream.linear.gather [hbm4b:s15+s1], $0x80, $0x38;
	[tilespmem:$0x15400] =	vst v63  }
0x53: {  	s20 =	spop (v2sf);
	s25 =	sand.u32 $0x1FFFFFF0, s18;
	s18 =	simm.s32 $0xE80  }
0x54: {  	(v2sf) =	vpush v63, $0x6;
	[tilespmem:s16], [sflag:$0x4] =	stream.linear.gather [hbm4b:s17+s1], $0x80, $0x38;
	[tilespmem:$0x15400] =	vst v63  }
0x55: {  	s6 =	sadd.s32 s3, s6;
	s29 =	spop (v2sf);
	s11 =	sadd.s32 s4, s25  }
0x56: {  	(v2sf) =	vpush v1, $0x6;
	[tilespmem:s19], [sflag:$0x4] =	stream.linear.gather [hbm4b:s2+s1], $0x80, $0x38;
	[tilespmem:$0x15400] =	vst v63  }
0x57: {  	s13 =	spop (v2sf);
	s14 =	simm.s32 $0xCE00;
	s15 =	simm.s32 $0x10E00  }
0x58: {  	(v2sf) =	vpush v3, $0x7;
	[tilespmem:s24], [sflag:$0x4] =	stream.linear.gather [hbm4b:s7+s1], $0x80, $0x38;
	[tilespmem:$0x15400] =	vst v63  }
0x59: {  	s8 =	sand.u32 $0x1FFFFFF0, s13;
	s2 =	sand.u32 $0x1FFFFFF0, s20;
	s19 =	simm.s32 $0x4E80  }
0x5a: {  	[tilespmem:s0], [sflag:$0x1] =	stream.linear.gather [hbm4b:s6+s1], $0x80, $0x38;
	[tilespmem:$0x15400] =	vst v63  }
0x5b: {  	s28 =	sadd.s32 s4, s2;
	s2 =	sadd.s32 s5, s2;
	s7 =	simm.s32 $0x10E80  }
0x5c: {  	[tilespmem:s26], [sflag:$0x1] =	stream.linear.gather [hbm4b:s28+s1], $0x80, $0x38;
	[tilespmem:$0x15400] =	vst v63  }
0x5d: {  	s6 =	sand.u32 $0x1FFFFFF0, s29;
	s0 =	sadd.s32 s5, s25;
	s16 =	spop (v2sf)  }
0x5e: {  	[tilespmem:s10], [sflag:$0x1] =	stream.linear.gather [hbm4b:s11+s1], $0x80, $0x38;
	[tilespmem:$0x15400] =	vst v63  }
0x5f: {  	s25 =	simm.s32 $0x8E80;
	s6 =	sadd.s32 s3, s6;
	s9 =	sand.u32 $0x1FFFFFF0, s16  }
0x60: {  	(v2sf) =	vpush v63, $0x7;
	[tilespmem:s14], [sflag:$0x1] =	stream.linear.gather [hbm4b:s2+s1], $0x80, $0x38;
	[tilespmem:$0x15400] =	vst v63  }
0x61: {  	s17 =	spop (v2sf);
	s26 =	sadd.s32 s4, s8;
	s28 =	simm.s32 $0xCE80  }
0x62: {  	(v2sf) =	vpush v1, $0x7;
	[tilespmem:s15], [sflag:$0x1] =	stream.linear.gather [hbm4b:s0+s1], $0x80, $0x38;
	[tilespmem:$0x15400] =	vst v63  }
0x63: {  	s20 =	sadd.s32 s4, s9;
	s9 =	sadd.s32 s5, s9;
	s24 =	spop (v2sf)  }
0x64: {  	[tilespmem:s18], [sflag:$0x2] =	stream.linear.gather [hbm4b:s6+s1], $0x80, $0x38;
	[tilespmem:$0x15400] =	vst v63  }
0x65: {  	s11 =	sadd.s32 s5, s8;
	s10 =	simm.s32 $0x4F80;
	s29 =	spop (v2sf)  }
0x66: {  	(v2sf) =	vpush v3, $0x8;
	[tilespmem:s19], [sflag:$0x2] =	stream.linear.gather [hbm4b:s20+s1], $0x80, $0x38;
	[tilespmem:$0x15400] =	vst v63  }
0x67: {  	s2 =	sand.u32 $0x1FFFFFF0, s24;
	s13 =	sand.u32 $0x1FFFFFF0, s29;
	s14 =	spop (v2sf)  }
0x68: {  	(v2sf) =	vpush v63, $0x8;
	[tilespmem:s25], [sflag:$0x2] =	stream.linear.gather [hbm4b:s26+s1], $0x80, $0x38;
	[tilespmem:$0x15400] =	vst v63  }
0x69: {  	s16 =	sand.u32 $0x1FFFFFF0, s14;
	s24 =	sadd.s32 s4, s2;
	s8 =	sadd.s32 s5, s13  }
0x6a: {  	(v2sf) =	vpush v1, $0x8;
	[tilespmem:s28], [sflag:$0x2] =	stream.linear.gather [hbm4b:s9+s1], $0x80, $0x38;
	[tilespmem:$0x15400] =	vst v63  }
0x6b: {  	s2 =	sadd.s32 s5, s2;
	s0 =	sand.u32 $0x1FFFFFF0, s17;
	s15 =	simm.s32 $0xF00  }
0x6c: {  	[tilespmem:s7], [sflag:$0x2] =	stream.linear.gather [hbm4b:s11+s1], $0x80, $0x38;
	[tilespmem:$0x15400] =	vst v63  }
0x6d: {  	s17 =	simm.s32 $0x4F00;
	s0 =	sadd.s32 s3, s0;
	s18 =	sadd.s32 s4, s13  }
0x6e: {  	[tilespmem:s15], [sflag:$0x3] =	stream.linear.gather [hbm4b:s0+s1], $0x80, $0x38;
	[tilespmem:$0x15400] =	vst v63  }
0x6f: {  	s13 =	simm.s32 $0x8F80;
	s20 =	simm.s32 $0x8F00;
	s19 =	spop (v2sf)  }
0x70: {  	[tilespmem:s17], [sflag:$0x3] =	stream.linear.gather [hbm4b:s18+s1], $0x80, $0x38;
	[tilespmem:$0x15400] =	vst v63  }
0x71: {  	s25 =	simm.s32 $0xCF00;
	s28 =	simm.s32 $0x10F00;
	s26 =	spop (v2sf)  }
0x72: {  	(v2sf) =	vpush v3, $0x9;
	[tilespmem:s20], [sflag:$0x3] =	stream.linear.gather [hbm4b:s24+s1], $0x80, $0x38;
	[tilespmem:$0x15400] =	vst v63  }
0x73: {  	s6 =	sand.u32 $0x1FFFFFF0, s19;
	s19 =	simm.s32 $0x1000;
	s29 =	sand.u32 $0x1FFFFFF0, s26  }
0x74: {  	(v2sf) =	vpush v63, $0x9;
	[tilespmem:s25], [sflag:$0x3] =	stream.linear.gather [hbm4b:s8+s1], $0x80, $0x38;
	[tilespmem:$0x15400] =	vst v63  }
0x75: {  	s9 =	spop (v2sf);
	s14 =	sadd.s32 s4, s6;
	s6 =	sadd.s32 s5, s6  }
0x76: {  	(v2sf) =	vpush v1, $0x9;
	[tilespmem:s28], [sflag:$0x3] =	stream.linear.gather [hbm4b:s2+s1], $0x80, $0x38;
	[tilespmem:$0x15400] =	vst v63  }
0x77: {  	s0 =	sadd.s32 s3, s16;
	s15 =	spop (v2sf);
	s8 =	simm.s32 $0xF80  }
0x78: {  	[tilespmem:s8], [sflag:$0x4] =	stream.linear.gather [hbm4b:s0+s1], $0x80, $0x38;
	[tilespmem:$0x15400] =	vst v63  }
0x79: {  	s11 =	sadd.s32 s4, s29;
	s16 =	simm.s32 $0xCF80;
	s18 =	spop (v2sf)  }
0x7a: {  	[tilespmem:s10], [sflag:$0x4] =	stream.linear.gather [hbm4b:s11+s1], $0x80, $0x38;
	[tilespmem:$0x15400] =	vst v63  }
0x7b: {  	s17 =	simm.s32 $0x10F80;
	s20 =	sand.u32 $0x1FFFFFF0, s18;
	s24 =	sand.u32 $0x1FFFFFF0, s15  }
0x7c: {  	[tilespmem:s13], [sflag:$0x4] =	stream.linear.gather [hbm4b:s14+s1], $0x80, $0x38;
	[tilespmem:$0x15400] =	vst v63  }
0x7d: {  	s26 =	sadd.s32 s4, s20;
	s25 =	simm.s32 $0x5000;
	s2 =	sadd.s32 s5, s29  }
0x7e: {  	(v2sf) =	vpush v3, $0xA;
	[tilespmem:s16], [sflag:$0x4] =	stream.linear.gather [hbm4b:s2+s1], $0x80, $0x38;
	[tilespmem:$0x15400] =	vst v63  }
0x7f: {  	s28 =	simm.s32 $0x9000;
	s29 =	sadd.s32 s4, s24;
	s0 =	sand.u32 $0x1FFFFFF0, s9  }
0x80: {  	(v2sf) =	vpush v63, $0xA;
	[tilespmem:s17], [sflag:$0x4] =	stream.linear.gather [hbm4b:s6+s1], $0x80, $0x38;
	[tilespmem:$0x15400] =	vst v63  }
0x81: {  	s0 =	sadd.s32 s3, s0;
	s9 =	spop (v2sf);
	s10 =	simm.s32 $0xD000  }
0x82: {  	[tilespmem:s19], [sflag:$0x1] =	stream.linear.gather [hbm4b:s0+s1], $0x80, $0x38;
	[tilespmem:$0x15400] =	vst v63  }
0x83: {  	s11 =	simm.s32 $0x5080;
	s7 =	sand.u32 $0x1FFFFFF0, s9;
	s14 =	spop (v2sf)  }
0x84: {  	(v2sf) =	vpush v1, $0xA;
	[tilespmem:s25], [sflag:$0x1] =	stream.linear.gather [hbm4b:s26+s1], $0x80, $0x38;
	[tilespmem:$0x15400] =	vst v63  }
0x85: {  	s7 =	sadd.s32 s3, s7;
	s13 =	simm.s32 $0x11000;
	s15 =	spop (v2sf)  }
0x86: {  	[tilespmem:s28], [sflag:$0x1] =	stream.linear.gather [hbm4b:s29+s1], $0x80, $0x38;
	[tilespmem:$0x15400] =	vst v63  }
0x87: {  	s18 =	sand.u32 $0x1FFFFFF0, s14;
	s2 =	simm.s32 $0xD100;
	s6 =	sadd.s32 s5, s20  }
0x88: {  	(v2sf) =	vpush v3, $0xB;
	[tilespmem:s10], [sflag:$0x1] =	stream.linear.gather [hbm4b:s6+s1], $0x80, $0x38;
	[tilespmem:$0x15400] =	vst v63  }
0x89: {  	s16 =	simm.s32 $0x1080;
	s17 =	sand.u32 $0x1FFFFFF0, s15;
	s0 =	sadd.s32 s5, s24  }
0x8a: {  	[tilespmem:s13], [sflag:$0x1] =	stream.linear.gather [hbm4b:s0+s1], $0x80, $0x38;
	[tilespmem:$0x15400] =	vst v63  }
0x8b: {  	s20 =	simm.s32 $0x11080;
	s15 =	simm.s32 $0x5100;
	s8 =	sadd.s32 s5, s17  }
0x8c: {  	(v2sf) =	vpush v63, $0xB;
	[tilespmem:s16], [sflag:$0x2] =	stream.linear.gather [hbm4b:s7+s1], $0x80, $0x38;
	[tilespmem:$0x15400] =	vst v63  }
0x8d: {  	s19 =	sadd.s32 s4, s17;
	s24 =	spop (v2sf);
	s25 =	simm.s32 $0x9080  }
0x8e: {  	(v2sf) =	vpush v1, $0xB;
	[tilespmem:s11], [sflag:$0x2] =	stream.linear.gather [hbm4b:s19+s1], $0x80, $0x38;
	[tilespmem:$0x15400] =	vst v63  }
0x8f: {  	s26 =	sadd.s32 s4, s18;
	s28 =	simm.s32 $0xD080;
	s29 =	spop (v2sf)  }
0x90: {  	[tilespmem:s25], [sflag:$0x2] =	stream.linear.gather [hbm4b:s26+s1], $0x80, $0x38;
	[tilespmem:$0x15400] =	vst v63  }
0x91: {  	s14 =	sand.u32 $0x1FFFFFF0, s29;
	s6 =	sand.u32 $0x1FFFFFF0, s24;
	s24 =	simm.s32 $0x11100  }
0x92: {  	(v2sf) =	vpush v3, $0xC;
	[tilespmem:s28], [sflag:$0x2] =	stream.linear.gather [hbm4b:s8+s1], $0x80, $0x38;
	[tilespmem:$0x15400] =	vst v63  }
0x93: {  	s10 =	simm.s32 $0x5180;
	s0 =	sadd.s32 s5, s18;
	s11 =	spop (v2sf)  }
0x94: {  	(v2sf) =	vpush v63, $0xC;
	[tilespmem:s20], [sflag:$0x2] =	stream.linear.gather [hbm4b:s0+s1], $0x80, $0x38;
	[tilespmem:$0x15400] =	vst v63  }
0x95: {  	s6 =	sadd.s32 s3, s6;
	s13 =	simm.s32 $0x1100;
	s7 =	sand.u32 $0x1FFFFFF0, s11  }
0x96: {  	[tilespmem:s13], [sflag:$0x3] =	stream.linear.gather [hbm4b:s6+s1], $0x80, $0x38;
	[tilespmem:$0x15400] =	vst v63  }
0x97: {  	s18 =	simm.s32 $0x9100;
	s17 =	spop (v2sf);
	s16 =	sadd.s32 s4, s7  }
0x98: {  	(v2sf) =	vpush v1, $0xC;
	[tilespmem:s15], [sflag:$0x3] =	stream.linear.gather [hbm4b:s16+s1], $0x80, $0x38;
	[tilespmem:$0x15400] =	vst v63  }
0x99: {  	s19 =	sadd.s32 s4, s14;
	s11 =	simm.s32 $0x11180;
	s7 =	sadd.s32 s5, s7  }
0x9a: {  	[tilespmem:s18], [sflag:$0x3] =	stream.linear.gather [hbm4b:s19+s1], $0x80, $0x38;
	[tilespmem:$0x15400] =	vst v63  }
0x9b: {  	s26 =	simm.s32 $0x1180;
	s20 =	spop (v2sf);
	s0 =	sadd.s32 s5, s14  }
0x9c: {  	[tilespmem:s2], [sflag:$0x3] =	stream.linear.gather [hbm4b:s7+s1], $0x80, $0x38;
	[tilespmem:$0x15400] =	vst v63  }
0x9d: {  	s25 =	spop (v2sf);
	s9 =	sand.u32 $0x1FFFFFF0, s20;
	s6 =	sand.u32 $0x1FFFFFF0, s17  }
0x9e: {  	(v2sf) =	vpush v3, $0xD;
	[tilespmem:s24], [sflag:$0x3] =	stream.linear.gather [hbm4b:s0+s1], $0x80, $0x38;
	[tilespmem:$0x15400] =	vst v63  }
0x9f: {  	s29 =	sand.u32 $0x1FFFFFF0, s25;
	s13 =	simm.s32 $0x9180;
	s28 =	sadd.s32 s3, s6  }
0xa0: {  	(v2sf) =	vpush v63, $0xD;
	[tilespmem:s26], [sflag:$0x4] =	stream.linear.gather [hbm4b:s28+s1], $0x80, $0x38;
	[tilespmem:$0x15400] =	vst v63  }
0xa1: {  	s8 =	sadd.s32 s4, s9;
	s14 =	spop (v2sf);
	s7 =	sadd.s32 s4, s29  }
0xa2: {  	(v2sf) =	vpush v1, $0xD;
	[tilespmem:s10], [sflag:$0x4] =	stream.linear.gather [hbm4b:s7+s1], $0x80, $0x38;
	[tilespmem:$0x15400] =	vst v63  }
0xa3: {  	s6 =	sadd.s32 s5, s29;
	s15 =	simm.s32 $0xD180;
	s16 =	spop (v2sf)  }
0xa4: {  	[tilespmem:s13], [sflag:$0x4] =	stream.linear.gather [hbm4b:s8+s1], $0x80, $0x38;
	[tilespmem:$0x15400] =	vst v63  }
0xa5: {  	s18 =	simm.s32 $0x1200;
	s2 =	simm.s32 $0xD200;
	s0 =	sadd.s32 s5, s9  }
0xa6: {  	(v2sf) =	vpush v3, $0xE;
	[tilespmem:s15], [sflag:$0x4] =	stream.linear.gather [hbm4b:s6+s1], $0x80, $0x38;
	[tilespmem:$0x15400] =	vst v63  }
0xa7: {  	s17 =	spop (v2sf);
	s24 =	simm.s32 $0x5200;
	s7 =	sand.u32 $0x1FFFFFF0, s14  }
0xa8: {  	(v2sf) =	vpush v63, $0xE;
	[tilespmem:s11], [sflag:$0x4] =	stream.linear.gather [hbm4b:s0+s1], $0x80, $0x38;
	[tilespmem:$0x15400] =	vst v63  }
0xa9: {  	s9 =	sand.u32 $0x1FFFFFF0, s16;
	s20 =	sand.u32 $0x1FFFFFF0, s17;
	s19 =	sadd.s32 s3, s7  }
0xaa: {  	[tilespmem:s18], [sflag:$0x1] =	stream.linear.gather [hbm4b:s19+s1], $0x80, $0x38;
	[tilespmem:$0x15400] =	vst v63  }
0xab: {  	s16 =	simm.s32 $0x1280;
	s25 =	sadd.s32 s4, s20;
	s26 =	simm.s32 $0x9200  }
0xac: {  	(v2sf) =	vpush v1, $0xE;
	[tilespmem:s24], [sflag:$0x1] =	stream.linear.gather [hbm4b:s25+s1], $0x80, $0x38;
	[tilespmem:$0x15400] =	vst v63  }
0xad: {  	s28 =	sadd.s32 s4, s9;
	s14 =	sadd.s32 s5, s9;
	s29 =	spop (v2sf)  }
0xae: {  	[tilespmem:s26], [sflag:$0x1] =	stream.linear.gather [hbm4b:s28+s1], $0x80, $0x38;
	[tilespmem:$0x15400] =	vst v63  }
0xaf: {  	s7 =	sadd.s32 s5, s20;
	s20 =	simm.s32 $0x9280;
	s11 =	spop (v2sf)  }
0xb0: {  	[tilespmem:s2], [sflag:$0x1] =	stream.linear.gather [hbm4b:s7+s1], $0x80, $0x38;
	[tilespmem:$0x15400] =	vst v63  }
0xb1: {  	s13 =	sand.u32 $0x1FFFFFF0, s29;
	s6 =	simm.s32 $0x11200;
	s15 =	spop (v2sf)  }
0xb2: {  	[tilespmem:s6], [sflag:$0x1] =	stream.linear.gather [hbm4b:s14+s1], $0x80, $0x38;
	[tilespmem:$0x15400] =	vst v63  }
0xb3: {  	s0 =	sadd.s32 s3, s13;
	s17 =	sand.u32 $0x1FFFFFF0, s15;
	s18 =	simm.s32 $0x5280  }
0xb4: {  	(v2sf) =	vpush v3, $0xF;
	[tilespmem:s16], [sflag:$0x2] =	stream.linear.gather [hbm4b:s0+s1], $0x80, $0x38;
	[tilespmem:$0x15400] =	vst v63  }
0xb5: {  	s19 =	sadd.s32 s4, s17;
	s25 =	spop (v2sf);
	s7 =	sand.u32 $0x1FFFFFF0, s11  }
0xb6: {  	(v2sf) =	vpush v63, $0xF;
	[tilespmem:s18], [sflag:$0x2] =	stream.linear.gather [hbm4b:s19+s1], $0x80, $0x38;
	[tilespmem:$0x15400] =	vst v63  }
0xb7: {  	s8 =	simm.s32 $0x11280;
	s29 =	spop (v2sf);
	s24 =	sadd.s32 s4, s7  }
0xb8: {  	(v2sf) =	vpush v1, $0xF;
	[tilespmem:s20], [sflag:$0x2] =	stream.linear.gather [hbm4b:s24+s1], $0x80, $0x38;
	[tilespmem:$0x15400] =	vst v63  }
0xb9: {  	s10 =	sand.u32 $0x1FFFFFF0, s25;
	s26 =	simm.s32 $0xD280;
	s28 =	sadd.s32 s5, s17  }
0xba: {  	[tilespmem:s26], [sflag:$0x2] =	stream.linear.gather [hbm4b:s28+s1], $0x80, $0x38;
	[tilespmem:$0x15400] =	vst v63  }
0xbb: {  	s13 =	spop (v2sf);
	s15 =	sand.u32 $0x1FFFFFF0, s29;
	s11 =	sadd.s32 s5, s7  }
0xbc: {  	[tilespmem:s8], [sflag:$0x2] =	stream.linear.gather [hbm4b:s11+s1], $0x80, $0x38;
	[tilespmem:$0x15400] =	vst v63  }
0xbd: {  	s7 =	sand.u32 $0x1FFFFFF0, s13;
	s14 =	simm.s32 $0x1300;
	s0 =	sadd.s32 s3, s10  }
0xbe: {  	[tilespmem:s14], [sflag:$0x3] =	stream.linear.gather [hbm4b:s0+s1], $0x80, $0x38;
	[tilespmem:$0x15400] =	vst v63  }
0xbf: {  	s2 =	sadd.s32 s5, s15;
	s17 =	sadd.s32 s4, s7;
	s16 =	simm.s32 $0x5300  }
0xc0: {  	[tilespmem:s16], [sflag:$0x3] =	stream.linear.gather [hbm4b:s17+s1], $0x80, $0x38;
	[tilespmem:$0x15400] =	vst v63  }
0xc1: {  	s13 =	simm.s32 $0x5380;
	s18 =	simm.s32 $0x9300;
	s19 =	sadd.s32 s4, s15  }
0xc2: {  	[tilespmem:s18], [sflag:$0x3] =	stream.linear.gather [hbm4b:s19+s1], $0x80, $0x38;
	[tilespmem:$0x15400] =	vst v63  }
0xc3: {  	s7 =	sadd.s32 s5, s7;
	s20 =	spop (v2sf);
	s24 =	simm.s32 $0xD300  }
0xc4: {  	[tilespmem:s24], [sflag:$0x3] =	stream.linear.gather [hbm4b:s7+s1], $0x80, $0x38;
	[tilespmem:$0x15400] =	vst v63  }
0xc5: {  	s25 =	sand.u32 $0x1FFFFFF0, s20;
	s26 =	simm.s32 $0x11300;
	s6 =	spop (v2sf)  }
0xc6: {  	[tilespmem:s26], [sflag:$0x3] =	stream.linear.gather [hbm4b:s2+s1], $0x80, $0x38;
	[tilespmem:$0x15400] =	vst v63  }
0xc7: {  	s28 =	simm.s32 $0x1380;
	s29 =	spop (v2sf);
	s7 =	sadd.s32 s3, s25  }
0xc8: {  	[tilespmem:s28], [sflag:$0x4] =	stream.linear.gather [hbm4b:s7+s1], $0x80, $0x38;
	[tilespmem:$0x15400] =	vst v63  }
0xc9: {  	s0 =	simm.s32 $0x2000;
	s2 =	simm.s32 $0x0;
	s7 =	sand.u32 $0x1FFFFFF0, s29  }
.LBB2_3:
0xca: {  	s8 =	sadd.s32 s4, s7;
	s9 =	sadd.s32 $0x9380, s2;
	s6 =	sand.u32 $0x1FFFFFF0, s6  }
0xcb: {  	[tilespmem:s13], [sflag:$0x4] =	stream.linear.gather [hbm4b:s8+s1], $0x80, $0x38;
	[tilespmem:$0x15400] =	vst v63  }
0xcc: {  	s26 =	sand.u32 $0x30, s30;
	s10 =	sand.u32 $0x80, s31;
	s11 =	sadd.s32 s4, s6  }
0xcd: {  	[tilespmem:s9], [sflag:$0x4] =	stream.linear.gather [hbm4b:s11+s1], $0x80, $0x38;
	[tilespmem:$0x15400] =	vst v63  }
0xce: {  	s28 =	sadd.s32 $0xD380, s2;
	s29 =	sadd.s32 s5, s7;
	s8 =	sor.u32 s26, s10  }
0xcf: {  	[tilespmem:s28], [sflag:$0x4] =	stream.linear.gather [hbm4b:s29+s1], $0x80, $0x38;
	[tilespmem:$0x15400] =	vst v63  }
0xd0: {  	s10 =	sadd.s32 $0x11380, s2;
	s6 =	sadd.s32 s5, s6;
	s9 =	sor.u32 s12, s8  }
0xd1: {  	[tilespmem:s10], [sflag:$0x4] =	stream.linear.gather [hbm4b:s6+s1], $0x80, $0x38;
	[tilespmem:$0x15400] =	vst v63  }
0xd2: {  	v0 =	vld [tilespmem:s9+$0x400]  }
0xd3: {  	v2 =	vld [tilespmem:s9+$0x0];
	_ =	sdelay $0x2  }
0xd4: {  	v4 =	vld [tilespmem:s9+$0x800]  }
0xd5: {  	v1 =	vshll.u32 v0, $0x4  }
0xd6: {  	v3 =	vshll.u32 v2, $0x4;
	(v2sf) =	vpush v1, $0x0  }
0xd7: {  	(v2sf) =	vpush v3, $0x1  }
0xd8: {  	(v2sf) =	vpush v3, $0x0  }
0xd9: {  	v63 =	vshll.u32 v4, $0x4;
	(v2sf) =	vpush v1, $0x1  }
0xda: {  	(v2sf) =	vpush v63, $0x0;
	_ =	sdelay $0x1  }
0xdb: {  	(v2sf) =	vpush v63, $0x1;
	_ =	sdelay $0x2  }
0xdc: {  	(v2sf) =	vpush v3, $0x2  }
0xdd: {  	s11 =	smov.u32 s0  }
0xde: {  	p0 =	sne.s32 s0, $0xE000;
	s30 =	sadd.s32 $0x10, s30;
	s2 =	sshra.s32 s11, $0x2;
	(v2sf) =	vpush v63, $0x2  }
0xdf: {  	s31 =	sadd.s32 $0x20, s31;
	s0 =	sadd.s32 $0x2000, s0;
	s13 =	sadd.s32 $0xC00, s2  }
0xe0: {  	s25 =	sadd.s32 $0x11180, s2;
	s26 =	sadd.s32 $0x8C00, s2;
	s14 =	sadd.s32 $0xD100, s2;
	(v2sf) =	vpush v1, $0x2  }
0xe1: {  	s24 =	sadd.s32 $0x11200, s2;
	s8 =	sadd.s32 $0x10E80, s2;
	s18 =	sadd.s32 $0x11280, s2  }
0xe2: {  	s7 =	sadd.s32 $0x5080, s2;
	s15 =	sadd.s32 $0x4C00, s2;
	s19 =	spop (v2sf)  }
0xe3: {  	s28 =	sadd.s32 $0xCC00, s2;
	[dreg:$0x2] =	wrdreg s18;
	s20 =	spop (v2sf)  }
0xe4: {  	s10 =	sadd.s32 $0xE00, s2;
	s6 =	smov.u32 s12;
	s29 =	spop (v2sf);
	(v2sf) =	vpush v3, $0x3  }
0xe5: {  	s9 =	sadd.s32 $0x10E00, s2;
	s17 =	sand.u32 $0x1FFFFFF0, s29;
	s18 =	spop (v2sf)  }
0xe6: {  	s12 =	sand.u32 $0x1FFFFFF0, s19;
	s17 =	sadd.s32 s3, s17;
	s19 =	spop (v2sf)  }
0xe7: {  	[tilespmem:s13], [sflag:$0x1] =	stream.linear.gather [hbm4b:s17+s1], $0x80, $0x38;
	[tilespmem:$0x15400] =	vst v63  }
0xe8: {  	s16 =	sadd.s32 s4, s12;
	s20 =	sand.u32 $0x1FFFFFF0, s20;
	s13 =	spop (v2sf);
	(v2sf) =	vpush v63, $0x3  }
0xe9: {  	s18 =	sand.u32 $0x1FFFFFF0, s18;
	s17 =	sadd.s32 $0x10C00, s2;
	s19 =	sand.u32 $0x1FFFFFF0, s19  }
0xea: {  	[tilespmem:s15], [sflag:$0x1] =	stream.linear.gather [hbm4b:s16+s1], $0x80, $0x38;
	[tilespmem:$0x15400] =	vst v63  }
0xeb: {  	s29 =	sand.u32 $0x1FFFFFF0, s13;
	s16 =	sadd.s32 s4, s19;
	s15 =	spop (v2sf)  }
0xec: {  	(v2sf) =	vpush v1, $0x3;
	[tilespmem:s26], [sflag:$0x1] =	stream.linear.gather [hbm4b:s16+s1], $0x80, $0x38;
	[tilespmem:$0x15400] =	vst v63  }
0xed: {  	s16 =	sadd.s32 s5, s12;
	s12 =	sand.u32 $0x1FFFFFF0, s15;
	s26 =	spop (v2sf)  }
0xee: {  	[tilespmem:s28], [sflag:$0x1] =	stream.linear.gather [hbm4b:s16+s1], $0x80, $0x38;
	[tilespmem:$0x15400] =	vst v63  }
0xef: {  	s11 =	sand.u32 $0x1FFFFFF0, s26;
	s28 =	sadd.s32 s5, s19;
	s19 =	spop (v2sf)  }
0xf0: {  	(v2sf) =	vpush v3, $0x4;
	[tilespmem:s17], [sflag:$0x1] =	stream.linear.gather [hbm4b:s28+s1], $0x80, $0x38;
	[tilespmem:$0x15400] =	vst v63  }
0xf1: {  	s26 =	sadd.s32 $0xC80, s2;
	s15 =	sand.u32 $0x1FFFFFF0, s19;
	s28 =	sadd.s32 s3, s20  }
0xf2: {  	[tilespmem:s26], [sflag:$0x2] =	stream.linear.gather [hbm4b:s28+s1], $0x80, $0x38;
	[tilespmem:$0x15400] =	vst v63  }
0xf3: {  	s19 =	sadd.s32 s4, s18;
	s17 =	sadd.s32 $0x4C80, s2;
	s20 =	spop (v2sf)  }
0xf4: {  	[tilespmem:s17], [sflag:$0x2] =	stream.linear.gather [hbm4b:s19+s1], $0x80, $0x38;
	(v2sf) =	vpush v63, $0x4;
	[tilespmem:$0x15400] =	vst v63  }
0xf5: {  	s26 =	sadd.s32 $0x8C80, s2;
	s28 =	sadd.s32 s4, s29;
	s17 =	sadd.s32 $0xCC80, s2  }
0xf6: {  	[tilespmem:s26], [sflag:$0x2] =	stream.linear.gather [hbm4b:s28+s1], $0x80, $0x38;
	[tilespmem:$0x15400] =	vst v63  }
0xf7: {  	s19 =	sand.u32 $0x1FFFFFF0, s20;
	s20 =	sadd.s32 s5, s18;
	s26 =	spop (v2sf)  }
0xf8: {  	(v2sf) =	vpush v1, $0x4;
	[tilespmem:s17], [sflag:$0x2] =	stream.linear.gather [hbm4b:s20+s1], $0x80, $0x38;
	[tilespmem:$0x15400] =	vst v63  }
0xf9: {  	s12 =	sadd.s32 s3, s12;
	s29 =	sadd.s32 s5, s29;
	s28 =	sadd.s32 $0x10C80, s2  }
0xfa: {  	[tilespmem:s28], [sflag:$0x2] =	stream.linear.gather [hbm4b:s29+s1], $0x80, $0x38;
	[tilespmem:$0x15400] =	vst v63  }
0xfb: {  	s18 =	sadd.s32 $0xD00, s2;
	s26 =	sand.u32 $0x1FFFFFF0, s26;
	s20 =	spop (v2sf)  }
0xfc: {  	(v2sf) =	vpush v3, $0x5;
	[tilespmem:s18], [sflag:$0x3] =	stream.linear.gather [hbm4b:s12+s1], $0x80, $0x38;
	[tilespmem:$0x15400] =	vst v63  }
0xfd: {  	s28 =	sadd.s32 $0x4D00, s2;
	s29 =	sadd.s32 s4, s15;
	s17 =	sand.u32 $0x1FFFFFF0, s20  }
0xfe: {  	[tilespmem:s28], [sflag:$0x3] =	stream.linear.gather [hbm4b:s29+s1], $0x80, $0x38;
	[tilespmem:$0x15400] =	vst v63  }
0xff: {  	s20 =	sadd.s32 s4, s11;
	s18 =	sadd.s32 $0x8D00, s2;
	s28 =	spop (v2sf)  }
0x100: {  	(v2sf) =	vpush v63, $0x5;
	[tilespmem:s18], [sflag:$0x3] =	stream.linear.gather [hbm4b:s20+s1], $0x80, $0x38;
	[tilespmem:$0x15400] =	vst v63  }
0x101: {  	s15 =	sadd.s32 s5, s15;
	s11 =	sadd.s32 s5, s11;
	s29 =	sadd.s32 $0xCD00, s2  }
0x102: {  	[tilespmem:s29], [sflag:$0x3] =	stream.linear.gather [hbm4b:s15+s1], $0x80, $0x38;
	[tilespmem:$0x15400] =	vst v63  }
0x103: {  	s16 =	sand.u32 $0x1FFFFFF0, s28;
	s18 =	sadd.s32 $0x10D00, s2;
	s20 =	spop (v2sf)  }
0x104: {  	(v2sf) =	vpush v1, $0x5;
	[tilespmem:s18], [sflag:$0x3] =	stream.linear.gather [hbm4b:s11+s1], $0x80, $0x38;
	[tilespmem:$0x15400] =	vst v63  }
0x105: {  	s28 =	sadd.s32 $0xD80, s2;
	s29 =	sadd.s32 s3, s19;
	s19 =	sadd.s32 s4, s17  }
0x106: {  	[tilespmem:s28], [sflag:$0x4] =	stream.linear.gather [hbm4b:s29+s1], $0x80, $0x38;
	[tilespmem:$0x15400] =	vst v63  }
0x107: {  	s15 =	sand.u32 $0x1FFFFFF0, s20;
	s18 =	sadd.s32 $0x4D80, s2;
	s20 =	spop (v2sf)  }
0x108: {  	(v2sf) =	vpush v3, $0x6;
	[tilespmem:s18], [sflag:$0x4] =	stream.linear.gather [hbm4b:s19+s1], $0x80, $0x38;
	[tilespmem:$0x15400] =	vst v63  }
0x109: {  	s12 =	sadd.s32 $0xCD80, s2;
	s28 =	sadd.s32 $0x8D80, s2;
	s29 =	sadd.s32 s4, s26  }
0x10a: {  	[tilespmem:s28], [sflag:$0x4] =	stream.linear.gather [hbm4b:s29+s1], $0x80, $0x38;
	[tilespmem:$0x15400] =	vst v63  }
0x10b: {  	s18 =	sand.u32 $0x1FFFFFF0, s20;
	s19 =	sadd.s32 s5, s17;
	s20 =	spop (v2sf)  }
0x10c: {  	(v2sf) =	vpush v63, $0x6;
	[tilespmem:s12], [sflag:$0x4] =	stream.linear.gather [hbm4b:s19+s1], $0x80, $0x38;
	[tilespmem:$0x15400] =	vst v63  }
0x10d: {  	s11 =	sadd.s32 $0xCE00, s2;
	s28 =	sadd.s32 $0x10D80, s2;
	s29 =	sadd.s32 s5, s26  }
0x10e: {  	[tilespmem:s28], [sflag:$0x4] =	stream.linear.gather [hbm4b:s29+s1], $0x80, $0x38;
	[tilespmem:$0x15400] =	vst v63  }
0x10f: {  	s17 =	sand.u32 $0x1FFFFFF0, s20;
	s12 =	sadd.s32 s3, s16;
	s16 =	spop (v2sf)  }
0x110: {  	(v2sf) =	vpush v1, $0x6;
	[tilespmem:s10], [sflag:$0x1] =	stream.linear.gather [hbm4b:s12+s1], $0x80, $0x38;
	[tilespmem:$0x15400] =	vst v63  }
0x111: {  	s20 =	sadd.s32 s4, s18;
	s26 =	sadd.s32 $0x8E00, s2;
	s19 =	sadd.s32 $0x4E00, s2  }
0x112: {  	(v2sf) =	vpush v3, $0x7;
	[tilespmem:s19], [sflag:$0x1] =	stream.linear.gather [hbm4b:s20+s1], $0x80, $0x38;
	[tilespmem:$0x15400] =	vst v63  }
0x113: {  	s28 =	sadd.s32 s4, s15;
	s12 =	sand.u32 $0x1FFFFFF0, s16;
	s29 =	spop (v2sf)  }
0x114: {  	(v2sf) =	vpush v63, $0x7;
	[tilespmem:s26], [sflag:$0x1] =	stream.linear.gather [hbm4b:s28+s1], $0x80, $0x38;
	[tilespmem:$0x15400] =	vst v63  }
0x115: {  	s10 =	sadd.s32 $0x11000, s2;
	s19 =	sadd.s32 s5, s18;
	s20 =	sadd.s32 s5, s15  }
0x116: {  	[tilespmem:s11], [sflag:$0x1] =	stream.linear.gather [hbm4b:s19+s1], $0x80, $0x38;
	[tilespmem:$0x15400] =	vst v63  }
0x117: {  	s16 =	sand.u32 $0x1FFFFFF0, s29;
	s29 =	sadd.s32 s3, s17;
	s26 =	spop (v2sf)  }
0x118: {  	[tilespmem:s9], [sflag:$0x1] =	stream.linear.gather [hbm4b:s20+s1], $0x80, $0x38;
	[tilespmem:$0x15400] =	vst v63  }
0x119: {  	s28 =	sadd.s32 $0xE80, s2;
	s17 =	sadd.s32 s4, s16;
	s15 =	sand.u32 $0x1FFFFFF0, s26  }
0x11a: {  	(v2sf) =	vpush v1, $0x7;
	[tilespmem:s28], [sflag:$0x2] =	stream.linear.gather [hbm4b:s29+s1], $0x80, $0x38;
	[tilespmem:$0x15400] =	vst v63  }
0x11b: {  	s11 =	sadd.s32 $0x4E80, s2;
	s19 =	sadd.s32 $0x8E80, s2;
	s18 =	spop (v2sf)  }
0x11c: {  	(v2sf) =	vpush v3, $0x8;
	[tilespmem:s11], [sflag:$0x2] =	stream.linear.gather [hbm4b:s17+s1], $0x80, $0x38;
	[tilespmem:$0x15400] =	vst v63  }
0x11d: {  	s26 =	sadd.s32 $0xCE80, s2;
	s20 =	sadd.s32 s4, s12;
	s12 =	sadd.s32 s5, s12  }
0x11e: {  	[tilespmem:s19], [sflag:$0x2] =	stream.linear.gather [hbm4b:s20+s1], $0x80, $0x38;
	[tilespmem:$0x15400] =	vst v63  }
0x11f: {  	s9 =	sadd.s32 $0xCF80, s2;
	s28 =	sadd.s32 s5, s16;
	s29 =	spop (v2sf)  }
0x120: {  	[tilespmem:s26], [sflag:$0x2] =	stream.linear.gather [hbm4b:s28+s1], $0x80, $0x38;
	[tilespmem:$0x15400] =	vst v63  }
0x121: {  	s17 =	sand.u32 $0x1FFFFFF0, s18;
	s11 =	sand.u32 $0x1FFFFFF0, s29;
	s18 =	spop (v2sf)  }
0x122: {  	(v2sf) =	vpush v63, $0x8;
	[tilespmem:s8], [sflag:$0x2] =	stream.linear.gather [hbm4b:s12+s1], $0x80, $0x38;
	[tilespmem:$0x15400] =	vst v63  }
0x123: {  	s19 =	sadd.s32 $0xF00, s2;
	s20 =	sadd.s32 s3, s15;
	s29 =	spop (v2sf)  }
0x124: {  	(v2sf) =	vpush v1, $0x8;
	[tilespmem:s19], [sflag:$0x3] =	stream.linear.gather [hbm4b:s20+s1], $0x80, $0x38;
	[tilespmem:$0x15400] =	vst v63  }
0x125: {  	s16 =	sadd.s32 $0x8F00, s2;
	s26 =	sadd.s32 $0x4F00, s2;
	s28 =	sadd.s32 s4, s11  }
0x126: {  	[tilespmem:s26], [sflag:$0x3] =	stream.linear.gather [hbm4b:s28+s1], $0x80, $0x38;
	[tilespmem:$0x15400] =	vst v63  }
0x127: {  	s12 =	sand.u32 $0x1FFFFFF0, s18;
	s18 =	sadd.s32 s4, s17;
	s15 =	sand.u32 $0x1FFFFFF0, s29  }
0x128: {  	[tilespmem:s16], [sflag:$0x3] =	stream.linear.gather [hbm4b:s18+s1], $0x80, $0x38;
	[tilespmem:$0x15400] =	vst v63  }
0x129: {  	s19 =	sadd.s32 $0xCF00, s2;
	s20 =	sadd.s32 s5, s11;
	s26 =	spop (v2sf)  }
0x12a: {  	(v2sf) =	vpush v3, $0x9;
	[tilespmem:s19], [sflag:$0x3] =	stream.linear.gather [hbm4b:s20+s1], $0x80, $0x38;
	[tilespmem:$0x15400] =	vst v63  }
0x12b: {  	s29 =	sadd.s32 s5, s17;
	s28 =	sadd.s32 $0x10F00, s2;
	s18 =	spop (v2sf)  }
0x12c: {  	(v2sf) =	vpush v63, $0x9;
	[tilespmem:s28], [sflag:$0x3] =	stream.linear.gather [hbm4b:s29+s1], $0x80, $0x38;
	[tilespmem:$0x15400] =	vst v63  }
0x12d: {  	s17 =	sadd.s32 s3, s12;
	s11 =	sand.u32 $0x1FFFFFF0, s26;
	s16 =	sadd.s32 $0xF80, s2  }
0x12e: {  	[tilespmem:s16], [sflag:$0x4] =	stream.linear.gather [hbm4b:s17+s1], $0x80, $0x38;
	[tilespmem:$0x15400] =	vst v63  }
0x12f: {  	s26 =	sadd.s32 $0x8F80, s2;
	s19 =	sadd.s32 $0x4F80, s2;
	s20 =	sadd.s32 s4, s11  }
0x130: {  	(v2sf) =	vpush v1, $0x9;
	[tilespmem:s19], [sflag:$0x4] =	stream.linear.gather [hbm4b:s20+s1], $0x80, $0x38;
	[tilespmem:$0x15400] =	vst v63  }
0x131: {  	s12 =	sand.u32 $0x1FFFFFF0, s18;
	s28 =	sadd.s32 s4, s15;
	s29 =	spop (v2sf)  }
0x132: {  	[tilespmem:s26], [sflag:$0x4] =	stream.linear.gather [hbm4b:s28+s1], $0x80, $0x38;
	[tilespmem:$0x15400] =	vst v63  }
0x133: {  	s18 =	sadd.s32 $0x10F80, s2;
	s17 =	sadd.s32 s5, s11;
	s20 =	spop (v2sf)  }
0x134: {  	(v2sf) =	vpush v3, $0xA;
	[tilespmem:s9], [sflag:$0x4] =	stream.linear.gather [hbm4b:s17+s1], $0x80, $0x38;
	[tilespmem:$0x15400] =	vst v63  }
0x135: {  	s11 =	sand.u32 $0x1FFFFFF0, s29;
	s19 =	sadd.s32 s5, s15;
	s29 =	sand.u32 $0x1FFFFFF0, s20  }
0x136: {  	(v2sf) =	vpush v63, $0xA;
	[tilespmem:s18], [sflag:$0x4] =	stream.linear.gather [hbm4b:s19+s1], $0x80, $0x38;
	[tilespmem:$0x15400] =	vst v63  }
0x137: {  	s26 =	sadd.s32 $0x1000, s2;
	s28 =	sadd.s32 s3, s12;
	s15 =	sadd.s32 s4, s29  }
0x138: {  	[tilespmem:s26], [sflag:$0x1] =	stream.linear.gather [hbm4b:s28+s1], $0x80, $0x38;
	[tilespmem:$0x15400] =	vst v63  }
0x139: {  	s20 =	sadd.s32 s5, s29;
	s9 =	sadd.s32 $0x5000, s2;
	s16 =	spop (v2sf)  }
0x13a: {  	(v2sf) =	vpush v1, $0xA;
	[tilespmem:s9], [sflag:$0x1] =	stream.linear.gather [hbm4b:s15+s1], $0x80, $0x38;
	[tilespmem:$0x15400] =	vst v63  }
0x13b: {  	s17 =	sadd.s32 $0x9000, s2;
	s18 =	sadd.s32 s4, s11;
	s26 =	spop (v2sf)  }
0x13c: {  	(v2sf) =	vpush v3, $0xB;
	[tilespmem:s17], [sflag:$0x1] =	stream.linear.gather [hbm4b:s18+s1], $0x80, $0x38;
	[tilespmem:$0x15400] =	vst v63  }
0x13d: {  	s12 =	sadd.s32 $0x1080, s2;
	s19 =	sadd.s32 $0xD000, s2;
	s28 =	sadd.s32 s5, s11  }
0x13e: {  	[tilespmem:s19], [sflag:$0x1] =	stream.linear.gather [hbm4b:s20+s1], $0x80, $0x38;
	[tilespmem:$0x15400] =	vst v63  }
0x13f: {  	s29 =	spop (v2sf);
	s15 =	sand.u32 $0x1FFFFFF0, s16;
	s9 =	sand.u32 $0x1FFFFFF0, s26  }
0x140: {  	[tilespmem:s10], [sflag:$0x1] =	stream.linear.gather [hbm4b:s28+s1], $0x80, $0x38;
	[tilespmem:$0x15400] =	vst v63  }
0x141: {  	s11 =	sand.u32 $0x1FFFFFF0, s29;
	s26 =	sadd.s32 $0xD080, s2;
	s15 =	sadd.s32 s3, s15  }
0x142: {  	(v2sf) =	vpush v63, $0xB;
	[tilespmem:s12], [sflag:$0x2] =	stream.linear.gather [hbm4b:s15+s1], $0x80, $0x38;
	[tilespmem:$0x15400] =	vst v63  }
0x143: {  	s16 =	sadd.s32 s4, s11;
	s17 =	sadd.s32 $0x11080, s2;
	s18 =	spop (v2sf)  }
0x144: {  	(v2sf) =	vpush v1, $0xB;
	[tilespmem:s7], [sflag:$0x2] =	stream.linear.gather [hbm4b:s16+s1], $0x80, $0x38;
	[tilespmem:$0x15400] =	vst v63  }
0x145: {  	s19 =	sadd.s32 $0x9080, s2;
	s20 =	sadd.s32 s4, s9;
	s29 =	spop (v2sf)  }
0x146: {  	[tilespmem:s19], [sflag:$0x2] =	stream.linear.gather [hbm4b:s20+s1], $0x80, $0x38;
	[tilespmem:$0x15400] =	vst v63  }
0x147: {  	s9 =	sadd.s32 s5, s9;
	s28 =	sadd.s32 s5, s11;
	s8 =	sand.u32 $0x1FFFFFF0, s29  }
0x148: {  	(v2sf) =	vpush v3, $0xC;
	[tilespmem:s26], [sflag:$0x2] =	stream.linear.gather [hbm4b:s28+s1], $0x80, $0x38;
	[tilespmem:$0x15400] =	vst v63  }
0x149: {  	s12 =	sand.u32 $0x1FFFFFF0, s18;
	s15 =	spop (v2sf);
	s16 =	sadd.s32 $0x1100, s2  }
0x14a: {  	[tilespmem:s17], [sflag:$0x2] =	stream.linear.gather [hbm4b:s9+s1], $0x80, $0x38;
	[tilespmem:$0x15400] =	vst v63  }
0x14b: {  	s20 =	spop (v2sf);
	s17 =	sadd.s32 s3, s12;
	s9 =	sand.u32 $0x1FFFFFF0, s15  }
0x14c: {  	(v2sf) =	vpush v63, $0xC;
	[tilespmem:s16], [sflag:$0x3] =	stream.linear.gather [hbm4b:s17+s1], $0x80, $0x38;
	[tilespmem:$0x15400] =	vst v63  }
0x14d: {  	s18 =	sadd.s32 $0x5100, s2;
	s11 =	sand.u32 $0x1FFFFFF0, s20;
	s19 =	sadd.s32 s4, s9  }
0x14e: {  	(v2sf) =	vpush v1, $0xC;
	[tilespmem:s18], [sflag:$0x3] =	stream.linear.gather [hbm4b:s19+s1], $0x80, $0x38;
	[tilespmem:$0x15400] =	vst v63  }
0x14f: {  	s26 =	sadd.s32 $0x9100, s2;
	s28 =	sadd.s32 s4, s8;
	s20 =	sadd.s32 s3, s11  }
0x150: {  	[tilespmem:s26], [sflag:$0x3] =	stream.linear.gather [hbm4b:s28+s1], $0x80, $0x38;
	[tilespmem:$0x15400] =	vst v63  }
0x151: {  	s12 =	smov.u32 s6;
	s15 =	spop (v2sf);
	s29 =	sadd.s32 s5, s9  }
0x152: {  	[tilespmem:s14], [sflag:$0x3] =	stream.linear.gather [hbm4b:s29+s1], $0x80, $0x38;
	[tilespmem:$0x15400] =	vst v63  }
0x153: {  	s6 =	sadd.s32 $0x11100, s2;
	s16 =	sadd.s32 s5, s8;
	s18 =	spop (v2sf)  }
0x154: {  	(v2sf) =	vpush v3, $0xD;
	[tilespmem:s6], [sflag:$0x3] =	stream.linear.gather [hbm4b:s16+s1], $0x80, $0x38;
	[tilespmem:$0x15400] =	vst v63  }
0x155: {  	s17 =	sand.u32 $0x1FFFFFF0, s15;
	s19 =	sadd.s32 $0x1180, s2;
	s8 =	sand.u32 $0x1FFFFFF0, s18  }
0x156: {  	(v2sf) =	vpush v63, $0xD;
	[tilespmem:s19], [sflag:$0x4] =	stream.linear.gather [hbm4b:s20+s1], $0x80, $0x38;
	[tilespmem:$0x15400] =	vst v63  }
0x157: {  	s26 =	sadd.s32 $0x5180, s2;
	s28 =	sadd.s32 s4, s8;
	s29 =	spop (v2sf)  }
0x158: {  	(v2sf) =	vpush v1, $0xD;
	[tilespmem:s26], [sflag:$0x4] =	stream.linear.gather [hbm4b:s28+s1], $0x80, $0x38;
	[tilespmem:$0x15400] =	vst v63  }
0x159: {  	s9 =	sadd.s32 $0x9180, s2;
	s11 =	sadd.s32 s4, s17;
	s8 =	sadd.s32 s5, s8  }
0x15a: {  	[tilespmem:s9], [sflag:$0x4] =	stream.linear.gather [hbm4b:s11+s1], $0x80, $0x38;
	[tilespmem:$0x15400] =	vst v63  }
0x15b: {  	s14 =	sadd.s32 $0xD180, s2;
	s10 =	sand.u32 $0x1FFFFFF0, s29;
	s15 =	spop (v2sf)  }
0x15c: {  	[tilespmem:s14], [sflag:$0x4] =	stream.linear.gather [hbm4b:s8+s1], $0x80, $0x38;
	[tilespmem:$0x15400] =	vst v63  }
0x15d: {  	s16 =	sadd.s32 s5, s17;
	s17 =	sadd.s32 $0xD200, s2;
	s18 =	spop (v2sf)  }
0x15e: {  	(v2sf) =	vpush v3, $0xE;
	[tilespmem:s25], [sflag:$0x4] =	stream.linear.gather [hbm4b:s16+s1], $0x80, $0x38;
	[tilespmem:$0x15400] =	vst v63  }
0x15f: {  	s10 =	sadd.s32 s3, s10;
	s19 =	sadd.s32 $0x1200, s2;
	s8 =	sand.u32 $0x1FFFFFF0, s18  }
0x160: {  	(v2sf) =	vpush v63, $0xE;
	[tilespmem:s19], [sflag:$0x1] =	stream.linear.gather [hbm4b:s10+s1], $0x80, $0x38;
	[tilespmem:$0x15400] =	vst v63  }
0x161: {  	s20 =	sadd.s32 $0x5200, s2;
	s9 =	sand.u32 $0x1FFFFFF0, s15;
	s25 =	sadd.s32 s4, s8  }
0x162: {  	(v2sf) =	vpush v1, $0xE;
	[tilespmem:s20], [sflag:$0x1] =	stream.linear.gather [hbm4b:s25+s1], $0x80, $0x38;
	[tilespmem:$0x15400] =	vst v63  }
0x163: {  	s26 =	sadd.s32 $0x9200, s2;
	s28 =	sadd.s32 s4, s9;
	s29 =	spop (v2sf)  }
0x164: {  	[tilespmem:s26], [sflag:$0x1] =	stream.linear.gather [hbm4b:s28+s1], $0x80, $0x38;
	[tilespmem:$0x15400] =	vst v63  }
0x165: {  	s15 =	sadd.s32 $0xD280, s2;
	s8 =	sadd.s32 s5, s8;
	s11 =	spop (v2sf)  }
0x166: {  	[tilespmem:s17], [sflag:$0x1] =	stream.linear.gather [hbm4b:s8+s1], $0x80, $0x38;
	[tilespmem:$0x15400] =	vst v63  }
0x167: {  	s14 =	sadd.s32 s5, s9;
	s10 =	sand.u32 $0x1FFFFFF0, s29;
	s16 =	spop (v2sf)  }
0x168: {  	[tilespmem:s24], [sflag:$0x1] =	stream.linear.gather [hbm4b:s14+s1], $0x80, $0x38;
	[tilespmem:$0x15400] =	vst v63  }
0x169: {  	s9 =	sand.u32 $0x1FFFFFF0, s16;
	s17 =	sadd.s32 $0x1280, s2;
	s8 =	sadd.s32 s3, s10  }
0x16a: {  	(v2sf) =	vpush v3, $0xF;
	[tilespmem:s17], [sflag:$0x2] =	stream.linear.gather [hbm4b:s8+s1], $0x80, $0x38;
	[tilespmem:$0x15400] =	vst v63  }
0x16b: {  	s18 =	sadd.s32 $0x5280, s2;
	s19 =	sadd.s32 s4, s9;
	s10 =	sand.u32 $0x1FFFFFF0, s11  }
0x16c: {  	(v2sf) =	vpush v63, $0xF;
	[tilespmem:s18], [sflag:$0x2] =	stream.linear.gather [hbm4b:s19+s1], $0x80, $0x38;
	[tilespmem:$0x15400] =	vst v63  }
0x16d: {  	(v2sf) =	vpush v1, $0xF;
	s20 =	sadd.s32 $0x9280, s2;
	s25 =	spop (v2sf);
	s24 =	sadd.s32 s4, s10  }
0x16e: {  	[tilespmem:s20], [sflag:$0x2] =	stream.linear.gather [hbm4b:s24+s1], $0x80, $0x38;
	[tilespmem:$0x15400] =	vst v63  }
0x16f: {  	s26 =	sadd.s32 s5, s9;
	s28 =	sand.u32 $0x1FFFFFF0, s25;
	s29 =	spop (v2sf)  }
0x170: {  	[tilespmem:s15], [sflag:$0x2] =	stream.linear.gather [hbm4b:s26+s1], $0x80, $0x38;
	[tilespmem:$0x15400] =	vst v63  }
0x171: {  	s10 =	sadd.s32 s5, s10;
	s14 =	spop (v2sf);
	s15 =	rddreg [dreg:$0x2]  }
0x172: {  	[tilespmem:s15], [sflag:$0x2] =	stream.linear.gather [hbm4b:s10+s1], $0x80, $0x38;
	[tilespmem:$0x15400] =	vst v63  }
0x173: {  	s16 =	sadd.s32 $0x1300, s2;
	s9 =	sand.u32 $0x1FFFFFF0, s14;
	s8 =	sadd.s32 s3, s28  }
0x174: {  	[tilespmem:s16], [sflag:$0x3] =	stream.linear.gather [hbm4b:s8+s1], $0x80, $0x38;
	[tilespmem:$0x15400] =	vst v63  }
0x175: {  	s11 =	sand.u32 $0x1FFFFFF0, s29;
	s17 =	sadd.s32 $0x5300, s2;
	s18 =	sadd.s32 s4, s9  }
0x176: {  	[tilespmem:s17], [sflag:$0x3] =	stream.linear.gather [hbm4b:s18+s1], $0x80, $0x38;
	[tilespmem:$0x15400] =	vst v63  }
0x177: {  	s13 =	sadd.s32 $0x5380, s2;
	s20 =	sadd.s32 $0x9300, s2;
	s24 =	sadd.s32 s4, s11  }
0x178: {  	[tilespmem:s20], [sflag:$0x3] =	stream.linear.gather [hbm4b:s24+s1], $0x80, $0x38;
	[tilespmem:$0x15400] =	vst v63  }
0x179: {  	s25 =	sadd.s32 $0xD300, s2;
	s9 =	sadd.s32 s5, s9;
	s19 =	spop (v2sf)  }
0x17a: {  	[tilespmem:s25], [sflag:$0x3] =	stream.linear.gather [hbm4b:s9+s1], $0x80, $0x38;
	[tilespmem:$0x15400] =	vst v63  }
.Ltmp0:
0x17b: {  	s7 =	sadd.s32 s5, s11;
	s6 =	spop (v2sf);
	(pc) =	sbr.rel @p0 .LBB2_3-.Ltmp0, $4  }
0x17c: {  	s26 =	sadd.s32 $0x11300, s2;
	s28 =	spop (v2sf);
	s10 =	sand.u32 $0x1FFFFFF0, s19  }
0x17d: {  	[tilespmem:s26], [sflag:$0x3] =	stream.linear.gather [hbm4b:s7+s1], $0x80, $0x38;
	[tilespmem:$0x15400] =	vst v63  }
0x17e: {  	s29 =	sadd.s32 $0x1380, s2;
	s10 =	sadd.s32 s3, s10;
	s7 =	sand.u32 $0x1FFFFFF0, s28  }
0x17f: {  	[tilespmem:s29], [sflag:$0x4] =	stream.linear.gather [hbm4b:s10+s1], $0x80, $0x38;
	[tilespmem:$0x15400] =	vst v63  }
0x180: {  	s0 =	sadd.s32 s4, s7;
	s6 =	sand.u32 $0x1FFFFFF0, s6  }
0x181: {  	[tilespmem:s13], [sflag:$0x4] =	stream.linear.gather [hbm4b:s0+s1], $0x80, $0x38;
	[tilespmem:$0x15400] =	vst v63  }
0x182: {  	s15 =	sadd.s32 $0x9380, s2;
	s8 =	sadd.s32 s4, s6  }
0x183: {  	[tilespmem:s15], [sflag:$0x4] =	stream.linear.gather [hbm4b:s8+s1], $0x80, $0x38;
	[tilespmem:$0x15400] =	vst v63  }
0x184: {  	s16 =	sadd.s32 $0xD380, s2;
	s17 =	sadd.s32 s5, s7  }
0x185: {  	[tilespmem:s16], [sflag:$0x4] =	stream.linear.gather [hbm4b:s17+s1], $0x80, $0x38;
	[tilespmem:$0x15400] =	vst v63  }
0x186: {  	s18 =	sadd.s32 $0x11380, s2;
	s20 =	simm.s32 $0x1;
	s19 =	sadd.s32 s5, s6  }
0x187: {  	[tilespmem:s18], [sflag:$0x4] =	stream.linear.gather [hbm4b:s19+s1], $0x80, $0x38;
	[tilespmem:$0x15400] =	vst v63  }
0x188: {  	_ =	swait.ge [sflag:s20], $0x1000  }
0x189: {  	[sflag:s20] =	ssyncset.done $0x0  }
0x18a: {  	[sflag:s20] =	ssyncadd.s32 $0xFFFFF000  }
0x18b: {  	_ =	swait.ge [sflag:s20], $0x1000  }
0x18c: {  	[sflag:s20] =	ssyncset.done $0x0  }
0x18d: {  	[sflag:s20] =	ssyncadd.s32 $0xFFFFF000  }
0x18e: {  	_ =	swait.ge [sflag:s20], $0x1000  }
0x18f: {  	[sflag:s20] =	ssyncset.done $0x0  }
0x190: {  	[sflag:s20] =	ssyncadd.s32 $0xFFFFF000  }
0x191: {  	_ =	swait.ge [sflag:s20], $0x1000  }
0x192: {  	[sflag:s20] =	ssyncset.done $0x0  }
0x193: {  	[sflag:s20] =	ssyncadd.s32 $0xFFFFF000  }
0x194: {  	_ =	swait.ge [sflag:s20], $0x1000  }
0x195: {  	[sflag:s20] =	ssyncset.done $0x0  }
0x196: {  	s24 =	simm.s32 $0x2;
	[sflag:s20] =	ssyncadd.s32 $0xFFFFF000  }
0x197: {  	_ =	swait.ge [sflag:s24], $0x1000  }
0x198: {  	[sflag:s24] =	ssyncset.done $0x0  }
0x199: {  	[sflag:s24] =	ssyncadd.s32 $0xFFFFF000  }
0x19a: {  	_ =	swait.ge [sflag:s24], $0x1000  }
0x19b: {  	[sflag:s24] =	ssyncset.done $0x0  }
0x19c: {  	[sflag:s24] =	ssyncadd.s32 $0xFFFFF000  }
0x19d: {  	_ =	swait.ge [sflag:s24], $0x1000  }
0x19e: {  	[sflag:s24] =	ssyncset.done $0x0  }
0x19f: {  	[sflag:s24] =	ssyncadd.s32 $0xFFFFF000  }
0x1a0: {  	_ =	swait.ge [sflag:s24], $0x1000  }
0x1a1: {  	[sflag:s24] =	ssyncset.done $0x0  }
0x1a2: {  	[sflag:s24] =	ssyncadd.s32 $0xFFFFF000  }
0x1a3: {  	_ =	swait.ge [sflag:s24], $0x1000  }
0x1a4: {  	[sflag:s24] =	ssyncset.done $0x0  }
0x1a5: {  	s25 =	simm.s32 $0x3;
	[sflag:s24] =	ssyncadd.s32 $0xFFFFF000  }
0x1a6: {  	_ =	swait.ge [sflag:s25], $0x1000  }
0x1a7: {  	[sflag:s25] =	ssyncset.done $0x0  }
0x1a8: {  	[sflag:s25] =	ssyncadd.s32 $0xFFFFF000  }
0x1a9: {  	_ =	swait.ge [sflag:s25], $0x1000  }
0x1aa: {  	[sflag:s25] =	ssyncset.done $0x0  }
0x1ab: {  	[sflag:s25] =	ssyncadd.s32 $0xFFFFF000  }
0x1ac: {  	_ =	swait.ge [sflag:s25], $0x1000  }
0x1ad: {  	[sflag:s25] =	ssyncset.done $0x0  }
0x1ae: {  	[sflag:s25] =	ssyncadd.s32 $0xFFFFF000  }
0x1af: {  	_ =	swait.ge [sflag:s25], $0x1000  }
0x1b0: {  	[sflag:s25] =	ssyncset.done $0x0  }
0x1b1: {  	[sflag:s25] =	ssyncadd.s32 $0xFFFFF000  }
0x1b2: {  	_ =	swait.ge [sflag:s25], $0x1000  }
0x1b3: {  	[sflag:s25] =	ssyncset.done $0x0  }
0x1b4: {  	s26 =	simm.s32 $0x4;
	[sflag:s25] =	ssyncadd.s32 $0xFFFFF000  }
0x1b5: {  	_ =	swait.ge [sflag:s26], $0x1000  }
0x1b6: {  	[sflag:s26] =	ssyncset.done $0x0  }
0x1b7: {  	[sflag:s26] =	ssyncadd.s32 $0xFFFFF000  }
0x1b8: {  	_ =	swait.ge [sflag:s26], $0x1000  }
0x1b9: {  	[sflag:s26] =	ssyncset.done $0x0  }
0x1ba: {  	[sflag:s26] =	ssyncadd.s32 $0xFFFFF000  }
0x1bb: {  	s30 =	simm.s32 $0x0;
	_ =	swait.ge [sflag:s26], $0x1000  }
0x1bc: {  	v0 =	vmov s30;
	[sflag:s26] =	ssyncset.done $0x0  }
0x1bd: {  	v0 =	vshll.u32 v0, $0x7;
	[sflag:s26] =	ssyncadd.s32 $0xFFFFF000  }
0x1be: {  	v4 =	vor.u32 v5, v0;
	_ =	swait.ge [sflag:s26], $0x1000  }
0x1bf: {  	v0 =	vor.u32 $0x13, v4;
	[sflag:s26] =	ssyncset.done $0x0  }
0x1c0: {  	v1 =	vor.u32 $0x11, v4;
	[sflag:s26] =	ssyncadd.s32 $0xFFFFF000  }
0x1c1: {  	v2 =	vor.u32 $0x1, v4;
	_ =	swait.ge [sflag:s26], $0x1000  }
0x1c2: {  	[sflag:s26] =	ssyncset.done $0x0  }
0x1c3: {  	v3 =	vor.u32 $0x2, v4;
	[sflag:s26] =	ssyncadd.s32 $0xFFFFF000  }
0x1c4: {  	v6 =	vld.idx.msk [tilespmem:v0+s21+$0x0], $0xffff  }
0x1c5: {  	v26 =	vld.idx.msk [tilespmem:v1+s23+$0x0], $0xffff  }
0x1c6: {  	v5 =	vor.u32 $0x3, v4;
	v11 =	vld.idx.msk [tilespmem:v2+s21+$0x0], $0xffff  }
0x1c7: {  	v27 =	vld.idx.msk [tilespmem:v1+s22+$0x0], $0xffff  }
0x1c8: {  	v34 =	vld.idx.msk [tilespmem:v3+s21+$0x0], $0xffff  }
0x1c9: {  	v7 =	vor.u32 $0x4, v4;
	v36 =	vld.idx.msk [tilespmem:v3+s22+$0x0], $0xffff  }
0x1ca: {  	v35 =	vld.idx.msk [tilespmem:v3+s23+$0x0], $0xffff  }
0x1cb: {  	v37 =	vld.idx.msk [tilespmem:v5+s21+$0x0], $0xffff  }
0x1cc: {  	v8 =	vor.u32 $0x5, v4;
	v39 =	vld.idx.msk [tilespmem:v5+s22+$0x0], $0xffff  }
0x1cd: {  	v40 =	vld.idx.msk [tilespmem:v5+s23+$0x0], $0xffff  }
0x1ce: {  	v31 =	vor.u32 $0x9, v4;
	v42 =	vld.idx.msk [tilespmem:v7+s21+$0x0], $0xffff  }
0x1cf: {  	v43 =	vld.idx.msk [tilespmem:v7+s22+$0x0], $0xffff  }
0x1d0: {  	v41 =	vld.idx.msk [tilespmem:v7+s23+$0x0], $0xffff  }
0x1d1: {  	v32 =	vor.u32 $0xA, v4;
	v44 =	vld.idx.msk [tilespmem:v8+s21+$0x0], $0xffff  }
0x1d2: {  	v45 =	vld.idx.msk [tilespmem:v8+s22+$0x0], $0xffff  }
0x1d3: {  	v59 =	vld.idx.msk [tilespmem:v31+s21+$0x0], $0xffff  }
0x1d4: {  	v10 =	vor.u32 $0xC, v4;
	v60 =	vld.idx.msk [tilespmem:v31+s22+$0x0], $0xffff  }
0x1d5: {  	v61 =	vld.idx.msk [tilespmem:v31+s23+$0x0], $0xffff  }
0x1d6: {  	v12 =	vor.u32 $0xD, v4;
	v62 =	vld.idx.msk [tilespmem:v32+s21+$0x0], $0xffff  }
0x1d7: {  	v63 =	vld.idx.msk [tilespmem:v32+s22+$0x0], $0xffff  }
0x1d8: {  	v17 =	vld.idx.msk [tilespmem:v32+s23+$0x0], $0xffff  }
0x1d9: {  	v15 =	vor.u32 $0xF, v4;
	v14 =	vld.idx.msk [tilespmem:v10+s21+$0x0], $0xffff  }
0x1da: {  	v21 =	vld.idx.msk [tilespmem:v10+s23+$0x0], $0xffff  }
0x1db: {  	v16 =	vor.u32 $0x10, v4;
	v24 =	vld.idx.msk [tilespmem:v12+s21+$0x0], $0xffff  }
0x1dc: {  	v50 =	vld.idx.msk [tilespmem:v12+s22+$0x0], $0xffff  }
0x1dd: {  	v25 =	vld.idx.msk [tilespmem:v12+s23+$0x0], $0xffff  }
0x1de: {  	v31 =	vld.idx.msk [tilespmem:v15+s22+$0x0], $0xffff  }
0x1df: {  	v56 =	vld.idx.msk [tilespmem:v15+s23+$0x0], $0xffff  }
0x1e0: {  	v12 =	vld.idx.msk [tilespmem:v16+s21+$0x0], $0xffff  }
0x1e1: {  	v32 =	vld.idx.msk [tilespmem:v16+s22+$0x0], $0xffff  }
0x1e2: {  	[tilespmem:$0x1FEF0] =	vst v27;
	v27 =	vld.idx.msk [tilespmem:v10+s22+$0x0], $0xffff  }
0x1e3: {  	v10 =	vld.idx.msk [tilespmem:v15+s21+$0x0], $0xffff  }
0x1e4: {  	v28 =	vor.u32 $0x6, v4;
	v15 =	vld.idx.msk [tilespmem:v16+s23+$0x0], $0xffff  }
0x1e5: {  	v16 =	vld.idx.msk [tilespmem:v1+s21+$0x0], $0xffff  }
0x1e6: {  	v1 =	vld.idx.msk [tilespmem:v0+s22+$0x0], $0xffff  }
0x1e7: {  	v23 =	vor.u32 $0x14, v4;
	v0 =	vld.idx.msk [tilespmem:v0+s23+$0x0], $0xffff  }
0x1e8: {  	v29 =	vor.u32 $0x7, v4;
	v46 =	vld.idx.msk [tilespmem:v8+s23+$0x0], $0xffff  }
0x1e9: {  	v47 =	vld.idx.msk [tilespmem:v28+s21+$0x0], $0xffff  }
0x1ea: {  	v48 =	vld.idx.msk [tilespmem:v28+s22+$0x0], $0xffff  }
0x1eb: {  	v30 =	vor.u32 $0x8, v4;
	v49 =	vld.idx.msk [tilespmem:v28+s23+$0x0], $0xffff  }
0x1ec: {  	[tilespmem:$0x1FF10] =	vst v0;
	v0 =	vld.idx.msk [tilespmem:v23+s22+$0x0], $0xffff  }
0x1ed: {  	v51 =	vld.idx.msk [tilespmem:v29+s21+$0x0], $0xffff  }
0x1ee: {  	v52 =	vld.idx.msk [tilespmem:v29+s22+$0x0], $0xffff  }
0x1ef: {  	v33 =	vor.u32 $0xB, v4;
	v53 =	vld.idx.msk [tilespmem:v29+s23+$0x0], $0xffff  }
0x1f0: {  	v54 =	vld.idx.msk [tilespmem:v30+s21+$0x0], $0xffff;
	[tilespmem:$0x1FF20] =	vst v1  }
0x1f1: {  	v1 =	vor.u32 $0x15, v4;
	[tilespmem:$0x1FF40] =	vst v0;
	v0 =	vld.idx.msk [tilespmem:v23+s23+$0x0], $0xffff  }
0x1f2: {  	v57 =	vld.idx.msk [tilespmem:v30+s22+$0x0], $0xffff  }
0x1f3: {  	v38 =	vor.u32 $0xE, v4;
	v58 =	vld.idx.msk [tilespmem:v30+s23+$0x0], $0xffff  }
0x1f4: {  	v13 =	vld.idx.msk [tilespmem:v33+s21+$0x0], $0xffff  }
0x1f5: {  	v22 =	vld.idx.msk [tilespmem:v33+s22+$0x0], $0xffff  }
0x1f6: {  	[tilespmem:$0x1FF30] =	vst v0;
	v0 =	vld.idx.msk [tilespmem:v1+s22+$0x0], $0xffff  }
0x1f7: {  	v20 =	vld.idx.msk [tilespmem:v33+s23+$0x0], $0xffff  }
0x1f8: {  	v18 =	vld.idx.msk [tilespmem:v38+s21+$0x0], $0xffff  }
0x1f9: {  	v30 =	vld.idx.msk [tilespmem:v38+s22+$0x0], $0xffff  }
0x1fa: {  	v55 =	vld.idx.msk [tilespmem:v38+s23+$0x0], $0xffff  }
0x1fb: {  	v28 =	vor.u32 $0x16, v4;
	[tilespmem:$0x1FF60] =	vst v0;
	v0 =	vld.idx.msk [tilespmem:v1+s23+$0x0], $0xffff  }
0x1fc: {  	v19 =	vld.idx.msk [tilespmem:v23+s21+$0x0], $0xffff  }
0x1fd: {  	v33 =	vld.idx.msk [tilespmem:v2+s23+$0x0], $0xffff  }
0x1fe: {  	v38 =	vld.idx.msk [tilespmem:v2+s22+$0x0], $0xffff  }
0x1ff: {  	v7 =	vld.idx.msk [tilespmem:v4+s23+$0x0], $0xffff  }
0x200: {  	[tilespmem:$0x1FF50] =	vst v0;
	v0 =	vld.idx.msk [tilespmem:v28+s22+$0x0], $0xffff  }
0x201: {  	v8 =	vld.idx.msk [tilespmem:v4+s22+$0x0], $0xffff  }
0x202: {  	v3 =	vld.idx.msk [tilespmem:v4+s21+$0x0], $0xffff  }
0x203: {  	s7 =	simm.s32 $0x10C00;
	v23 =	vld.idx.msk [tilespmem:v1+s21+$0x0], $0xffff;
	v1 =	vor.u32 $0x17, v4  }
0x204: {  	[tilespmem:$0x1FF00] =	vst v6;
	v6 =	vld.idx.msk [tilespmem:v4+s7+$0x0], $0xffff  }
0x205: {  	s6 =	simm.s32 $0xCC00;
	[tilespmem:$0x1FF80] =	vst v0;
	v0 =	vld.idx.msk [tilespmem:v28+s23+$0x0], $0xffff  }
0x206: {  	v9 =	vld.idx.msk [tilespmem:v4+s6+$0x0], $0xffff  }
0x207: {  	v2 =	vor.u32 $0x18, v4;
	[tilespmem:$0x1FEE0] =	vst v26;
	v26 =	vld.idx.msk [tilespmem:v28+s21+$0x0], $0xffff  }
0x208: {  	v5 =	vmul.f32 v7, v3;
	v29 =	vld.idx.msk [tilespmem:v1+s21+$0x0], $0xffff  }
0x209: {  	v3 =	vmul.f32 v8, v3;
	v28 =	vld.idx.msk [tilespmem:v1+s23+$0x0], $0xffff  }
0x20a: {  	v5 =	vadd.f32 v5, v6;
	v6 =	vmul.f32 v33, v11;
	[tilespmem:$0x1FF70] =	vst v0;
	v0 =	vld.idx.msk [tilespmem:v1+s22+$0x0], $0xffff;
	v1 =	vor.u32 $0x19, v4  }
0x20b: {  	v3 =	vadd.f32 v3, v9;
	v9 =	vmul.f32 v38, v11  }
0x20c: {  	v38 =	vld.idx.msk [tilespmem:v2+s21+$0x0], $0xffff;
	v5 =	vadd.f32 v6, v5;
	v6 =	vmul.f32 v35, v34  }
0x20d: {  	v36 =	vmul.f32 v36, v34;
	v3 =	vadd.f32 v9, v3;
	v33 =	vld.idx.msk [tilespmem:v2+s23+$0x0], $0xffff  }
0x20e: {  	v40 =	vmul.f32 v40, v37;
	v35 =	vld.idx.msk [tilespmem:v2+s22+$0x0], $0xffff;
	v2 =	vadd.f32 v6, v5  }
0x20f: {  	v3 =	vadd.f32 v36, v3;
	v6 =	vmul.f32 v39, v37;
	v34 =	vld.idx.msk [tilespmem:v1+s23+$0x0], $0xffff  }
0x210: {  	v5 =	vmul.f32 v41, v42;
	v2 =	vadd.f32 v40, v2;
	v37 =	vld.idx.msk [tilespmem:v1+s22+$0x0], $0xffff  }
0x211: {  	v3 =	vadd.f32 v6, v3;
	v41 =	vld.idx.msk [tilespmem:v1+s21+$0x0], $0xffff;
	v1 =	vmul.f32 v43, v42  }
0x212: {  	v2 =	vadd.f32 v5, v2;
	v5 =	vmul.f32 v46, v44  }
0x213: {  	v42 =	vmul.f32 v45, v44;
	v1 =	vadd.f32 v1, v3  }
0x214: {  	v9 =	vor.u32 $0x1B, v4;
	v2 =	vadd.f32 v5, v2;
	v3 =	vmul.f32 v49, v47  }
0x215: {  	v49 =	vmul.f32 v48, v47;
	v1 =	vadd.f32 v42, v1  }
0x216: {  	v2 =	vadd.f32 v3, v2;
	v3 =	vmul.f32 v53, v51  }
0x217: {  	v53 =	vmul.f32 v52, v51;
	v1 =	vadd.f32 v49, v1  }
0x218: {  	v2 =	vadd.f32 v3, v2;
	v3 =	vmul.f32 v58, v54  }
0x219: {  	v39 =	vld.idx.msk [tilespmem:v9+s23+$0x0], $0xffff;
	v58 =	vmul.f32 v57, v54;
	v1 =	vadd.f32 v53, v1  }
0x21a: {  	v47 =	vld.idx.msk [tilespmem:v9+s21+$0x0], $0xffff;
	v2 =	vadd.f32 v3, v2;
	v3 =	vmul.f32 v61, v59  }
0x21b: {  	v42 =	vld.idx.msk [tilespmem:v9+s22+$0x0], $0xffff;
	v9 =	vadd.f32 v58, v1;
	v1 =	vor.u32 $0x3F, v4  }
0x21c: {  	v61 =	vor.u32 $0x3E, v4;
	v2 =	vadd.f32 v3, v2;
	v3 =	vmul.f32 v17, v62;
	_ =	sdelay $0x1  }
0x21d: {  	v2 =	vadd.f32 v3, v2;
	v3 =	vmul.f32 v20, v13;
	_ =	sdelay $0x1  }
0x21e: {  	v2 =	vadd.f32 v3, v2;
	v3 =	vld.idx.msk [tilespmem:v1+s23+$0x0], $0xffff  }
0x21f: {  	v58 =	vor.u32 $0x3D, v4;
	[tilespmem:$0x1FFB0] =	vst v1;
	v1 =	vld.idx.msk [tilespmem:v61+s23+$0x0], $0xffff;
	_ =	sdelay $0x4  }
0x220: {  	[tilespmem:$0x1FFD0] =	vst v1;
	v1 =	vld.idx.msk [tilespmem:v58+s23+$0x0], $0xffff;
	_ =	sdelay $0x4  }
0x221: {  	[tilespmem:$0x1FFC0] =	vst v1;
	v1 =	vld [tilespmem:$0x1FEE0]  }
0x222: {  	v5 =	vor.u32 $0x1E, v4;
	_ =	sdelay $0x2  }
0x223: {  	v60 =	vmul.f32 v60, v59;
	v59 =	vmul.f32 v21, v14  }
0x224: {  	v14 =	vmul.f32 v27, v14;
	v27 =	vmul.f32 v1, v16;
	v1 =	vld [tilespmem:$0x1FEF0]  }
0x225: {  	v11 =	vor.u32 $0x1A, v4;
	v51 =	vld.idx.msk [tilespmem:v5+s23+$0x0], $0xffff  }
0x226: {  	v6 =	vor.u32 $0x1C, v4;
	v54 =	vld.idx.msk [tilespmem:v5+s21+$0x0], $0xffff  }
0x227: {  	v63 =	vmul.f32 v63, v62;
	v53 =	vld.idx.msk [tilespmem:v5+s22+$0x0], $0xffff;
	v9 =	vadd.f32 v60, v9  }
0x228: {  	v5 =	vadd.f32 v59, v2;
	v2 =	vld [tilespmem:$0x1FF10]  }
0x229: {  	v9 =	vadd.f32 v63, v9;
	v63 =	vmul.f32 v30, v18;
	v30 =	vmul.f32 v1, v16;
	v1 =	vld [tilespmem:$0x1FF00]  }
0x22a: {  	v36 =	vld.idx.msk [tilespmem:v11+s23+$0x0], $0xffff  }
0x22b: {  	v43 =	vld.idx.msk [tilespmem:v6+s23+$0x0], $0xffff  }
0x22c: {  	[tilespmem:$0x1FF90] =	vst v0;
	v0 =	vor.u32 $0x12, v4;
	v45 =	vld.idx.msk [tilespmem:v6+s22+$0x0], $0xffff  }
0x22d: {  	v49 =	vld.idx.msk [tilespmem:v6+s21+$0x0], $0xffff  }
0x22e: {  	v6 =	vmul.f32 v31, v10;
	v31 =	vmul.f32 v2, v1;
	v2 =	vld [tilespmem:$0x1FF20]  }
0x22f: {  	v40 =	vld.idx.msk [tilespmem:v11+s22+$0x0], $0xffff  }
0x230: {  	v44 =	vld.idx.msk [tilespmem:v11+s21+$0x0], $0xffff;
	v11 =	vor.u32 $0x1D, v4  }
0x231: {  	v7 =	vld.idx.msk [tilespmem:v0+s23+$0x0], $0xffff;
	v13 =	vmul.f32 v22, v13  }
0x232: {  	v8 =	vld.idx.msk [tilespmem:v0+s22+$0x0], $0xffff;
	v60 =	vmul.f32 v25, v24  }
0x233: {  	v9 =	vadd.f32 v13, v9;
	v21 =	vmul.f32 v2, v1;
	v1 =	vld [tilespmem:$0x1FF30]  }
0x234: {  	v0 =	vld.idx.msk [tilespmem:v0+s21+$0x0], $0xffff;
	v62 =	vmul.f32 v55, v18;
	v5 =	vadd.f32 v60, v5  }
0x235: {  	v46 =	vld.idx.msk [tilespmem:v11+s23+$0x0], $0xffff;
	[tilespmem:$0x1FFA0] =	vst v61;
	v61 =	vmul.f32 v50, v24;
	v9 =	vadd.f32 v14, v9  }
0x236: {  	v48 =	vld.idx.msk [tilespmem:v11+s22+$0x0], $0xffff;
	v13 =	vadd.f32 v62, v5;
	v5 =	vmul.f32 v56, v10  }
0x237: {  	v52 =	vld.idx.msk [tilespmem:v11+s21+$0x0], $0xffff;
	v11 =	vor.u32 $0x20, v4;
	v9 =	vadd.f32 v61, v9  }
0x238: {  	v24 =	vmul.f32 v15, v12;
	v13 =	vadd.f32 v5, v13;
	v5 =	vmul.f32 v1, v19;
	v1 =	vld [tilespmem:$0x1FF40]  }
0x239: {  	v9 =	vadd.f32 v63, v9  }
0x23a: {  	v17 =	vor.u32 $0x21, v4;
	v13 =	vadd.f32 v24, v13  }
0x23b: {  	v20 =	vor.u32 $0x1F, v4;
	v25 =	vmul.f32 v32, v12;
	v9 =	vadd.f32 v6, v9  }
0x23c: {  	v55 =	vld.idx.msk [tilespmem:v11+s23+$0x0], $0xffff;
	v7 =	vmul.f32 v7, v0;
	v13 =	vadd.f32 v27, v13  }
0x23d: {  	v15 =	vadd.f32 v25, v9;
	v25 =	vmul.f32 v1, v19;
	v1 =	vld [tilespmem:$0x1FF50]  }
0x23e: {  	v32 =	vld.idx.msk [tilespmem:v11+s21+$0x0], $0xffff;
	v7 =	vadd.f32 v7, v13  }
0x23f: {  	v57 =	vld.idx.msk [tilespmem:v17+s23+$0x0], $0xffff  }
0x240: {  	v59 =	vld.idx.msk [tilespmem:v20+s23+$0x0], $0xffff;
	v7 =	vadd.f32 v31, v7  }
0x241: {  	v60 =	vld.idx.msk [tilespmem:v20+s21+$0x0], $0xffff  }
0x242: {  	v7 =	vadd.f32 v5, v7;
	v5 =	vmul.f32 v1, v23;
	v1 =	vld [tilespmem:$0x1FF60]  }
0x243: {  	v56 =	vld.idx.msk [tilespmem:v20+s22+$0x0], $0xffff;
	v10 =	vor.u32 $0x3B, v4  }
0x244: {  	v12 =	vor.u32 $0x3A, v4;
	v61 =	vld.idx.msk [tilespmem:v11+s22+$0x0], $0xffff  }
0x245: {  	v14 =	vor.u32 $0x39, v4;
	v62 =	vld.idx.msk [tilespmem:v17+s22+$0x0], $0xffff  }
0x246: {  	v63 =	vld.idx.msk [tilespmem:v17+s21+$0x0], $0xffff;
	v16 =	vor.u32 $0x38, v4  }
0x247: {  	v31 =	vmul.f32 v1, v23;
	v1 =	vld [tilespmem:$0x1FF70]  }
0x248: {  	v0 =	vmul.f32 v8, v0;
	v11 =	vld.idx.msk [tilespmem:v10+s23+$0x0], $0xffff;
	v15 =	vadd.f32 v30, v15;
	v30 =	vor.u32 $0x23, v4  }
0x249: {  	v27 =	vor.u32 $0x22, v4;
	v13 =	vld.idx.msk [tilespmem:v12+s23+$0x0], $0xffff  }
0x24a: {  	v20 =	vor.u32 $0x36, v4;
	v0 =	vadd.f32 v0, v15;
	v15 =	vld.idx.msk [tilespmem:v14+s23+$0x0], $0xffff  }
0x24b: {  	v18 =	vor.u32 $0x37, v4;
	v17 =	vld.idx.msk [tilespmem:v16+s23+$0x0], $0xffff  }
0x24c: {  	v8 =	vmul.f32 v1, v26;
	v1 =	vld [tilespmem:$0x1FF80]  }
0x24d: {  	[tilespmem:$0x1FFE0] =	vst v3;
	v24 =	vor.u32 $0x34, v4;
	v3 =	vld.idx.msk [tilespmem:v30+s23+$0x0], $0xffff;
	v7 =	vadd.f32 v5, v7  }
0x24e: {  	v2 =	vld.idx.msk [tilespmem:v27+s22+$0x0], $0xffff;
	v0 =	vadd.f32 v21, v0  }
0x24f: {  	v22 =	vor.u32 $0x35, v4;
	v21 =	vld.idx.msk [tilespmem:v20+s23+$0x0], $0xffff;
	v5 =	vmul.f32 v28, v29;
	v7 =	vadd.f32 v8, v7  }
0x250: {  	v19 =	vld.idx.msk [tilespmem:v18+s23+$0x0], $0xffff;
	v0 =	vadd.f32 v25, v0  }
0x251: {  	v7 =	vadd.f32 v5, v7;
	v5 =	vmul.f32 v33, v38;
	v26 =	vmul.f32 v1, v26;
	v1 =	vld [tilespmem:$0x1FF90]  }
0x252: {  	v25 =	vld.idx.msk [tilespmem:v24+s23+$0x0], $0xffff;
	v0 =	vadd.f32 v31, v0  }
0x253: {  	v28 =	vld.idx.msk [tilespmem:v27+s23+$0x0], $0xffff;
	v31 =	vor.u32 $0x24, v4;
	v7 =	vadd.f32 v5, v7;
	v5 =	vmul.f32 v34, v41  }
0x254: {  	v36 =	vmul.f32 v36, v44;
	v39 =	vmul.f32 v39, v47;
	v23 =	vld.idx.msk [tilespmem:v22+s23+$0x0], $0xffff;
	v8 =	vor.u32 $0x30, v4  }
0x255: {  	v42 =	vmul.f32 v42, v47;
	v47 =	vor.u32 $0x2D, v4;
	v33 =	vld.idx.msk [tilespmem:v27+s21+$0x0], $0xffff;
	v7 =	vadd.f32 v5, v7  }
0x256: {  	v35 =	vmul.f32 v35, v38;
	v38 =	vld.idx.msk [tilespmem:v30+s22+$0x0], $0xffff;
	v26 =	vadd.f32 v26, v0;
	v29 =	vmul.f32 v1, v29  }
0x257: {  	v40 =	vmul.f32 v40, v44;
	v27 =	vor.u32 $0x32, v4;
	v34 =	vld.idx.msk [tilespmem:v30+s21+$0x0], $0xffff;
	v36 =	vadd.f32 v36, v7  }
0x258: {  	v44 =	vor.u32 $0x2E, v4;
	v30 =	vmul.f32 v37, v41;
	v37 =	vld.idx.msk [tilespmem:v31+s21+$0x0], $0xffff;
	v26 =	vadd.f32 v29, v26  }
0x259: {  	v45 =	vmul.f32 v45, v49;
	v6 =	vmul.f32 v43, v49;
	v49 =	vld.idx.msk [tilespmem:v8+s23+$0x0], $0xffff;
	v36 =	vadd.f32 v39, v36  }
0x25a: {  	v41 =	vor.u32 $0x2F, v4;
	v5 =	vld.idx.msk [tilespmem:v47+s23+$0x0], $0xffff;
	v28 =	vmul.f32 v28, v33;
	v26 =	vadd.f32 v35, v26  }
0x25b: {  	v2 =	vmul.f32 v2, v33;
	v33 =	vld.idx.msk [tilespmem:v24+s22+$0x0], $0xffff;
	v39 =	vmul.f32 v46, v52;
	v36 =	vadd.f32 v6, v36  }
0x25c: {  	v48 =	vmul.f32 v48, v52;
	v0 =	vor.u32 $0x33, v4;
	v7 =	vld.idx.msk [tilespmem:v27+s23+$0x0], $0xffff;
	v30 =	vadd.f32 v30, v26  }
0x25d: {  	v43 =	vor.u32 $0x2C, v4;
	v52 =	vld.idx.msk [tilespmem:v44+s23+$0x0], $0xffff;
	v36 =	vadd.f32 v39, v36;
	v39 =	vmul.f32 v51, v54  }
0x25e: {  	v29 =	vor.u32 $0x31, v4;
	v35 =	vld.idx.msk [tilespmem:v31+s23+$0x0], $0xffff;
	v40 =	vadd.f32 v40, v30  }
0x25f: {  	v53 =	vmul.f32 v53, v54;
	v31 =	vld.idx.msk [tilespmem:v31+s22+$0x0], $0xffff;
	v36 =	vadd.f32 v39, v36  }
0x260: {  	v6 =	vld.idx.msk [tilespmem:v41+s23+$0x0], $0xffff;
	v39 =	vmul.f32 v59, v60;
	v59 =	vor.u32 $0x26, v4;
	v40 =	vadd.f32 v42, v40  }
0x261: {  	v50 =	vor.u32 $0x3C, v4;
	v56 =	vmul.f32 v56, v60;
	v46 =	vor.u32 $0x2A, v4;
	v26 =	vld.idx.msk [tilespmem:v0+s23+$0x0], $0xffff  }
0x262: {  	v51 =	vor.u32 $0x28, v4;
	v54 =	vld.idx.msk [tilespmem:v43+s23+$0x0], $0xffff;
	v42 =	vor.u32 $0x2B, v4;
	v40 =	vadd.f32 v45, v40  }
0x263: {  	v30 =	vld.idx.msk [tilespmem:v29+s23+$0x0], $0xffff;
	v60 =	vmul.f32 v55, v32;
	v35 =	vmul.f32 v35, v37;
	v36 =	vadd.f32 v39, v36  }
0x264: {  	v31 =	vmul.f32 v31, v37;
	v37 =	vld.idx.msk [tilespmem:v20+s22+$0x0], $0xffff;
	v45 =	vor.u32 $0x29, v4;
	v40 =	vadd.f32 v48, v40  }
0x265: {  	v39 =	vmul.f32 v57, v63;
	v36 =	vadd.f32 v60, v36;
	v60 =	vmul.f32 v62, v63;
	v62 =	vld.idx.msk [tilespmem:v59+s21+$0x0], $0xffff  }
0x266: {  	v63 =	vld.idx.msk [tilespmem:v59+s22+$0x0], $0xffff;
	v48 =	vor.u32 $0x27, v4;
	v4 =	vor.u32 $0x25, v4;
	v40 =	vadd.f32 v53, v40  }
0x267: {  	v1 =	vld.idx.msk [tilespmem:v42+s23+$0x0], $0xffff  }
0x268: {  	v32 =	vmul.f32 v61, v32;
	v53 =	vld.idx.msk [tilespmem:v46+s23+$0x0], $0xffff;
	v40 =	vadd.f32 v56, v40  }
0x269: {  	v55 =	vld.idx.msk [tilespmem:v45+s23+$0x0], $0xffff  }
0x26a: {  	v56 =	vld.idx.msk [tilespmem:v51+s23+$0x0], $0xffff;
	v32 =	vadd.f32 v32, v40  }
0x26b: {  	v36 =	vadd.f32 v39, v36;
	v39 =	vld.idx.msk [tilespmem:v4+s23+$0x0], $0xffff  }
0x26c: {  	v61 =	vld.idx.msk [tilespmem:v4+s21+$0x0], $0xffff;
	v32 =	vadd.f32 v60, v32  }
0x26d: {  	v3 =	vmul.f32 v3, v34;
	v28 =	vadd.f32 v28, v36;
	v4 =	vld.idx.msk [tilespmem:v4+s22+$0x0], $0xffff  }
0x26e: {  	v34 =	vmul.f32 v38, v34;
	v40 =	vld.idx.msk [tilespmem:v59+s23+$0x0], $0xffff;
	v2 =	vadd.f32 v2, v32  }
0x26f: {  	v3 =	vadd.f32 v3, v28;
	v57 =	vld.idx.msk [tilespmem:v48+s23+$0x0], $0xffff  }
0x270: {  	v2 =	vadd.f32 v34, v2;
	v34 =	vld.idx.msk [tilespmem:v48+s21+$0x0], $0xffff  }
0x271: {  	v3 =	vadd.f32 v35, v3;
	v35 =	vld.idx.msk [tilespmem:v48+s22+$0x0], $0xffff;
	v48 =	vmul.f32 v39, v61  }
0x272: {  	v4 =	vmul.f32 v4, v61;
	v2 =	vadd.f32 v31, v2;
	v31 =	vld.idx.msk [tilespmem:v51+s21+$0x0], $0xffff  }
0x273: {  	v59 =	vmul.f32 v40, v62;
	v3 =	vadd.f32 v48, v3;
	v51 =	vld.idx.msk [tilespmem:v51+s22+$0x0], $0xffff  }
0x274: {  	v60 =	vmul.f32 v63, v62;
	v61 =	vld.idx.msk [tilespmem:v45+s21+$0x0], $0xffff;
	v2 =	vadd.f32 v4, v2  }
0x275: {  	v62 =	vld.idx.msk [tilespmem:v45+s22+$0x0], $0xffff;
	v3 =	vadd.f32 v59, v3;
	v63 =	vmul.f32 v57, v34  }
0x276: {  	v45 =	vld.idx.msk [tilespmem:v46+s21+$0x0], $0xffff;
	v40 =	vmul.f32 v35, v34;
	v2 =	vadd.f32 v60, v2  }
0x277: {  	v46 =	vld.idx.msk [tilespmem:v46+s22+$0x0], $0xffff;
	v3 =	vadd.f32 v63, v3;
	v48 =	vmul.f32 v56, v31  }
0x278: {  	v51 =	vmul.f32 v51, v31;
	v56 =	vld.idx.msk [tilespmem:v42+s21+$0x0], $0xffff;
	v2 =	vadd.f32 v40, v2  }
0x279: {  	v57 =	vld.idx.msk [tilespmem:v42+s22+$0x0], $0xffff;
	v59 =	vmul.f32 v55, v61;
	v3 =	vadd.f32 v48, v3  }
0x27a: {  	v60 =	vmul.f32 v62, v61;
	v61 =	vld.idx.msk [tilespmem:v43+s21+$0x0], $0xffff;
	v2 =	vadd.f32 v51, v2  }
0x27b: {  	v62 =	vld.idx.msk [tilespmem:v43+s22+$0x0], $0xffff;
	v63 =	vmul.f32 v53, v45;
	v3 =	vadd.f32 v59, v3  }
0x27c: {  	v39 =	vmul.f32 v46, v45;
	v42 =	vld.idx.msk [tilespmem:v47+s22+$0x0], $0xffff;
	v2 =	vadd.f32 v60, v2  }
0x27d: {  	v40 =	vld.idx.msk [tilespmem:v47+s21+$0x0], $0xffff;
	v1 =	vmul.f32 v1, v56;
	v3 =	vadd.f32 v63, v3  }
0x27e: {  	v45 =	vld.idx.msk [tilespmem:v44+s21+$0x0], $0xffff;
	v43 =	vmul.f32 v57, v56;
	v2 =	vadd.f32 v39, v2  }
0x27f: {  	v1 =	vadd.f32 v1, v3;
	v3 =	vld.idx.msk [tilespmem:v44+s22+$0x0], $0xffff  }
0x280: {  	v48 =	vld.idx.msk [tilespmem:v41+s21+$0x0], $0xffff;
	v47 =	vmul.f32 v62, v61;
	v2 =	vadd.f32 v43, v2  }
0x281: {  	v51 =	vld.idx.msk [tilespmem:v41+s22+$0x0], $0xffff  }
0x282: {  	v55 =	vld.idx.msk [tilespmem:v8+s22+$0x0], $0xffff;
	v53 =	vmul.f32 v42, v40;
	v2 =	vadd.f32 v47, v2  }
0x283: {  	v46 =	vmul.f32 v54, v61;
	v54 =	vld.idx.msk [tilespmem:v8+s21+$0x0], $0xffff  }
0x284: {  	v59 =	vld.idx.msk [tilespmem:v29+s22+$0x0], $0xffff;
	v2 =	vadd.f32 v53, v2;
	v3 =	vmul.f32 v3, v45  }
0x285: {  	v57 =	vld.idx.msk [tilespmem:v29+s21+$0x0], $0xffff  }
0x286: {  	v61 =	vld.idx.msk [tilespmem:v27+s22+$0x0], $0xffff;
	v2 =	vadd.f32 v3, v2;
	v3 =	vmul.f32 v51, v48  }
0x287: {  	v60 =	vld.idx.msk [tilespmem:v27+s21+$0x0], $0xffff;
	v5 =	vmul.f32 v5, v40;
	v1 =	vadd.f32 v46, v1  }
0x288: {  	v63 =	vld.idx.msk [tilespmem:v0+s21+$0x0], $0xffff;
	v2 =	vadd.f32 v3, v2;
	v3 =	vmul.f32 v55, v54  }
0x289: {  	v56 =	vmul.f32 v52, v45;
	v0 =	vld.idx.msk [tilespmem:v0+s22+$0x0], $0xffff;
	v1 =	vadd.f32 v5, v1  }
0x28a: {  	v32 =	vld.idx.msk [tilespmem:v24+s21+$0x0], $0xffff;
	v2 =	vadd.f32 v3, v2;
	v3 =	vmul.f32 v59, v57  }
0x28b: {  	v34 =	vld.idx.msk [tilespmem:v22+s21+$0x0], $0xffff;
	v6 =	vmul.f32 v6, v48;
	v1 =	vadd.f32 v56, v1  }
0x28c: {  	v35 =	vld.idx.msk [tilespmem:v22+s22+$0x0], $0xffff;
	v2 =	vadd.f32 v3, v2;
	v3 =	vmul.f32 v61, v60  }
0x28d: {  	v52 =	vld.idx.msk [tilespmem:v10+s22+$0x0], $0xffff;
	v62 =	vmul.f32 v49, v54;
	v1 =	vadd.f32 v6, v1  }
0x28e: {  	v40 =	vld.idx.msk [tilespmem:v18+s22+$0x0], $0xffff;
	v0 =	vmul.f32 v0, v63;
	v2 =	vadd.f32 v3, v2  }
0x28f: {  	v31 =	vmul.f32 v30, v57;
	v1 =	vadd.f32 v62, v1;
	v3 =	vld.idx.msk [tilespmem:v20+s21+$0x0], $0xffff  }
0x290: {  	v42 =	vld.idx.msk [tilespmem:v16+s21+$0x0], $0xffff;
	v0 =	vadd.f32 v0, v2;
	v2 =	vmul.f32 v33, v32  }
0x291: {  	v39 =	vld.idx.msk [tilespmem:v18+s21+$0x0], $0xffff;
	v7 =	vmul.f32 v7, v60;
	v1 =	vadd.f32 v31, v1  }
0x292: {  	v43 =	vld.idx.msk [tilespmem:v16+s22+$0x0], $0xffff;
	v0 =	vadd.f32 v2, v0;
	v2 =	vmul.f32 v35, v34  }
0x293: {  	v36 =	vmul.f32 v26, v63;
	v47 =	vld.idx.msk [tilespmem:v12+s21+$0x0], $0xffff;
	v1 =	vadd.f32 v7, v1  }
0x294: {  	v45 =	vld.idx.msk [tilespmem:v14+s22+$0x0], $0xffff;
	v0 =	vadd.f32 v2, v0;
	v2 =	vmul.f32 v37, v3  }
0x295: {  	v38 =	vmul.f32 v25, v32;
	v1 =	vadd.f32 v36, v1;
	v44 =	vmul.f32 v21, v3;
	v3 =	vld.idx.msk [tilespmem:v14+s21+$0x0], $0xffff  }
0x296: {  	v59 =	vld [tilespmem:$0x1FFA0];
	v0 =	vadd.f32 v2, v0;
	v2 =	vmul.f32 v40, v39  }
0x297: {  	v41 =	vmul.f32 v23, v34;
	v48 =	vld.idx.msk [tilespmem:v12+s22+$0x0], $0xffff;
	v1 =	vadd.f32 v38, v1  }
0x298: {  	v56 =	vld.idx.msk [tilespmem:v58+s21+$0x0], $0xffff;
	v0 =	vadd.f32 v2, v0;
	v2 =	vmul.f32 v43, v42  }
0x299: {  	v51 =	vld.idx.msk [tilespmem:v10+s21+$0x0], $0xffff;
	v1 =	vadd.f32 v41, v1  }
0x29a: {  	v54 =	vld.idx.msk [tilespmem:v50+s22+$0x0], $0xffff;
	v0 =	vadd.f32 v2, v0;
	v2 =	vmul.f32 v45, v3  }
0x29b: {  	v46 =	vmul.f32 v19, v39;
	v1 =	vadd.f32 v44, v1;
	v53 =	vmul.f32 v15, v3;
	v3 =	vld.idx.msk [tilespmem:v50+s21+$0x0], $0xffff  }
0x29c: {  	v61 =	vld [tilespmem:$0x1FFB0];
	v0 =	vadd.f32 v2, v0;
	v2 =	vmul.f32 v48, v47  }
0x29d: {  	v49 =	vmul.f32 v17, v42;
	v57 =	vld.idx.msk [tilespmem:v58+s22+$0x0], $0xffff;
	v1 =	vadd.f32 v46, v1  }
0x29e: {  	v60 =	vld.idx.msk [tilespmem:v59+s21+$0x0], $0xffff;
	v0 =	vadd.f32 v2, v0;
	v2 =	vmul.f32 v52, v51  }
0x29f: {  	v7 =	vld.idx.msk [tilespmem:v59+s22+$0x0], $0xffff;
	v1 =	vadd.f32 v49, v1  }
0x2a0: {  	v9 =	vld.idx.msk [tilespmem:v50+s23+$0x0], $0xffff;
	v0 =	vadd.f32 v2, v0;
	v2 =	vmul.f32 v54, v3  }
0x2a1: {  	v55 =	vmul.f32 v13, v47;
	v1 =	vadd.f32 v53, v1  }
0x2a2: {  	v62 =	vld [tilespmem:$0x1FFC0];
	v0 =	vadd.f32 v2, v0;
	v2 =	vmul.f32 v57, v56  }
0x2a3: {  	v63 =	vld [tilespmem:$0x1FFD0];
	v58 =	vmul.f32 v11, v51;
	v1 =	vadd.f32 v55, v1  }
0x2a4: {  	v5 =	vld.idx.msk [tilespmem:v61+s22+$0x0], $0xffff;
	v0 =	vadd.f32 v2, v0;
	v2 =	vmul.f32 v7, v60  }
0x2a5: {  	v1 =	vadd.f32 v58, v1;
	v9 =	vmul.f32 v9, v3;
	v3 =	vld.idx.msk [tilespmem:v61+s21+$0x0], $0xffff  }
0x2a6: {  	v0 =	vadd.f32 v2, v0;
	v2 =	vld [tilespmem:$0x1FFE0]  }
0x2a7: {  	v1 =	vadd.f32 v9, v1;
	v9 =	vmul.f32 v62, v56;
	_ =	sdelay $0x1  }
0x2a8: {  	v4 =	vmul.f32 v63, v60;
	v1 =	vadd.f32 v9, v1;
	_ =	sdelay $0x1  }
0x2a9: {  	s28 =	sand.u32 $0x30, s30;
	s29 =	sand.u32 $0x80, s30;
	v1 =	vadd.f32 v4, v1;
	v2 =	vmul.f32 v2, v3;
	v3 =	vmul.f32 v5, v3  }
0x2aa: {  	s0 =	sor.u32 s28, s29  }
0x2ab: {  	s31 =	simm.s32 $0x10;
	s2 =	sor.u32 s12, s0;
	v1 =	vadd.f32 v2, v1;
	v0 =	vadd.f32 v3, v0  }
.LBB2_5:
0x2ac: {  	_ = 	snop  }
0x2ad: {  	[tilespmem:s2+$0x14C00] =	vst v0;
	v0 =	vld [tilespmem:$0x1FFF0];
	_ =	sdelay $0x2  }
0x2ae: {  	v2 =	vmov s31  }
0x2af: {  	[tilespmem:s2+$0x15000] =	vst v1;
	v1 =	vshll.u32 v2, $0x7  }
0x2b0: {  	v9 =	vor.u32 v0, v1;
	_ =	sdelay $0x1  }
0x2b1: {  	v3 =	vor.u32 $0x13, v9  }
0x2b2: {  	v1 =	vor.u32 $0x17, v9  }
0x2b3: {  	v4 =	vor.u32 $0x11, v9  }
0x2b4: {  	v2 =	vor.u32 $0x1, v9;
	v37 =	vld.idx.msk [tilespmem:v9+s23+$0x0], $0xffff  }
0x2b5: {  	v52 =	vld.idx.msk [tilespmem:v9+s22+$0x0], $0xffff  }
0x2b6: {  	v0 =	vor.u32 $0x2, v9;
	v12 =	vld.idx.msk [tilespmem:v3+s21+$0x0], $0xffff  }
0x2b7: {  	v19 =	vld.idx.msk [tilespmem:v1+s22+$0x0], $0xffff  }
0x2b8: {  	v5 =	vld.idx.msk [tilespmem:v4+s23+$0x0], $0xffff  }
0x2b9: {  	v6 =	vor.u32 $0x3, v9;
	v8 =	vld.idx.msk [tilespmem:v2+s21+$0x0], $0xffff  }
0x2ba: {  	v7 =	vld.idx.msk [tilespmem:v4+s22+$0x0], $0xffff  }
0x2bb: {  	v10 =	vld.idx.msk [tilespmem:v0+s21+$0x0], $0xffff  }
0x2bc: {  	v14 =	vor.u32 $0x4, v9;
	v13 =	vld.idx.msk [tilespmem:v0+s22+$0x0], $0xffff  }
0x2bd: {  	v15 =	vld.idx.msk [tilespmem:v0+s23+$0x0], $0xffff  }
0x2be: {  	v16 =	vld.idx.msk [tilespmem:v6+s21+$0x0], $0xffff  }
0x2bf: {  	v21 =	vor.u32 $0x5, v9;
	v17 =	vld.idx.msk [tilespmem:v6+s22+$0x0], $0xffff  }
0x2c0: {  	v6 =	vld.idx.msk [tilespmem:v6+s23+$0x0], $0xffff  }
0x2c1: {  	v22 =	vld.idx.msk [tilespmem:v14+s21+$0x0], $0xffff  }
0x2c2: {  	v24 =	vor.u32 $0x6, v9;
	v59 =	vld.idx.msk [tilespmem:v14+s22+$0x0], $0xffff  }
0x2c3: {  	v60 =	vld.idx.msk [tilespmem:v14+s23+$0x0], $0xffff  }
0x2c4: {  	v61 =	vld.idx.msk [tilespmem:v21+s21+$0x0], $0xffff  }
0x2c5: {  	v63 =	vor.u32 $0x7, v9;
	v62 =	vld.idx.msk [tilespmem:v21+s22+$0x0], $0xffff  }
0x2c6: {  	v32 =	vld.idx.msk [tilespmem:v21+s23+$0x0], $0xffff  }
0x2c7: {  	v33 =	vld.idx.msk [tilespmem:v24+s21+$0x0], $0xffff  }
0x2c8: {  	v36 =	vor.u32 $0x8, v9;
	v35 =	vld.idx.msk [tilespmem:v24+s22+$0x0], $0xffff  }
0x2c9: {  	v38 =	vld.idx.msk [tilespmem:v24+s23+$0x0], $0xffff  }
0x2ca: {  	v39 =	vld.idx.msk [tilespmem:v63+s21+$0x0], $0xffff  }
0x2cb: {  	v57 =	vor.u32 $0xA, v9;
	v49 =	vld.idx.msk [tilespmem:v63+s22+$0x0], $0xffff  }
0x2cc: {  	v53 =	vld.idx.msk [tilespmem:v63+s23+$0x0], $0xffff  }
0x2cd: {  	v55 =	vld.idx.msk [tilespmem:v36+s21+$0x0], $0xffff  }
0x2ce: {  	v56 =	vld.idx.msk [tilespmem:v36+s22+$0x0], $0xffff  }
0x2cf: {  	v51 =	vor.u32 $0x9, v9;
	v58 =	vld.idx.msk [tilespmem:v36+s23+$0x0], $0xffff  }
0x2d0: {  	v63 =	vld.idx.msk [tilespmem:v57+s21+$0x0], $0xffff  }
0x2d1: {  	v23 =	vld.idx.msk [tilespmem:v57+s22+$0x0], $0xffff  }
0x2d2: {  	v28 =	vor.u32 $0xC, v9;
	v29 =	vld.idx.msk [tilespmem:v57+s23+$0x0], $0xffff  }
0x2d3: {  	v21 =	vld.idx.msk [tilespmem:v3+s23+$0x0], $0xffff  }
0x2d4: {  	v34 =	vmul.f32 v59, v22;
	v59 =	vld.idx.msk [tilespmem:v51+s21+$0x0], $0xffff  }
0x2d5: {  	v36 =	vor.u32 $0xE, v9;
	v50 =	vmul.f32 v60, v22;
	v60 =	vld.idx.msk [tilespmem:v51+s22+$0x0], $0xffff  }
0x2d6: {  	v48 =	vmul.f32 v62, v61;
	v62 =	vld.idx.msk [tilespmem:v51+s23+$0x0], $0xffff  }
0x2d7: {  	v11 =	vmul.f32 v17, v16;
	v30 =	vmul.f32 v6, v16;
	v16 =	vld.idx.msk [tilespmem:v28+s21+$0x0], $0xffff  }
0x2d8: {  	v54 =	vmul.f32 v32, v61;
	v44 =	vmul.f32 v35, v33;
	v61 =	vor.u32 $0xB, v9;
	v35 =	vld.idx.msk [tilespmem:v28+s22+$0x0], $0xffff  }
0x2d9: {  	v42 =	vmul.f32 v38, v33;
	v38 =	vld.idx.msk [tilespmem:v28+s23+$0x0], $0xffff  }
0x2da: {  	v28 =	vld.idx.msk [tilespmem:v36+s21+$0x0], $0xffff  }
0x2db: {  	v41 =	vmul.f32 v56, v55;
	v33 =	vor.u32 $0xD, v9;
	v56 =	vld.idx.msk [tilespmem:v36+s22+$0x0], $0xffff  }
0x2dc: {  	v43 =	vmul.f32 v58, v55;
	v58 =	vld.idx.msk [tilespmem:v36+s23+$0x0], $0xffff  }
0x2dd: {  	v31 =	vld.idx.msk [tilespmem:v61+s21+$0x0], $0xffff  }
0x2de: {  	v32 =	vld.idx.msk [tilespmem:v61+s22+$0x0], $0xffff  }
0x2df: {  	[tilespmem:$0x1FD20] =	vst v34;
	v34 =	vld.idx.msk [tilespmem:v61+s23+$0x0], $0xffff  }
0x2e0: {  	v46 =	vmul.f32 v49, v39;
	[tilespmem:$0x1FD10] =	vst v11;
	v11 =	vmul.f32 v53, v39;
	v39 =	vld.idx.msk [tilespmem:v33+s21+$0x0], $0xffff  }
0x2e1: {  	v53 =	vor.u32 $0xF, v9;
	v40 =	vld.idx.msk [tilespmem:v33+s22+$0x0], $0xffff  }
0x2e2: {  	v55 =	vld.idx.msk [tilespmem:v33+s23+$0x0], $0xffff  }
0x2e3: {  	v27 =	vmul.f32 v56, v28;
	v56 =	vld.idx.msk [tilespmem:v3+s22+$0x0], $0xffff  }
0x2e4: {  	v61 =	vmul.f32 v35, v16;
	v25 =	vmul.f32 v38, v16;
	v16 =	vld.idx.msk [tilespmem:v1+s21+$0x0], $0xffff  }
0x2e5: {  	v45 =	vmul.f32 v60, v59;
	v1 =	vld.idx.msk [tilespmem:v1+s23+$0x0], $0xffff  }
0x2e6: {  	v47 =	vmul.f32 v62, v59;
	v59 =	vld.idx.msk [tilespmem:v53+s21+$0x0], $0xffff;
	v60 =	vmul.f32 v34, v31;
	v34 =	vor.u32 $0x14, v9  }
0x2e7: {  	v62 =	vld.idx.msk [tilespmem:v53+s22+$0x0], $0xffff  }
0x2e8: {  	v6 =	vld.idx.msk [tilespmem:v53+s23+$0x0], $0xffff;
	v57 =	vmul.f32 v32, v31;
	v32 =	vor.u32 $0x10, v9  }
0x2e9: {  	v49 =	vmul.f32 v23, v63;
	v18 =	vmul.f32 v55, v39;
	v55 =	vld.idx.msk [tilespmem:v4+s21+$0x0], $0xffff  }
0x2ea: {  	v51 =	vmul.f32 v29, v63;
	v63 =	vmul.f32 v40, v39;
	v39 =	vld.idx.msk [tilespmem:v9+s21+$0x0], $0xffff  }
0x2eb: {  	v17 =	vmul.f32 v58, v28;
	v58 =	vld.idx.msk [tilespmem:v34+s21+$0x0], $0xffff  }
0x2ec: {  	v38 =	vld.idx.msk [tilespmem:v34+s22+$0x0], $0xffff  }
0x2ed: {  	v0 =	vmul.f32 v13, v10;
	v26 =	vmul.f32 v15, v10;
	v10 =	vld.idx.msk [tilespmem:v32+s21+$0x0], $0xffff  }
0x2ee: {  	v40 =	vld.idx.msk [tilespmem:v32+s22+$0x0], $0xffff  }
0x2ef: {  	v31 =	vmul.f32 v62, v59;
	v14 =	vmul.f32 v6, v59;
	v59 =	vld.idx.msk [tilespmem:v34+s23+$0x0], $0xffff  }
0x2f0: {  	v34 =	vld.idx.msk [tilespmem:v9+s6+$0x0], $0xffff  }
0x2f1: {  	v3 =	vmul.f32 v38, v58;
	v38 =	vld.idx.msk [tilespmem:v2+s23+$0x0], $0xffff  }
0x2f2: {  	v36 =	vor.u32 $0x15, v9;
	v35 =	vmul.f32 v7, v55;
	v2 =	vld.idx.msk [tilespmem:v2+s22+$0x0], $0xffff  }
0x2f3: {  	v29 =	vmul.f32 v5, v55;
	v55 =	vmul.f32 v56, v12  }
0x2f4: {  	v56 =	vmul.f32 v19, v16;
	v19 =	vmul.f32 v1, v16  }
0x2f5: {  	v16 =	vmul.f32 v52, v39;
	v23 =	vmul.f32 v40, v10;
	v40 =	vor.u32 $0x16, v9  }
0x2f6: {  	v53 =	vld.idx.msk [tilespmem:v32+s23+$0x0], $0xffff;
	v32 =	vmul.f32 v37, v39;
	v39 =	vor.u32 $0x38, v9  }
0x2f7: {  	v62 =	vld.idx.msk [tilespmem:v36+s22+$0x0], $0xffff;
	v22 =	vadd.f32 v16, v34;
	v2 =	vmul.f32 v2, v8  }
0x2f8: {  	v6 =	vld.idx.msk [tilespmem:v36+s23+$0x0], $0xffff  }
0x2f9: {  	v7 =	vld.idx.msk [tilespmem:v36+s21+$0x0], $0xffff;
	[tilespmem:$0x1FD30] =	vst v3;
	v3 =	vor.u32 $0x3F, v9;
	v2 =	vadd.f32 v2, v22  }
0x2fa: {  	v36 =	vld.idx.msk [tilespmem:v40+s21+$0x0], $0xffff  }
0x2fb: {  	v37 =	vor.u32 $0x37, v9;
	v0 =	vadd.f32 v0, v2;
	v2 =	vld.idx.msk [tilespmem:v39+s23+$0x0], $0xffff  }
0x2fc: {  	v15 =	vmul.f32 v53, v10;
	v10 =	vld.idx.msk [tilespmem:v40+s22+$0x0], $0xffff  }
0x2fd: {  	v13 =	vld.idx.msk [tilespmem:v40+s23+$0x0], $0xffff  }
0x2fe: {  	[tilespmem:$0x1FEA0] =	vst v3;
	v40 =	vor.u32 $0x3E, v9;
	v3 =	vld.idx.msk [tilespmem:v3+s23+$0x0], $0xffff  }
0x2ff: {  	v20 =	vld.idx.msk [tilespmem:v9+s7+$0x0], $0xffff  }
0x300: {  	[tilespmem:$0x1FE10] =	vst v2;
	v2 =	vld.idx.msk [tilespmem:v37+s23+$0x0], $0xffff;
	_ =	sdelay $0x2  }
0x301: {  	v4 =	vor.u32 $0x3D, v9;
	[tilespmem:$0x1FED0] =	vst v3;
	v3 =	vld.idx.msk [tilespmem:v40+s23+$0x0], $0xffff  }
0x302: {  	v24 =	vadd.f32 v32, v20;
	v1 =	vmul.f32 v38, v8  }
0x303: {  	v20 =	vor.u32 $0x36, v9;
	[tilespmem:$0x1FDF0] =	vst v2;
	v2 =	vld [tilespmem:$0x1FD10]  }
0x304: {  	v1 =	vadd.f32 v1, v24  }
0x305: {  	v53 =	vmul.f32 v62, v7  }
0x306: {  	v62 =	vmul.f32 v6, v7;
	v6 =	vor.u32 $0x3C, v9;
	v1 =	vadd.f32 v26, v1;
	[tilespmem:$0x1FEC0] =	vst v3;
	v3 =	vld.idx.msk [tilespmem:v4+s23+$0x0], $0xffff;
	_ =	sdelay $0x1  }
0x307: {  	v22 =	vor.u32 $0x35, v9;
	v1 =	vadd.f32 v30, v1;
	v0 =	vadd.f32 v2, v0;
	v2 =	vld.idx.msk [tilespmem:v20+s23+$0x0], $0xffff;
	_ =	sdelay $0x1  }
0x308: {  	v1 =	vadd.f32 v50, v1  }
0x309: {  	v33 =	vmul.f32 v21, v12;
	v12 =	vor.u32 $0x3B, v9;
	[tilespmem:$0x1FEB0] =	vst v3;
	v3 =	vld.idx.msk [tilespmem:v6+s23+$0x0], $0xffff  }
0x30a: {  	v1 =	vadd.f32 v54, v1  }
0x30b: {  	[tilespmem:$0x1FDE0] =	vst v2;
	v2 =	vld.idx.msk [tilespmem:v22+s23+$0x0], $0xffff  }
0x30c: {  	v1 =	vadd.f32 v42, v1;
	_ =	sdelay $0x1  }
0x30d: {  	v21 =	vmul.f32 v13, v36;
	v13 =	vor.u32 $0x3A, v9;
	v1 =	vadd.f32 v11, v1;
	[tilespmem:$0x1FE90] =	vst v3;
	v3 =	vld.idx.msk [tilespmem:v12+s23+$0x0], $0xffff;
	_ =	sdelay $0x1  }
0x30e: {  	v1 =	vadd.f32 v43, v1;
	[tilespmem:$0x1FDD0] =	vst v2;
	v2 =	vld [tilespmem:$0x1FD20]  }
0x30f: {  	v24 =	vor.u32 $0x34, v9  }
0x310: {  	v1 =	vadd.f32 v47, v1  }
0x311: {  	v52 =	vor.u32 $0x39, v9;
	[tilespmem:$0x1FE70] =	vst v3;
	v3 =	vld.idx.msk [tilespmem:v13+s23+$0x0], $0xffff  }
0x312: {  	v58 =	vmul.f32 v59, v58;
	v1 =	vadd.f32 v51, v1  }
0x313: {  	v59 =	vmul.f32 v10, v36;
	v10 =	vor.u32 $0x23, v9;
	v0 =	vadd.f32 v2, v0  }
0x314: {  	v26 =	vor.u32 $0x33, v9;
	v1 =	vadd.f32 v60, v1;
	v2 =	vld.idx.msk [tilespmem:v24+s23+$0x0], $0xffff  }
0x315: {  	v42 =	vor.u32 $0x2B, v9;
	v0 =	vadd.f32 v48, v0  }
0x316: {  	v50 =	vor.u32 $0x27, v9;
	v1 =	vadd.f32 v25, v1;
	[tilespmem:$0x1FE50] =	vst v3;
	v3 =	vld.idx.msk [tilespmem:v52+s23+$0x0], $0xffff  }
0x317: {  	v11 =	vor.u32 $0x25, v9;
	v0 =	vadd.f32 v44, v0  }
0x318: {  	v7 =	vor.u32 $0x21, v9;
	v16 =	vld.idx.msk [tilespmem:v10+s23+$0x0], $0xffff;
	v1 =	vadd.f32 v18, v1  }
0x319: {  	v28 =	vor.u32 $0x32, v9;
	[tilespmem:$0x1FDC0] =	vst v2;
	v2 =	vld.idx.msk [tilespmem:v26+s23+$0x0], $0xffff;
	v0 =	vadd.f32 v46, v0  }
0x31a: {  	v43 =	vld.idx.msk [tilespmem:v42+s23+$0x0], $0xffff;
	v1 =	vadd.f32 v17, v1;
	v48 =	vor.u32 $0x28, v9  }
0x31b: {  	v51 =	vld.idx.msk [tilespmem:v50+s23+$0x0], $0xffff;
	[tilespmem:$0x1FE30] =	vst v3;
	v3 =	vor.u32 $0x1C, v9;
	v0 =	vadd.f32 v41, v0  }
0x31c: {  	v60 =	vld.idx.msk [tilespmem:v11+s23+$0x0], $0xffff;
	v1 =	vadd.f32 v14, v1;
	v44 =	vor.u32 $0x2A, v9  }
0x31d: {  	[tilespmem:$0x1FE00] =	vst v13;
	v13 =	vld.idx.msk [tilespmem:v7+s23+$0x0], $0xffff;
	v46 =	vor.u32 $0x29, v9;
	v0 =	vadd.f32 v45, v0  }
0x31e: {  	v30 =	vor.u32 $0x31, v9;
	v1 =	vadd.f32 v15, v1;
	[tilespmem:$0x1FDB0] =	vst v2;
	v2 =	vld.idx.msk [tilespmem:v28+s23+$0x0], $0xffff  }
0x31f: {  	v41 =	vld.idx.msk [tilespmem:v48+s23+$0x0], $0xffff;
	v49 =	vadd.f32 v49, v0;
	v0 =	vor.u32 $0x12, v9  }
0x320: {  	v1 =	vadd.f32 v29, v1;
	v29 =	vld.idx.msk [tilespmem:v3+s23+$0x0], $0xffff  }
0x321: {  	v45 =	vld.idx.msk [tilespmem:v44+s23+$0x0], $0xffff  }
0x322: {  	v54 =	vor.u32 $0x26, v9;
	v47 =	vld.idx.msk [tilespmem:v46+s23+$0x0], $0xffff;
	v49 =	vadd.f32 v57, v49  }
0x323: {  	v32 =	vor.u32 $0x30, v9;
	[tilespmem:$0x1FDA0] =	vst v2;
	v2 =	vld.idx.msk [tilespmem:v30+s23+$0x0], $0xffff  }
0x324: {  	[tilespmem:$0x1FE60] =	vst v4;
	v8 =	vor.u32 $0x22, v9;
	v49 =	vadd.f32 v61, v49;
	v18 =	vld.idx.msk [tilespmem:v0+s23+$0x0], $0xffff  }
0x325: {  	[tilespmem:$0x1FE40] =	vst v6;
	v6 =	vor.u32 $0x20, v9;
	v4 =	vld.idx.msk [tilespmem:v0+s22+$0x0], $0xffff  }
0x326: {  	v14 =	vor.u32 $0x1B, v9;
	v17 =	vld.idx.msk [tilespmem:v0+s21+$0x0], $0xffff;
	v49 =	vadd.f32 v63, v49  }
0x327: {  	v57 =	vld.idx.msk [tilespmem:v54+s23+$0x0], $0xffff;
	v63 =	vor.u32 $0x1F, v9  }
0x328: {  	v34 =	vor.u32 $0x2F, v9;
	[tilespmem:$0x1FD90] =	vst v2;
	v2 =	vld.idx.msk [tilespmem:v32+s23+$0x0], $0xffff;
	v27 =	vadd.f32 v27, v49  }
0x329: {  	v5 =	vor.u32 $0x1E, v9;
	v61 =	vld.idx.msk [tilespmem:v8+s23+$0x0], $0xffff  }
0x32a: {  	v49 =	vor.u32 $0x1D, v9;
	v25 =	vadd.f32 v31, v27;
	v27 =	vld.idx.msk [tilespmem:v6+s23+$0x0], $0xffff  }
0x32b: {  	v0 =	vor.u32 $0x18, v9;
	v18 =	vmul.f32 v18, v17;
	v4 =	vmul.f32 v4, v17;
	v17 =	vld.idx.msk [tilespmem:v14+s23+$0x0], $0xffff  }
0x32c: {  	v31 =	vld.idx.msk [tilespmem:v63+s23+$0x0], $0xffff  }
0x32d: {  	v36 =	vor.u32 $0x2E, v9;
	[tilespmem:$0x1FD80] =	vst v2;
	v2 =	vld.idx.msk [tilespmem:v34+s23+$0x0], $0xffff  }
0x32e: {  	v23 =	vadd.f32 v23, v25;
	v25 =	vld.idx.msk [tilespmem:v5+s23+$0x0], $0xffff;
	v1 =	vadd.f32 v18, v1  }
0x32f: {  	[tilespmem:$0x1FE20] =	vst v12;
	v15 =	vor.u32 $0x19, v9;
	v12 =	vld.idx.msk [tilespmem:v49+s23+$0x0], $0xffff  }
0x330: {  	v1 =	vadd.f32 v33, v1;
	v33 =	vld.idx.msk [tilespmem:v0+s23+$0x0], $0xffff  }
0x331: {  	v23 =	vadd.f32 v35, v23;
	v35 =	vld.idx.msk [tilespmem:v0+s22+$0x0], $0xffff  }
0x332: {  	v38 =	vor.u32 $0x2D, v9;
	[tilespmem:$0x1FD70] =	vst v2;
	v2 =	vld.idx.msk [tilespmem:v36+s23+$0x0], $0xffff  }
0x333: {  	v0 =	vld.idx.msk [tilespmem:v0+s21+$0x0], $0xffff  }
0x334: {  	v4 =	vadd.f32 v4, v23;
	v23 =	vld.idx.msk [tilespmem:v15+s23+$0x0], $0xffff  }
0x335: {  	v1 =	vadd.f32 v58, v1;
	v58 =	vld [tilespmem:$0x1FD30]  }
0x336: {  	[tilespmem:$0x1FE80] =	vst v40;
	v4 =	vadd.f32 v55, v4;
	v55 =	vld.idx.msk [tilespmem:v15+s22+$0x0], $0xffff  }
0x337: {  	v40 =	vor.u32 $0x2C, v9;
	[tilespmem:$0x1FD60] =	vst v2;
	v2 =	vld.idx.msk [tilespmem:v38+s23+$0x0], $0xffff  }
0x338: {  	v15 =	vld.idx.msk [tilespmem:v15+s21+$0x0], $0xffff  }
0x339: {  	v1 =	vadd.f32 v62, v1;
	v62 =	vmul.f32 v35, v0;
	v0 =	vmul.f32 v33, v0;
	v33 =	vld.idx.msk [tilespmem:v3+s22+$0x0], $0xffff  }
0x33a: {  	v3 =	vld.idx.msk [tilespmem:v3+s21+$0x0], $0xffff  }
0x33b: {  	v1 =	vadd.f32 v21, v1;
	v21 =	vld.idx.msk [tilespmem:v14+s22+$0x0], $0xffff  }
0x33c: {  	v4 =	vadd.f32 v58, v4;
	[tilespmem:$0x1FD50] =	vst v2;
	v2 =	vld.idx.msk [tilespmem:v40+s23+$0x0], $0xffff  }
0x33d: {  	v14 =	vld.idx.msk [tilespmem:v14+s21+$0x0], $0xffff  }
0x33e: {  	v1 =	vadd.f32 v19, v1;
	v19 =	vld.idx.msk [tilespmem:v50+s21+$0x0], $0xffff;
	v4 =	vadd.f32 v53, v4  }
0x33f: {  	v53 =	vld.idx.msk [tilespmem:v7+s22+$0x0], $0xffff  }
0x340: {  	v7 =	vld.idx.msk [tilespmem:v7+s21+$0x0], $0xffff;
	v0 =	vadd.f32 v0, v1;
	v4 =	vadd.f32 v59, v4  }
0x341: {  	v1 =	vmul.f32 v55, v15;
	v15 =	vmul.f32 v23, v15;
	v23 =	vld.idx.msk [tilespmem:v63+s22+$0x0], $0xffff;
	[tilespmem:$0x1FD40] =	vst v2;
	v2 =	vor.u32 $0x1A, v9  }
0x342: {  	v59 =	vld.idx.msk [tilespmem:v49+s21+$0x0], $0xffff;
	v4 =	vadd.f32 v56, v4  }
0x343: {  	v0 =	vadd.f32 v15, v0;
	v15 =	vld.idx.msk [tilespmem:v11+s22+$0x0], $0xffff  }
0x344: {  	v4 =	vadd.f32 v62, v4;
	v62 =	vld.idx.msk [tilespmem:v5+s22+$0x0], $0xffff  }
0x345: {  	v5 =	vld.idx.msk [tilespmem:v5+s21+$0x0], $0xffff  }
0x346: {  	v18 =	vld.idx.msk [tilespmem:v2+s23+$0x0], $0xffff  }
0x347: {  	v58 =	vld.idx.msk [tilespmem:v2+s22+$0x0], $0xffff  }
0x348: {  	v9 =	vor.u32 $0x24, v9;
	v2 =	vld.idx.msk [tilespmem:v2+s21+$0x0], $0xffff  }
0x349: {  	v56 =	vld.idx.msk [tilespmem:v49+s22+$0x0], $0xffff  }
0x34a: {  	v49 =	vld.idx.msk [tilespmem:v63+s21+$0x0], $0xffff  }
0x34b: {  	v1 =	vadd.f32 v1, v4;
	v4 =	vmul.f32 v62, v5;
	v5 =	vmul.f32 v25, v5;
	v25 =	vld.idx.msk [tilespmem:v48+s21+$0x0], $0xffff  }
0x34c: {  	v62 =	vmul.f32 v53, v7;
	v53 =	vld.idx.msk [tilespmem:v40+s21+$0x0], $0xffff  }
0x34d: {  	v63 =	vld.idx.msk [tilespmem:v9+s21+$0x0], $0xffff;
	v58 =	vmul.f32 v58, v2  }
0x34e: {  	v2 =	vmul.f32 v18, v2;
	v18 =	vld.idx.msk [tilespmem:v54+s21+$0x0], $0xffff  }
0x34f: {  	v1 =	vadd.f32 v58, v1;
	v58 =	vld.idx.msk [tilespmem:v10+s22+$0x0], $0xffff  }
0x350: {  	v10 =	vld.idx.msk [tilespmem:v10+s21+$0x0], $0xffff  }
0x351: {  	v0 =	vadd.f32 v2, v0;
	v2 =	vmul.f32 v21, v14;
	v21 =	vld.idx.msk [tilespmem:v50+s22+$0x0], $0xffff  }
0x352: {  	v14 =	vmul.f32 v17, v14;
	v50 =	vld.idx.msk [tilespmem:v42+s22+$0x0], $0xffff  }
0x353: {  	v1 =	vadd.f32 v2, v1;
	v2 =	vld.idx.msk [tilespmem:v6+s22+$0x0], $0xffff  }
0x354: {  	v35 =	vmul.f32 v33, v3;
	v3 =	vmul.f32 v29, v3;
	v0 =	vadd.f32 v14, v0;
	v6 =	vld.idx.msk [tilespmem:v6+s21+$0x0], $0xffff  }
0x355: {  	v14 =	vld.idx.msk [tilespmem:v11+s21+$0x0], $0xffff  }
0x356: {  	v12 =	vmul.f32 v12, v59;
	v0 =	vadd.f32 v3, v0;
	v3 =	vmul.f32 v56, v59;
	v59 =	vld.idx.msk [tilespmem:v9+s23+$0x0], $0xffff  }
0x357: {  	v56 =	vmul.f32 v31, v49;
	v31 =	vld.idx.msk [tilespmem:v46+s21+$0x0], $0xffff  }
0x358: {  	v1 =	vadd.f32 v35, v1;
	v35 =	vld.idx.msk [tilespmem:v44+s21+$0x0], $0xffff  }
0x359: {  	v55 =	vmul.f32 v23, v49;
	v49 =	vld.idx.msk [tilespmem:v42+s21+$0x0], $0xffff  }
0x35a: {  	v17 =	vmul.f32 v16, v10;
	v16 =	vld [tilespmem:$0x1FD70]  }
0x35b: {  	v1 =	vadd.f32 v3, v1;
	v3 =	vld.idx.msk [tilespmem:v8+s22+$0x0], $0xffff  }
0x35c: {  	v8 =	vld.idx.msk [tilespmem:v8+s21+$0x0], $0xffff  }
0x35d: {  	v0 =	vadd.f32 v12, v0;
	v12 =	vld.idx.msk [tilespmem:v32+s22+$0x0], $0xffff  }
0x35e: {  	v2 =	vmul.f32 v2, v6;
	v6 =	vmul.f32 v27, v6;
	v27 =	vld.idx.msk [tilespmem:v48+s22+$0x0], $0xffff  }
0x35f: {  	v23 =	vmul.f32 v60, v14;
	v60 =	vld [tilespmem:$0x1FD40]  }
0x360: {  	v48 =	vmul.f32 v41, v25;
	v41 =	vld [tilespmem:$0x1FE00]  }
0x361: {  	v1 =	vadd.f32 v4, v1;
	v4 =	vmul.f32 v58, v10;
	v58 =	vld.idx.msk [tilespmem:v36+s21+$0x0], $0xffff  }
0x362: {  	v0 =	vadd.f32 v5, v0;
	v5 =	vmul.f32 v59, v63;
	v59 =	vld.idx.msk [tilespmem:v36+s22+$0x0], $0xffff  }
0x363: {  	v36 =	vld.idx.msk [tilespmem:v39+s21+$0x0], $0xffff  }
0x364: {  	v33 =	vmul.f32 v51, v19;
	v51 =	vmul.f32 v47, v31;
	v47 =	vld [tilespmem:$0x1FE30]  }
0x365: {  	v1 =	vadd.f32 v55, v1;
	v55 =	vld.idx.msk [tilespmem:v38+s21+$0x0], $0xffff  }
0x366: {  	v0 =	vadd.f32 v56, v0;
	v56 =	vld.idx.msk [tilespmem:v38+s22+$0x0], $0xffff  }
0x367: {  	v38 =	vld.idx.msk [tilespmem:v52+s21+$0x0], $0xffff;
	v1 =	vadd.f32 v2, v1  }
0x368: {  	v7 =	vmul.f32 v13, v7;
	v2 =	vld.idx.msk [tilespmem:v9+s22+$0x0], $0xffff  }
0x369: {  	v3 =	vmul.f32 v3, v8;
	v13 =	vmul.f32 v61, v8;
	v61 =	vld.idx.msk [tilespmem:v34+s21+$0x0], $0xffff;
	v1 =	vadd.f32 v62, v1  }
0x36a: {  	v0 =	vadd.f32 v6, v0;
	v62 =	vld [tilespmem:$0x1FD50]  }
0x36b: {  	v42 =	vld.idx.msk [tilespmem:v41+s21+$0x0], $0xffff;
	v1 =	vadd.f32 v3, v1  }
0x36c: {  	v29 =	vmul.f32 v57, v18;
	v0 =	vadd.f32 v7, v0;
	v3 =	vld.idx.msk [tilespmem:v54+s22+$0x0], $0xffff  }
0x36d: {  	v57 =	vmul.f32 v43, v49;
	v43 =	vld.idx.msk [tilespmem:v41+s22+$0x0], $0xffff;
	v2 =	vmul.f32 v2, v63;
	v1 =	vadd.f32 v4, v1  }
0x36e: {  	v0 =	vadd.f32 v13, v0;
	v13 =	vld [tilespmem:$0x1FD60]  }
0x36f: {  	v54 =	vmul.f32 v45, v35;
	v45 =	vld [tilespmem:$0x1FE20];
	v1 =	vadd.f32 v2, v1;
	v2 =	vmul.f32 v15, v14  }
0x370: {  	v63 =	vld.idx.msk [tilespmem:v32+s21+$0x0], $0xffff;
	v0 =	vadd.f32 v17, v0  }
0x371: {  	v32 =	vld [tilespmem:$0x1FDC0];
	v1 =	vadd.f32 v2, v1;
	v2 =	vmul.f32 v3, v18  }
0x372: {  	v0 =	vadd.f32 v5, v0;
	v3 =	vld.idx.msk [tilespmem:v46+s22+$0x0], $0xffff  }
0x373: {  	v17 =	vld.idx.msk [tilespmem:v28+s21+$0x0], $0xffff;
	v1 =	vadd.f32 v2, v1;
	v2 =	vmul.f32 v21, v19  }
0x374: {  	v0 =	vadd.f32 v23, v0;
	v46 =	vld.idx.msk [tilespmem:v44+s22+$0x0], $0xffff  }
0x375: {  	v14 =	vld.idx.msk [tilespmem:v30+s21+$0x0], $0xffff;
	v1 =	vadd.f32 v2, v1;
	v2 =	vmul.f32 v27, v25  }
0x376: {  	v15 =	vld.idx.msk [tilespmem:v30+s22+$0x0], $0xffff;
	v0 =	vadd.f32 v29, v0  }
0x377: {  	v30 =	vld.idx.msk [tilespmem:v20+s21+$0x0], $0xffff;
	v1 =	vadd.f32 v2, v1;
	v2 =	vmul.f32 v3, v31  }
0x378: {  	v0 =	vadd.f32 v33, v0;
	v3 =	vld.idx.msk [tilespmem:v40+s22+$0x0], $0xffff  }
0x379: {  	v18 =	vld [tilespmem:$0x1FD80];
	v1 =	vadd.f32 v2, v1;
	v2 =	vmul.f32 v46, v35  }
0x37a: {  	v23 =	vld [tilespmem:$0x1FD90];
	v0 =	vadd.f32 v48, v0  }
0x37b: {  	v44 =	vld [tilespmem:$0x1FE10];
	v1 =	vadd.f32 v2, v1;
	v2 =	vmul.f32 v50, v49  }
0x37c: {  	v19 =	vld.idx.msk [tilespmem:v26+s21+$0x0], $0xffff;
	v0 =	vadd.f32 v51, v0  }
0x37d: {  	v21 =	vld.idx.msk [tilespmem:v26+s22+$0x0], $0xffff;
	v1 =	vadd.f32 v2, v1;
	v2 =	vmul.f32 v3, v53  }
0x37e: {  	v0 =	vadd.f32 v54, v0;
	v3 =	vld.idx.msk [tilespmem:v34+s22+$0x0], $0xffff  }
0x37f: {  	v26 =	vld.idx.msk [tilespmem:v24+s22+$0x0], $0xffff;
	v1 =	vadd.f32 v2, v1;
	v2 =	vmul.f32 v56, v55  }
0x380: {  	v5 =	vmul.f32 v60, v53;
	v29 =	vld [tilespmem:$0x1FDB0];
	v0 =	vadd.f32 v57, v0  }
0x381: {  	v25 =	vld.idx.msk [tilespmem:v24+s21+$0x0], $0xffff;
	v1 =	vadd.f32 v2, v1;
	v2 =	vmul.f32 v59, v58  }
0x382: {  	v27 =	vld [tilespmem:$0x1FDA0];
	v0 =	vadd.f32 v5, v0;
	v5 =	vmul.f32 v62, v55  }
0x383: {  	v33 =	vld.idx.msk [tilespmem:v37+s21+$0x0], $0xffff;
	v1 =	vadd.f32 v2, v1;
	v2 =	vmul.f32 v3, v61  }
0x384: {  	v0 =	vadd.f32 v5, v0;
	v5 =	vmul.f32 v13, v58;
	v3 =	vld.idx.msk [tilespmem:v28+s22+$0x0], $0xffff  }
0x385: {  	v31 =	vld.idx.msk [tilespmem:v20+s22+$0x0], $0xffff;
	v1 =	vadd.f32 v2, v1;
	v2 =	vmul.f32 v12, v63  }
0x386: {  	v40 =	vld [tilespmem:$0x1FDF0];
	v0 =	vadd.f32 v5, v0;
	v5 =	vmul.f32 v16, v61  }
0x387: {  	v48 =	vld [tilespmem:$0x1FE40];
	v1 =	vadd.f32 v2, v1;
	v2 =	vmul.f32 v15, v14  }
0x388: {  	v35 =	vld [tilespmem:$0x1FDD0];
	v0 =	vadd.f32 v5, v0;
	v5 =	vmul.f32 v18, v63  }
0x389: {  	v28 =	vld.idx.msk [tilespmem:v22+s21+$0x0], $0xffff;
	v1 =	vadd.f32 v2, v1;
	v2 =	vmul.f32 v3, v17  }
0x38a: {  	v0 =	vadd.f32 v5, v0;
	v5 =	vmul.f32 v23, v14;
	v3 =	vld.idx.msk [tilespmem:v22+s22+$0x0], $0xffff  }
0x38b: {  	v46 =	vld.idx.msk [tilespmem:v45+s21+$0x0], $0xffff;
	v1 =	vadd.f32 v2, v1;
	v2 =	vmul.f32 v21, v19  }
0x38c: {  	v51 =	vld [tilespmem:$0x1FE50];
	v0 =	vadd.f32 v5, v0;
	v5 =	vmul.f32 v27, v17  }
0x38d: {  	v34 =	vld.idx.msk [tilespmem:v37+s22+$0x0], $0xffff;
	v1 =	vadd.f32 v2, v1;
	v2 =	vmul.f32 v26, v25  }
0x38e: {  	v37 =	vld [tilespmem:$0x1FDE0];
	v0 =	vadd.f32 v5, v0;
	v5 =	vmul.f32 v29, v19  }
0x38f: {  	v1 =	vadd.f32 v2, v1;
	v2 =	vmul.f32 v3, v28;
	v3 =	vld.idx.msk [tilespmem:v39+s22+$0x0], $0xffff  }
0x390: {  	v0 =	vadd.f32 v5, v0;
	v5 =	vmul.f32 v32, v25;
	v39 =	vld.idx.msk [tilespmem:v52+s22+$0x0], $0xffff  }
0x391: {  	v52 =	vld [tilespmem:$0x1FE60];
	v1 =	vadd.f32 v2, v1;
	v2 =	vmul.f32 v31, v30  }
0x392: {  	v49 =	vld.idx.msk [tilespmem:v48+s21+$0x0], $0xffff;
	v0 =	vadd.f32 v5, v0;
	v5 =	vmul.f32 v35, v28  }
0x393: {  	v56 =	vld [tilespmem:$0x1FE80];
	v1 =	vadd.f32 v2, v1;
	v2 =	vmul.f32 v34, v33  }
0x394: {  	v50 =	vld.idx.msk [tilespmem:v48+s22+$0x0], $0xffff;
	v0 =	vadd.f32 v5, v0;
	v5 =	vmul.f32 v37, v30  }
0x395: {  	v55 =	vld [tilespmem:$0x1FE70];
	v1 =	vadd.f32 v2, v1;
	v2 =	vmul.f32 v3, v36  }
0x396: {  	v0 =	vadd.f32 v5, v0;
	v5 =	vmul.f32 v40, v33;
	v3 =	vld.idx.msk [tilespmem:v45+s22+$0x0], $0xffff  }
0x397: {  	v59 =	vld [tilespmem:$0x1FEA0];
	v1 =	vadd.f32 v2, v1;
	v2 =	vmul.f32 v39, v38  }
0x398: {  	v58 =	vld [tilespmem:$0x1FE90];
	v0 =	vadd.f32 v5, v0;
	v5 =	vmul.f32 v44, v36  }
0x399: {  	v53 =	vld.idx.msk [tilespmem:v52+s21+$0x0], $0xffff;
	v1 =	vadd.f32 v2, v1;
	v2 =	vmul.f32 v43, v42  }
0x39a: {  	v0 =	vadd.f32 v5, v0;
	v5 =	vmul.f32 v47, v38;
	v54 =	vld.idx.msk [tilespmem:v52+s22+$0x0], $0xffff  }
0x39b: {  	v57 =	vld.idx.msk [tilespmem:v56+s21+$0x0], $0xffff;
	v1 =	vadd.f32 v2, v1;
	v2 =	vmul.f32 v3, v46  }
0x39c: {  	v0 =	vadd.f32 v5, v0;
	v5 =	vmul.f32 v51, v42;
	v3 =	vld.idx.msk [tilespmem:v56+s22+$0x0], $0xffff  }
0x39d: {  	v62 =	vld [tilespmem:$0x1FEB0];
	v1 =	vadd.f32 v2, v1;
	v2 =	vmul.f32 v50, v49  }
0x39e: {  	v63 =	vld [tilespmem:$0x1FEC0];
	v0 =	vadd.f32 v5, v0;
	v5 =	vmul.f32 v55, v46  }
0x39f: {  	v60 =	vld.idx.msk [tilespmem:v59+s21+$0x0], $0xffff;
	v1 =	vadd.f32 v2, v1;
	v2 =	vmul.f32 v54, v53  }
0x3a0: {  	v61 =	vld.idx.msk [tilespmem:v59+s22+$0x0], $0xffff;
	v0 =	vadd.f32 v5, v0;
	v5 =	vmul.f32 v58, v49  }
0x3a1: {  	v1 =	vadd.f32 v2, v1;
	v2 =	vmul.f32 v3, v57;
	v3 =	vld [tilespmem:$0x1FED0]  }
0x3a2: {  	v0 =	vadd.f32 v5, v0;
	v5 =	vmul.f32 v62, v53  }
0x3a3: {  	p0 =	sne.s32 s31, $0x70  }
.Ltmp1:
0x3a4: {  	v0 =	vadd.f32 v5, v0;
	v5 =	vmul.f32 v63, v57;
	(pc) =	sbr.rel @p0 .LBB2_5-.Ltmp1, $4  }
0x3a5: {  	s30 =	sadd.s32 $0x20, s30;
	s0 =	smov.u32 s31;
	v4 =	vmul.f32 v61, v60  }
0x3a6: {  	s0 =	sand.u32 $0x30, s0;
	s29 =	sand.u32 $0x80, s30;
	v0 =	vadd.f32 v5, v0;
	v2 =	vadd.f32 v2, v1;
	v3 =	vmul.f32 v3, v60  }
0x3a7: {  	s0 =	sor.u32 s0, s29  }
0x3a8: {  	s31 =	sadd.s32 $0x10, s31;
	s2 =	sor.u32 s12, s0;
	v1 =	vadd.f32 v3, v0;
	v0 =	vadd.f32 v4, v2  }
0x3a9: {  	s6 =	rddreg [dreg:$0xa]  }
0x3aa: {  	s6 =	sadd.s32 $0x1, s6  }
0x3ab: {  	p0 =	sne.s32 s6, $0x4  }
.Ltmp2:
0x3ac: {  	_ = 	snop;
	(pc) =	sbr.rel @p0 .LBB2_2-.Ltmp2, $3  }
0x3ad: {  	_ =	sdelay $0x1  }
0x3ae: {  	[tilespmem:s2+$0x15000] =	vst v1  }
0x3af: {  	v5 =	vld [tilespmem:$0x1FFF0];
	[tilespmem:s2+$0x14C00] =	vst v0  }
0x3b0: {  	s0 =	rddreg [dreg:$0x6];
	s2 =	simm.s32 $0x14C00  }
0x3b1: {  	[hbm4b:s0+s1] =	stream.linear.scatter [tilespmem:s2], [sflag:$0x5], $0x400, $0x38;
	[tilespmem:$0x15400] =	vst v63  }
0x3b2: {  	s2 =	simm.s32 $0x5  }
0x3b3: {  	_ =	swait.ge [sflag:s2], $0x400  }
0x3b4: {  	[sflag:s2] =	ssyncset.done $0x0  }
0x3b5: {  	s6 =	simm.s32 $0x15000;
	s29 =	rddreg [dreg:$0x7];
	[sflag:s2] =	ssyncadd.s32 $0xFFFFFC00  }
0x3b6: {  	[hbm4b:s29+s1] =	stream.linear.scatter [tilespmem:s6], [sflag:$0x5], $0x400, $0x38;
	[tilespmem:$0x15400] =	vst v63  }
0x3b7: {  	_ =	swait.ge [sflag:s2], $0x400  }
0x3b8: {  	s30 =	rddreg [dreg:$0x9]  }
0x3b9: {  	s31 =	rddreg [dreg:$0x8];
	s6 =	sadd.s32 $0x1, s30  }
0x3ba: {  	p0 =	sne.s32 s6, s31  }
.Ltmp3:
0x3bb: {  	_ = 	snop;
	(pc) =	sbr.rel @p0 .LBB2_1-.Ltmp3, $3  }
0x3bc: {  	_ =	sdelay $0x1  }
0x3bd: {  	[sflag:s2] =	ssyncset.done $0x0  }
0x3be: {  	[sflag:s2] =	ssyncadd.s32 $0xFFFFFC00  }
0x3bf: {  	_ =	sfence.sel $0x180000  }
0x3c0: {  	[bflag:$0x0] =	sbarrier.arrive $0xFFFF  }
0x3c1: {  	_ =	strace $0x90000047  }
0x3c2: {  	s0 =	stileid.u32;
	[bflag:$0x2] =	sbarrier.arrive $0xFFFF  }
0x3c3: {  	p0 =	sne.s32 s0, $0x0;
	s0 =	rddreg [dreg:$0x1]  }
0x3c4: {  	s0 =	sadd.s32 @!p0 $0x100000, s0  }
0x3c5: {  	[sflag:s0] =	ssyncadd.tile.s32 @!p0 $0x1;
	_ =	shalt  }
.Lfunc_end2:
_tile_overlayer_lowered:
.L_overlay_start_2:
0x3c6: {  	(tag) =	ssettag $0x2  }
0x3c7: {  	s0 =	rddreg [dreg:$0x0];
	s2 =	stileid.u32  }
0x3c8: {  	s1 =	rddreg [dreg:$0x1];
	p0 =	sne.s32 s2, $0x0  }
0x3c9: {  	s3 =	rddreg [dreg:$0x2];
	[bflag:$0x3] =	sbarrier.arrive $0xFFFF;
	s2 =	simm.s32 @!p0 $0x1C05  }
0x3ca: {  	[timem:s3], [sflag:s2] =	dma.local @!p0 [hbm:s0], s1  }
0x3cb: {  	s0 =	simm.s32 @!p0 $0x5  }
0x3cc: {  	_ =	swait.ge @!p0 [sflag:s0], s1  }
0x3cd: {  	s1 =	ssub.s32 @!p0 $0x0, s1;
	[sflag:s0] =	ssyncset.done @!p0 $0x0  }
0x3ce: {  	[sflag:s0] =	ssyncadd.s32 @!p0 s1  }
0x3cf: {  	[bflag:$0x3] =	sbarrier.arrive $0xFFFF  }
0x3d0: {  	_ =	shalt  }

</sc_bundles>
